<compile_context>
chip_gen: v7x
topology: tpu7x:2x2x1
jax: 0.10.2.dev20260603
libtpu: 0.0.44.dev20260713+nightly
codegen_flags: <defaults>
</compile_context>

<pallas_src>
import functools

import jax
import jax.numpy as jnp
from jax import lax
from jax.experimental import pallas as pl
from jax.experimental.pallas import tpu as pltpu
from jax.experimental.pallas import tpu_sc as plsc

N = 10000
E = 320000
H = 128

NP = 10240
HW = H // 2
NCORES = 2
NW = NCORES * 16
ROWS_PER_TILE = NP // 16
EDGES_PER_TILE = 327680 // NW
CHUNK = 128
NCHUNKS = EDGES_PER_TILE // CHUNK
EP = NW * EDGES_PER_TILE

_PREC = jax.lax.Precision.DEFAULT


def _dot(a, b):
    return jnp.dot(a, b, precision=_PREC, preferred_element_type=jnp.float32)



def _tc1_body(x_ref, w1_ref, b1_ref, w2_ref, b2_ref, w3_ref, b3_ref,
              w4_ref, b4_ref, wn_ref, h_ref, m_ref):
    h0 = jax.nn.relu(_dot(x_ref[...], w1_ref[...]) + b1_ref[...])
    h1 = jax.nn.relu(_dot(h0, w2_ref[...]) + b2_ref[...])
    h2 = jax.nn.relu(_dot(h1, w3_ref[...]) + b3_ref[...]) + h1
    h3 = jax.nn.relu(_dot(h2, w4_ref[...]) + b4_ref[...]) + h2
    h_ref[...] = h3
    m_ref[...] = _dot(h3, wn_ref[...])


def _tc2_body(h_ref, s_ref, degp_ref, ws_ref, b_ref, wn_ref,
              h1_ref, m2_ref, invd_ref):
    deg = jnp.sum(degp_ref[...], axis=0)
    invd = 1.0 / jnp.maximum(deg, 1.0)
    agg = jnp.sum(s_ref[...], axis=0) * invd[:, None]
    h1 = jax.nn.relu(_dot(h_ref[...], ws_ref[...]) + agg + b_ref[...])
    h1_ref[...] = h1
    m2_ref[...] = _dot(h1, wn_ref[...])
    invd_ref[...] = invd[:, None]


def _tc3_body(h1_ref, s_ref, invd_ref, ws_ref, b_ref,
              w5_ref, b5_ref, out_ref):
    agg = jnp.sum(s_ref[...], axis=0) * invd_ref[...]
    h2 = jax.nn.relu(_dot(h1_ref[...], ws_ref[...]) + agg + b_ref[...])
    out_ref[...] = _dot(h2, w5_ref[...]) + b5_ref[...]


BLK = 1280
GRID = NP // BLK


def _full(shape):
    return pl.BlockSpec(shape, lambda i: (0,) * len(shape))


def _rows(width):
    return pl.BlockSpec((BLK, width), lambda i: (i, 0))


def _tc1(xp, w1p, b1, w2, b2, w3, b3, w4, b4, wn):
    return pl.pallas_call(
        _tc1_body,
        grid=(GRID,),
        in_specs=[_rows(8), _full((8, 64)), _full((1, 64)), _full((64, H)),
                  _full((1, H)), _full((H, H)), _full((1, H)), _full((H, H)),
                  _full((1, H)), _full((H, H))],
        out_specs=[_rows(H), _rows(H)],
        out_shape=[jax.ShapeDtypeStruct((NP, H), jnp.float32),
                   jax.ShapeDtypeStruct((NP, H), jnp.float32)],
    )(xp, w1p, b1, w2, b2, w3, b3, w4, b4, wn)


def _seg_spec():
    return pl.BlockSpec((NCORES, BLK, H), lambda i: (0, i, 0))


def _tc2(h, seg, degp, ws, b, wn):
    return pl.pallas_call(
        _tc2_body,
        grid=(GRID,),
        in_specs=[_rows(H), _seg_spec(),
                  pl.BlockSpec((NW, BLK), lambda i: (0, i)),
                  _full((H, H)), _full((1, H)), _full((H, H))],
        out_specs=[_rows(H), _rows(H), _rows(1)],
        out_shape=[jax.ShapeDtypeStruct((NP, H), jnp.float32),
                   jax.ShapeDtypeStruct((NP, H), jnp.float32),
                   jax.ShapeDtypeStruct((NP, 1), jnp.float32)],
    )(h, seg, degp, ws, b, wn)


def _tc3(h1, seg, invd, ws, b, w5p, b5p):
    return pl.pallas_call(
        _tc3_body,
        grid=(GRID,),
        in_specs=[_rows(H), _seg_spec(), _rows(1),
                  _full((H, H)), _full((1, H)), _full((H, H)), _full((1, H))],
        out_specs=_rows(H),
        out_shape=jax.ShapeDtypeStruct((NP, H), jnp.float32),
    )(h1, seg, invd, ws, b, w5p, b5p)



def _seg_body(with_deg, *refs):
    if with_deg:
        (m_hbm, src_hbm, dst_hbm, seg_hbm, deg_hbm,
         src_v, dst_v, rows_v, zeros_v, degacc, sem0, sem1, acc) = refs
    else:
        (m_hbm, src_hbm, dst_hbm, seg_hbm,
         src_v, dst_v, rows_v, zeros_v, sem0, sem1, acc) = refs
    c = lax.axis_index("c")
    s = lax.axis_index("s")
    w = c * 16 + s
    base = s * ROWS_PER_TILE

    zvec = jnp.zeros((16,), jnp.float32)
    for r in range(32):
        for k in range(8):
            zeros_v[r, pl.ds(k * 16, 16)] = zvec
    for i in range(ROWS_PER_TILE // 32):
        pltpu.sync_copy(zeros_v, acc.at[pl.ds(base + i * 32, 32)])
    if with_deg:
        ones = jnp.ones((16,), jnp.float32)

        def _zb(t, _):
            for k in range(8):
                degacc[t, pl.ds(k * 16, 16)] = zvec
            return 0
        lax.fori_loop(0, NP // H, _zb, 0)
    plsc.subcore_barrier()

    sems = (sem0, sem1)

    def _load_idx(j, b):
        pltpu.sync_copy(src_hbm.at[w, j], src_v.at[b])
        pltpu.sync_copy(dst_hbm.at[w, j], dst_v.at[b])

    def _gather(b):
        pltpu.async_copy(m_hbm.at[src_v.at[b]], rows_v.at[b], sems[b])

    def _gwait(b):
        pltpu.make_async_copy(m_hbm.at[src_v.at[b]], rows_v.at[b],
                              sems[b]).wait()

    _load_idx(0, 0)
    _gather(0)
    _load_idx(1, 1)
    _gather(1)

    def _mb(i, _):
        for b in range(2):
            jj = i * 2 + b
            if with_deg:
                for k in range(CHUNK // 16):
                    d = dst_v[b, pl.ds(k * 16, 16)]
                    row = lax.shift_right_logical(d, 7)
                    col = lax.bitwise_and(d, 127)
                    plsc.addupdate_scatter(degacc, [row, col], ones)
            _gwait(b)

            @pl.when(jj + 2 < NCHUNKS)
            def _():
                _load_idx(jj + 2, b)
                _gather(b)
        return 0
    lax.fori_loop(0, NCHUNKS // 2, _mb, 0)

    plsc.subcore_barrier()
    pltpu.sync_copy(acc.at[pl.ds(base, ROWS_PER_TILE)],
                    seg_hbm.at[c, pl.ds(base, ROWS_PER_TILE)])
    if with_deg:
        pltpu.sync_copy(degacc, deg_hbm.at[w])


def _make_seg(with_deg):
    scratch = [
        pltpu.VMEM((2, CHUNK), jnp.int32),
        pltpu.VMEM((2, CHUNK), jnp.int32),
        pltpu.VMEM((2, CHUNK, H), jnp.float32),
        pltpu.VMEM((32, H), jnp.float32),
    ]
    if with_deg:
        scratch.append(pltpu.VMEM((NP // H, H), jnp.float32))
    scratch += [
        pltpu.SemaphoreType.DMA,
        pltpu.SemaphoreType.DMA,
        pltpu.VMEM_SHARED((NP, H), jnp.float32),
    ]
    out_type = [jax.ShapeDtypeStruct((NCORES, NP, H), jnp.float32)]
    if with_deg:
        out_type.append(jax.ShapeDtypeStruct((NW, NP // H, H), jnp.float32))
    mesh = plsc.VectorSubcoreMesh(core_axis_name="c", subcore_axis_name="s",
                                  num_cores=NCORES)
    return pl.kernel(
        functools.partial(_seg_body, with_deg),
        out_type=out_type,
        mesh=mesh,
        scratch_types=scratch,
        compiler_params=pltpu.CompilerParams(needs_layout_passes=False),
    )


_seg_deg = _make_seg(True)
_seg_only = _make_seg(False)



def kernel(x, W1, b1, W2, b2, W3, b3, W4, b4,
           c1_ws, c1_wn, c1_b, c2_ws, c2_wn, c2_b,
           W5, b5, edge_index):
    xp = jnp.zeros((NP, 8), jnp.float32).at[:N, :5].set(x)
    w1p = jnp.zeros((8, 64), jnp.float32).at[:5].set(W1)
    w5p = jnp.zeros((H, H), jnp.float32).at[:, :60].set(W5)
    b5p = jnp.zeros((1, H), jnp.float32).at[0, :60].set(b5)

    pad = EP - E
    srcp = jnp.concatenate([edge_index[0],
                            jnp.zeros((pad,), jnp.int32)])
    dstp = jnp.concatenate([edge_index[1],
                            jnp.full((pad,), N, jnp.int32)])
    src3 = srcp.reshape(NW, NCHUNKS, CHUNK)
    dst3 = dstp.reshape(NW, NCHUNKS, CHUNK)

    h, m1 = _tc1(xp, w1p, b1.reshape(1, 64), W2, b2.reshape(1, H),
                 W3, b3.reshape(1, H), W4, b4.reshape(1, H), c1_wn)

    seg1, degp = _seg_deg(m1, src3, dst3)
    degp = degp.reshape(NW, NP)
    h1, m2, invd = _tc2(h, seg1, degp,
                        c1_ws, c1_b.reshape(1, H), c2_wn)
    (seg2,) = _seg_only(m2, src3, dst3)
    outp = _tc3(h1, seg2, invd,
                c2_ws, c2_b.reshape(1, H), w5p, b5p)
    return outp[:N, :60]

# --- scband reference (transcript-rebuilt; emitter-appended) ---
"""Pipeline reference for scband-gnn-mtl-gnn-53231824667179 (READ-ONLY COPY).

The authoritative reference and input builder live on the scoring server;
editing this copy changes nothing except your own understanding.
"""

import jax, jax.numpy as jnp
import numpy as np

N = 10000
E = 320000
H = 128


def _conv(x, edge_index, w_self, w_nei, b):
    # GraphConv-style message passing: mean-aggregate neighbor features,
    # transform aggregated and self features, add bias.
    src = edge_index[0]
    dst = edge_index[1]
    msg = jnp.take(x, src, axis=0)
    agg = jax.ops.segment_sum(msg, dst, num_segments=x.shape[0])
    deg = jax.ops.segment_sum(jnp.ones((src.shape[0],), x.dtype), dst, num_segments=x.shape[0])
    agg = agg / jnp.maximum(deg, 1.0)[:, None]
    return x @ w_self + agg @ w_nei + b


def _w(k, fi, fo):
    return jax.random.normal(k, (fi, fo), jnp.float32) / np.sqrt(fi)


def setup_inputs(seed: int = 0) -> dict:
    key = jax.random.key(seed)
    ks = jax.random.split(key, 20)
    x = jax.random.normal(ks[0], (N, 5), jnp.float32)
    edge_index = jax.random.randint(ks[1], (2, E), 0, N, dtype=jnp.int32)
    return {
        'x': x,
        'W1': _w(ks[2], 5, 64), 'b1': jnp.zeros((64,), jnp.float32),
        'W2': _w(ks[3], 64, H), 'b2': jnp.zeros((H,), jnp.float32),
        'W3': _w(ks[4], H, H), 'b3': jnp.zeros((H,), jnp.float32),
        'W4': _w(ks[5], H, H), 'b4': jnp.zeros((H,), jnp.float32),
        'c1_ws': _w(ks[6], H, H), 'c1_wn': _w(ks[7], H, H), 'c1_b': jnp.zeros((H,), jnp.float32),
        'c2_ws': _w(ks[8], H, H), 'c2_wn': _w(ks[9], H, H), 'c2_b': jnp.zeros((H,), jnp.float32),
        'W5': _w(ks[10], H, 60), 'b5': jnp.zeros((60,), jnp.float32),
        'edge_index': edge_index,
    }


def reference(x, W1, b1, W2, b2, W3, b3, W4, b4,
              c1_ws, c1_wn, c1_b, c2_ws, c2_wn, c2_b,
              W5, b5, edge_index):
    h = jax.nn.relu(x @ W1 + b1)
    h = jax.nn.relu(h @ W2 + b2)
    h = jax.nn.relu(h @ W3 + b3) + h
    h = jax.nn.relu(h @ W4 + b4) + h
    h = jax.nn.relu(_conv(h, edge_index, c1_ws, c1_wn, c1_b))
    h = jax.nn.relu(_conv(h, edge_index, c2_ws, c2_wn, c2_b))
    return h @ W5 + b5

if __name__ == "__main__":
    import jax
    _d = setup_inputs()
    print(jax.jit(kernel)(*tuple(_d.values())))

</pallas_src>

<mosaic_0001>
#map = affine_map<(d0, d1) -> (0, 0)>
#map1 = affine_map<(d0, d1) -> (0, 0, 0)>
module attributes {stable_mosaic.version = 14 : i64} {
  func.func @_seg_body(%arg0: i32, %arg1: i32, %arg2: memref<10240x128xf32, #tpu.memory_space<hbm>>, %arg3: memref<32x80x128xi32, #tpu.memory_space<hbm>>, %arg4: memref<32x80x128xi32, #tpu.memory_space<hbm>>, %arg5: memref<2x10240x128xf32, #tpu.memory_space<hbm>>, %arg6: memref<2x128xi32, #tpu.memory_space<vmem>>, %arg7: memref<2x128xi32, #tpu.memory_space<vmem>>, %arg8: memref<2x128x128xf32, #tpu.memory_space<vmem>>, %arg9: memref<32x128xf32, #tpu.memory_space<vmem>>, %arg10: memref<!tpu.dma_semaphore, #tpu.memory_space<semaphore_mem>>, %arg11: memref<!tpu.dma_semaphore, #tpu.memory_space<semaphore_mem>>, %arg12: memref<10240x128xf32, #tpu.memory_space<vmem_shared>>) attributes {dimension_semantics = [#tpu.dimension_semantics<core_parallel>, #tpu.dimension_semantics<subcore_parallel>], iteration_bounds = array<i64: 2, 16>, scalar_prefetch = 0 : i64, scratch_operands = 7 : i64, tpu.core_type = #tpu.core_type<sc_vector_subcore>, window_params = [{transform_indices = #map}, {transform_indices = #map1}, {transform_indices = #map1}, {transform_indices = #map1}]} {
    %mul3A = arith.constant 16 : i32
    %mul3A_0 = arith.muli %arg0, %mul3A : i32
    %add3A = arith.addi %mul3A_0, %arg1 : i32
    %mul3A_1 = arith.constant 640 : i32
    %mul3A_2 = arith.muli %arg1, %mul3A_1 : i32
    %broadcast_in_dim3A = arith.constant 0.000000e+00 : f32
    %broadcast_in_dim3A_3 = vector.broadcast %broadcast_in_dim3A : f32 to vector<16xf32>
    %swap3A = arith.constant 0 : i32
    %swap3A_4 = arith.index_cast %swap3A : i32 to index
    %swap3A_5 = arith.constant 0 : index
    %swap3A_6 = tpu.vector_load %arg9[%swap3A_4, %swap3A_5] {strides = array<i32>} : memref<32x128xf32, #tpu.memory_space<vmem>>, vector<16xf32>,
    tpu.vector_store %arg9[%swap3A_4, %swap3A_5], %broadcast_in_dim3A_3 {strides = array<i32>} : memref<32x128xf32, #tpu.memory_space<vmem>>, vector<16xf32>,
    %swap3A_7 = arith.constant 0 : i32
    %swap3A_8 = arith.index_cast %swap3A_7 : i32 to index
    %swap3A_9 = arith.constant 16 : index
    %swap3A_10 = tpu.vector_load %arg9[%swap3A_8, %swap3A_9] {strides = array<i32>} : memref<32x128xf32, #tpu.memory_space<vmem>>, vector<16xf32>,
    tpu.vector_store %arg9[%swap3A_8, %swap3A_9], %broadcast_in_dim3A_3 {strides = array<i32>} : memref<32x128xf32, #tpu.memory_space<vmem>>, vector<16xf32>,
    %swap3A_11 = arith.constant 0 : i32
    %swap3A_12 = arith.index_cast %swap3A_11 : i32 to index
    %swap3A_13 = arith.constant 32 : index
    %swap3A_14 = tpu.vector_load %arg9[%swap3A_12, %swap3A_13] {strides = array<i32>} : memref<32x128xf32, #tpu.memory_space<vmem>>, vector<16xf32>,
    tpu.vector_store %arg9[%swap3A_12, %swap3A_13], %broadcast_in_dim3A_3 {strides = array<i32>} : memref<32x128xf32, #tpu.memory_space<vmem>>, vector<16xf32>,
    %swap3A_15 = arith.constant 0 : i32
    %swap3A_16 = arith.index_cast %swap3A_15 : i32 to index
    %swap3A_17 = arith.constant 48 : index
    %swap3A_18 = tpu.vector_load %arg9[%swap3A_16, %swap3A_17] {strides = array<i32>} : memref<32x128xf32, #tpu.memory_space<vmem>>, vector<16xf32>,
    tpu.vector_store %arg9[%swap3A_16, %swap3A_17], %broadcast_in_dim3A_3 {strides = array<i32>} : memref<32x128xf32, #tpu.memory_space<vmem>>, vector<16xf32>,
    %swap3A_19 = arith.constant 0 : i32
    %swap3A_20 = arith.index_cast %swap3A_19 : i32 to index
    %swap3A_21 = arith.constant 64 : index
    %swap3A_22 = tpu.vector_load %arg9[%swap3A_20, %swap3A_21] {strides = array<i32>} : memref<32x128xf32, #tpu.memory_space<vmem>>, vector<16xf32>,
    tpu.vector_store %arg9[%swap3A_20, %swap3A_21], %broadcast_in_dim3A_3 {strides = array<i32>} : memref<32x128xf32, #tpu.memory_space<vmem>>, vector<16xf32>,
    %swap3A_23 = arith.constant 0 : i32
    %swap3A_24 = arith.index_cast %swap3A_23 : i32 to index
    %swap3A_25 = arith.constant 80 : index
    %swap3A_26 = tpu.vector_load %arg9[%swap3A_24, %swap3A_25] {strides = array<i32>} : memref<32x128xf32, #tpu.memory_space<vmem>>, vector<16xf32>,
    tpu.vector_store %arg9[%swap3A_24, %swap3A_25], %broadcast_in_dim3A_3 {strides = array<i32>} : memref<32x128xf32, #tpu.memory_space<vmem>>, vector<16xf32>,
    %swap3A_27 = arith.constant 0 : i32
    %swap3A_28 = arith.index_cast %swap3A_27 : i32 to index
    %swap3A_29 = arith.constant 96 : index
    %swap3A_30 = tpu.vector_load %arg9[%swap3A_28, %swap3A_29] {strides = array<i32>} : memref<32x128xf32, #tpu.memory_space<vmem>>, vector<16xf32>,
    tpu.vector_store %arg9[%swap3A_28, %swap3A_29], %broadcast_in_dim3A_3 {strides = array<i32>} : memref<32x128xf32, #tpu.memory_space<vmem>>, vector<16xf32>,
    %swap3A_31 = arith.constant 0 : i32
    %swap3A_32 = arith.index_cast %swap3A_31 : i32 to index
    %swap3A_33 = arith.constant 112 : index
    %swap3A_34 = tpu.vector_load %arg9[%swap3A_32, %swap3A_33] {strides = array<i32>} : memref<32x128xf32, #tpu.memory_space<vmem>>, vector<16xf32>,
    tpu.vector_store %arg9[%swap3A_32, %swap3A_33], %broadcast_in_dim3A_3 {strides = array<i32>} : memref<32x128xf32, #tpu.memory_space<vmem>>, vector<16xf32>,
    %swap3A_35 = arith.constant 1 : i32
    %swap3A_36 = arith.index_cast %swap3A_35 : i32 to index
    %swap3A_37 = arith.constant 0 : index
    %swap3A_38 = tpu.vector_load %arg9[%swap3A_36, %swap3A_37] {strides = array<i32>} : memref<32x128xf32, #tpu.memory_space<vmem>>, vector<16xf32>,
    tpu.vector_store %arg9[%swap3A_36, %swap3A_37], %broadcast_in_dim3A_3 {strides = array<i32>} : memref<32x128xf32, #tpu.memory_space<vmem>>, vector<16xf32>,
    %swap3A_39 = arith.constant 1 : i32
    %swap3A_40 = arith.index_cast %swap3A_39 : i32 to index
    %swap3A_41 = arith.constant 16 : index
    %swap3A_42 = tpu.vector_load %arg9[%swap3A_40, %swap3A_41] {strides = array<i32>} : memref<32x128xf32, #tpu.memory_space<vmem>>, vector<16xf32>,
    tpu.vector_store %arg9[%swap3A_40, %swap3A_41], %broadcast_in_dim3A_3 {strides = array<i32>} : memref<32x128xf32, #tpu.memory_space<vmem>>, vector<16xf32>,
    %swap3A_43 = arith.constant 1 : i32
    %swap3A_44 = arith.index_cast %swap3A_43 : i32 to index
    %swap3A_45 = arith.constant 32 : index
    %swap3A_46 = tpu.vector_load %arg9[%swap3A_44, %swap3A_45] {strides = array<i32>} : memref<32x128xf32, #tpu.memory_space<vmem>>, vector<16xf32>,
    tpu.vector_store %arg9[%swap3A_44, %swap3A_45], %broadcast_in_dim3A_3 {strides = array<i32>} : memref<32x128xf32, #tpu.memory_space<vmem>>, vector<16xf32>,
    %swap3A_47 = arith.constant 1 : i32
    %swap3A_48 = arith.index_cast %swap3A_47 : i32 to index
    %swap3A_49 = arith.constant 48 : index
    %swap3A_50 = tpu.vector_load %arg9[%swap3A_48, %swap3A_49] {strides = array<i32>} : memref<32x128xf32, #tpu.memory_space<vmem>>, vector<16xf32>,
    tpu.vector_store %arg9[%swap3A_48, %swap3A_49], %broadcast_in_dim3A_3 {strides = array<i32>} : memref<32x128xf32, #tpu.memory_space<vmem>>, vector<16xf32>,
    %swap3A_51 = arith.constant 1 : i32
    %swap3A_52 = arith.index_cast %swap3A_51 : i32 to index
    %swap3A_53 = arith.constant 64 : index
    %swap3A_54 = tpu.vector_load %arg9[%swap3A_52, %swap3A_53] {strides = array<i32>} : memref<32x128xf32, #tpu.memory_space<vmem>>, vector<16xf32>,
    tpu.vector_store %arg9[%swap3A_52, %swap3A_53], %broadcast_in_dim3A_3 {strides = array<i32>} : memref<32x128xf32, #tpu.memory_space<vmem>>, vector<16xf32>,
    %swap3A_55 = arith.constant 1 : i32
    %swap3A_56 = arith.index_cast %swap3A_55 : i32 to index
    %swap3A_57 = arith.constant 80 : index
    %swap3A_58 = tpu.vector_load %arg9[%swap3A_56, %swap3A_57] {strides = array<i32>} : memref<32x128xf32, #tpu.memory_space<vmem>>, vector<16xf32>,
    tpu.vector_store %arg9[%swap3A_56, %swap3A_57], %broadcast_in_dim3A_3 {strides = array<i32>} : memref<32x128xf32, #tpu.memory_space<vmem>>, vector<16xf32>,
    %swap3A_59 = arith.constant 1 : i32
    %swap3A_60 = arith.index_cast %swap3A_59 : i32 to index
    %swap3A_61 = arith.constant 96 : index
    %swap3A_62 = tpu.vector_load %arg9[%swap3A_60, %swap3A_61] {strides = array<i32>} : memref<32x128xf32, #tpu.memory_space<vmem>>, vector<16xf32>,
    tpu.vector_store %arg9[%swap3A_60, %swap3A_61], %broadcast_in_dim3A_3 {strides = array<i32>} : memref<32x128xf32, #tpu.memory_space<vmem>>, vector<16xf32>,
    %swap3A_63 = arith.constant 1 : i32
    %swap3A_64 = arith.index_cast %swap3A_63 : i32 to index
    %swap3A_65 = arith.constant 112 : index
    %swap3A_66 = tpu.vector_load %arg9[%swap3A_64, %swap3A_65] {strides = array<i32>} : memref<32x128xf32, #tpu.memory_space<vmem>>, vector<16xf32>,
    tpu.vector_store %arg9[%swap3A_64, %swap3A_65], %broadcast_in_dim3A_3 {strides = array<i32>} : memref<32x128xf32, #tpu.memory_space<vmem>>, vector<16xf32>,
    %swap3A_67 = arith.constant 2 : i32
    %swap3A_68 = arith.index_cast %swap3A_67 : i32 to index
    %swap3A_69 = arith.constant 0 : index
    %swap3A_70 = tpu.vector_load %arg9[%swap3A_68, %swap3A_69] {strides = array<i32>} : memref<32x128xf32, #tpu.memory_space<vmem>>, vector<16xf32>,
    tpu.vector_store %arg9[%swap3A_68, %swap3A_69], %broadcast_in_dim3A_3 {strides = array<i32>} : memref<32x128xf32, #tpu.memory_space<vmem>>, vector<16xf32>,
    %swap3A_71 = arith.constant 2 : i32
    %swap3A_72 = arith.index_cast %swap3A_71 : i32 to index
    %swap3A_73 = arith.constant 16 : index
    %swap3A_74 = tpu.vector_load %arg9[%swap3A_72, %swap3A_73] {strides = array<i32>} : memref<32x128xf32, #tpu.memory_space<vmem>>, vector<16xf32>,
    tpu.vector_store %arg9[%swap3A_72, %swap3A_73], %broadcast_in_dim3A_3 {strides = array<i32>} : memref<32x128xf32, #tpu.memory_space<vmem>>, vector<16xf32>,
    %swap3A_75 = arith.constant 2 : i32
    %swap3A_76 = arith.index_cast %swap3A_75 : i32 to index
    %swap3A_77 = arith.constant 32 : index
    %swap3A_78 = tpu.vector_load %arg9[%swap3A_76, %swap3A_77] {strides = array<i32>} : memref<32x128xf32, #tpu.memory_space<vmem>>, vector<16xf32>,
    tpu.vector_store %arg9[%swap3A_76, %swap3A_77], %broadcast_in_dim3A_3 {strides = array<i32>} : memref<32x128xf32, #tpu.memory_space<vmem>>, vector<16xf32>,
    %swap3A_79 = arith.constant 2 : i32
    %swap3A_80 = arith.index_cast %swap3A_79 : i32 to index
    %swap3A_81 = arith.constant 48 : index
    %swap3A_82 = tpu.vector_load %arg9[%swap3A_80, %swap3A_81] {strides = array<i32>} : memref<32x128xf32, #tpu.memory_space<vmem>>, vector<16xf32>,
    tpu.vector_store %arg9[%swap3A_80, %swap3A_81], %broadcast_in_dim3A_3 {strides = array<i32>} : memref<32x128xf32, #tpu.memory_space<vmem>>, vector<16xf32>,
    %swap3A_83 = arith.constant 2 : i32
    %swap3A_84 = arith.index_cast %swap3A_83 : i32 to index
    %swap3A_85 = arith.constant 64 : index
    %swap3A_86 = tpu.vector_load %arg9[%swap3A_84, %swap3A_85] {strides = array<i32>} : memref<32x128xf32, #tpu.memory_space<vmem>>, vector<16xf32>,
    tpu.vector_store %arg9[%swap3A_84, %swap3A_85], %broadcast_in_dim3A_3 {strides = array<i32>} : memref<32x128xf32, #tpu.memory_space<vmem>>, vector<16xf32>,
    %swap3A_87 = arith.constant 2 : i32
    %swap3A_88 = arith.index_cast %swap3A_87 : i32 to index
    %swap3A_89 = arith.constant 80 : index
    %swap3A_90 = tpu.vector_load %arg9[%swap3A_88, %swap3A_89] {strides = array<i32>} : memref<32x128xf32, #tpu.memory_space<vmem>>, vector<16xf32>,
    tpu.vector_store %arg9[%swap3A_88, %swap3A_89], %broadcast_in_dim3A_3 {strides = array<i32>} : memref<32x128xf32, #tpu.memory_space<vmem>>, vector<16xf32>,
    %swap3A_91 = arith.constant 2 : i32
    %swap3A_92 = arith.index_cast %swap3A_91 : i32 to index
    %swap3A_93 = arith.constant 96 : index
    %swap3A_94 = tpu.vector_load %arg9[%swap3A_92, %swap3A_93] {strides = array<i32>} : memref<32x128xf32, #tpu.memory_space<vmem>>, vector<16xf32>,
    tpu.vector_store %arg9[%swap3A_92, %swap3A_93], %broadcast_in_dim3A_3 {strides = array<i32>} : memref<32x128xf32, #tpu.memory_space<vmem>>, vector<16xf32>,
    %swap3A_95 = arith.constant 2 : i32
    %swap3A_96 = arith.index_cast %swap3A_95 : i32 to index
    %swap3A_97 = arith.constant 112 : index
    %swap3A_98 = tpu.vector_load %arg9[%swap3A_96, %swap3A_97] {strides = array<i32>} : memref<32x128xf32, #tpu.memory_space<vmem>>, vector<16xf32>,
    tpu.vector_store %arg9[%swap3A_96, %swap3A_97], %broadcast_in_dim3A_3 {strides = array<i32>} : memref<32x128xf32, #tpu.memory_space<vmem>>, vector<16xf32>,
    %swap3A_99 = arith.constant 3 : i32
    %swap3A_100 = arith.index_cast %swap3A_99 : i32 to index
    %swap3A_101 = arith.constant 0 : index
    %swap3A_102 = tpu.vector_load %arg9[%swap3A_100, %swap3A_101] {strides = array<i32>} : memref<32x128xf32, #tpu.memory_space<vmem>>, vector<16xf32>,
    tpu.vector_store %arg9[%swap3A_100, %swap3A_101], %broadcast_in_dim3A_3 {strides = array<i32>} : memref<32x128xf32, #tpu.memory_space<vmem>>, vector<16xf32>,
    %swap3A_103 = arith.constant 3 : i32
    %swap3A_104 = arith.index_cast %swap3A_103 : i32 to index
    %swap3A_105 = arith.constant 16 : index
    %swap3A_106 = tpu.vector_load %arg9[%swap3A_104, %swap3A_105] {strides = array<i32>} : memref<32x128xf32, #tpu.memory_space<vmem>>, vector<16xf32>,
    tpu.vector_store %arg9[%swap3A_104, %swap3A_105], %broadcast_in_dim3A_3 {strides = array<i32>} : memref<32x128xf32, #tpu.memory_space<vmem>>, vector<16xf32>,
    %swap3A_107 = arith.constant 3 : i32
    %swap3A_108 = arith.index_cast %swap3A_107 : i32 to index
    %swap3A_109 = arith.constant 32 : index
    %swap3A_110 = tpu.vector_load %arg9[%swap3A_108, %swap3A_109] {strides = array<i32>} : memref<32x128xf32, #tpu.memory_space<vmem>>, vector<16xf32>,
    tpu.vector_store %arg9[%swap3A_108, %swap3A_109], %broadcast_in_dim3A_3 {strides = array<i32>} : memref<32x128xf32, #tpu.memory_space<vmem>>, vector<16xf32>,
    %swap3A_111 = arith.constant 3 : i32
    %swap3A_112 = arith.index_cast %swap3A_111 : i32 to index
    %swap3A_113 = arith.constant 48 : index
    %swap3A_114 = tpu.vector_load %arg9[%swap3A_112, %swap3A_113] {strides = array<i32>} : memref<32x128xf32, #tpu.memory_space<vmem>>, vector<16xf32>,
    tpu.vector_store %arg9[%swap3A_112, %swap3A_113], %broadcast_in_dim3A_3 {strides = array<i32>} : memref<32x128xf32, #tpu.memory_space<vmem>>, vector<16xf32>,
    %swap3A_115 = arith.constant 3 : i32
    %swap3A_116 = arith.index_cast %swap3A_115 : i32 to index
    %swap3A_117 = arith.constant 64 : index
    %swap3A_118 = tpu.vector_load %arg9[%swap3A_116, %swap3A_117] {strides = array<i32>} : memref<32x128xf32, #tpu.memory_space<vmem>>, vector<16xf32>,
    tpu.vector_store %arg9[%swap3A_116, %swap3A_117], %broadcast_in_dim3A_3 {strides = array<i32>} : memref<32x128xf32, #tpu.memory_space<vmem>>, vector<16xf32>,
    %swap3A_119 = arith.constant 3 : i32
    %swap3A_120 = arith.index_cast %swap3A_119 : i32 to index
    %swap3A_121 = arith.constant 80 : index
    %swap3A_122 = tpu.vector_load %arg9[%swap3A_120, %swap3A_121] {strides = array<i32>} : memref<32x128xf32, #tpu.memory_space<vmem>>, vector<16xf32>,
    tpu.vector_store %arg9[%swap3A_120, %swap3A_121], %broadcast_in_dim3A_3 {strides = array<i32>} : memref<32x128xf32, #tpu.memory_space<vmem>>, vector<16xf32>,
    %swap3A_123 = arith.constant 3 : i32
    %swap3A_124 = arith.index_cast %swap3A_123 : i32 to index
    %swap3A_125 = arith.constant 96 : index
    %swap3A_126 = tpu.vector_load %arg9[%swap3A_124, %swap3A_125] {strides = array<i32>} : memref<32x128xf32, #tpu.memory_space<vmem>>, vector<16xf32>,
    tpu.vector_store %arg9[%swap3A_124, %swap3A_125], %broadcast_in_dim3A_3 {strides = array<i32>} : memref<32x128xf32, #tpu.memory_space<vmem>>, vector<16xf32>,
    %swap3A_127 = arith.constant 3 : i32
    %swap3A_128 = arith.index_cast %swap3A_127 : i32 to index
    %swap3A_129 = arith.constant 112 : index
    %swap3A_130 = tpu.vector_load %arg9[%swap3A_128, %swap3A_129] {strides = array<i32>} : memref<32x128xf32, #tpu.memory_space<vmem>>, vector<16xf32>,
    tpu.vector_store %arg9[%swap3A_128, %swap3A_129], %broadcast_in_dim3A_3 {strides = array<i32>} : memref<32x128xf32, #tpu.memory_space<vmem>>, vector<16xf32>,
    %swap3A_131 = arith.constant 4 : i32
    %swap3A_132 = arith.index_cast %swap3A_131 : i32 to index
    %swap3A_133 = arith.constant 0 : index
    %swap3A_134 = tpu.vector_load %arg9[%swap3A_132, %swap3A_133] {strides = array<i32>} : memref<32x128xf32, #tpu.memory_space<vmem>>, vector<16xf32>,
    tpu.vector_store %arg9[%swap3A_132, %swap3A_133], %broadcast_in_dim3A_3 {strides = array<i32>} : memref<32x128xf32, #tpu.memory_space<vmem>>, vector<16xf32>,
    %swap3A_135 = arith.constant 4 : i32
    %swap3A_136 = arith.index_cast %swap3A_135 : i32 to index
    %swap3A_137 = arith.constant 16 : index
    %swap3A_138 = tpu.vector_load %arg9[%swap3A_136, %swap3A_137] {strides = array<i32>} : memref<32x128xf32, #tpu.memory_space<vmem>>, vector<16xf32>,
    tpu.vector_store %arg9[%swap3A_136, %swap3A_137], %broadcast_in_dim3A_3 {strides = array<i32>} : memref<32x128xf32, #tpu.memory_space<vmem>>, vector<16xf32>,
    %swap3A_139 = arith.constant 4 : i32
    %swap3A_140 = arith.index_cast %swap3A_139 : i32 to index
    %swap3A_141 = arith.constant 32 : index
    %swap3A_142 = tpu.vector_load %arg9[%swap3A_140, %swap3A_141] {strides = array<i32>} : memref<32x128xf32, #tpu.memory_space<vmem>>, vector<16xf32>,
    tpu.vector_store %arg9[%swap3A_140, %swap3A_141], %broadcast_in_dim3A_3 {strides = array<i32>} : memref<32x128xf32, #tpu.memory_space<vmem>>, vector<16xf32>,
    %swap3A_143 = arith.constant 4 : i32
    %swap3A_144 = arith.index_cast %swap3A_143 : i32 to index
    %swap3A_145 = arith.constant 48 : index
    %swap3A_146 = tpu.vector_load %arg9[%swap3A_144, %swap3A_145] {strides = array<i32>} : memref<32x128xf32, #tpu.memory_space<vmem>>, vector<16xf32>,
    tpu.vector_store %arg9[%swap3A_144, %swap3A_145], %broadcast_in_dim3A_3 {strides = array<i32>} : memref<32x128xf32, #tpu.memory_space<vmem>>, vector<16xf32>,
    %swap3A_147 = arith.constant 4 : i32
    %swap3A_148 = arith.index_cast %swap3A_147 : i32 to index
    %swap3A_149 = arith.constant 64 : index
    %swap3A_150 = tpu.vector_load %arg9[%swap3A_148, %swap3A_149] {strides = array<i32>} : memref<32x128xf32, #tpu.memory_space<vmem>>, vector<16xf32>,
    tpu.vector_store %arg9[%swap3A_148, %swap3A_149], %broadcast_in_dim3A_3 {strides = array<i32>} : memref<32x128xf32, #tpu.memory_space<vmem>>, vector<16xf32>,
    %swap3A_151 = arith.constant 4 : i32
    %swap3A_152 = arith.index_cast %swap3A_151 : i32 to index
    %swap3A_153 = arith.constant 80 : index
    %swap3A_154 = tpu.vector_load %arg9[%swap3A_152, %swap3A_153] {strides = array<i32>} : memref<32x128xf32, #tpu.memory_space<vmem>>, vector<16xf32>,
    tpu.vector_store %arg9[%swap3A_152, %swap3A_153], %broadcast_in_dim3A_3 {strides = array<i32>} : memref<32x128xf32, #tpu.memory_space<vmem>>, vector<16xf32>,
    %swap3A_155 = arith.constant 4 : i32
    %swap3A_156 = arith.index_cast %swap3A_155 : i32 to index
    %swap3A_157 = arith.constant 96 : index
    %swap3A_158 = tpu.vector_load %arg9[%swap3A_156, %swap3A_157] {strides = array<i32>} : memref<32x128xf32, #tpu.memory_space<vmem>>, vector<16xf32>,
    tpu.vector_store %arg9[%swap3A_156, %swap3A_157], %broadcast_in_dim3A_3 {strides = array<i32>} : memref<32x128xf32, #tpu.memory_space<vmem>>, vector<16xf32>,
    %swap3A_159 = arith.constant 4 : i32
    %swap3A_160 = arith.index_cast %swap3A_159 : i32 to index
    %swap3A_161 = arith.constant 112 : index
    %swap3A_162 = tpu.vector_load %arg9[%swap3A_160, %swap3A_161] {strides = array<i32>} : memref<32x128xf32, #tpu.memory_space<vmem>>, vector<16xf32>,
    tpu.vector_store %arg9[%swap3A_160, %swap3A_161], %broadcast_in_dim3A_3 {strides = array<i32>} : memref<32x128xf32, #tpu.memory_space<vmem>>, vector<16xf32>,
    %swap3A_163 = arith.constant 5 : i32
    %swap3A_164 = arith.index_cast %swap3A_163 : i32 to index
    %swap3A_165 = arith.constant 0 : index
    %swap3A_166 = tpu.vector_load %arg9[%swap3A_164, %swap3A_165] {strides = array<i32>} : memref<32x128xf32, #tpu.memory_space<vmem>>, vector<16xf32>,
    tpu.vector_store %arg9[%swap3A_164, %swap3A_165], %broadcast_in_dim3A_3 {strides = array<i32>} : memref<32x128xf32, #tpu.memory_space<vmem>>, vector<16xf32>,
    %swap3A_167 = arith.constant 5 : i32
    %swap3A_168 = arith.index_cast %swap3A_167 : i32 to index
    %swap3A_169 = arith.constant 16 : index
    %swap3A_170 = tpu.vector_load %arg9[%swap3A_168, %swap3A_169] {strides = array<i32>} : memref<32x128xf32, #tpu.memory_space<vmem>>, vector<16xf32>,
    tpu.vector_store %arg9[%swap3A_168, %swap3A_169], %broadcast_in_dim3A_3 {strides = array<i32>} : memref<32x128xf32, #tpu.memory_space<vmem>>, vector<16xf32>,
    %swap3A_171 = arith.constant 5 : i32
    %swap3A_172 = arith.index_cast %swap3A_171 : i32 to index
    %swap3A_173 = arith.constant 32 : index
    %swap3A_174 = tpu.vector_load %arg9[%swap3A_172, %swap3A_173] {strides = array<i32>} : memref<32x128xf32, #tpu.memory_space<vmem>>, vector<16xf32>,
    tpu.vector_store %arg9[%swap3A_172, %swap3A_173], %broadcast_in_dim3A_3 {strides = array<i32>} : memref<32x128xf32, #tpu.memory_space<vmem>>, vector<16xf32>,
    %swap3A_175 = arith.constant 5 : i32
    %swap3A_176 = arith.index_cast %swap3A_175 : i32 to index
    %swap3A_177 = arith.constant 48 : index
    %swap3A_178 = tpu.vector_load %arg9[%swap3A_176, %swap3A_177] {strides = array<i32>} : memref<32x128xf32, #tpu.memory_space<vmem>>, vector<16xf32>,
    tpu.vector_store %arg9[%swap3A_176, %swap3A_177], %broadcast_in_dim3A_3 {strides = array<i32>} : memref<32x128xf32, #tpu.memory_space<vmem>>, vector<16xf32>,
    %swap3A_179 = arith.constant 5 : i32
    %swap3A_180 = arith.index_cast %swap3A_179 : i32 to index
    %swap3A_181 = arith.constant 64 : index
    %swap3A_182 = tpu.vector_load %arg9[%swap3A_180, %swap3A_181] {strides = array<i32>} : memref<32x128xf32, #tpu.memory_space<vmem>>, vector<16xf32>,
    tpu.vector_store %arg9[%swap3A_180, %swap3A_181], %broadcast_in_dim3A_3 {strides = array<i32>} : memref<32x128xf32, #tpu.memory_space<vmem>>, vector<16xf32>,
    %swap3A_183 = arith.constant 5 : i32
    %swap3A_184 = arith.index_cast %swap3A_183 : i32 to index
    %swap3A_185 = arith.constant 80 : index
    %swap3A_186 = tpu.vector_load %arg9[%swap3A_184, %swap3A_185] {strides = array<i32>} : memref<32x128xf32, #tpu.memory_space<vmem>>, vector<16xf32>,
    tpu.vector_store %arg9[%swap3A_184, %swap3A_185], %broadcast_in_dim3A_3 {strides = array<i32>} : memref<32x128xf32, #tpu.memory_space<vmem>>, vector<16xf32>,
    %swap3A_187 = arith.constant 5 : i32
    %swap3A_188 = arith.index_cast %swap3A_187 : i32 to index
    %swap3A_189 = arith.constant 96 : index
    %swap3A_190 = tpu.vector_load %arg9[%swap3A_188, %swap3A_189] {strides = array<i32>} : memref<32x128xf32, #tpu.memory_space<vmem>>, vector<16xf32>,
    tpu.vector_store %arg9[%swap3A_188, %swap3A_189], %broadcast_in_dim3A_3 {strides = array<i32>} : memref<32x128xf32, #tpu.memory_space<vmem>>, vector<16xf32>,
    %swap3A_191 = arith.constant 5 : i32
    %swap3A_192 = arith.index_cast %swap3A_191 : i32 to index
    %swap3A_193 = arith.constant 112 : index
    %swap3A_194 = tpu.vector_load %arg9[%swap3A_192, %swap3A_193] {strides = array<i32>} : memref<32x128xf32, #tpu.memory_space<vmem>>, vector<16xf32>,
    tpu.vector_store %arg9[%swap3A_192, %swap3A_193], %broadcast_in_dim3A_3 {strides = array<i32>} : memref<32x128xf32, #tpu.memory_space<vmem>>, vector<16xf32>,
    %swap3A_195 = arith.constant 6 : i32
    %swap3A_196 = arith.index_cast %swap3A_195 : i32 to index
    %swap3A_197 = arith.constant 0 : index
    %swap3A_198 = tpu.vector_load %arg9[%swap3A_196, %swap3A_197] {strides = array<i32>} : memref<32x128xf32, #tpu.memory_space<vmem>>, vector<16xf32>,
    tpu.vector_store %arg9[%swap3A_196, %swap3A_197], %broadcast_in_dim3A_3 {strides = array<i32>} : memref<32x128xf32, #tpu.memory_space<vmem>>, vector<16xf32>,
    %swap3A_199 = arith.constant 6 : i32
    %swap3A_200 = arith.index_cast %swap3A_199 : i32 to index
    %swap3A_201 = arith.constant 16 : index
    %swap3A_202 = tpu.vector_load %arg9[%swap3A_200, %swap3A_201] {strides = array<i32>} : memref<32x128xf32, #tpu.memory_space<vmem>>, vector<16xf32>,
    tpu.vector_store %arg9[%swap3A_200, %swap3A_201], %broadcast_in_dim3A_3 {strides = array<i32>} : memref<32x128xf32, #tpu.memory_space<vmem>>, vector<16xf32>,
    %swap3A_203 = arith.constant 6 : i32
    %swap3A_204 = arith.index_cast %swap3A_203 : i32 to index
    %swap3A_205 = arith.constant 32 : index
    %swap3A_206 = tpu.vector_load %arg9[%swap3A_204, %swap3A_205] {strides = array<i32>} : memref<32x128xf32, #tpu.memory_space<vmem>>, vector<16xf32>,
    tpu.vector_store %arg9[%swap3A_204, %swap3A_205], %broadcast_in_dim3A_3 {strides = array<i32>} : memref<32x128xf32, #tpu.memory_space<vmem>>, vector<16xf32>,
    %swap3A_207 = arith.constant 6 : i32
    %swap3A_208 = arith.index_cast %swap3A_207 : i32 to index
    %swap3A_209 = arith.constant 48 : index
    %swap3A_210 = tpu.vector_load %arg9[%swap3A_208, %swap3A_209] {strides = array<i32>} : memref<32x128xf32, #tpu.memory_space<vmem>>, vector<16xf32>,
    tpu.vector_store %arg9[%swap3A_208, %swap3A_209], %broadcast_in_dim3A_3 {strides = array<i32>} : memref<32x128xf32, #tpu.memory_space<vmem>>, vector<16xf32>,
    %swap3A_211 = arith.constant 6 : i32
    %swap3A_212 = arith.index_cast %swap3A_211 : i32 to index
    %swap3A_213 = arith.constant 64 : index
    %swap3A_214 = tpu.vector_load %arg9[%swap3A_212, %swap3A_213] {strides = array<i32>} : memref<32x128xf32, #tpu.memory_space<vmem>>, vector<16xf32>,
    tpu.vector_store %arg9[%swap3A_212, %swap3A_213], %broadcast_in_dim3A_3 {strides = array<i32>} : memref<32x128xf32, #tpu.memory_space<vmem>>, vector<16xf32>,
    %swap3A_215 = arith.constant 6 : i32
    %swap3A_216 = arith.index_cast %swap3A_215 : i32 to index
    %swap3A_217 = arith.constant 80 : index
    %swap3A_218 = tpu.vector_load %arg9[%swap3A_216, %swap3A_217] {strides = array<i32>} : memref<32x128xf32, #tpu.memory_space<vmem>>, vector<16xf32>,
    tpu.vector_store %arg9[%swap3A_216, %swap3A_217], %broadcast_in_dim3A_3 {strides = array<i32>} : memref<32x128xf32, #tpu.memory_space<vmem>>, vector<16xf32>,
    %swap3A_219 = arith.constant 6 : i32
    %swap3A_220 = arith.index_cast %swap3A_219 : i32 to index
    %swap3A_221 = arith.constant 96 : index
    %swap3A_222 = tpu.vector_load %arg9[%swap3A_220, %swap3A_221] {strides = array<i32>} : memref<32x128xf32, #tpu.memory_space<vmem>>, vector<16xf32>,
    tpu.vector_store %arg9[%swap3A_220, %swap3A_221], %broadcast_in_dim3A_3 {strides = array<i32>} : memref<32x128xf32, #tpu.memory_space<vmem>>, vector<16xf32>,
    %swap3A_223 = arith.constant 6 : i32
    %swap3A_224 = arith.index_cast %swap3A_223 : i32 to index
    %swap3A_225 = arith.constant 112 : index
    %swap3A_226 = tpu.vector_load %arg9[%swap3A_224, %swap3A_225] {strides = array<i32>} : memref<32x128xf32, #tpu.memory_space<vmem>>, vector<16xf32>,
    tpu.vector_store %arg9[%swap3A_224, %swap3A_225], %broadcast_in_dim3A_3 {strides = array<i32>} : memref<32x128xf32, #tpu.memory_space<vmem>>, vector<16xf32>,
    %swap3A_227 = arith.constant 7 : i32
    %swap3A_228 = arith.index_cast %swap3A_227 : i32 to index
    %swap3A_229 = arith.constant 0 : index
    %swap3A_230 = tpu.vector_load %arg9[%swap3A_228, %swap3A_229] {strides = array<i32>} : memref<32x128xf32, #tpu.memory_space<vmem>>, vector<16xf32>,
    tpu.vector_store %arg9[%swap3A_228, %swap3A_229], %broadcast_in_dim3A_3 {strides = array<i32>} : memref<32x128xf32, #tpu.memory_space<vmem>>, vector<16xf32>,
    %swap3A_231 = arith.constant 7 : i32
    %swap3A_232 = arith.index_cast %swap3A_231 : i32 to index
    %swap3A_233 = arith.constant 16 : index
    %swap3A_234 = tpu.vector_load %arg9[%swap3A_232, %swap3A_233] {strides = array<i32>} : memref<32x128xf32, #tpu.memory_space<vmem>>, vector<16xf32>,
    tpu.vector_store %arg9[%swap3A_232, %swap3A_233], %broadcast_in_dim3A_3 {strides = array<i32>} : memref<32x128xf32, #tpu.memory_space<vmem>>, vector<16xf32>,
    %swap3A_235 = arith.constant 7 : i32
    %swap3A_236 = arith.index_cast %swap3A_235 : i32 to index
    %swap3A_237 = arith.constant 32 : index
    %swap3A_238 = tpu.vector_load %arg9[%swap3A_236, %swap3A_237] {strides = array<i32>} : memref<32x128xf32, #tpu.memory_space<vmem>>, vector<16xf32>,
    tpu.vector_store %arg9[%swap3A_236, %swap3A_237], %broadcast_in_dim3A_3 {strides = array<i32>} : memref<32x128xf32, #tpu.memory_space<vmem>>, vector<16xf32>,
    %swap3A_239 = arith.constant 7 : i32
    %swap3A_240 = arith.index_cast %swap3A_239 : i32 to index
    %swap3A_241 = arith.constant 48 : index
    %swap3A_242 = tpu.vector_load %arg9[%swap3A_240, %swap3A_241] {strides = array<i32>} : memref<32x128xf32, #tpu.memory_space<vmem>>, vector<16xf32>,
    tpu.vector_store %arg9[%swap3A_240, %swap3A_241], %broadcast_in_dim3A_3 {strides = array<i32>} : memref<32x128xf32, #tpu.memory_space<vmem>>, vector<16xf32>,
    %swap3A_243 = arith.constant 7 : i32
    %swap3A_244 = arith.index_cast %swap3A_243 : i32 to index
    %swap3A_245 = arith.constant 64 : index
    %swap3A_246 = tpu.vector_load %arg9[%swap3A_244, %swap3A_245] {strides = array<i32>} : memref<32x128xf32, #tpu.memory_space<vmem>>, vector<16xf32>,
    tpu.vector_store %arg9[%swap3A_244, %swap3A_245], %broadcast_in_dim3A_3 {strides = array<i32>} : memref<32x128xf32, #tpu.memory_space<vmem>>, vector<16xf32>,
    %swap3A_247 = arith.constant 7 : i32
    %swap3A_248 = arith.index_cast %swap3A_247 : i32 to index
    %swap3A_249 = arith.constant 80 : index
    %swap3A_250 = tpu.vector_load %arg9[%swap3A_248, %swap3A_249] {strides = array<i32>} : memref<32x128xf32, #tpu.memory_space<vmem>>, vector<16xf32>,
    tpu.vector_store %arg9[%swap3A_248, %swap3A_249], %broadcast_in_dim3A_3 {strides = array<i32>} : memref<32x128xf32, #tpu.memory_space<vmem>>, vector<16xf32>,
    %swap3A_251 = arith.constant 7 : i32
    %swap3A_252 = arith.index_cast %swap3A_251 : i32 to index
    %swap3A_253 = arith.constant 96 : index
    %swap3A_254 = tpu.vector_load %arg9[%swap3A_252, %swap3A_253] {strides = array<i32>} : memref<32x128xf32, #tpu.memory_space<vmem>>, vector<16xf32>,
    tpu.vector_store %arg9[%swap3A_252, %swap3A_253], %broadcast_in_dim3A_3 {strides = array<i32>} : memref<32x128xf32, #tpu.memory_space<vmem>>, vector<16xf32>,
    %swap3A_255 = arith.constant 7 : i32
    %swap3A_256 = arith.index_cast %swap3A_255 : i32 to index
    %swap3A_257 = arith.constant 112 : index
    %swap3A_258 = tpu.vector_load %arg9[%swap3A_256, %swap3A_257] {strides = array<i32>} : memref<32x128xf32, #tpu.memory_space<vmem>>, vector<16xf32>,
    tpu.vector_store %arg9[%swap3A_256, %swap3A_257], %broadcast_in_dim3A_3 {strides = array<i32>} : memref<32x128xf32, #tpu.memory_space<vmem>>, vector<16xf32>,
    %swap3A_259 = arith.constant 8 : i32
    %swap3A_260 = arith.index_cast %swap3A_259 : i32 to index
    %swap3A_261 = arith.constant 0 : index
    %swap3A_262 = tpu.vector_load %arg9[%swap3A_260, %swap3A_261] {strides = array<i32>} : memref<32x128xf32, #tpu.memory_space<vmem>>, vector<16xf32>,
    tpu.vector_store %arg9[%swap3A_260, %swap3A_261], %broadcast_in_dim3A_3 {strides = array<i32>} : memref<32x128xf32, #tpu.memory_space<vmem>>, vector<16xf32>,
    %swap3A_263 = arith.constant 8 : i32
    %swap3A_264 = arith.index_cast %swap3A_263 : i32 to index
    %swap3A_265 = arith.constant 16 : index
    %swap3A_266 = tpu.vector_load %arg9[%swap3A_264, %swap3A_265] {strides = array<i32>} : memref<32x128xf32, #tpu.memory_space<vmem>>, vector<16xf32>,
    tpu.vector_store %arg9[%swap3A_264, %swap3A_265], %broadcast_in_dim3A_3 {strides = array<i32>} : memref<32x128xf32, #tpu.memory_space<vmem>>, vector<16xf32>,
    %swap3A_267 = arith.constant 8 : i32
    %swap3A_268 = arith.index_cast %swap3A_267 : i32 to index
    %swap3A_269 = arith.constant 32 : index
    %swap3A_270 = tpu.vector_load %arg9[%swap3A_268, %swap3A_269] {strides = array<i32>} : memref<32x128xf32, #tpu.memory_space<vmem>>, vector<16xf32>,
    tpu.vector_store %arg9[%swap3A_268, %swap3A_269], %broadcast_in_dim3A_3 {strides = array<i32>} : memref<32x128xf32, #tpu.memory_space<vmem>>, vector<16xf32>,
    %swap3A_271 = arith.constant 8 : i32
    %swap3A_272 = arith.index_cast %swap3A_271 : i32 to index
    %swap3A_273 = arith.constant 48 : index
    %swap3A_274 = tpu.vector_load %arg9[%swap3A_272, %swap3A_273] {strides = array<i32>} : memref<32x128xf32, #tpu.memory_space<vmem>>, vector<16xf32>,
    tpu.vector_store %arg9[%swap3A_272, %swap3A_273], %broadcast_in_dim3A_3 {strides = array<i32>} : memref<32x128xf32, #tpu.memory_space<vmem>>, vector<16xf32>,
    %swap3A_275 = arith.constant 8 : i32
    %swap3A_276 = arith.index_cast %swap3A_275 : i32 to index
    %swap3A_277 = arith.constant 64 : index
    %swap3A_278 = tpu.vector_load %arg9[%swap3A_276, %swap3A_277] {strides = array<i32>} : memref<32x128xf32, #tpu.memory_space<vmem>>, vector<16xf32>,
    tpu.vector_store %arg9[%swap3A_276, %swap3A_277], %broadcast_in_dim3A_3 {strides = array<i32>} : memref<32x128xf32, #tpu.memory_space<vmem>>, vector<16xf32>,
    %swap3A_279 = arith.constant 8 : i32
    %swap3A_280 = arith.index_cast %swap3A_279 : i32 to index
    %swap3A_281 = arith.constant 80 : index
    %swap3A_282 = tpu.vector_load %arg9[%swap3A_280, %swap3A_281] {strides = array<i32>} : memref<32x128xf32, #tpu.memory_space<vmem>>, vector<16xf32>,
    tpu.vector_store %arg9[%swap3A_280, %swap3A_281], %broadcast_in_dim3A_3 {strides = array<i32>} : memref<32x128xf32, #tpu.memory_space<vmem>>, vector<16xf32>,
    %swap3A_283 = arith.constant 8 : i32
    %swap3A_284 = arith.index_cast %swap3A_283 : i32 to index
    %swap3A_285 = arith.constant 96 : index
    %swap3A_286 = tpu.vector_load %arg9[%swap3A_284, %swap3A_285] {strides = array<i32>} : memref<32x128xf32, #tpu.memory_space<vmem>>, vector<16xf32>,
    tpu.vector_store %arg9[%swap3A_284, %swap3A_285], %broadcast_in_dim3A_3 {strides = array<i32>} : memref<32x128xf32, #tpu.memory_space<vmem>>, vector<16xf32>,
    %swap3A_287 = arith.constant 8 : i32
    %swap3A_288 = arith.index_cast %swap3A_287 : i32 to index
    %swap3A_289 = arith.constant 112 : index
    %swap3A_290 = tpu.vector_load %arg9[%swap3A_288, %swap3A_289] {strides = array<i32>} : memref<32x128xf32, #tpu.memory_space<vmem>>, vector<16xf32>,
    tpu.vector_store %arg9[%swap3A_288, %swap3A_289], %broadcast_in_dim3A_3 {strides = array<i32>} : memref<32x128xf32, #tpu.memory_space<vmem>>, vector<16xf32>,
    %swap3A_291 = arith.constant 9 : i32
    %swap3A_292 = arith.index_cast %swap3A_291 : i32 to index
    %swap3A_293 = arith.constant 0 : index
    %swap3A_294 = tpu.vector_load %arg9[%swap3A_292, %swap3A_293] {strides = array<i32>} : memref<32x128xf32, #tpu.memory_space<vmem>>, vector<16xf32>,
    tpu.vector_store %arg9[%swap3A_292, %swap3A_293], %broadcast_in_dim3A_3 {strides = array<i32>} : memref<32x128xf32, #tpu.memory_space<vmem>>, vector<16xf32>,
    %swap3A_295 = arith.constant 9 : i32
    %swap3A_296 = arith.index_cast %swap3A_295 : i32 to index
    %swap3A_297 = arith.constant 16 : index
    %swap3A_298 = tpu.vector_load %arg9[%swap3A_296, %swap3A_297] {strides = array<i32>} : memref<32x128xf32, #tpu.memory_space<vmem>>, vector<16xf32>,
    tpu.vector_store %arg9[%swap3A_296, %swap3A_297], %broadcast_in_dim3A_3 {strides = array<i32>} : memref<32x128xf32, #tpu.memory_space<vmem>>, vector<16xf32>,
    %swap3A_299 = arith.constant 9 : i32
    %swap3A_300 = arith.index_cast %swap3A_299 : i32 to index
    %swap3A_301 = arith.constant 32 : index
    %swap3A_302 = tpu.vector_load %arg9[%swap3A_300, %swap3A_301] {strides = array<i32>} : memref<32x128xf32, #tpu.memory_space<vmem>>, vector<16xf32>,
    tpu.vector_store %arg9[%swap3A_300, %swap3A_301], %broadcast_in_dim3A_3 {strides = array<i32>} : memref<32x128xf32, #tpu.memory_space<vmem>>, vector<16xf32>,
    %swap3A_303 = arith.constant 9 : i32
    %swap3A_304 = arith.index_cast %swap3A_303 : i32 to index
    %swap3A_305 = arith.constant 48 : index
    %swap3A_306 = tpu.vector_load %arg9[%swap3A_304, %swap3A_305] {strides = array<i32>} : memref<32x128xf32, #tpu.memory_space<vmem>>, vector<16xf32>,
    tpu.vector_store %arg9[%swap3A_304, %swap3A_305], %broadcast_in_dim3A_3 {strides = array<i32>} : memref<32x128xf32, #tpu.memory_space<vmem>>, vector<16xf32>,
    %swap3A_307 = arith.constant 9 : i32
    %swap3A_308 = arith.index_cast %swap3A_307 : i32 to index
    %swap3A_309 = arith.constant 64 : index
    %swap3A_310 = tpu.vector_load %arg9[%swap3A_308, %swap3A_309] {strides = array<i32>} : memref<32x128xf32, #tpu.memory_space<vmem>>, vector<16xf32>,
    tpu.vector_store %arg9[%swap3A_308, %swap3A_309], %broadcast_in_dim3A_3 {strides = array<i32>} : memref<32x128xf32, #tpu.memory_space<vmem>>, vector<16xf32>,
    %swap3A_311 = arith.constant 9 : i32
    %swap3A_312 = arith.index_cast %swap3A_311 : i32 to index
    %swap3A_313 = arith.constant 80 : index
    %swap3A_314 = tpu.vector_load %arg9[%swap3A_312, %swap3A_313] {strides = array<i32>} : memref<32x128xf32, #tpu.memory_space<vmem>>, vector<16xf32>,
    tpu.vector_store %arg9[%swap3A_312, %swap3A_313], %broadcast_in_dim3A_3 {strides = array<i32>} : memref<32x128xf32, #tpu.memory_space<vmem>>, vector<16xf32>,
    %swap3A_315 = arith.constant 9 : i32
    %swap3A_316 = arith.index_cast %swap3A_315 : i32 to index
    %swap3A_317 = arith.constant 96 : index
    %swap3A_318 = tpu.vector_load %arg9[%swap3A_316, %swap3A_317] {strides = array<i32>} : memref<32x128xf32, #tpu.memory_space<vmem>>, vector<16xf32>,
    tpu.vector_store %arg9[%swap3A_316, %swap3A_317], %broadcast_in_dim3A_3 {strides = array<i32>} : memref<32x128xf32, #tpu.memory_space<vmem>>, vector<16xf32>,
    %swap3A_319 = arith.constant 9 : i32
    %swap3A_320 = arith.index_cast %swap3A_319 : i32 to index
    %swap3A_321 = arith.constant 112 : index
    %swap3A_322 = tpu.vector_load %arg9[%swap3A_320, %swap3A_321] {strides = array<i32>} : memref<32x128xf32, #tpu.memory_space<vmem>>, vector<16xf32>,
    tpu.vector_store %arg9[%swap3A_320, %swap3A_321], %broadcast_in_dim3A_3 {strides = array<i32>} : memref<32x128xf32, #tpu.memory_space<vmem>>, vector<16xf32>,
    %swap3A_323 = arith.constant 10 : i32
    %swap3A_324 = arith.index_cast %swap3A_323 : i32 to index
    %swap3A_325 = arith.constant 0 : index
    %swap3A_326 = tpu.vector_load %arg9[%swap3A_324, %swap3A_325] {strides = array<i32>} : memref<32x128xf32, #tpu.memory_space<vmem>>, vector<16xf32>,
    tpu.vector_store %arg9[%swap3A_324, %swap3A_325], %broadcast_in_dim3A_3 {strides = array<i32>} : memref<32x128xf32, #tpu.memory_space<vmem>>, vector<16xf32>,
    %swap3A_327 = arith.constant 10 : i32
    %swap3A_328 = arith.index_cast %swap3A_327 : i32 to index
    %swap3A_329 = arith.constant 16 : index
    %swap3A_330 = tpu.vector_load %arg9[%swap3A_328, %swap3A_329] {strides = array<i32>} : memref<32x128xf32, #tpu.memory_space<vmem>>, vector<16xf32>,
    tpu.vector_store %arg9[%swap3A_328, %swap3A_329], %broadcast_in_dim3A_3 {strides = array<i32>} : memref<32x128xf32, #tpu.memory_space<vmem>>, vector<16xf32>,
    %swap3A_331 = arith.constant 10 : i32
    %swap3A_332 = arith.index_cast %swap3A_331 : i32 to index
    %swap3A_333 = arith.constant 32 : index
    %swap3A_334 = tpu.vector_load %arg9[%swap3A_332, %swap3A_333] {strides = array<i32>} : memref<32x128xf32, #tpu.memory_space<vmem>>, vector<16xf32>,
    tpu.vector_store %arg9[%swap3A_332, %swap3A_333], %broadcast_in_dim3A_3 {strides = array<i32>} : memref<32x128xf32, #tpu.memory_space<vmem>>, vector<16xf32>,
    %swap3A_335 = arith.constant 10 : i32
    %swap3A_336 = arith.index_cast %swap3A_335 : i32 to index
    %swap3A_337 = arith.constant 48 : index
    %swap3A_338 = tpu.vector_load %arg9[%swap3A_336, %swap3A_337] {strides = array<i32>} : memref<32x128xf32, #tpu.memory_space<vmem>>, vector<16xf32>,
    tpu.vector_store %arg9[%swap3A_336, %swap3A_337], %broadcast_in_dim3A_3 {strides = array<i32>} : memref<32x128xf32, #tpu.memory_space<vmem>>, vector<16xf32>,
    %swap3A_339 = arith.constant 10 : i32
    %swap3A_340 = arith.index_cast %swap3A_339 : i32 to index
    %swap3A_341 = arith.constant 64 : index
    %swap3A_342 = tpu.vector_load %arg9[%swap3A_340, %swap3A_341] {strides = array<i32>} : memref<32x128xf32, #tpu.memory_space<vmem>>, vector<16xf32>,
    tpu.vector_store %arg9[%swap3A_340, %swap3A_341], %broadcast_in_dim3A_3 {strides = array<i32>} : memref<32x128xf32, #tpu.memory_space<vmem>>, vector<16xf32>,
    %swap3A_343 = arith.constant 10 : i32
    %swap3A_344 = arith.index_cast %swap3A_343 : i32 to index
    %swap3A_345 = arith.constant 80 : index
    %swap3A_346 = tpu.vector_load %arg9[%swap3A_344, %swap3A_345] {strides = array<i32>} : memref<32x128xf32, #tpu.memory_space<vmem>>, vector<16xf32>,
    tpu.vector_store %arg9[%swap3A_344, %swap3A_345], %broadcast_in_dim3A_3 {strides = array<i32>} : memref<32x128xf32, #tpu.memory_space<vmem>>, vector<16xf32>,
    %swap3A_347 = arith.constant 10 : i32
    %swap3A_348 = arith.index_cast %swap3A_347 : i32 to index
    %swap3A_349 = arith.constant 96 : index
    %swap3A_350 = tpu.vector_load %arg9[%swap3A_348, %swap3A_349] {strides = array<i32>} : memref<32x128xf32, #tpu.memory_space<vmem>>, vector<16xf32>,
    tpu.vector_store %arg9[%swap3A_348, %swap3A_349], %broadcast_in_dim3A_3 {strides = array<i32>} : memref<32x128xf32, #tpu.memory_space<vmem>>, vector<16xf32>,
    %swap3A_351 = arith.constant 10 : i32
    %swap3A_352 = arith.index_cast %swap3A_351 : i32 to index
    %swap3A_353 = arith.constant 112 : index
    %swap3A_354 = tpu.vector_load %arg9[%swap3A_352, %swap3A_353] {strides = array<i32>} : memref<32x128xf32, #tpu.memory_space<vmem>>, vector<16xf32>,
    tpu.vector_store %arg9[%swap3A_352, %swap3A_353], %broadcast_in_dim3A_3 {strides = array<i32>} : memref<32x128xf32, #tpu.memory_space<vmem>>, vector<16xf32>,
    %swap3A_355 = arith.constant 11 : i32
    %swap3A_356 = arith.index_cast %swap3A_355 : i32 to index
    %swap3A_357 = arith.constant 0 : index
    %swap3A_358 = tpu.vector_load %arg9[%swap3A_356, %swap3A_357] {strides = array<i32>} : memref<32x128xf32, #tpu.memory_space<vmem>>, vector<16xf32>,
    tpu.vector_store %arg9[%swap3A_356, %swap3A_357], %broadcast_in_dim3A_3 {strides = array<i32>} : memref<32x128xf32, #tpu.memory_space<vmem>>, vector<16xf32>,
    %swap3A_359 = arith.constant 11 : i32
    %swap3A_360 = arith.index_cast %swap3A_359 : i32 to index
    %swap3A_361 = arith.constant 16 : index
    %swap3A_362 = tpu.vector_load %arg9[%swap3A_360, %swap3A_361] {strides = array<i32>} : memref<32x128xf32, #tpu.memory_space<vmem>>, vector<16xf32>,
    tpu.vector_store %arg9[%swap3A_360, %swap3A_361], %broadcast_in_dim3A_3 {strides = array<i32>} : memref<32x128xf32, #tpu.memory_space<vmem>>, vector<16xf32>,
    %swap3A_363 = arith.constant 11 : i32
    %swap3A_364 = arith.index_cast %swap3A_363 : i32 to index
    %swap3A_365 = arith.constant 32 : index
    %swap3A_366 = tpu.vector_load %arg9[%swap3A_364, %swap3A_365] {strides = array<i32>} : memref<32x128xf32, #tpu.memory_space<vmem>>, vector<16xf32>,
    tpu.vector_store %arg9[%swap3A_364, %swap3A_365], %broadcast_in_dim3A_3 {strides = array<i32>} : memref<32x128xf32, #tpu.memory_space<vmem>>, vector<16xf32>,
    %swap3A_367 = arith.constant 11 : i32
    %swap3A_368 = arith.index_cast %swap3A_367 : i32 to index
    %swap3A_369 = arith.constant 48 : index
    %swap3A_370 = tpu.vector_load %arg9[%swap3A_368, %swap3A_369] {strides = array<i32>} : memref<32x128xf32, #tpu.memory_space<vmem>>, vector<16xf32>,
    tpu.vector_store %arg9[%swap3A_368, %swap3A_369], %broadcast_in_dim3A_3 {strides = array<i32>} : memref<32x128xf32, #tpu.memory_space<vmem>>, vector<16xf32>,
    %swap3A_371 = arith.constant 11 : i32
    %swap3A_372 = arith.index_cast %swap3A_371 : i32 to index
    %swap3A_373 = arith.constant 64 : index
    %swap3A_374 = tpu.vector_load %arg9[%swap3A_372, %swap3A_373] {strides = array<i32>} : memref<32x128xf32, #tpu.memory_space<vmem>>, vector<16xf32>,
    tpu.vector_store %arg9[%swap3A_372, %swap3A_373], %broadcast_in_dim3A_3 {strides = array<i32>} : memref<32x128xf32, #tpu.memory_space<vmem>>, vector<16xf32>,
    %swap3A_375 = arith.constant 11 : i32
    %swap3A_376 = arith.index_cast %swap3A_375 : i32 to index
    %swap3A_377 = arith.constant 80 : index
    %swap3A_378 = tpu.vector_load %arg9[%swap3A_376, %swap3A_377] {strides = array<i32>} : memref<32x128xf32, #tpu.memory_space<vmem>>, vector<16xf32>,
    tpu.vector_store %arg9[%swap3A_376, %swap3A_377], %broadcast_in_dim3A_3 {strides = array<i32>} : memref<32x128xf32, #tpu.memory_space<vmem>>, vector<16xf32>,
    %swap3A_379 = arith.constant 11 : i32
    %swap3A_380 = arith.index_cast %swap3A_379 : i32 to index
    %swap3A_381 = arith.constant 96 : index
    %swap3A_382 = tpu.vector_load %arg9[%swap3A_380, %swap3A_381] {strides = array<i32>} : memref<32x128xf32, #tpu.memory_space<vmem>>, vector<16xf32>,
    tpu.vector_store %arg9[%swap3A_380, %swap3A_381], %broadcast_in_dim3A_3 {strides = array<i32>} : memref<32x128xf32, #tpu.memory_space<vmem>>, vector<16xf32>,
    %swap3A_383 = arith.constant 11 : i32
    %swap3A_384 = arith.index_cast %swap3A_383 : i32 to index
    %swap3A_385 = arith.constant 112 : index
    %swap3A_386 = tpu.vector_load %arg9[%swap3A_384, %swap3A_385] {strides = array<i32>} : memref<32x128xf32, #tpu.memory_space<vmem>>, vector<16xf32>,
    tpu.vector_store %arg9[%swap3A_384, %swap3A_385], %broadcast_in_dim3A_3 {strides = array<i32>} : memref<32x128xf32, #tpu.memory_space<vmem>>, vector<16xf32>,
    %swap3A_387 = arith.constant 12 : i32
    %swap3A_388 = arith.index_cast %swap3A_387 : i32 to index
    %swap3A_389 = arith.constant 0 : index
    %swap3A_390 = tpu.vector_load %arg9[%swap3A_388, %swap3A_389] {strides = array<i32>} : memref<32x128xf32, #tpu.memory_space<vmem>>, vector<16xf32>,
    tpu.vector_store %arg9[%swap3A_388, %swap3A_389], %broadcast_in_dim3A_3 {strides = array<i32>} : memref<32x128xf32, #tpu.memory_space<vmem>>, vector<16xf32>,
    %swap3A_391 = arith.constant 12 : i32
    %swap3A_392 = arith.index_cast %swap3A_391 : i32 to index
    %swap3A_393 = arith.constant 16 : index
    %swap3A_394 = tpu.vector_load %arg9[%swap3A_392, %swap3A_393] {strides = array<i32>} : memref<32x128xf32, #tpu.memory_space<vmem>>, vector<16xf32>,
    tpu.vector_store %arg9[%swap3A_392, %swap3A_393], %broadcast_in_dim3A_3 {strides = array<i32>} : memref<32x128xf32, #tpu.memory_space<vmem>>, vector<16xf32>,
    %swap3A_395 = arith.constant 12 : i32
    %swap3A_396 = arith.index_cast %swap3A_395 : i32 to index
    %swap3A_397 = arith.constant 32 : index
    %swap3A_398 = tpu.vector_load %arg9[%swap3A_396, %swap3A_397] {strides = array<i32>} : memref<32x128xf32, #tpu.memory_space<vmem>>, vector<16xf32>,
    tpu.vector_store %arg9[%swap3A_396, %swap3A_397], %broadcast_in_dim3A_3 {strides = array<i32>} : memref<32x128xf32, #tpu.memory_space<vmem>>, vector<16xf32>,
    %swap3A_399 = arith.constant 12 : i32
    %swap3A_400 = arith.index_cast %swap3A_399 : i32 to index
    %swap3A_401 = arith.constant 48 : index
    %swap3A_402 = tpu.vector_load %arg9[%swap3A_400, %swap3A_401] {strides = array<i32>} : memref<32x128xf32, #tpu.memory_space<vmem>>, vector<16xf32>,
    tpu.vector_store %arg9[%swap3A_400, %swap3A_401], %broadcast_in_dim3A_3 {strides = array<i32>} : memref<32x128xf32, #tpu.memory_space<vmem>>, vector<16xf32>,
    %swap3A_403 = arith.constant 12 : i32
    %swap3A_404 = arith.index_cast %swap3A_403 : i32 to index
    %swap3A_405 = arith.constant 64 : index
    %swap3A_406 = tpu.vector_load %arg9[%swap3A_404, %swap3A_405] {strides = array<i32>} : memref<32x128xf32, #tpu.memory_space<vmem>>, vector<16xf32>,
    tpu.vector_store %arg9[%swap3A_404, %swap3A_405], %broadcast_in_dim3A_3 {strides = array<i32>} : memref<32x128xf32, #tpu.memory_space<vmem>>, vector<16xf32>,
    %swap3A_407 = arith.constant 12 : i32
    %swap3A_408 = arith.index_cast %swap3A_407 : i32 to index
    %swap3A_409 = arith.constant 80 : index
    %swap3A_410 = tpu.vector_load %arg9[%swap3A_408, %swap3A_409] {strides = array<i32>} : memref<32x128xf32, #tpu.memory_space<vmem>>, vector<16xf32>,
    tpu.vector_store %arg9[%swap3A_408, %swap3A_409], %broadcast_in_dim3A_3 {strides = array<i32>} : memref<32x128xf32, #tpu.memory_space<vmem>>, vector<16xf32>,
    %swap3A_411 = arith.constant 12 : i32
    %swap3A_412 = arith.index_cast %swap3A_411 : i32 to index
    %swap3A_413 = arith.constant 96 : index
    %swap3A_414 = tpu.vector_load %arg9[%swap3A_412, %swap3A_413] {strides = array<i32>} : memref<32x128xf32, #tpu.memory_space<vmem>>, vector<16xf32>,
    tpu.vector_store %arg9[%swap3A_412, %swap3A_413], %broadcast_in_dim3A_3 {strides = array<i32>} : memref<32x128xf32, #tpu.memory_space<vmem>>, vector<16xf32>,
    %swap3A_415 = arith.constant 12 : i32
    %swap3A_416 = arith.index_cast %swap3A_415 : i32 to index
    %swap3A_417 = arith.constant 112 : index
    %swap3A_418 = tpu.vector_load %arg9[%swap3A_416, %swap3A_417] {strides = array<i32>} : memref<32x128xf32, #tpu.memory_space<vmem>>, vector<16xf32>,
    tpu.vector_store %arg9[%swap3A_416, %swap3A_417], %broadcast_in_dim3A_3 {strides = array<i32>} : memref<32x128xf32, #tpu.memory_space<vmem>>, vector<16xf32>,
    %swap3A_419 = arith.constant 13 : i32
    %swap3A_420 = arith.index_cast %swap3A_419 : i32 to index
    %swap3A_421 = arith.constant 0 : index
    %swap3A_422 = tpu.vector_load %arg9[%swap3A_420, %swap3A_421] {strides = array<i32>} : memref<32x128xf32, #tpu.memory_space<vmem>>, vector<16xf32>,
    tpu.vector_store %arg9[%swap3A_420, %swap3A_421], %broadcast_in_dim3A_3 {strides = array<i32>} : memref<32x128xf32, #tpu.memory_space<vmem>>, vector<16xf32>,
    %swap3A_423 = arith.constant 13 : i32
    %swap3A_424 = arith.index_cast %swap3A_423 : i32 to index
    %swap3A_425 = arith.constant 16 : index
    %swap3A_426 = tpu.vector_load %arg9[%swap3A_424, %swap3A_425] {strides = array<i32>} : memref<32x128xf32, #tpu.memory_space<vmem>>, vector<16xf32>,
    tpu.vector_store %arg9[%swap3A_424, %swap3A_425], %broadcast_in_dim3A_3 {strides = array<i32>} : memref<32x128xf32, #tpu.memory_space<vmem>>, vector<16xf32>,
    %swap3A_427 = arith.constant 13 : i32
    %swap3A_428 = arith.index_cast %swap3A_427 : i32 to index
    %swap3A_429 = arith.constant 32 : index
    %swap3A_430 = tpu.vector_load %arg9[%swap3A_428, %swap3A_429] {strides = array<i32>} : memref<32x128xf32, #tpu.memory_space<vmem>>, vector<16xf32>,
    tpu.vector_store %arg9[%swap3A_428, %swap3A_429], %broadcast_in_dim3A_3 {strides = array<i32>} : memref<32x128xf32, #tpu.memory_space<vmem>>, vector<16xf32>,
    %swap3A_431 = arith.constant 13 : i32
    %swap3A_432 = arith.index_cast %swap3A_431 : i32 to index
    %swap3A_433 = arith.constant 48 : index
    %swap3A_434 = tpu.vector_load %arg9[%swap3A_432, %swap3A_433] {strides = array<i32>} : memref<32x128xf32, #tpu.memory_space<vmem>>, vector<16xf32>,
    tpu.vector_store %arg9[%swap3A_432, %swap3A_433], %broadcast_in_dim3A_3 {strides = array<i32>} : memref<32x128xf32, #tpu.memory_space<vmem>>, vector<16xf32>,
    %swap3A_435 = arith.constant 13 : i32
    %swap3A_436 = arith.index_cast %swap3A_435 : i32 to index
    %swap3A_437 = arith.constant 64 : index
    %swap3A_438 = tpu.vector_load %arg9[%swap3A_436, %swap3A_437] {strides = array<i32>} : memref<32x128xf32, #tpu.memory_space<vmem>>, vector<16xf32>,
    tpu.vector_store %arg9[%swap3A_436, %swap3A_437], %broadcast_in_dim3A_3 {strides = array<i32>} : memref<32x128xf32, #tpu.memory_space<vmem>>, vector<16xf32>,
    %swap3A_439 = arith.constant 13 : i32
    %swap3A_440 = arith.index_cast %swap3A_439 : i32 to index
    %swap3A_441 = arith.constant 80 : index
    %swap3A_442 = tpu.vector_load %arg9[%swap3A_440, %swap3A_441] {strides = array<i32>} : memref<32x128xf32, #tpu.memory_space<vmem>>, vector<16xf32>,
    tpu.vector_store %arg9[%swap3A_440, %swap3A_441], %broadcast_in_dim3A_3 {strides = array<i32>} : memref<32x128xf32, #tpu.memory_space<vmem>>, vector<16xf32>,
    %swap3A_443 = arith.constant 13 : i32
    %swap3A_444 = arith.index_cast %swap3A_443 : i32 to index
    %swap3A_445 = arith.constant 96 : index
    %swap3A_446 = tpu.vector_load %arg9[%swap3A_444, %swap3A_445] {strides = array<i32>} : memref<32x128xf32, #tpu.memory_space<vmem>>, vector<16xf32>,
    tpu.vector_store %arg9[%swap3A_444, %swap3A_445], %broadcast_in_dim3A_3 {strides = array<i32>} : memref<32x128xf32, #tpu.memory_space<vmem>>, vector<16xf32>,
    %swap3A_447 = arith.constant 13 : i32
    %swap3A_448 = arith.index_cast %swap3A_447 : i32 to index
    %swap3A_449 = arith.constant 112 : index
    %swap3A_450 = tpu.vector_load %arg9[%swap3A_448, %swap3A_449] {strides = array<i32>} : memref<32x128xf32, #tpu.memory_space<vmem>>, vector<16xf32>,
    tpu.vector_store %arg9[%swap3A_448, %swap3A_449], %broadcast_in_dim3A_3 {strides = array<i32>} : memref<32x128xf32, #tpu.memory_space<vmem>>, vector<16xf32>,
    %swap3A_451 = arith.constant 14 : i32
    %swap3A_452 = arith.index_cast %swap3A_451 : i32 to index
    %swap3A_453 = arith.constant 0 : index
    %swap3A_454 = tpu.vector_load %arg9[%swap3A_452, %swap3A_453] {strides = array<i32>} : memref<32x128xf32, #tpu.memory_space<vmem>>, vector<16xf32>,
    tpu.vector_store %arg9[%swap3A_452, %swap3A_453], %broadcast_in_dim3A_3 {strides = array<i32>} : memref<32x128xf32, #tpu.memory_space<vmem>>, vector<16xf32>,
    %swap3A_455 = arith.constant 14 : i32
    %swap3A_456 = arith.index_cast %swap3A_455 : i32 to index
    %swap3A_457 = arith.constant 16 : index
    %swap3A_458 = tpu.vector_load %arg9[%swap3A_456, %swap3A_457] {strides = array<i32>} : memref<32x128xf32, #tpu.memory_space<vmem>>, vector<16xf32>,
    tpu.vector_store %arg9[%swap3A_456, %swap3A_457], %broadcast_in_dim3A_3 {strides = array<i32>} : memref<32x128xf32, #tpu.memory_space<vmem>>, vector<16xf32>,
    %swap3A_459 = arith.constant 14 : i32
    %swap3A_460 = arith.index_cast %swap3A_459 : i32 to index
    %swap3A_461 = arith.constant 32 : index
    %swap3A_462 = tpu.vector_load %arg9[%swap3A_460, %swap3A_461] {strides = array<i32>} : memref<32x128xf32, #tpu.memory_space<vmem>>, vector<16xf32>,
    tpu.vector_store %arg9[%swap3A_460, %swap3A_461], %broadcast_in_dim3A_3 {strides = array<i32>} : memref<32x128xf32, #tpu.memory_space<vmem>>, vector<16xf32>,
    %swap3A_463 = arith.constant 14 : i32
    %swap3A_464 = arith.index_cast %swap3A_463 : i32 to index
    %swap3A_465 = arith.constant 48 : index
    %swap3A_466 = tpu.vector_load %arg9[%swap3A_464, %swap3A_465] {strides = array<i32>} : memref<32x128xf32, #tpu.memory_space<vmem>>, vector<16xf32>,
    tpu.vector_store %arg9[%swap3A_464, %swap3A_465], %broadcast_in_dim3A_3 {strides = array<i32>} : memref<32x128xf32, #tpu.memory_space<vmem>>, vector<16xf32>,
    %swap3A_467 = arith.constant 14 : i32
    %swap3A_468 = arith.index_cast %swap3A_467 : i32 to index
    %swap3A_469 = arith.constant 64 : index
    %swap3A_470 = tpu.vector_load %arg9[%swap3A_468, %swap3A_469] {strides = array<i32>} : memref<32x128xf32, #tpu.memory_space<vmem>>, vector<16xf32>,
    tpu.vector_store %arg9[%swap3A_468, %swap3A_469], %broadcast_in_dim3A_3 {strides = array<i32>} : memref<32x128xf32, #tpu.memory_space<vmem>>, vector<16xf32>,
    %swap3A_471 = arith.constant 14 : i32
    %swap3A_472 = arith.index_cast %swap3A_471 : i32 to index
    %swap3A_473 = arith.constant 80 : index
    %swap3A_474 = tpu.vector_load %arg9[%swap3A_472, %swap3A_473] {strides = array<i32>} : memref<32x128xf32, #tpu.memory_space<vmem>>, vector<16xf32>,
    tpu.vector_store %arg9[%swap3A_472, %swap3A_473], %broadcast_in_dim3A_3 {strides = array<i32>} : memref<32x128xf32, #tpu.memory_space<vmem>>, vector<16xf32>,
    %swap3A_475 = arith.constant 14 : i32
    %swap3A_476 = arith.index_cast %swap3A_475 : i32 to index
    %swap3A_477 = arith.constant 96 : index
    %swap3A_478 = tpu.vector_load %arg9[%swap3A_476, %swap3A_477] {strides = array<i32>} : memref<32x128xf32, #tpu.memory_space<vmem>>, vector<16xf32>,
    tpu.vector_store %arg9[%swap3A_476, %swap3A_477], %broadcast_in_dim3A_3 {strides = array<i32>} : memref<32x128xf32, #tpu.memory_space<vmem>>, vector<16xf32>,
    %swap3A_479 = arith.constant 14 : i32
    %swap3A_480 = arith.index_cast %swap3A_479 : i32 to index
    %swap3A_481 = arith.constant 112 : index
    %swap3A_482 = tpu.vector_load %arg9[%swap3A_480, %swap3A_481] {strides = array<i32>} : memref<32x128xf32, #tpu.memory_space<vmem>>, vector<16xf32>,
    tpu.vector_store %arg9[%swap3A_480, %swap3A_481], %broadcast_in_dim3A_3 {strides = array<i32>} : memref<32x128xf32, #tpu.memory_space<vmem>>, vector<16xf32>,
    %swap3A_483 = arith.constant 15 : i32
    %swap3A_484 = arith.index_cast %swap3A_483 : i32 to index
    %swap3A_485 = arith.constant 0 : index
    %swap3A_486 = tpu.vector_load %arg9[%swap3A_484, %swap3A_485] {strides = array<i32>} : memref<32x128xf32, #tpu.memory_space<vmem>>, vector<16xf32>,
    tpu.vector_store %arg9[%swap3A_484, %swap3A_485], %broadcast_in_dim3A_3 {strides = array<i32>} : memref<32x128xf32, #tpu.memory_space<vmem>>, vector<16xf32>,
    %swap3A_487 = arith.constant 15 : i32
    %swap3A_488 = arith.index_cast %swap3A_487 : i32 to index
    %swap3A_489 = arith.constant 16 : index
    %swap3A_490 = tpu.vector_load %arg9[%swap3A_488, %swap3A_489] {strides = array<i32>} : memref<32x128xf32, #tpu.memory_space<vmem>>, vector<16xf32>,
    tpu.vector_store %arg9[%swap3A_488, %swap3A_489], %broadcast_in_dim3A_3 {strides = array<i32>} : memref<32x128xf32, #tpu.memory_space<vmem>>, vector<16xf32>,
    %swap3A_491 = arith.constant 15 : i32
    %swap3A_492 = arith.index_cast %swap3A_491 : i32 to index
    %swap3A_493 = arith.constant 32 : index
    %swap3A_494 = tpu.vector_load %arg9[%swap3A_492, %swap3A_493] {strides = array<i32>} : memref<32x128xf32, #tpu.memory_space<vmem>>, vector<16xf32>,
    tpu.vector_store %arg9[%swap3A_492, %swap3A_493], %broadcast_in_dim3A_3 {strides = array<i32>} : memref<32x128xf32, #tpu.memory_space<vmem>>, vector<16xf32>,
    %swap3A_495 = arith.constant 15 : i32
    %swap3A_496 = arith.index_cast %swap3A_495 : i32 to index
    %swap3A_497 = arith.constant 48 : index
    %swap3A_498 = tpu.vector_load %arg9[%swap3A_496, %swap3A_497] {strides = array<i32>} : memref<32x128xf32, #tpu.memory_space<vmem>>, vector<16xf32>,
    tpu.vector_store %arg9[%swap3A_496, %swap3A_497], %broadcast_in_dim3A_3 {strides = array<i32>} : memref<32x128xf32, #tpu.memory_space<vmem>>, vector<16xf32>,
    %swap3A_499 = arith.constant 15 : i32
    %swap3A_500 = arith.index_cast %swap3A_499 : i32 to index
    %swap3A_501 = arith.constant 64 : index
    %swap3A_502 = tpu.vector_load %arg9[%swap3A_500, %swap3A_501] {strides = array<i32>} : memref<32x128xf32, #tpu.memory_space<vmem>>, vector<16xf32>,
    tpu.vector_store %arg9[%swap3A_500, %swap3A_501], %broadcast_in_dim3A_3 {strides = array<i32>} : memref<32x128xf32, #tpu.memory_space<vmem>>, vector<16xf32>,
    %swap3A_503 = arith.constant 15 : i32
    %swap3A_504 = arith.index_cast %swap3A_503 : i32 to index
    %swap3A_505 = arith.constant 80 : index
    %swap3A_506 = tpu.vector_load %arg9[%swap3A_504, %swap3A_505] {strides = array<i32>} : memref<32x128xf32, #tpu.memory_space<vmem>>, vector<16xf32>,
    tpu.vector_store %arg9[%swap3A_504, %swap3A_505], %broadcast_in_dim3A_3 {strides = array<i32>} : memref<32x128xf32, #tpu.memory_space<vmem>>, vector<16xf32>,
    %swap3A_507 = arith.constant 15 : i32
    %swap3A_508 = arith.index_cast %swap3A_507 : i32 to index
    %swap3A_509 = arith.constant 96 : index
    %swap3A_510 = tpu.vector_load %arg9[%swap3A_508, %swap3A_509] {strides = array<i32>} : memref<32x128xf32, #tpu.memory_space<vmem>>, vector<16xf32>,
    tpu.vector_store %arg9[%swap3A_508, %swap3A_509], %broadcast_in_dim3A_3 {strides = array<i32>} : memref<32x128xf32, #tpu.memory_space<vmem>>, vector<16xf32>,
    %swap3A_511 = arith.constant 15 : i32
    %swap3A_512 = arith.index_cast %swap3A_511 : i32 to index
    %swap3A_513 = arith.constant 112 : index
    %swap3A_514 = tpu.vector_load %arg9[%swap3A_512, %swap3A_513] {strides = array<i32>} : memref<32x128xf32, #tpu.memory_space<vmem>>, vector<16xf32>,
    tpu.vector_store %arg9[%swap3A_512, %swap3A_513], %broadcast_in_dim3A_3 {strides = array<i32>} : memref<32x128xf32, #tpu.memory_space<vmem>>, vector<16xf32>,
    %swap3A_515 = arith.constant 16 : i32
    %swap3A_516 = arith.index_cast %swap3A_515 : i32 to index
    %swap3A_517 = arith.constant 0 : index
    %swap3A_518 = tpu.vector_load %arg9[%swap3A_516, %swap3A_517] {strides = array<i32>} : memref<32x128xf32, #tpu.memory_space<vmem>>, vector<16xf32>,
    tpu.vector_store %arg9[%swap3A_516, %swap3A_517], %broadcast_in_dim3A_3 {strides = array<i32>} : memref<32x128xf32, #tpu.memory_space<vmem>>, vector<16xf32>,
    %swap3A_519 = arith.constant 16 : i32
    %swap3A_520 = arith.index_cast %swap3A_519 : i32 to index
    %swap3A_521 = arith.constant 16 : index
    %swap3A_522 = tpu.vector_load %arg9[%swap3A_520, %swap3A_521] {strides = array<i32>} : memref<32x128xf32, #tpu.memory_space<vmem>>, vector<16xf32>,
    tpu.vector_store %arg9[%swap3A_520, %swap3A_521], %broadcast_in_dim3A_3 {strides = array<i32>} : memref<32x128xf32, #tpu.memory_space<vmem>>, vector<16xf32>,
    %swap3A_523 = arith.constant 16 : i32
    %swap3A_524 = arith.index_cast %swap3A_523 : i32 to index
    %swap3A_525 = arith.constant 32 : index
    %swap3A_526 = tpu.vector_load %arg9[%swap3A_524, %swap3A_525] {strides = array<i32>} : memref<32x128xf32, #tpu.memory_space<vmem>>, vector<16xf32>,
    tpu.vector_store %arg9[%swap3A_524, %swap3A_525], %broadcast_in_dim3A_3 {strides = array<i32>} : memref<32x128xf32, #tpu.memory_space<vmem>>, vector<16xf32>,
    %swap3A_527 = arith.constant 16 : i32
    %swap3A_528 = arith.index_cast %swap3A_527 : i32 to index
    %swap3A_529 = arith.constant 48 : index
    %swap3A_530 = tpu.vector_load %arg9[%swap3A_528, %swap3A_529] {strides = array<i32>} : memref<32x128xf32, #tpu.memory_space<vmem>>, vector<16xf32>,
    tpu.vector_store %arg9[%swap3A_528, %swap3A_529], %broadcast_in_dim3A_3 {strides = array<i32>} : memref<32x128xf32, #tpu.memory_space<vmem>>, vector<16xf32>,
    %swap3A_531 = arith.constant 16 : i32
    %swap3A_532 = arith.index_cast %swap3A_531 : i32 to index
    %swap3A_533 = arith.constant 64 : index
    %swap3A_534 = tpu.vector_load %arg9[%swap3A_532, %swap3A_533] {strides = array<i32>} : memref<32x128xf32, #tpu.memory_space<vmem>>, vector<16xf32>,
    tpu.vector_store %arg9[%swap3A_532, %swap3A_533], %broadcast_in_dim3A_3 {strides = array<i32>} : memref<32x128xf32, #tpu.memory_space<vmem>>, vector<16xf32>,
    %swap3A_535 = arith.constant 16 : i32
    %swap3A_536 = arith.index_cast %swap3A_535 : i32 to index
    %swap3A_537 = arith.constant 80 : index
    %swap3A_538 = tpu.vector_load %arg9[%swap3A_536, %swap3A_537] {strides = array<i32>} : memref<32x128xf32, #tpu.memory_space<vmem>>, vector<16xf32>,
    tpu.vector_store %arg9[%swap3A_536, %swap3A_537], %broadcast_in_dim3A_3 {strides = array<i32>} : memref<32x128xf32, #tpu.memory_space<vmem>>, vector<16xf32>,
    %swap3A_539 = arith.constant 16 : i32
    %swap3A_540 = arith.index_cast %swap3A_539 : i32 to index
    %swap3A_541 = arith.constant 96 : index
    %swap3A_542 = tpu.vector_load %arg9[%swap3A_540, %swap3A_541] {strides = array<i32>} : memref<32x128xf32, #tpu.memory_space<vmem>>, vector<16xf32>,
    tpu.vector_store %arg9[%swap3A_540, %swap3A_541], %broadcast_in_dim3A_3 {strides = array<i32>} : memref<32x128xf32, #tpu.memory_space<vmem>>, vector<16xf32>,
    %swap3A_543 = arith.constant 16 : i32
    %swap3A_544 = arith.index_cast %swap3A_543 : i32 to index
    %swap3A_545 = arith.constant 112 : index
    %swap3A_546 = tpu.vector_load %arg9[%swap3A_544, %swap3A_545] {strides = array<i32>} : memref<32x128xf32, #tpu.memory_space<vmem>>, vector<16xf32>,
    tpu.vector_store %arg9[%swap3A_544, %swap3A_545], %broadcast_in_dim3A_3 {strides = array<i32>} : memref<32x128xf32, #tpu.memory_space<vmem>>, vector<16xf32>,
    %swap3A_547 = arith.constant 17 : i32
    %swap3A_548 = arith.index_cast %swap3A_547 : i32 to index
    %swap3A_549 = arith.constant 0 : index
    %swap3A_550 = tpu.vector_load %arg9[%swap3A_548, %swap3A_549] {strides = array<i32>} : memref<32x128xf32, #tpu.memory_space<vmem>>, vector<16xf32>,
    tpu.vector_store %arg9[%swap3A_548, %swap3A_549], %broadcast_in_dim3A_3 {strides = array<i32>} : memref<32x128xf32, #tpu.memory_space<vmem>>, vector<16xf32>,
    %swap3A_551 = arith.constant 17 : i32
    %swap3A_552 = arith.index_cast %swap3A_551 : i32 to index
    %swap3A_553 = arith.constant 16 : index
    %swap3A_554 = tpu.vector_load %arg9[%swap3A_552, %swap3A_553] {strides = array<i32>} : memref<32x128xf32, #tpu.memory_space<vmem>>, vector<16xf32>,
    tpu.vector_store %arg9[%swap3A_552, %swap3A_553], %broadcast_in_dim3A_3 {strides = array<i32>} : memref<32x128xf32, #tpu.memory_space<vmem>>, vector<16xf32>,
    %swap3A_555 = arith.constant 17 : i32
    %swap3A_556 = arith.index_cast %swap3A_555 : i32 to index
    %swap3A_557 = arith.constant 32 : index
    %swap3A_558 = tpu.vector_load %arg9[%swap3A_556, %swap3A_557] {strides = array<i32>} : memref<32x128xf32, #tpu.memory_space<vmem>>, vector<16xf32>,
    tpu.vector_store %arg9[%swap3A_556, %swap3A_557], %broadcast_in_dim3A_3 {strides = array<i32>} : memref<32x128xf32, #tpu.memory_space<vmem>>, vector<16xf32>,
    %swap3A_559 = arith.constant 17 : i32
    %swap3A_560 = arith.index_cast %swap3A_559 : i32 to index
    %swap3A_561 = arith.constant 48 : index
    %swap3A_562 = tpu.vector_load %arg9[%swap3A_560, %swap3A_561] {strides = array<i32>} : memref<32x128xf32, #tpu.memory_space<vmem>>, vector<16xf32>,
    tpu.vector_store %arg9[%swap3A_560, %swap3A_561], %broadcast_in_dim3A_3 {strides = array<i32>} : memref<32x128xf32, #tpu.memory_space<vmem>>, vector<16xf32>,
    %swap3A_563 = arith.constant 17 : i32
    %swap3A_564 = arith.index_cast %swap3A_563 : i32 to index
    %swap3A_565 = arith.constant 64 : index
    %swap3A_566 = tpu.vector_load %arg9[%swap3A_564, %swap3A_565] {strides = array<i32>} : memref<32x128xf32, #tpu.memory_space<vmem>>, vector<16xf32>,
    tpu.vector_store %arg9[%swap3A_564, %swap3A_565], %broadcast_in_dim3A_3 {strides = array<i32>} : memref<32x128xf32, #tpu.memory_space<vmem>>, vector<16xf32>,
    %swap3A_567 = arith.constant 17 : i32
    %swap3A_568 = arith.index_cast %swap3A_567 : i32 to index
    %swap3A_569 = arith.constant 80 : index
    %swap3A_570 = tpu.vector_load %arg9[%swap3A_568, %swap3A_569] {strides = array<i32>} : memref<32x128xf32, #tpu.memory_space<vmem>>, vector<16xf32>,
    tpu.vector_store %arg9[%swap3A_568, %swap3A_569], %broadcast_in_dim3A_3 {strides = array<i32>} : memref<32x128xf32, #tpu.memory_space<vmem>>, vector<16xf32>,
    %swap3A_571 = arith.constant 17 : i32
    %swap3A_572 = arith.index_cast %swap3A_571 : i32 to index
    %swap3A_573 = arith.constant 96 : index
    %swap3A_574 = tpu.vector_load %arg9[%swap3A_572, %swap3A_573] {strides = array<i32>} : memref<32x128xf32, #tpu.memory_space<vmem>>, vector<16xf32>,
    tpu.vector_store %arg9[%swap3A_572, %swap3A_573], %broadcast_in_dim3A_3 {strides = array<i32>} : memref<32x128xf32, #tpu.memory_space<vmem>>, vector<16xf32>,
    %swap3A_575 = arith.constant 17 : i32
    %swap3A_576 = arith.index_cast %swap3A_575 : i32 to index
    %swap3A_577 = arith.constant 112 : index
    %swap3A_578 = tpu.vector_load %arg9[%swap3A_576, %swap3A_577] {strides = array<i32>} : memref<32x128xf32, #tpu.memory_space<vmem>>, vector<16xf32>,
    tpu.vector_store %arg9[%swap3A_576, %swap3A_577], %broadcast_in_dim3A_3 {strides = array<i32>} : memref<32x128xf32, #tpu.memory_space<vmem>>, vector<16xf32>,
    %swap3A_579 = arith.constant 18 : i32
    %swap3A_580 = arith.index_cast %swap3A_579 : i32 to index
    %swap3A_581 = arith.constant 0 : index
    %swap3A_582 = tpu.vector_load %arg9[%swap3A_580, %swap3A_581] {strides = array<i32>} : memref<32x128xf32, #tpu.memory_space<vmem>>, vector<16xf32>,
    tpu.vector_store %arg9[%swap3A_580, %swap3A_581], %broadcast_in_dim3A_3 {strides = array<i32>} : memref<32x128xf32, #tpu.memory_space<vmem>>, vector<16xf32>,
    %swap3A_583 = arith.constant 18 : i32
    %swap3A_584 = arith.index_cast %swap3A_583 : i32 to index
    %swap3A_585 = arith.constant 16 : index
    %swap3A_586 = tpu.vector_load %arg9[%swap3A_584, %swap3A_585] {strides = array<i32>} : memref<32x128xf32, #tpu.memory_space<vmem>>, vector<16xf32>,
    tpu.vector_store %arg9[%swap3A_584, %swap3A_585], %broadcast_in_dim3A_3 {strides = array<i32>} : memref<32x128xf32, #tpu.memory_space<vmem>>, vector<16xf32>,
    %swap3A_587 = arith.constant 18 : i32
    %swap3A_588 = arith.index_cast %swap3A_587 : i32 to index
    %swap3A_589 = arith.constant 32 : index
    %swap3A_590 = tpu.vector_load %arg9[%swap3A_588, %swap3A_589] {strides = array<i32>} : memref<32x128xf32, #tpu.memory_space<vmem>>, vector<16xf32>,
    tpu.vector_store %arg9[%swap3A_588, %swap3A_589], %broadcast_in_dim3A_3 {strides = array<i32>} : memref<32x128xf32, #tpu.memory_space<vmem>>, vector<16xf32>,
    %swap3A_591 = arith.constant 18 : i32
    %swap3A_592 = arith.index_cast %swap3A_591 : i32 to index
    %swap3A_593 = arith.constant 48 : index
    %swap3A_594 = tpu.vector_load %arg9[%swap3A_592, %swap3A_593] {strides = array<i32>} : memref<32x128xf32, #tpu.memory_space<vmem>>, vector<16xf32>,
    tpu.vector_store %arg9[%swap3A_592, %swap3A_593], %broadcast_in_dim3A_3 {strides = array<i32>} : memref<32x128xf32, #tpu.memory_space<vmem>>, vector<16xf32>,
    %swap3A_595 = arith.constant 18 : i32
    %swap3A_596 = arith.index_cast %swap3A_595 : i32 to index
    %swap3A_597 = arith.constant 64 : index
    %swap3A_598 = tpu.vector_load %arg9[%swap3A_596, %swap3A_597] {strides = array<i32>} : memref<32x128xf32, #tpu.memory_space<vmem>>, vector<16xf32>,
    tpu.vector_store %arg9[%swap3A_596, %swap3A_597], %broadcast_in_dim3A_3 {strides = array<i32>} : memref<32x128xf32, #tpu.memory_space<vmem>>, vector<16xf32>,
    %swap3A_599 = arith.constant 18 : i32
    %swap3A_600 = arith.index_cast %swap3A_599 : i32 to index
    %swap3A_601 = arith.constant 80 : index
    %swap3A_602 = tpu.vector_load %arg9[%swap3A_600, %swap3A_601] {strides = array<i32>} : memref<32x128xf32, #tpu.memory_space<vmem>>, vector<16xf32>,
    tpu.vector_store %arg9[%swap3A_600, %swap3A_601], %broadcast_in_dim3A_3 {strides = array<i32>} : memref<32x128xf32, #tpu.memory_space<vmem>>, vector<16xf32>,
    %swap3A_603 = arith.constant 18 : i32
    %swap3A_604 = arith.index_cast %swap3A_603 : i32 to index
    %swap3A_605 = arith.constant 96 : index
    %swap3A_606 = tpu.vector_load %arg9[%swap3A_604, %swap3A_605] {strides = array<i32>} : memref<32x128xf32, #tpu.memory_space<vmem>>, vector<16xf32>,
    tpu.vector_store %arg9[%swap3A_604, %swap3A_605], %broadcast_in_dim3A_3 {strides = array<i32>} : memref<32x128xf32, #tpu.memory_space<vmem>>, vector<16xf32>,
    %swap3A_607 = arith.constant 18 : i32
    %swap3A_608 = arith.index_cast %swap3A_607 : i32 to index
    %swap3A_609 = arith.constant 112 : index
    %swap3A_610 = tpu.vector_load %arg9[%swap3A_608, %swap3A_609] {strides = array<i32>} : memref<32x128xf32, #tpu.memory_space<vmem>>, vector<16xf32>,
    tpu.vector_store %arg9[%swap3A_608, %swap3A_609], %broadcast_in_dim3A_3 {strides = array<i32>} : memref<32x128xf32, #tpu.memory_space<vmem>>, vector<16xf32>,
    %swap3A_611 = arith.constant 19 : i32
    %swap3A_612 = arith.index_cast %swap3A_611 : i32 to index
    %swap3A_613 = arith.constant 0 : index
    %swap3A_614 = tpu.vector_load %arg9[%swap3A_612, %swap3A_613] {strides = array<i32>} : memref<32x128xf32, #tpu.memory_space<vmem>>, vector<16xf32>,
    tpu.vector_store %arg9[%swap3A_612, %swap3A_613], %broadcast_in_dim3A_3 {strides = array<i32>} : memref<32x128xf32, #tpu.memory_space<vmem>>, vector<16xf32>,
    %swap3A_615 = arith.constant 19 : i32
    %swap3A_616 = arith.index_cast %swap3A_615 : i32 to index
    %swap3A_617 = arith.constant 16 : index
    %swap3A_618 = tpu.vector_load %arg9[%swap3A_616, %swap3A_617] {strides = array<i32>} : memref<32x128xf32, #tpu.memory_space<vmem>>, vector<16xf32>,
    tpu.vector_store %arg9[%swap3A_616, %swap3A_617], %broadcast_in_dim3A_3 {strides = array<i32>} : memref<32x128xf32, #tpu.memory_space<vmem>>, vector<16xf32>,
    %swap3A_619 = arith.constant 19 : i32
    %swap3A_620 = arith.index_cast %swap3A_619 : i32 to index
    %swap3A_621 = arith.constant 32 : index
    %swap3A_622 = tpu.vector_load %arg9[%swap3A_620, %swap3A_621] {strides = array<i32>} : memref<32x128xf32, #tpu.memory_space<vmem>>, vector<16xf32>,
    tpu.vector_store %arg9[%swap3A_620, %swap3A_621], %broadcast_in_dim3A_3 {strides = array<i32>} : memref<32x128xf32, #tpu.memory_space<vmem>>, vector<16xf32>,
    %swap3A_623 = arith.constant 19 : i32
    %swap3A_624 = arith.index_cast %swap3A_623 : i32 to index
    %swap3A_625 = arith.constant 48 : index
    %swap3A_626 = tpu.vector_load %arg9[%swap3A_624, %swap3A_625] {strides = array<i32>} : memref<32x128xf32, #tpu.memory_space<vmem>>, vector<16xf32>,
    tpu.vector_store %arg9[%swap3A_624, %swap3A_625], %broadcast_in_dim3A_3 {strides = array<i32>} : memref<32x128xf32, #tpu.memory_space<vmem>>, vector<16xf32>,
    %swap3A_627 = arith.constant 19 : i32
    %swap3A_628 = arith.index_cast %swap3A_627 : i32 to index
    %swap3A_629 = arith.constant 64 : index
    %swap3A_630 = tpu.vector_load %arg9[%swap3A_628, %swap3A_629] {strides = array<i32>} : memref<32x128xf32, #tpu.memory_space<vmem>>, vector<16xf32>,
    tpu.vector_store %arg9[%swap3A_628, %swap3A_629], %broadcast_in_dim3A_3 {strides = array<i32>} : memref<32x128xf32, #tpu.memory_space<vmem>>, vector<16xf32>,
    %swap3A_631 = arith.constant 19 : i32
    %swap3A_632 = arith.index_cast %swap3A_631 : i32 to index
    %swap3A_633 = arith.constant 80 : index
    %swap3A_634 = tpu.vector_load %arg9[%swap3A_632, %swap3A_633] {strides = array<i32>} : memref<32x128xf32, #tpu.memory_space<vmem>>, vector<16xf32>,
    tpu.vector_store %arg9[%swap3A_632, %swap3A_633], %broadcast_in_dim3A_3 {strides = array<i32>} : memref<32x128xf32, #tpu.memory_space<vmem>>, vector<16xf32>,
    %swap3A_635 = arith.constant 19 : i32
    %swap3A_636 = arith.index_cast %swap3A_635 : i32 to index
    %swap3A_637 = arith.constant 96 : index
    %swap3A_638 = tpu.vector_load %arg9[%swap3A_636, %swap3A_637] {strides = array<i32>} : memref<32x128xf32, #tpu.memory_space<vmem>>, vector<16xf32>,
    tpu.vector_store %arg9[%swap3A_636, %swap3A_637], %broadcast_in_dim3A_3 {strides = array<i32>} : memref<32x128xf32, #tpu.memory_space<vmem>>, vector<16xf32>,
    %swap3A_639 = arith.constant 19 : i32
    %swap3A_640 = arith.index_cast %swap3A_639 : i32 to index
    %swap3A_641 = arith.constant 112 : index
    %swap3A_642 = tpu.vector_load %arg9[%swap3A_640, %swap3A_641] {strides = array<i32>} : memref<32x128xf32, #tpu.memory_space<vmem>>, vector<16xf32>,
    tpu.vector_store %arg9[%swap3A_640, %swap3A_641], %broadcast_in_dim3A_3 {strides = array<i32>} : memref<32x128xf32, #tpu.memory_space<vmem>>, vector<16xf32>,
    %swap3A_643 = arith.constant 20 : i32
    %swap3A_644 = arith.index_cast %swap3A_643 : i32 to index
    %swap3A_645 = arith.constant 0 : index
    %swap3A_646 = tpu.vector_load %arg9[%swap3A_644, %swap3A_645] {strides = array<i32>} : memref<32x128xf32, #tpu.memory_space<vmem>>, vector<16xf32>,
    tpu.vector_store %arg9[%swap3A_644, %swap3A_645], %broadcast_in_dim3A_3 {strides = array<i32>} : memref<32x128xf32, #tpu.memory_space<vmem>>, vector<16xf32>,
    %swap3A_647 = arith.constant 20 : i32
    %swap3A_648 = arith.index_cast %swap3A_647 : i32 to index
    %swap3A_649 = arith.constant 16 : index
    %swap3A_650 = tpu.vector_load %arg9[%swap3A_648, %swap3A_649] {strides = array<i32>} : memref<32x128xf32, #tpu.memory_space<vmem>>, vector<16xf32>,
    tpu.vector_store %arg9[%swap3A_648, %swap3A_649], %broadcast_in_dim3A_3 {strides = array<i32>} : memref<32x128xf32, #tpu.memory_space<vmem>>, vector<16xf32>,
    %swap3A_651 = arith.constant 20 : i32
    %swap3A_652 = arith.index_cast %swap3A_651 : i32 to index
    %swap3A_653 = arith.constant 32 : index
    %swap3A_654 = tpu.vector_load %arg9[%swap3A_652, %swap3A_653] {strides = array<i32>} : memref<32x128xf32, #tpu.memory_space<vmem>>, vector<16xf32>,
    tpu.vector_store %arg9[%swap3A_652, %swap3A_653], %broadcast_in_dim3A_3 {strides = array<i32>} : memref<32x128xf32, #tpu.memory_space<vmem>>, vector<16xf32>,
    %swap3A_655 = arith.constant 20 : i32
    %swap3A_656 = arith.index_cast %swap3A_655 : i32 to index
    %swap3A_657 = arith.constant 48 : index
    %swap3A_658 = tpu.vector_load %arg9[%swap3A_656, %swap3A_657] {strides = array<i32>} : memref<32x128xf32, #tpu.memory_space<vmem>>, vector<16xf32>,
    tpu.vector_store %arg9[%swap3A_656, %swap3A_657], %broadcast_in_dim3A_3 {strides = array<i32>} : memref<32x128xf32, #tpu.memory_space<vmem>>, vector<16xf32>,
    %swap3A_659 = arith.constant 20 : i32
    %swap3A_660 = arith.index_cast %swap3A_659 : i32 to index
    %swap3A_661 = arith.constant 64 : index
    %swap3A_662 = tpu.vector_load %arg9[%swap3A_660, %swap3A_661] {strides = array<i32>} : memref<32x128xf32, #tpu.memory_space<vmem>>, vector<16xf32>,
    tpu.vector_store %arg9[%swap3A_660, %swap3A_661], %broadcast_in_dim3A_3 {strides = array<i32>} : memref<32x128xf32, #tpu.memory_space<vmem>>, vector<16xf32>,
    %swap3A_663 = arith.constant 20 : i32
    %swap3A_664 = arith.index_cast %swap3A_663 : i32 to index
    %swap3A_665 = arith.constant 80 : index
    %swap3A_666 = tpu.vector_load %arg9[%swap3A_664, %swap3A_665] {strides = array<i32>} : memref<32x128xf32, #tpu.memory_space<vmem>>, vector<16xf32>,
    tpu.vector_store %arg9[%swap3A_664, %swap3A_665], %broadcast_in_dim3A_3 {strides = array<i32>} : memref<32x128xf32, #tpu.memory_space<vmem>>, vector<16xf32>,
    %swap3A_667 = arith.constant 20 : i32
    %swap3A_668 = arith.index_cast %swap3A_667 : i32 to index
    %swap3A_669 = arith.constant 96 : index
    %swap3A_670 = tpu.vector_load %arg9[%swap3A_668, %swap3A_669] {strides = array<i32>} : memref<32x128xf32, #tpu.memory_space<vmem>>, vector<16xf32>,
    tpu.vector_store %arg9[%swap3A_668, %swap3A_669], %broadcast_in_dim3A_3 {strides = array<i32>} : memref<32x128xf32, #tpu.memory_space<vmem>>, vector<16xf32>,
    %swap3A_671 = arith.constant 20 : i32
    %swap3A_672 = arith.index_cast %swap3A_671 : i32 to index
    %swap3A_673 = arith.constant 112 : index
    %swap3A_674 = tpu.vector_load %arg9[%swap3A_672, %swap3A_673] {strides = array<i32>} : memref<32x128xf32, #tpu.memory_space<vmem>>, vector<16xf32>,
    tpu.vector_store %arg9[%swap3A_672, %swap3A_673], %broadcast_in_dim3A_3 {strides = array<i32>} : memref<32x128xf32, #tpu.memory_space<vmem>>, vector<16xf32>,
    %swap3A_675 = arith.constant 21 : i32
    %swap3A_676 = arith.index_cast %swap3A_675 : i32 to index
    %swap3A_677 = arith.constant 0 : index
    %swap3A_678 = tpu.vector_load %arg9[%swap3A_676, %swap3A_677] {strides = array<i32>} : memref<32x128xf32, #tpu.memory_space<vmem>>, vector<16xf32>,
    tpu.vector_store %arg9[%swap3A_676, %swap3A_677], %broadcast_in_dim3A_3 {strides = array<i32>} : memref<32x128xf32, #tpu.memory_space<vmem>>, vector<16xf32>,
    %swap3A_679 = arith.constant 21 : i32
    %swap3A_680 = arith.index_cast %swap3A_679 : i32 to index
    %swap3A_681 = arith.constant 16 : index
    %swap3A_682 = tpu.vector_load %arg9[%swap3A_680, %swap3A_681] {strides = array<i32>} : memref<32x128xf32, #tpu.memory_space<vmem>>, vector<16xf32>,
    tpu.vector_store %arg9[%swap3A_680, %swap3A_681], %broadcast_in_dim3A_3 {strides = array<i32>} : memref<32x128xf32, #tpu.memory_space<vmem>>, vector<16xf32>,
    %swap3A_683 = arith.constant 21 : i32
    %swap3A_684 = arith.index_cast %swap3A_683 : i32 to index
    %swap3A_685 = arith.constant 32 : index
    %swap3A_686 = tpu.vector_load %arg9[%swap3A_684, %swap3A_685] {strides = array<i32>} : memref<32x128xf32, #tpu.memory_space<vmem>>, vector<16xf32>,
    tpu.vector_store %arg9[%swap3A_684, %swap3A_685], %broadcast_in_dim3A_3 {strides = array<i32>} : memref<32x128xf32, #tpu.memory_space<vmem>>, vector<16xf32>,
    %swap3A_687 = arith.constant 21 : i32
    %swap3A_688 = arith.index_cast %swap3A_687 : i32 to index
    %swap3A_689 = arith.constant 48 : index
    %swap3A_690 = tpu.vector_load %arg9[%swap3A_688, %swap3A_689] {strides = array<i32>} : memref<32x128xf32, #tpu.memory_space<vmem>>, vector<16xf32>,
    tpu.vector_store %arg9[%swap3A_688, %swap3A_689], %broadcast_in_dim3A_3 {strides = array<i32>} : memref<32x128xf32, #tpu.memory_space<vmem>>, vector<16xf32>,
    %swap3A_691 = arith.constant 21 : i32
    %swap3A_692 = arith.index_cast %swap3A_691 : i32 to index
    %swap3A_693 = arith.constant 64 : index
    %swap3A_694 = tpu.vector_load %arg9[%swap3A_692, %swap3A_693] {strides = array<i32>} : memref<32x128xf32, #tpu.memory_space<vmem>>, vector<16xf32>,
    tpu.vector_store %arg9[%swap3A_692, %swap3A_693], %broadcast_in_dim3A_3 {strides = array<i32>} : memref<32x128xf32, #tpu.memory_space<vmem>>, vector<16xf32>,
    %swap3A_695 = arith.constant 21 : i32
    %swap3A_696 = arith.index_cast %swap3A_695 : i32 to index
    %swap3A_697 = arith.constant 80 : index
    %swap3A_698 = tpu.vector_load %arg9[%swap3A_696, %swap3A_697] {strides = array<i32>} : memref<32x128xf32, #tpu.memory_space<vmem>>, vector<16xf32>,
    tpu.vector_store %arg9[%swap3A_696, %swap3A_697], %broadcast_in_dim3A_3 {strides = array<i32>} : memref<32x128xf32, #tpu.memory_space<vmem>>, vector<16xf32>,
    %swap3A_699 = arith.constant 21 : i32
    %swap3A_700 = arith.index_cast %swap3A_699 : i32 to index
    %swap3A_701 = arith.constant 96 : index
    %swap3A_702 = tpu.vector_load %arg9[%swap3A_700, %swap3A_701] {strides = array<i32>} : memref<32x128xf32, #tpu.memory_space<vmem>>, vector<16xf32>,
    tpu.vector_store %arg9[%swap3A_700, %swap3A_701], %broadcast_in_dim3A_3 {strides = array<i32>} : memref<32x128xf32, #tpu.memory_space<vmem>>, vector<16xf32>,
    %swap3A_703 = arith.constant 21 : i32
    %swap3A_704 = arith.index_cast %swap3A_703 : i32 to index
    %swap3A_705 = arith.constant 112 : index
    %swap3A_706 = tpu.vector_load %arg9[%swap3A_704, %swap3A_705] {strides = array<i32>} : memref<32x128xf32, #tpu.memory_space<vmem>>, vector<16xf32>,
    tpu.vector_store %arg9[%swap3A_704, %swap3A_705], %broadcast_in_dim3A_3 {strides = array<i32>} : memref<32x128xf32, #tpu.memory_space<vmem>>, vector<16xf32>,
    %swap3A_707 = arith.constant 22 : i32
    %swap3A_708 = arith.index_cast %swap3A_707 : i32 to index
    %swap3A_709 = arith.constant 0 : index
    %swap3A_710 = tpu.vector_load %arg9[%swap3A_708, %swap3A_709] {strides = array<i32>} : memref<32x128xf32, #tpu.memory_space<vmem>>, vector<16xf32>,
    tpu.vector_store %arg9[%swap3A_708, %swap3A_709], %broadcast_in_dim3A_3 {strides = array<i32>} : memref<32x128xf32, #tpu.memory_space<vmem>>, vector<16xf32>,
    %swap3A_711 = arith.constant 22 : i32
    %swap3A_712 = arith.index_cast %swap3A_711 : i32 to index
    %swap3A_713 = arith.constant 16 : index
    %swap3A_714 = tpu.vector_load %arg9[%swap3A_712, %swap3A_713] {strides = array<i32>} : memref<32x128xf32, #tpu.memory_space<vmem>>, vector<16xf32>,
    tpu.vector_store %arg9[%swap3A_712, %swap3A_713], %broadcast_in_dim3A_3 {strides = array<i32>} : memref<32x128xf32, #tpu.memory_space<vmem>>, vector<16xf32>,
    %swap3A_715 = arith.constant 22 : i32
    %swap3A_716 = arith.index_cast %swap3A_715 : i32 to index
    %swap3A_717 = arith.constant 32 : index
    %swap3A_718 = tpu.vector_load %arg9[%swap3A_716, %swap3A_717] {strides = array<i32>} : memref<32x128xf32, #tpu.memory_space<vmem>>, vector<16xf32>,
    tpu.vector_store %arg9[%swap3A_716, %swap3A_717], %broadcast_in_dim3A_3 {strides = array<i32>} : memref<32x128xf32, #tpu.memory_space<vmem>>, vector<16xf32>,
    %swap3A_719 = arith.constant 22 : i32
    %swap3A_720 = arith.index_cast %swap3A_719 : i32 to index
    %swap3A_721 = arith.constant 48 : index
    %swap3A_722 = tpu.vector_load %arg9[%swap3A_720, %swap3A_721] {strides = array<i32>} : memref<32x128xf32, #tpu.memory_space<vmem>>, vector<16xf32>,
    tpu.vector_store %arg9[%swap3A_720, %swap3A_721], %broadcast_in_dim3A_3 {strides = array<i32>} : memref<32x128xf32, #tpu.memory_space<vmem>>, vector<16xf32>,
    %swap3A_723 = arith.constant 22 : i32
    %swap3A_724 = arith.index_cast %swap3A_723 : i32 to index
    %swap3A_725 = arith.constant 64 : index
    %swap3A_726 = tpu.vector_load %arg9[%swap3A_724, %swap3A_725] {strides = array<i32>} : memref<32x128xf32, #tpu.memory_space<vmem>>, vector<16xf32>,
    tpu.vector_store %arg9[%swap3A_724, %swap3A_725], %broadcast_in_dim3A_3 {strides = array<i32>} : memref<32x128xf32, #tpu.memory_space<vmem>>, vector<16xf32>,
    %swap3A_727 = arith.constant 22 : i32
    %swap3A_728 = arith.index_cast %swap3A_727 : i32 to index
    %swap3A_729 = arith.constant 80 : index
    %swap3A_730 = tpu.vector_load %arg9[%swap3A_728, %swap3A_729] {strides = array<i32>} : memref<32x128xf32, #tpu.memory_space<vmem>>, vector<16xf32>,
    tpu.vector_store %arg9[%swap3A_728, %swap3A_729], %broadcast_in_dim3A_3 {strides = array<i32>} : memref<32x128xf32, #tpu.memory_space<vmem>>, vector<16xf32>,
    %swap3A_731 = arith.constant 22 : i32
    %swap3A_732 = arith.index_cast %swap3A_731 : i32 to index
    %swap3A_733 = arith.constant 96 : index
    %swap3A_734 = tpu.vector_load %arg9[%swap3A_732, %swap3A_733] {strides = array<i32>} : memref<32x128xf32, #tpu.memory_space<vmem>>, vector<16xf32>,
    tpu.vector_store %arg9[%swap3A_732, %swap3A_733], %broadcast_in_dim3A_3 {strides = array<i32>} : memref<32x128xf32, #tpu.memory_space<vmem>>, vector<16xf32>,
    %swap3A_735 = arith.constant 22 : i32
    %swap3A_736 = arith.index_cast %swap3A_735 : i32 to index
    %swap3A_737 = arith.constant 112 : index
    %swap3A_738 = tpu.vector_load %arg9[%swap3A_736, %swap3A_737] {strides = array<i32>} : memref<32x128xf32, #tpu.memory_space<vmem>>, vector<16xf32>,
    tpu.vector_store %arg9[%swap3A_736, %swap3A_737], %broadcast_in_dim3A_3 {strides = array<i32>} : memref<32x128xf32, #tpu.memory_space<vmem>>, vector<16xf32>,
    %swap3A_739 = arith.constant 23 : i32
    %swap3A_740 = arith.index_cast %swap3A_739 : i32 to index
    %swap3A_741 = arith.constant 0 : index
    %swap3A_742 = tpu.vector_load %arg9[%swap3A_740, %swap3A_741] {strides = array<i32>} : memref<32x128xf32, #tpu.memory_space<vmem>>, vector<16xf32>,
    tpu.vector_store %arg9[%swap3A_740, %swap3A_741], %broadcast_in_dim3A_3 {strides = array<i32>} : memref<32x128xf32, #tpu.memory_space<vmem>>, vector<16xf32>,
    %swap3A_743 = arith.constant 23 : i32
    %swap3A_744 = arith.index_cast %swap3A_743 : i32 to index
    %swap3A_745 = arith.constant 16 : index
    %swap3A_746 = tpu.vector_load %arg9[%swap3A_744, %swap3A_745] {strides = array<i32>} : memref<32x128xf32, #tpu.memory_space<vmem>>, vector<16xf32>,
    tpu.vector_store %arg9[%swap3A_744, %swap3A_745], %broadcast_in_dim3A_3 {strides = array<i32>} : memref<32x128xf32, #tpu.memory_space<vmem>>, vector<16xf32>,
    %swap3A_747 = arith.constant 23 : i32
    %swap3A_748 = arith.index_cast %swap3A_747 : i32 to index
    %swap3A_749 = arith.constant 32 : index
    %swap3A_750 = tpu.vector_load %arg9[%swap3A_748, %swap3A_749] {strides = array<i32>} : memref<32x128xf32, #tpu.memory_space<vmem>>, vector<16xf32>,
    tpu.vector_store %arg9[%swap3A_748, %swap3A_749], %broadcast_in_dim3A_3 {strides = array<i32>} : memref<32x128xf32, #tpu.memory_space<vmem>>, vector<16xf32>,
    %swap3A_751 = arith.constant 23 : i32
    %swap3A_752 = arith.index_cast %swap3A_751 : i32 to index
    %swap3A_753 = arith.constant 48 : index
    %swap3A_754 = tpu.vector_load %arg9[%swap3A_752, %swap3A_753] {strides = array<i32>} : memref<32x128xf32, #tpu.memory_space<vmem>>, vector<16xf32>,
    tpu.vector_store %arg9[%swap3A_752, %swap3A_753], %broadcast_in_dim3A_3 {strides = array<i32>} : memref<32x128xf32, #tpu.memory_space<vmem>>, vector<16xf32>,
    %swap3A_755 = arith.constant 23 : i32
    %swap3A_756 = arith.index_cast %swap3A_755 : i32 to index
    %swap3A_757 = arith.constant 64 : index
    %swap3A_758 = tpu.vector_load %arg9[%swap3A_756, %swap3A_757] {strides = array<i32>} : memref<32x128xf32, #tpu.memory_space<vmem>>, vector<16xf32>,
    tpu.vector_store %arg9[%swap3A_756, %swap3A_757], %broadcast_in_dim3A_3 {strides = array<i32>} : memref<32x128xf32, #tpu.memory_space<vmem>>, vector<16xf32>,
    %swap3A_759 = arith.constant 23 : i32
    %swap3A_760 = arith.index_cast %swap3A_759 : i32 to index
    %swap3A_761 = arith.constant 80 : index
    %swap3A_762 = tpu.vector_load %arg9[%swap3A_760, %swap3A_761] {strides = array<i32>} : memref<32x128xf32, #tpu.memory_space<vmem>>, vector<16xf32>,
    tpu.vector_store %arg9[%swap3A_760, %swap3A_761], %broadcast_in_dim3A_3 {strides = array<i32>} : memref<32x128xf32, #tpu.memory_space<vmem>>, vector<16xf32>,
    %swap3A_763 = arith.constant 23 : i32
    %swap3A_764 = arith.index_cast %swap3A_763 : i32 to index
    %swap3A_765 = arith.constant 96 : index
    %swap3A_766 = tpu.vector_load %arg9[%swap3A_764, %swap3A_765] {strides = array<i32>} : memref<32x128xf32, #tpu.memory_space<vmem>>, vector<16xf32>,
    tpu.vector_store %arg9[%swap3A_764, %swap3A_765], %broadcast_in_dim3A_3 {strides = array<i32>} : memref<32x128xf32, #tpu.memory_space<vmem>>, vector<16xf32>,
    %swap3A_767 = arith.constant 23 : i32
    %swap3A_768 = arith.index_cast %swap3A_767 : i32 to index
    %swap3A_769 = arith.constant 112 : index
    %swap3A_770 = tpu.vector_load %arg9[%swap3A_768, %swap3A_769] {strides = array<i32>} : memref<32x128xf32, #tpu.memory_space<vmem>>, vector<16xf32>,
    tpu.vector_store %arg9[%swap3A_768, %swap3A_769], %broadcast_in_dim3A_3 {strides = array<i32>} : memref<32x128xf32, #tpu.memory_space<vmem>>, vector<16xf32>,
    %swap3A_771 = arith.constant 24 : i32
    %swap3A_772 = arith.index_cast %swap3A_771 : i32 to index
    %swap3A_773 = arith.constant 0 : index
    %swap3A_774 = tpu.vector_load %arg9[%swap3A_772, %swap3A_773] {strides = array<i32>} : memref<32x128xf32, #tpu.memory_space<vmem>>, vector<16xf32>,
    tpu.vector_store %arg9[%swap3A_772, %swap3A_773], %broadcast_in_dim3A_3 {strides = array<i32>} : memref<32x128xf32, #tpu.memory_space<vmem>>, vector<16xf32>,
    %swap3A_775 = arith.constant 24 : i32
    %swap3A_776 = arith.index_cast %swap3A_775 : i32 to index
    %swap3A_777 = arith.constant 16 : index
    %swap3A_778 = tpu.vector_load %arg9[%swap3A_776, %swap3A_777] {strides = array<i32>} : memref<32x128xf32, #tpu.memory_space<vmem>>, vector<16xf32>,
    tpu.vector_store %arg9[%swap3A_776, %swap3A_777], %broadcast_in_dim3A_3 {strides = array<i32>} : memref<32x128xf32, #tpu.memory_space<vmem>>, vector<16xf32>,
    %swap3A_779 = arith.constant 24 : i32
    %swap3A_780 = arith.index_cast %swap3A_779 : i32 to index
    %swap3A_781 = arith.constant 32 : index
    %swap3A_782 = tpu.vector_load %arg9[%swap3A_780, %swap3A_781] {strides = array<i32>} : memref<32x128xf32, #tpu.memory_space<vmem>>, vector<16xf32>,
    tpu.vector_store %arg9[%swap3A_780, %swap3A_781], %broadcast_in_dim3A_3 {strides = array<i32>} : memref<32x128xf32, #tpu.memory_space<vmem>>, vector<16xf32>,
    %swap3A_783 = arith.constant 24 : i32
    %swap3A_784 = arith.index_cast %swap3A_783 : i32 to index
    %swap3A_785 = arith.constant 48 : index
    %swap3A_786 = tpu.vector_load %arg9[%swap3A_784, %swap3A_785] {strides = array<i32>} : memref<32x128xf32, #tpu.memory_space<vmem>>, vector<16xf32>,
    tpu.vector_store %arg9[%swap3A_784, %swap3A_785], %broadcast_in_dim3A_3 {strides = array<i32>} : memref<32x128xf32, #tpu.memory_space<vmem>>, vector<16xf32>,
    %swap3A_787 = arith.constant 24 : i32
    %swap3A_788 = arith.index_cast %swap3A_787 : i32 to index
    %swap3A_789 = arith.constant 64 : index
    %swap3A_790 = tpu.vector_load %arg9[%swap3A_788, %swap3A_789] {strides = array<i32>} : memref<32x128xf32, #tpu.memory_space<vmem>>, vector<16xf32>,
    tpu.vector_store %arg9[%swap3A_788, %swap3A_789], %broadcast_in_dim3A_3 {strides = array<i32>} : memref<32x128xf32, #tpu.memory_space<vmem>>, vector<16xf32>,
    %swap3A_791 = arith.constant 24 : i32
    %swap3A_792 = arith.index_cast %swap3A_791 : i32 to index
    %swap3A_793 = arith.constant 80 : index
    %swap3A_794 = tpu.vector_load %arg9[%swap3A_792, %swap3A_793] {strides = array<i32>} : memref<32x128xf32, #tpu.memory_space<vmem>>, vector<16xf32>,
    tpu.vector_store %arg9[%swap3A_792, %swap3A_793], %broadcast_in_dim3A_3 {strides = array<i32>} : memref<32x128xf32, #tpu.memory_space<vmem>>, vector<16xf32>,
    %swap3A_795 = arith.constant 24 : i32
    %swap3A_796 = arith.index_cast %swap3A_795 : i32 to index
    %swap3A_797 = arith.constant 96 : index
    %swap3A_798 = tpu.vector_load %arg9[%swap3A_796, %swap3A_797] {strides = array<i32>} : memref<32x128xf32, #tpu.memory_space<vmem>>, vector<16xf32>,
    tpu.vector_store %arg9[%swap3A_796, %swap3A_797], %broadcast_in_dim3A_3 {strides = array<i32>} : memref<32x128xf32, #tpu.memory_space<vmem>>, vector<16xf32>,
    %swap3A_799 = arith.constant 24 : i32
    %swap3A_800 = arith.index_cast %swap3A_799 : i32 to index
    %swap3A_801 = arith.constant 112 : index
    %swap3A_802 = tpu.vector_load %arg9[%swap3A_800, %swap3A_801] {strides = array<i32>} : memref<32x128xf32, #tpu.memory_space<vmem>>, vector<16xf32>,
    tpu.vector_store %arg9[%swap3A_800, %swap3A_801], %broadcast_in_dim3A_3 {strides = array<i32>} : memref<32x128xf32, #tpu.memory_space<vmem>>, vector<16xf32>,
    %swap3A_803 = arith.constant 25 : i32
    %swap3A_804 = arith.index_cast %swap3A_803 : i32 to index
    %swap3A_805 = arith.constant 0 : index
    %swap3A_806 = tpu.vector_load %arg9[%swap3A_804, %swap3A_805] {strides = array<i32>} : memref<32x128xf32, #tpu.memory_space<vmem>>, vector<16xf32>,
    tpu.vector_store %arg9[%swap3A_804, %swap3A_805], %broadcast_in_dim3A_3 {strides = array<i32>} : memref<32x128xf32, #tpu.memory_space<vmem>>, vector<16xf32>,
    %swap3A_807 = arith.constant 25 : i32
    %swap3A_808 = arith.index_cast %swap3A_807 : i32 to index
    %swap3A_809 = arith.constant 16 : index
    %swap3A_810 = tpu.vector_load %arg9[%swap3A_808, %swap3A_809] {strides = array<i32>} : memref<32x128xf32, #tpu.memory_space<vmem>>, vector<16xf32>,
    tpu.vector_store %arg9[%swap3A_808, %swap3A_809], %broadcast_in_dim3A_3 {strides = array<i32>} : memref<32x128xf32, #tpu.memory_space<vmem>>, vector<16xf32>,
    %swap3A_811 = arith.constant 25 : i32
    %swap3A_812 = arith.index_cast %swap3A_811 : i32 to index
    %swap3A_813 = arith.constant 32 : index
    %swap3A_814 = tpu.vector_load %arg9[%swap3A_812, %swap3A_813] {strides = array<i32>} : memref<32x128xf32, #tpu.memory_space<vmem>>, vector<16xf32>,
    tpu.vector_store %arg9[%swap3A_812, %swap3A_813], %broadcast_in_dim3A_3 {strides = array<i32>} : memref<32x128xf32, #tpu.memory_space<vmem>>, vector<16xf32>,
    %swap3A_815 = arith.constant 25 : i32
    %swap3A_816 = arith.index_cast %swap3A_815 : i32 to index
    %swap3A_817 = arith.constant 48 : index
    %swap3A_818 = tpu.vector_load %arg9[%swap3A_816, %swap3A_817] {strides = array<i32>} : memref<32x128xf32, #tpu.memory_space<vmem>>, vector<16xf32>,
    tpu.vector_store %arg9[%swap3A_816, %swap3A_817], %broadcast_in_dim3A_3 {strides = array<i32>} : memref<32x128xf32, #tpu.memory_space<vmem>>, vector<16xf32>,
    %swap3A_819 = arith.constant 25 : i32
    %swap3A_820 = arith.index_cast %swap3A_819 : i32 to index
    %swap3A_821 = arith.constant 64 : index
    %swap3A_822 = tpu.vector_load %arg9[%swap3A_820, %swap3A_821] {strides = array<i32>} : memref<32x128xf32, #tpu.memory_space<vmem>>, vector<16xf32>,
    tpu.vector_store %arg9[%swap3A_820, %swap3A_821], %broadcast_in_dim3A_3 {strides = array<i32>} : memref<32x128xf32, #tpu.memory_space<vmem>>, vector<16xf32>,
    %swap3A_823 = arith.constant 25 : i32
    %swap3A_824 = arith.index_cast %swap3A_823 : i32 to index
    %swap3A_825 = arith.constant 80 : index
    %swap3A_826 = tpu.vector_load %arg9[%swap3A_824, %swap3A_825] {strides = array<i32>} : memref<32x128xf32, #tpu.memory_space<vmem>>, vector<16xf32>,
    tpu.vector_store %arg9[%swap3A_824, %swap3A_825], %broadcast_in_dim3A_3 {strides = array<i32>} : memref<32x128xf32, #tpu.memory_space<vmem>>, vector<16xf32>,
    %swap3A_827 = arith.constant 25 : i32
    %swap3A_828 = arith.index_cast %swap3A_827 : i32 to index
    %swap3A_829 = arith.constant 96 : index
    %swap3A_830 = tpu.vector_load %arg9[%swap3A_828, %swap3A_829] {strides = array<i32>} : memref<32x128xf32, #tpu.memory_space<vmem>>, vector<16xf32>,
    tpu.vector_store %arg9[%swap3A_828, %swap3A_829], %broadcast_in_dim3A_3 {strides = array<i32>} : memref<32x128xf32, #tpu.memory_space<vmem>>, vector<16xf32>,
    %swap3A_831 = arith.constant 25 : i32
    %swap3A_832 = arith.index_cast %swap3A_831 : i32 to index
    %swap3A_833 = arith.constant 112 : index
    %swap3A_834 = tpu.vector_load %arg9[%swap3A_832, %swap3A_833] {strides = array<i32>} : memref<32x128xf32, #tpu.memory_space<vmem>>, vector<16xf32>,
    tpu.vector_store %arg9[%swap3A_832, %swap3A_833], %broadcast_in_dim3A_3 {strides = array<i32>} : memref<32x128xf32, #tpu.memory_space<vmem>>, vector<16xf32>,
    %swap3A_835 = arith.constant 26 : i32
    %swap3A_836 = arith.index_cast %swap3A_835 : i32 to index
    %swap3A_837 = arith.constant 0 : index
    %swap3A_838 = tpu.vector_load %arg9[%swap3A_836, %swap3A_837] {strides = array<i32>} : memref<32x128xf32, #tpu.memory_space<vmem>>, vector<16xf32>,
    tpu.vector_store %arg9[%swap3A_836, %swap3A_837], %broadcast_in_dim3A_3 {strides = array<i32>} : memref<32x128xf32, #tpu.memory_space<vmem>>, vector<16xf32>,
    %swap3A_839 = arith.constant 26 : i32
    %swap3A_840 = arith.index_cast %swap3A_839 : i32 to index
    %swap3A_841 = arith.constant 16 : index
    %swap3A_842 = tpu.vector_load %arg9[%swap3A_840, %swap3A_841] {strides = array<i32>} : memref<32x128xf32, #tpu.memory_space<vmem>>, vector<16xf32>,
    tpu.vector_store %arg9[%swap3A_840, %swap3A_841], %broadcast_in_dim3A_3 {strides = array<i32>} : memref<32x128xf32, #tpu.memory_space<vmem>>, vector<16xf32>,
    %swap3A_843 = arith.constant 26 : i32
    %swap3A_844 = arith.index_cast %swap3A_843 : i32 to index
    %swap3A_845 = arith.constant 32 : index
    %swap3A_846 = tpu.vector_load %arg9[%swap3A_844, %swap3A_845] {strides = array<i32>} : memref<32x128xf32, #tpu.memory_space<vmem>>, vector<16xf32>,
    tpu.vector_store %arg9[%swap3A_844, %swap3A_845], %broadcast_in_dim3A_3 {strides = array<i32>} : memref<32x128xf32, #tpu.memory_space<vmem>>, vector<16xf32>,
    %swap3A_847 = arith.constant 26 : i32
    %swap3A_848 = arith.index_cast %swap3A_847 : i32 to index
    %swap3A_849 = arith.constant 48 : index
    %swap3A_850 = tpu.vector_load %arg9[%swap3A_848, %swap3A_849] {strides = array<i32>} : memref<32x128xf32, #tpu.memory_space<vmem>>, vector<16xf32>,
    tpu.vector_store %arg9[%swap3A_848, %swap3A_849], %broadcast_in_dim3A_3 {strides = array<i32>} : memref<32x128xf32, #tpu.memory_space<vmem>>, vector<16xf32>,
    %swap3A_851 = arith.constant 26 : i32
    %swap3A_852 = arith.index_cast %swap3A_851 : i32 to index
    %swap3A_853 = arith.constant 64 : index
    %swap3A_854 = tpu.vector_load %arg9[%swap3A_852, %swap3A_853] {strides = array<i32>} : memref<32x128xf32, #tpu.memory_space<vmem>>, vector<16xf32>,
    tpu.vector_store %arg9[%swap3A_852, %swap3A_853], %broadcast_in_dim3A_3 {strides = array<i32>} : memref<32x128xf32, #tpu.memory_space<vmem>>, vector<16xf32>,
    %swap3A_855 = arith.constant 26 : i32
    %swap3A_856 = arith.index_cast %swap3A_855 : i32 to index
    %swap3A_857 = arith.constant 80 : index
    %swap3A_858 = tpu.vector_load %arg9[%swap3A_856, %swap3A_857] {strides = array<i32>} : memref<32x128xf32, #tpu.memory_space<vmem>>, vector<16xf32>,
    tpu.vector_store %arg9[%swap3A_856, %swap3A_857], %broadcast_in_dim3A_3 {strides = array<i32>} : memref<32x128xf32, #tpu.memory_space<vmem>>, vector<16xf32>,
    %swap3A_859 = arith.constant 26 : i32
    %swap3A_860 = arith.index_cast %swap3A_859 : i32 to index
    %swap3A_861 = arith.constant 96 : index
    %swap3A_862 = tpu.vector_load %arg9[%swap3A_860, %swap3A_861] {strides = array<i32>} : memref<32x128xf32, #tpu.memory_space<vmem>>, vector<16xf32>,
    tpu.vector_store %arg9[%swap3A_860, %swap3A_861], %broadcast_in_dim3A_3 {strides = array<i32>} : memref<32x128xf32, #tpu.memory_space<vmem>>, vector<16xf32>,
    %swap3A_863 = arith.constant 26 : i32
    %swap3A_864 = arith.index_cast %swap3A_863 : i32 to index
    %swap3A_865 = arith.constant 112 : index
    %swap3A_866 = tpu.vector_load %arg9[%swap3A_864, %swap3A_865] {strides = array<i32>} : memref<32x128xf32, #tpu.memory_space<vmem>>, vector<16xf32>,
    tpu.vector_store %arg9[%swap3A_864, %swap3A_865], %broadcast_in_dim3A_3 {strides = array<i32>} : memref<32x128xf32, #tpu.memory_space<vmem>>, vector<16xf32>,
    %swap3A_867 = arith.constant 27 : i32
    %swap3A_868 = arith.index_cast %swap3A_867 : i32 to index
    %swap3A_869 = arith.constant 0 : index
    %swap3A_870 = tpu.vector_load %arg9[%swap3A_868, %swap3A_869] {strides = array<i32>} : memref<32x128xf32, #tpu.memory_space<vmem>>, vector<16xf32>,
    tpu.vector_store %arg9[%swap3A_868, %swap3A_869], %broadcast_in_dim3A_3 {strides = array<i32>} : memref<32x128xf32, #tpu.memory_space<vmem>>, vector<16xf32>,
    %swap3A_871 = arith.constant 27 : i32
    %swap3A_872 = arith.index_cast %swap3A_871 : i32 to index
    %swap3A_873 = arith.constant 16 : index
    %swap3A_874 = tpu.vector_load %arg9[%swap3A_872, %swap3A_873] {strides = array<i32>} : memref<32x128xf32, #tpu.memory_space<vmem>>, vector<16xf32>,
    tpu.vector_store %arg9[%swap3A_872, %swap3A_873], %broadcast_in_dim3A_3 {strides = array<i32>} : memref<32x128xf32, #tpu.memory_space<vmem>>, vector<16xf32>,
    %swap3A_875 = arith.constant 27 : i32
    %swap3A_876 = arith.index_cast %swap3A_875 : i32 to index
    %swap3A_877 = arith.constant 32 : index
    %swap3A_878 = tpu.vector_load %arg9[%swap3A_876, %swap3A_877] {strides = array<i32>} : memref<32x128xf32, #tpu.memory_space<vmem>>, vector<16xf32>,
    tpu.vector_store %arg9[%swap3A_876, %swap3A_877], %broadcast_in_dim3A_3 {strides = array<i32>} : memref<32x128xf32, #tpu.memory_space<vmem>>, vector<16xf32>,
    %swap3A_879 = arith.constant 27 : i32
    %swap3A_880 = arith.index_cast %swap3A_879 : i32 to index
    %swap3A_881 = arith.constant 48 : index
    %swap3A_882 = tpu.vector_load %arg9[%swap3A_880, %swap3A_881] {strides = array<i32>} : memref<32x128xf32, #tpu.memory_space<vmem>>, vector<16xf32>,
    tpu.vector_store %arg9[%swap3A_880, %swap3A_881], %broadcast_in_dim3A_3 {strides = array<i32>} : memref<32x128xf32, #tpu.memory_space<vmem>>, vector<16xf32>,
    %swap3A_883 = arith.constant 27 : i32
    %swap3A_884 = arith.index_cast %swap3A_883 : i32 to index
    %swap3A_885 = arith.constant 64 : index
    %swap3A_886 = tpu.vector_load %arg9[%swap3A_884, %swap3A_885] {strides = array<i32>} : memref<32x128xf32, #tpu.memory_space<vmem>>, vector<16xf32>,
    tpu.vector_store %arg9[%swap3A_884, %swap3A_885], %broadcast_in_dim3A_3 {strides = array<i32>} : memref<32x128xf32, #tpu.memory_space<vmem>>, vector<16xf32>,
    %swap3A_887 = arith.constant 27 : i32
    %swap3A_888 = arith.index_cast %swap3A_887 : i32 to index
    %swap3A_889 = arith.constant 80 : index
    %swap3A_890 = tpu.vector_load %arg9[%swap3A_888, %swap3A_889] {strides = array<i32>} : memref<32x128xf32, #tpu.memory_space<vmem>>, vector<16xf32>,
    tpu.vector_store %arg9[%swap3A_888, %swap3A_889], %broadcast_in_dim3A_3 {strides = array<i32>} : memref<32x128xf32, #tpu.memory_space<vmem>>, vector<16xf32>,
    %swap3A_891 = arith.constant 27 : i32
    %swap3A_892 = arith.index_cast %swap3A_891 : i32 to index
    %swap3A_893 = arith.constant 96 : index
    %swap3A_894 = tpu.vector_load %arg9[%swap3A_892, %swap3A_893] {strides = array<i32>} : memref<32x128xf32, #tpu.memory_space<vmem>>, vector<16xf32>,
    tpu.vector_store %arg9[%swap3A_892, %swap3A_893], %broadcast_in_dim3A_3 {strides = array<i32>} : memref<32x128xf32, #tpu.memory_space<vmem>>, vector<16xf32>,
    %swap3A_895 = arith.constant 27 : i32
    %swap3A_896 = arith.index_cast %swap3A_895 : i32 to index
    %swap3A_897 = arith.constant 112 : index
    %swap3A_898 = tpu.vector_load %arg9[%swap3A_896, %swap3A_897] {strides = array<i32>} : memref<32x128xf32, #tpu.memory_space<vmem>>, vector<16xf32>,
    tpu.vector_store %arg9[%swap3A_896, %swap3A_897], %broadcast_in_dim3A_3 {strides = array<i32>} : memref<32x128xf32, #tpu.memory_space<vmem>>, vector<16xf32>,
    %swap3A_899 = arith.constant 28 : i32
    %swap3A_900 = arith.index_cast %swap3A_899 : i32 to index
    %swap3A_901 = arith.constant 0 : index
    %swap3A_902 = tpu.vector_load %arg9[%swap3A_900, %swap3A_901] {strides = array<i32>} : memref<32x128xf32, #tpu.memory_space<vmem>>, vector<16xf32>,
    tpu.vector_store %arg9[%swap3A_900, %swap3A_901], %broadcast_in_dim3A_3 {strides = array<i32>} : memref<32x128xf32, #tpu.memory_space<vmem>>, vector<16xf32>,
    %swap3A_903 = arith.constant 28 : i32
    %swap3A_904 = arith.index_cast %swap3A_903 : i32 to index
    %swap3A_905 = arith.constant 16 : index
    %swap3A_906 = tpu.vector_load %arg9[%swap3A_904, %swap3A_905] {strides = array<i32>} : memref<32x128xf32, #tpu.memory_space<vmem>>, vector<16xf32>,
    tpu.vector_store %arg9[%swap3A_904, %swap3A_905], %broadcast_in_dim3A_3 {strides = array<i32>} : memref<32x128xf32, #tpu.memory_space<vmem>>, vector<16xf32>,
    %swap3A_907 = arith.constant 28 : i32
    %swap3A_908 = arith.index_cast %swap3A_907 : i32 to index
    %swap3A_909 = arith.constant 32 : index
    %swap3A_910 = tpu.vector_load %arg9[%swap3A_908, %swap3A_909] {strides = array<i32>} : memref<32x128xf32, #tpu.memory_space<vmem>>, vector<16xf32>,
    tpu.vector_store %arg9[%swap3A_908, %swap3A_909], %broadcast_in_dim3A_3 {strides = array<i32>} : memref<32x128xf32, #tpu.memory_space<vmem>>, vector<16xf32>,
    %swap3A_911 = arith.constant 28 : i32
    %swap3A_912 = arith.index_cast %swap3A_911 : i32 to index
    %swap3A_913 = arith.constant 48 : index
    %swap3A_914 = tpu.vector_load %arg9[%swap3A_912, %swap3A_913] {strides = array<i32>} : memref<32x128xf32, #tpu.memory_space<vmem>>, vector<16xf32>,
    tpu.vector_store %arg9[%swap3A_912, %swap3A_913], %broadcast_in_dim3A_3 {strides = array<i32>} : memref<32x128xf32, #tpu.memory_space<vmem>>, vector<16xf32>,
    %swap3A_915 = arith.constant 28 : i32
    %swap3A_916 = arith.index_cast %swap3A_915 : i32 to index
    %swap3A_917 = arith.constant 64 : index
    %swap3A_918 = tpu.vector_load %arg9[%swap3A_916, %swap3A_917] {strides = array<i32>} : memref<32x128xf32, #tpu.memory_space<vmem>>, vector<16xf32>,
    tpu.vector_store %arg9[%swap3A_916, %swap3A_917], %broadcast_in_dim3A_3 {strides = array<i32>} : memref<32x128xf32, #tpu.memory_space<vmem>>, vector<16xf32>,
    %swap3A_919 = arith.constant 28 : i32
    %swap3A_920 = arith.index_cast %swap3A_919 : i32 to index
    %swap3A_921 = arith.constant 80 : index
    %swap3A_922 = tpu.vector_load %arg9[%swap3A_920, %swap3A_921] {strides = array<i32>} : memref<32x128xf32, #tpu.memory_space<vmem>>, vector<16xf32>,
    tpu.vector_store %arg9[%swap3A_920, %swap3A_921], %broadcast_in_dim3A_3 {strides = array<i32>} : memref<32x128xf32, #tpu.memory_space<vmem>>, vector<16xf32>,
    %swap3A_923 = arith.constant 28 : i32
    %swap3A_924 = arith.index_cast %swap3A_923 : i32 to index
    %swap3A_925 = arith.constant 96 : index
    %swap3A_926 = tpu.vector_load %arg9[%swap3A_924, %swap3A_925] {strides = array<i32>} : memref<32x128xf32, #tpu.memory_space<vmem>>, vector<16xf32>,
    tpu.vector_store %arg9[%swap3A_924, %swap3A_925], %broadcast_in_dim3A_3 {strides = array<i32>} : memref<32x128xf32, #tpu.memory_space<vmem>>, vector<16xf32>,
    %swap3A_927 = arith.constant 28 : i32
    %swap3A_928 = arith.index_cast %swap3A_927 : i32 to index
    %swap3A_929 = arith.constant 112 : index
    %swap3A_930 = tpu.vector_load %arg9[%swap3A_928, %swap3A_929] {strides = array<i32>} : memref<32x128xf32, #tpu.memory_space<vmem>>, vector<16xf32>,
    tpu.vector_store %arg9[%swap3A_928, %swap3A_929], %broadcast_in_dim3A_3 {strides = array<i32>} : memref<32x128xf32, #tpu.memory_space<vmem>>, vector<16xf32>,
    %swap3A_931 = arith.constant 29 : i32
    %swap3A_932 = arith.index_cast %swap3A_931 : i32 to index
    %swap3A_933 = arith.constant 0 : index
    %swap3A_934 = tpu.vector_load %arg9[%swap3A_932, %swap3A_933] {strides = array<i32>} : memref<32x128xf32, #tpu.memory_space<vmem>>, vector<16xf32>,
    tpu.vector_store %arg9[%swap3A_932, %swap3A_933], %broadcast_in_dim3A_3 {strides = array<i32>} : memref<32x128xf32, #tpu.memory_space<vmem>>, vector<16xf32>,
    %swap3A_935 = arith.constant 29 : i32
    %swap3A_936 = arith.index_cast %swap3A_935 : i32 to index
    %swap3A_937 = arith.constant 16 : index
    %swap3A_938 = tpu.vector_load %arg9[%swap3A_936, %swap3A_937] {strides = array<i32>} : memref<32x128xf32, #tpu.memory_space<vmem>>, vector<16xf32>,
    tpu.vector_store %arg9[%swap3A_936, %swap3A_937], %broadcast_in_dim3A_3 {strides = array<i32>} : memref<32x128xf32, #tpu.memory_space<vmem>>, vector<16xf32>,
    %swap3A_939 = arith.constant 29 : i32
    %swap3A_940 = arith.index_cast %swap3A_939 : i32 to index
    %swap3A_941 = arith.constant 32 : index
    %swap3A_942 = tpu.vector_load %arg9[%swap3A_940, %swap3A_941] {strides = array<i32>} : memref<32x128xf32, #tpu.memory_space<vmem>>, vector<16xf32>,
    tpu.vector_store %arg9[%swap3A_940, %swap3A_941], %broadcast_in_dim3A_3 {strides = array<i32>} : memref<32x128xf32, #tpu.memory_space<vmem>>, vector<16xf32>,
    %swap3A_943 = arith.constant 29 : i32
    %swap3A_944 = arith.index_cast %swap3A_943 : i32 to index
    %swap3A_945 = arith.constant 48 : index
    %swap3A_946 = tpu.vector_load %arg9[%swap3A_944, %swap3A_945] {strides = array<i32>} : memref<32x128xf32, #tpu.memory_space<vmem>>, vector<16xf32>,
    tpu.vector_store %arg9[%swap3A_944, %swap3A_945], %broadcast_in_dim3A_3 {strides = array<i32>} : memref<32x128xf32, #tpu.memory_space<vmem>>, vector<16xf32>,
    %swap3A_947 = arith.constant 29 : i32
    %swap3A_948 = arith.index_cast %swap3A_947 : i32 to index
    %swap3A_949 = arith.constant 64 : index
    %swap3A_950 = tpu.vector_load %arg9[%swap3A_948, %swap3A_949] {strides = array<i32>} : memref<32x128xf32, #tpu.memory_space<vmem>>, vector<16xf32>,
    tpu.vector_store %arg9[%swap3A_948, %swap3A_949], %broadcast_in_dim3A_3 {strides = array<i32>} : memref<32x128xf32, #tpu.memory_space<vmem>>, vector<16xf32>,
    %swap3A_951 = arith.constant 29 : i32
    %swap3A_952 = arith.index_cast %swap3A_951 : i32 to index
    %swap3A_953 = arith.constant 80 : index
    %swap3A_954 = tpu.vector_load %arg9[%swap3A_952, %swap3A_953] {strides = array<i32>} : memref<32x128xf32, #tpu.memory_space<vmem>>, vector<16xf32>,
    tpu.vector_store %arg9[%swap3A_952, %swap3A_953], %broadcast_in_dim3A_3 {strides = array<i32>} : memref<32x128xf32, #tpu.memory_space<vmem>>, vector<16xf32>,
    %swap3A_955 = arith.constant 29 : i32
    %swap3A_956 = arith.index_cast %swap3A_955 : i32 to index
    %swap3A_957 = arith.constant 96 : index
    %swap3A_958 = tpu.vector_load %arg9[%swap3A_956, %swap3A_957] {strides = array<i32>} : memref<32x128xf32, #tpu.memory_space<vmem>>, vector<16xf32>,
    tpu.vector_store %arg9[%swap3A_956, %swap3A_957], %broadcast_in_dim3A_3 {strides = array<i32>} : memref<32x128xf32, #tpu.memory_space<vmem>>, vector<16xf32>,
    %swap3A_959 = arith.constant 29 : i32
    %swap3A_960 = arith.index_cast %swap3A_959 : i32 to index
    %swap3A_961 = arith.constant 112 : index
    %swap3A_962 = tpu.vector_load %arg9[%swap3A_960, %swap3A_961] {strides = array<i32>} : memref<32x128xf32, #tpu.memory_space<vmem>>, vector<16xf32>,
    tpu.vector_store %arg9[%swap3A_960, %swap3A_961], %broadcast_in_dim3A_3 {strides = array<i32>} : memref<32x128xf32, #tpu.memory_space<vmem>>, vector<16xf32>,
    %swap3A_963 = arith.constant 30 : i32
    %swap3A_964 = arith.index_cast %swap3A_963 : i32 to index
    %swap3A_965 = arith.constant 0 : index
    %swap3A_966 = tpu.vector_load %arg9[%swap3A_964, %swap3A_965] {strides = array<i32>} : memref<32x128xf32, #tpu.memory_space<vmem>>, vector<16xf32>,
    tpu.vector_store %arg9[%swap3A_964, %swap3A_965], %broadcast_in_dim3A_3 {strides = array<i32>} : memref<32x128xf32, #tpu.memory_space<vmem>>, vector<16xf32>,
    %swap3A_967 = arith.constant 30 : i32
    %swap3A_968 = arith.index_cast %swap3A_967 : i32 to index
    %swap3A_969 = arith.constant 16 : index
    %swap3A_970 = tpu.vector_load %arg9[%swap3A_968, %swap3A_969] {strides = array<i32>} : memref<32x128xf32, #tpu.memory_space<vmem>>, vector<16xf32>,
    tpu.vector_store %arg9[%swap3A_968, %swap3A_969], %broadcast_in_dim3A_3 {strides = array<i32>} : memref<32x128xf32, #tpu.memory_space<vmem>>, vector<16xf32>,
    %swap3A_971 = arith.constant 30 : i32
    %swap3A_972 = arith.index_cast %swap3A_971 : i32 to index
    %swap3A_973 = arith.constant 32 : index
    %swap3A_974 = tpu.vector_load %arg9[%swap3A_972, %swap3A_973] {strides = array<i32>} : memref<32x128xf32, #tpu.memory_space<vmem>>, vector<16xf32>,
    tpu.vector_store %arg9[%swap3A_972, %swap3A_973], %broadcast_in_dim3A_3 {strides = array<i32>} : memref<32x128xf32, #tpu.memory_space<vmem>>, vector<16xf32>,
    %swap3A_975 = arith.constant 30 : i32
    %swap3A_976 = arith.index_cast %swap3A_975 : i32 to index
    %swap3A_977 = arith.constant 48 : index
    %swap3A_978 = tpu.vector_load %arg9[%swap3A_976, %swap3A_977] {strides = array<i32>} : memref<32x128xf32, #tpu.memory_space<vmem>>, vector<16xf32>,
    tpu.vector_store %arg9[%swap3A_976, %swap3A_977], %broadcast_in_dim3A_3 {strides = array<i32>} : memref<32x128xf32, #tpu.memory_space<vmem>>, vector<16xf32>,
    %swap3A_979 = arith.constant 30 : i32
    %swap3A_980 = arith.index_cast %swap3A_979 : i32 to index
    %swap3A_981 = arith.constant 64 : index
    %swap3A_982 = tpu.vector_load %arg9[%swap3A_980, %swap3A_981] {strides = array<i32>} : memref<32x128xf32, #tpu.memory_space<vmem>>, vector<16xf32>,
    tpu.vector_store %arg9[%swap3A_980, %swap3A_981], %broadcast_in_dim3A_3 {strides = array<i32>} : memref<32x128xf32, #tpu.memory_space<vmem>>, vector<16xf32>,
    %swap3A_983 = arith.constant 30 : i32
    %swap3A_984 = arith.index_cast %swap3A_983 : i32 to index
    %swap3A_985 = arith.constant 80 : index
    %swap3A_986 = tpu.vector_load %arg9[%swap3A_984, %swap3A_985] {strides = array<i32>} : memref<32x128xf32, #tpu.memory_space<vmem>>, vector<16xf32>,
    tpu.vector_store %arg9[%swap3A_984, %swap3A_985], %broadcast_in_dim3A_3 {strides = array<i32>} : memref<32x128xf32, #tpu.memory_space<vmem>>, vector<16xf32>,
    %swap3A_987 = arith.constant 30 : i32
    %swap3A_988 = arith.index_cast %swap3A_987 : i32 to index
    %swap3A_989 = arith.constant 96 : index
    %swap3A_990 = tpu.vector_load %arg9[%swap3A_988, %swap3A_989] {strides = array<i32>} : memref<32x128xf32, #tpu.memory_space<vmem>>, vector<16xf32>,
    tpu.vector_store %arg9[%swap3A_988, %swap3A_989], %broadcast_in_dim3A_3 {strides = array<i32>} : memref<32x128xf32, #tpu.memory_space<vmem>>, vector<16xf32>,
    %swap3A_991 = arith.constant 30 : i32
    %swap3A_992 = arith.index_cast %swap3A_991 : i32 to index
    %swap3A_993 = arith.constant 112 : index
    %swap3A_994 = tpu.vector_load %arg9[%swap3A_992, %swap3A_993] {strides = array<i32>} : memref<32x128xf32, #tpu.memory_space<vmem>>, vector<16xf32>,
    tpu.vector_store %arg9[%swap3A_992, %swap3A_993], %broadcast_in_dim3A_3 {strides = array<i32>} : memref<32x128xf32, #tpu.memory_space<vmem>>, vector<16xf32>,
    %swap3A_995 = arith.constant 31 : i32
    %swap3A_996 = arith.index_cast %swap3A_995 : i32 to index
    %swap3A_997 = arith.constant 0 : index
    %swap3A_998 = tpu.vector_load %arg9[%swap3A_996, %swap3A_997] {strides = array<i32>} : memref<32x128xf32, #tpu.memory_space<vmem>>, vector<16xf32>,
    tpu.vector_store %arg9[%swap3A_996, %swap3A_997], %broadcast_in_dim3A_3 {strides = array<i32>} : memref<32x128xf32, #tpu.memory_space<vmem>>, vector<16xf32>,
    %swap3A_999 = arith.constant 31 : i32
    %swap3A_1000 = arith.index_cast %swap3A_999 : i32 to index
    %swap3A_1001 = arith.constant 16 : index
    %swap3A_1002 = tpu.vector_load %arg9[%swap3A_1000, %swap3A_1001] {strides = array<i32>} : memref<32x128xf32, #tpu.memory_space<vmem>>, vector<16xf32>,
    tpu.vector_store %arg9[%swap3A_1000, %swap3A_1001], %broadcast_in_dim3A_3 {strides = array<i32>} : memref<32x128xf32, #tpu.memory_space<vmem>>, vector<16xf32>,
    %swap3A_1003 = arith.constant 31 : i32
    %swap3A_1004 = arith.index_cast %swap3A_1003 : i32 to index
    %swap3A_1005 = arith.constant 32 : index
    %swap3A_1006 = tpu.vector_load %arg9[%swap3A_1004, %swap3A_1005] {strides = array<i32>} : memref<32x128xf32, #tpu.memory_space<vmem>>, vector<16xf32>,
    tpu.vector_store %arg9[%swap3A_1004, %swap3A_1005], %broadcast_in_dim3A_3 {strides = array<i32>} : memref<32x128xf32, #tpu.memory_space<vmem>>, vector<16xf32>,
    %swap3A_1007 = arith.constant 31 : i32
    %swap3A_1008 = arith.index_cast %swap3A_1007 : i32 to index
    %swap3A_1009 = arith.constant 48 : index
    %swap3A_1010 = tpu.vector_load %arg9[%swap3A_1008, %swap3A_1009] {strides = array<i32>} : memref<32x128xf32, #tpu.memory_space<vmem>>, vector<16xf32>,
    tpu.vector_store %arg9[%swap3A_1008, %swap3A_1009], %broadcast_in_dim3A_3 {strides = array<i32>} : memref<32x128xf32, #tpu.memory_space<vmem>>, vector<16xf32>,
    %swap3A_1011 = arith.constant 31 : i32
    %swap3A_1012 = arith.index_cast %swap3A_1011 : i32 to index
    %swap3A_1013 = arith.constant 64 : index
    %swap3A_1014 = tpu.vector_load %arg9[%swap3A_1012, %swap3A_1013] {strides = array<i32>} : memref<32x128xf32, #tpu.memory_space<vmem>>, vector<16xf32>,
    tpu.vector_store %arg9[%swap3A_1012, %swap3A_1013], %broadcast_in_dim3A_3 {strides = array<i32>} : memref<32x128xf32, #tpu.memory_space<vmem>>, vector<16xf32>,
    %swap3A_1015 = arith.constant 31 : i32
    %swap3A_1016 = arith.index_cast %swap3A_1015 : i32 to index
    %swap3A_1017 = arith.constant 80 : index
    %swap3A_1018 = tpu.vector_load %arg9[%swap3A_1016, %swap3A_1017] {strides = array<i32>} : memref<32x128xf32, #tpu.memory_space<vmem>>, vector<16xf32>,
    tpu.vector_store %arg9[%swap3A_1016, %swap3A_1017], %broadcast_in_dim3A_3 {strides = array<i32>} : memref<32x128xf32, #tpu.memory_space<vmem>>, vector<16xf32>,
    %swap3A_1019 = arith.constant 31 : i32
    %swap3A_1020 = arith.index_cast %swap3A_1019 : i32 to index
    %swap3A_1021 = arith.constant 96 : index
    %swap3A_1022 = tpu.vector_load %arg9[%swap3A_1020, %swap3A_1021] {strides = array<i32>} : memref<32x128xf32, #tpu.memory_space<vmem>>, vector<16xf32>,
    tpu.vector_store %arg9[%swap3A_1020, %swap3A_1021], %broadcast_in_dim3A_3 {strides = array<i32>} : memref<32x128xf32, #tpu.memory_space<vmem>>, vector<16xf32>,
    %swap3A_1023 = arith.constant 31 : i32
    %swap3A_1024 = arith.index_cast %swap3A_1023 : i32 to index
    %swap3A_1025 = arith.constant 112 : index
    %swap3A_1026 = tpu.vector_load %arg9[%swap3A_1024, %swap3A_1025] {strides = array<i32>} : memref<32x128xf32, #tpu.memory_space<vmem>>, vector<16xf32>,
    tpu.vector_store %arg9[%swap3A_1024, %swap3A_1025], %broadcast_in_dim3A_3 {strides = array<i32>} : memref<32x128xf32, #tpu.memory_space<vmem>>, vector<16xf32>,
    %add3A_1027 = arith.constant 0 : i32
    %add3A_1028 = arith.addi %mul3A_2, %add3A_1027 : i32
    "tpu.region"() ({
      %run_scoped3A_1104 = tpu.sem_alloc : memref<!tpu.dma_semaphore, #tpu.memory_space<semaphore_mem>>
      %dma_start3A_1105 = arith.constant 0 : i32
      %dma_start3A_1106 = tpu.memref_slice %arg12[%add3A_1028, %dma_start3A_1105] : memref<10240x128xf32, #tpu.memory_space<vmem_shared>> -> memref<32x128xf32, #tpu.memory_space<vmem_shared>>
      %dma_start3A_1107 = arith.constant 0 : i32
      %dma_start3A_1108 = tpu.memref_slice %arg12[%add3A_1028, %dma_start3A_1107] : memref<10240x128xf32, #tpu.memory_space<vmem_shared>> -> memref<32x128xf32, #tpu.memory_space<vmem_shared>>
      tpu.enqueue_dma source(%arg9 : memref<32x128xf32, #tpu.memory_space<vmem>>) target(%dma_start3A_1108 : memref<32x128xf32, #tpu.memory_space<vmem_shared>>) target_semaphore(%run_scoped3A_1104 : memref<!tpu.dma_semaphore, #tpu.memory_space<semaphore_mem>>)
      %dma_wait3A = arith.constant 0 : i32
      %dma_wait3A_1109 = tpu.memref_slice %arg12[%add3A_1028, %dma_wait3A] : memref<10240x128xf32, #tpu.memory_space<vmem_shared>> -> memref<32x128xf32, #tpu.memory_space<vmem_shared>>
      %dma_wait3A_1110 = arith.constant 0 : i32
      %dma_wait3A_1111 = tpu.memref_slice %arg12[%add3A_1028, %dma_wait3A_1110] : memref<10240x128xf32, #tpu.memory_space<vmem_shared>> -> memref<32x128xf32, #tpu.memory_space<vmem_shared>>
      tpu.wait_dma2 semaphore(%run_scoped3A_1104 : memref<!tpu.dma_semaphore, #tpu.memory_space<semaphore_mem>>) src(%arg9 : memref<32x128xf32, #tpu.memory_space<vmem>>) dst(%dma_wait3A_1111 : memref<32x128xf32, #tpu.memory_space<vmem_shared>>)
      tpu.yield
    }) : () -> ()
    %add3A_1029 = arith.constant 32 : i32
    %add3A_1030 = arith.addi %mul3A_2, %add3A_1029 : i32
    "tpu.region"() ({
      %run_scoped3A_1104 = tpu.sem_alloc : memref<!tpu.dma_semaphore, #tpu.memory_space<semaphore_mem>>
      %dma_start3A_1105 = arith.constant 0 : i32
      %dma_start3A_1106 = tpu.memref_slice %arg12[%add3A_1030, %dma_start3A_1105] : memref<10240x128xf32, #tpu.memory_space<vmem_shared>> -> memref<32x128xf32, #tpu.memory_space<vmem_shared>>
      %dma_start3A_1107 = arith.constant 0 : i32
      %dma_start3A_1108 = tpu.memref_slice %arg12[%add3A_1030, %dma_start3A_1107] : memref<10240x128xf32, #tpu.memory_space<vmem_shared>> -> memref<32x128xf32, #tpu.memory_space<vmem_shared>>
      tpu.enqueue_dma source(%arg9 : memref<32x128xf32, #tpu.memory_space<vmem>>) target(%dma_start3A_1108 : memref<32x128xf32, #tpu.memory_space<vmem_shared>>) target_semaphore(%run_scoped3A_1104 : memref<!tpu.dma_semaphore, #tpu.memory_space<semaphore_mem>>)
      %dma_wait3A = arith.constant 0 : i32
      %dma_wait3A_1109 = tpu.memref_slice %arg12[%add3A_1030, %dma_wait3A] : memref<10240x128xf32, #tpu.memory_space<vmem_shared>> -> memref<32x128xf32, #tpu.memory_space<vmem_shared>>
      %dma_wait3A_1110 = arith.constant 0 : i32
      %dma_wait3A_1111 = tpu.memref_slice %arg12[%add3A_1030, %dma_wait3A_1110] : memref<10240x128xf32, #tpu.memory_space<vmem_shared>> -> memref<32x128xf32, #tpu.memory_space<vmem_shared>>
      tpu.wait_dma2 semaphore(%run_scoped3A_1104 : memref<!tpu.dma_semaphore, #tpu.memory_space<semaphore_mem>>) src(%arg9 : memref<32x128xf32, #tpu.memory_space<vmem>>) dst(%dma_wait3A_1111 : memref<32x128xf32, #tpu.memory_space<vmem_shared>>)
      tpu.yield
    }) : () -> ()
    %add3A_1031 = arith.constant 64 : i32
    %add3A_1032 = arith.addi %mul3A_2, %add3A_1031 : i32
    "tpu.region"() ({
      %run_scoped3A_1104 = tpu.sem_alloc : memref<!tpu.dma_semaphore, #tpu.memory_space<semaphore_mem>>
      %dma_start3A_1105 = arith.constant 0 : i32
      %dma_start3A_1106 = tpu.memref_slice %arg12[%add3A_1032, %dma_start3A_1105] : memref<10240x128xf32, #tpu.memory_space<vmem_shared>> -> memref<32x128xf32, #tpu.memory_space<vmem_shared>>
      %dma_start3A_1107 = arith.constant 0 : i32
      %dma_start3A_1108 = tpu.memref_slice %arg12[%add3A_1032, %dma_start3A_1107] : memref<10240x128xf32, #tpu.memory_space<vmem_shared>> -> memref<32x128xf32, #tpu.memory_space<vmem_shared>>
      tpu.enqueue_dma source(%arg9 : memref<32x128xf32, #tpu.memory_space<vmem>>) target(%dma_start3A_1108 : memref<32x128xf32, #tpu.memory_space<vmem_shared>>) target_semaphore(%run_scoped3A_1104 : memref<!tpu.dma_semaphore, #tpu.memory_space<semaphore_mem>>)
      %dma_wait3A = arith.constant 0 : i32
      %dma_wait3A_1109 = tpu.memref_slice %arg12[%add3A_1032, %dma_wait3A] : memref<10240x128xf32, #tpu.memory_space<vmem_shared>> -> memref<32x128xf32, #tpu.memory_space<vmem_shared>>
      %dma_wait3A_1110 = arith.constant 0 : i32
      %dma_wait3A_1111 = tpu.memref_slice %arg12[%add3A_1032, %dma_wait3A_1110] : memref<10240x128xf32, #tpu.memory_space<vmem_shared>> -> memref<32x128xf32, #tpu.memory_space<vmem_shared>>
      tpu.wait_dma2 semaphore(%run_scoped3A_1104 : memref<!tpu.dma_semaphore, #tpu.memory_space<semaphore_mem>>) src(%arg9 : memref<32x128xf32, #tpu.memory_space<vmem>>) dst(%dma_wait3A_1111 : memref<32x128xf32, #tpu.memory_space<vmem_shared>>)
      tpu.yield
    }) : () -> ()
    %add3A_1033 = arith.constant 96 : i32
    %add3A_1034 = arith.addi %mul3A_2, %add3A_1033 : i32
    "tpu.region"() ({
      %run_scoped3A_1104 = tpu.sem_alloc : memref<!tpu.dma_semaphore, #tpu.memory_space<semaphore_mem>>
      %dma_start3A_1105 = arith.constant 0 : i32
      %dma_start3A_1106 = tpu.memref_slice %arg12[%add3A_1034, %dma_start3A_1105] : memref<10240x128xf32, #tpu.memory_space<vmem_shared>> -> memref<32x128xf32, #tpu.memory_space<vmem_shared>>
      %dma_start3A_1107 = arith.constant 0 : i32
      %dma_start3A_1108 = tpu.memref_slice %arg12[%add3A_1034, %dma_start3A_1107] : memref<10240x128xf32, #tpu.memory_space<vmem_shared>> -> memref<32x128xf32, #tpu.memory_space<vmem_shared>>
      tpu.enqueue_dma source(%arg9 : memref<32x128xf32, #tpu.memory_space<vmem>>) target(%dma_start3A_1108 : memref<32x128xf32, #tpu.memory_space<vmem_shared>>) target_semaphore(%run_scoped3A_1104 : memref<!tpu.dma_semaphore, #tpu.memory_space<semaphore_mem>>)
      %dma_wait3A = arith.constant 0 : i32
      %dma_wait3A_1109 = tpu.memref_slice %arg12[%add3A_1034, %dma_wait3A] : memref<10240x128xf32, #tpu.memory_space<vmem_shared>> -> memref<32x128xf32, #tpu.memory_space<vmem_shared>>
      %dma_wait3A_1110 = arith.constant 0 : i32
      %dma_wait3A_1111 = tpu.memref_slice %arg12[%add3A_1034, %dma_wait3A_1110] : memref<10240x128xf32, #tpu.memory_space<vmem_shared>> -> memref<32x128xf32, #tpu.memory_space<vmem_shared>>
      tpu.wait_dma2 semaphore(%run_scoped3A_1104 : memref<!tpu.dma_semaphore, #tpu.memory_space<semaphore_mem>>) src(%arg9 : memref<32x128xf32, #tpu.memory_space<vmem>>) dst(%dma_wait3A_1111 : memref<32x128xf32, #tpu.memory_space<vmem_shared>>)
      tpu.yield
    }) : () -> ()
    %add3A_1035 = arith.constant 128 : i32
    %add3A_1036 = arith.addi %mul3A_2, %add3A_1035 : i32
    "tpu.region"() ({
      %run_scoped3A_1104 = tpu.sem_alloc : memref<!tpu.dma_semaphore, #tpu.memory_space<semaphore_mem>>
      %dma_start3A_1105 = arith.constant 0 : i32
      %dma_start3A_1106 = tpu.memref_slice %arg12[%add3A_1036, %dma_start3A_1105] : memref<10240x128xf32, #tpu.memory_space<vmem_shared>> -> memref<32x128xf32, #tpu.memory_space<vmem_shared>>
      %dma_start3A_1107 = arith.constant 0 : i32
      %dma_start3A_1108 = tpu.memref_slice %arg12[%add3A_1036, %dma_start3A_1107] : memref<10240x128xf32, #tpu.memory_space<vmem_shared>> -> memref<32x128xf32, #tpu.memory_space<vmem_shared>>
      tpu.enqueue_dma source(%arg9 : memref<32x128xf32, #tpu.memory_space<vmem>>) target(%dma_start3A_1108 : memref<32x128xf32, #tpu.memory_space<vmem_shared>>) target_semaphore(%run_scoped3A_1104 : memref<!tpu.dma_semaphore, #tpu.memory_space<semaphore_mem>>)
      %dma_wait3A = arith.constant 0 : i32
      %dma_wait3A_1109 = tpu.memref_slice %arg12[%add3A_1036, %dma_wait3A] : memref<10240x128xf32, #tpu.memory_space<vmem_shared>> -> memref<32x128xf32, #tpu.memory_space<vmem_shared>>
      %dma_wait3A_1110 = arith.constant 0 : i32
      %dma_wait3A_1111 = tpu.memref_slice %arg12[%add3A_1036, %dma_wait3A_1110] : memref<10240x128xf32, #tpu.memory_space<vmem_shared>> -> memref<32x128xf32, #tpu.memory_space<vmem_shared>>
      tpu.wait_dma2 semaphore(%run_scoped3A_1104 : memref<!tpu.dma_semaphore, #tpu.memory_space<semaphore_mem>>) src(%arg9 : memref<32x128xf32, #tpu.memory_space<vmem>>) dst(%dma_wait3A_1111 : memref<32x128xf32, #tpu.memory_space<vmem_shared>>)
      tpu.yield
    }) : () -> ()
    %add3A_1037 = arith.constant 160 : i32
    %add3A_1038 = arith.addi %mul3A_2, %add3A_1037 : i32
    "tpu.region"() ({
      %run_scoped3A_1104 = tpu.sem_alloc : memref<!tpu.dma_semaphore, #tpu.memory_space<semaphore_mem>>
      %dma_start3A_1105 = arith.constant 0 : i32
      %dma_start3A_1106 = tpu.memref_slice %arg12[%add3A_1038, %dma_start3A_1105] : memref<10240x128xf32, #tpu.memory_space<vmem_shared>> -> memref<32x128xf32, #tpu.memory_space<vmem_shared>>
      %dma_start3A_1107 = arith.constant 0 : i32
      %dma_start3A_1108 = tpu.memref_slice %arg12[%add3A_1038, %dma_start3A_1107] : memref<10240x128xf32, #tpu.memory_space<vmem_shared>> -> memref<32x128xf32, #tpu.memory_space<vmem_shared>>
      tpu.enqueue_dma source(%arg9 : memref<32x128xf32, #tpu.memory_space<vmem>>) target(%dma_start3A_1108 : memref<32x128xf32, #tpu.memory_space<vmem_shared>>) target_semaphore(%run_scoped3A_1104 : memref<!tpu.dma_semaphore, #tpu.memory_space<semaphore_mem>>)
      %dma_wait3A = arith.constant 0 : i32
      %dma_wait3A_1109 = tpu.memref_slice %arg12[%add3A_1038, %dma_wait3A] : memref<10240x128xf32, #tpu.memory_space<vmem_shared>> -> memref<32x128xf32, #tpu.memory_space<vmem_shared>>
      %dma_wait3A_1110 = arith.constant 0 : i32
      %dma_wait3A_1111 = tpu.memref_slice %arg12[%add3A_1038, %dma_wait3A_1110] : memref<10240x128xf32, #tpu.memory_space<vmem_shared>> -> memref<32x128xf32, #tpu.memory_space<vmem_shared>>
      tpu.wait_dma2 semaphore(%run_scoped3A_1104 : memref<!tpu.dma_semaphore, #tpu.memory_space<semaphore_mem>>) src(%arg9 : memref<32x128xf32, #tpu.memory_space<vmem>>) dst(%dma_wait3A_1111 : memref<32x128xf32, #tpu.memory_space<vmem_shared>>)
      tpu.yield
    }) : () -> ()
    %add3A_1039 = arith.constant 192 : i32
    %add3A_1040 = arith.addi %mul3A_2, %add3A_1039 : i32
    "tpu.region"() ({
      %run_scoped3A_1104 = tpu.sem_alloc : memref<!tpu.dma_semaphore, #tpu.memory_space<semaphore_mem>>
      %dma_start3A_1105 = arith.constant 0 : i32
      %dma_start3A_1106 = tpu.memref_slice %arg12[%add3A_1040, %dma_start3A_1105] : memref<10240x128xf32, #tpu.memory_space<vmem_shared>> -> memref<32x128xf32, #tpu.memory_space<vmem_shared>>
      %dma_start3A_1107 = arith.constant 0 : i32
      %dma_start3A_1108 = tpu.memref_slice %arg12[%add3A_1040, %dma_start3A_1107] : memref<10240x128xf32, #tpu.memory_space<vmem_shared>> -> memref<32x128xf32, #tpu.memory_space<vmem_shared>>
      tpu.enqueue_dma source(%arg9 : memref<32x128xf32, #tpu.memory_space<vmem>>) target(%dma_start3A_1108 : memref<32x128xf32, #tpu.memory_space<vmem_shared>>) target_semaphore(%run_scoped3A_1104 : memref<!tpu.dma_semaphore, #tpu.memory_space<semaphore_mem>>)
      %dma_wait3A = arith.constant 0 : i32
      %dma_wait3A_1109 = tpu.memref_slice %arg12[%add3A_1040, %dma_wait3A] : memref<10240x128xf32, #tpu.memory_space<vmem_shared>> -> memref<32x128xf32, #tpu.memory_space<vmem_shared>>
      %dma_wait3A_1110 = arith.constant 0 : i32
      %dma_wait3A_1111 = tpu.memref_slice %arg12[%add3A_1040, %dma_wait3A_1110] : memref<10240x128xf32, #tpu.memory_space<vmem_shared>> -> memref<32x128xf32, #tpu.memory_space<vmem_shared>>
      tpu.wait_dma2 semaphore(%run_scoped3A_1104 : memref<!tpu.dma_semaphore, #tpu.memory_space<semaphore_mem>>) src(%arg9 : memref<32x128xf32, #tpu.memory_space<vmem>>) dst(%dma_wait3A_1111 : memref<32x128xf32, #tpu.memory_space<vmem_shared>>)
      tpu.yield
    }) : () -> ()
    %add3A_1041 = arith.constant 224 : i32
    %add3A_1042 = arith.addi %mul3A_2, %add3A_1041 : i32
    "tpu.region"() ({
      %run_scoped3A_1104 = tpu.sem_alloc : memref<!tpu.dma_semaphore, #tpu.memory_space<semaphore_mem>>
      %dma_start3A_1105 = arith.constant 0 : i32
      %dma_start3A_1106 = tpu.memref_slice %arg12[%add3A_1042, %dma_start3A_1105] : memref<10240x128xf32, #tpu.memory_space<vmem_shared>> -> memref<32x128xf32, #tpu.memory_space<vmem_shared>>
      %dma_start3A_1107 = arith.constant 0 : i32
      %dma_start3A_1108 = tpu.memref_slice %arg12[%add3A_1042, %dma_start3A_1107] : memref<10240x128xf32, #tpu.memory_space<vmem_shared>> -> memref<32x128xf32, #tpu.memory_space<vmem_shared>>
      tpu.enqueue_dma source(%arg9 : memref<32x128xf32, #tpu.memory_space<vmem>>) target(%dma_start3A_1108 : memref<32x128xf32, #tpu.memory_space<vmem_shared>>) target_semaphore(%run_scoped3A_1104 : memref<!tpu.dma_semaphore, #tpu.memory_space<semaphore_mem>>)
      %dma_wait3A = arith.constant 0 : i32
      %dma_wait3A_1109 = tpu.memref_slice %arg12[%add3A_1042, %dma_wait3A] : memref<10240x128xf32, #tpu.memory_space<vmem_shared>> -> memref<32x128xf32, #tpu.memory_space<vmem_shared>>
      %dma_wait3A_1110 = arith.constant 0 : i32
      %dma_wait3A_1111 = tpu.memref_slice %arg12[%add3A_1042, %dma_wait3A_1110] : memref<10240x128xf32, #tpu.memory_space<vmem_shared>> -> memref<32x128xf32, #tpu.memory_space<vmem_shared>>
      tpu.wait_dma2 semaphore(%run_scoped3A_1104 : memref<!tpu.dma_semaphore, #tpu.memory_space<semaphore_mem>>) src(%arg9 : memref<32x128xf32, #tpu.memory_space<vmem>>) dst(%dma_wait3A_1111 : memref<32x128xf32, #tpu.memory_space<vmem_shared>>)
      tpu.yield
    }) : () -> ()
    %add3A_1043 = arith.constant 256 : i32
    %add3A_1044 = arith.addi %mul3A_2, %add3A_1043 : i32
    "tpu.region"() ({
      %run_scoped3A_1104 = tpu.sem_alloc : memref<!tpu.dma_semaphore, #tpu.memory_space<semaphore_mem>>
      %dma_start3A_1105 = arith.constant 0 : i32
      %dma_start3A_1106 = tpu.memref_slice %arg12[%add3A_1044, %dma_start3A_1105] : memref<10240x128xf32, #tpu.memory_space<vmem_shared>> -> memref<32x128xf32, #tpu.memory_space<vmem_shared>>
      %dma_start3A_1107 = arith.constant 0 : i32
      %dma_start3A_1108 = tpu.memref_slice %arg12[%add3A_1044, %dma_start3A_1107] : memref<10240x128xf32, #tpu.memory_space<vmem_shared>> -> memref<32x128xf32, #tpu.memory_space<vmem_shared>>
      tpu.enqueue_dma source(%arg9 : memref<32x128xf32, #tpu.memory_space<vmem>>) target(%dma_start3A_1108 : memref<32x128xf32, #tpu.memory_space<vmem_shared>>) target_semaphore(%run_scoped3A_1104 : memref<!tpu.dma_semaphore, #tpu.memory_space<semaphore_mem>>)
      %dma_wait3A = arith.constant 0 : i32
      %dma_wait3A_1109 = tpu.memref_slice %arg12[%add3A_1044, %dma_wait3A] : memref<10240x128xf32, #tpu.memory_space<vmem_shared>> -> memref<32x128xf32, #tpu.memory_space<vmem_shared>>
      %dma_wait3A_1110 = arith.constant 0 : i32
      %dma_wait3A_1111 = tpu.memref_slice %arg12[%add3A_1044, %dma_wait3A_1110] : memref<10240x128xf32, #tpu.memory_space<vmem_shared>> -> memref<32x128xf32, #tpu.memory_space<vmem_shared>>
      tpu.wait_dma2 semaphore(%run_scoped3A_1104 : memref<!tpu.dma_semaphore, #tpu.memory_space<semaphore_mem>>) src(%arg9 : memref<32x128xf32, #tpu.memory_space<vmem>>) dst(%dma_wait3A_1111 : memref<32x128xf32, #tpu.memory_space<vmem_shared>>)
      tpu.yield
    }) : () -> ()
    %add3A_1045 = arith.constant 288 : i32
    %add3A_1046 = arith.addi %mul3A_2, %add3A_1045 : i32
    "tpu.region"() ({
      %run_scoped3A_1104 = tpu.sem_alloc : memref<!tpu.dma_semaphore, #tpu.memory_space<semaphore_mem>>
      %dma_start3A_1105 = arith.constant 0 : i32
      %dma_start3A_1106 = tpu.memref_slice %arg12[%add3A_1046, %dma_start3A_1105] : memref<10240x128xf32, #tpu.memory_space<vmem_shared>> -> memref<32x128xf32, #tpu.memory_space<vmem_shared>>
      %dma_start3A_1107 = arith.constant 0 : i32
      %dma_start3A_1108 = tpu.memref_slice %arg12[%add3A_1046, %dma_start3A_1107] : memref<10240x128xf32, #tpu.memory_space<vmem_shared>> -> memref<32x128xf32, #tpu.memory_space<vmem_shared>>
      tpu.enqueue_dma source(%arg9 : memref<32x128xf32, #tpu.memory_space<vmem>>) target(%dma_start3A_1108 : memref<32x128xf32, #tpu.memory_space<vmem_shared>>) target_semaphore(%run_scoped3A_1104 : memref<!tpu.dma_semaphore, #tpu.memory_space<semaphore_mem>>)
      %dma_wait3A = arith.constant 0 : i32
      %dma_wait3A_1109 = tpu.memref_slice %arg12[%add3A_1046, %dma_wait3A] : memref<10240x128xf32, #tpu.memory_space<vmem_shared>> -> memref<32x128xf32, #tpu.memory_space<vmem_shared>>
      %dma_wait3A_1110 = arith.constant 0 : i32
      %dma_wait3A_1111 = tpu.memref_slice %arg12[%add3A_1046, %dma_wait3A_1110] : memref<10240x128xf32, #tpu.memory_space<vmem_shared>> -> memref<32x128xf32, #tpu.memory_space<vmem_shared>>
      tpu.wait_dma2 semaphore(%run_scoped3A_1104 : memref<!tpu.dma_semaphore, #tpu.memory_space<semaphore_mem>>) src(%arg9 : memref<32x128xf32, #tpu.memory_space<vmem>>) dst(%dma_wait3A_1111 : memref<32x128xf32, #tpu.memory_space<vmem_shared>>)
      tpu.yield
    }) : () -> ()
    %add3A_1047 = arith.constant 320 : i32
    %add3A_1048 = arith.addi %mul3A_2, %add3A_1047 : i32
    "tpu.region"() ({
      %run_scoped3A_1104 = tpu.sem_alloc : memref<!tpu.dma_semaphore, #tpu.memory_space<semaphore_mem>>
      %dma_start3A_1105 = arith.constant 0 : i32
      %dma_start3A_1106 = tpu.memref_slice %arg12[%add3A_1048, %dma_start3A_1105] : memref<10240x128xf32, #tpu.memory_space<vmem_shared>> -> memref<32x128xf32, #tpu.memory_space<vmem_shared>>
      %dma_start3A_1107 = arith.constant 0 : i32
      %dma_start3A_1108 = tpu.memref_slice %arg12[%add3A_1048, %dma_start3A_1107] : memref<10240x128xf32, #tpu.memory_space<vmem_shared>> -> memref<32x128xf32, #tpu.memory_space<vmem_shared>>
      tpu.enqueue_dma source(%arg9 : memref<32x128xf32, #tpu.memory_space<vmem>>) target(%dma_start3A_1108 : memref<32x128xf32, #tpu.memory_space<vmem_shared>>) target_semaphore(%run_scoped3A_1104 : memref<!tpu.dma_semaphore, #tpu.memory_space<semaphore_mem>>)
      %dma_wait3A = arith.constant 0 : i32
      %dma_wait3A_1109 = tpu.memref_slice %arg12[%add3A_1048, %dma_wait3A] : memref<10240x128xf32, #tpu.memory_space<vmem_shared>> -> memref<32x128xf32, #tpu.memory_space<vmem_shared>>
      %dma_wait3A_1110 = arith.constant 0 : i32
      %dma_wait3A_1111 = tpu.memref_slice %arg12[%add3A_1048, %dma_wait3A_1110] : memref<10240x128xf32, #tpu.memory_space<vmem_shared>> -> memref<32x128xf32, #tpu.memory_space<vmem_shared>>
      tpu.wait_dma2 semaphore(%run_scoped3A_1104 : memref<!tpu.dma_semaphore, #tpu.memory_space<semaphore_mem>>) src(%arg9 : memref<32x128xf32, #tpu.memory_space<vmem>>) dst(%dma_wait3A_1111 : memref<32x128xf32, #tpu.memory_space<vmem_shared>>)
      tpu.yield
    }) : () -> ()
    %add3A_1049 = arith.constant 352 : i32
    %add3A_1050 = arith.addi %mul3A_2, %add3A_1049 : i32
    "tpu.region"() ({
      %run_scoped3A_1104 = tpu.sem_alloc : memref<!tpu.dma_semaphore, #tpu.memory_space<semaphore_mem>>
      %dma_start3A_1105 = arith.constant 0 : i32
      %dma_start3A_1106 = tpu.memref_slice %arg12[%add3A_1050, %dma_start3A_1105] : memref<10240x128xf32, #tpu.memory_space<vmem_shared>> -> memref<32x128xf32, #tpu.memory_space<vmem_shared>>
      %dma_start3A_1107 = arith.constant 0 : i32
      %dma_start3A_1108 = tpu.memref_slice %arg12[%add3A_1050, %dma_start3A_1107] : memref<10240x128xf32, #tpu.memory_space<vmem_shared>> -> memref<32x128xf32, #tpu.memory_space<vmem_shared>>
      tpu.enqueue_dma source(%arg9 : memref<32x128xf32, #tpu.memory_space<vmem>>) target(%dma_start3A_1108 : memref<32x128xf32, #tpu.memory_space<vmem_shared>>) target_semaphore(%run_scoped3A_1104 : memref<!tpu.dma_semaphore, #tpu.memory_space<semaphore_mem>>)
      %dma_wait3A = arith.constant 0 : i32
      %dma_wait3A_1109 = tpu.memref_slice %arg12[%add3A_1050, %dma_wait3A] : memref<10240x128xf32, #tpu.memory_space<vmem_shared>> -> memref<32x128xf32, #tpu.memory_space<vmem_shared>>
      %dma_wait3A_1110 = arith.constant 0 : i32
      %dma_wait3A_1111 = tpu.memref_slice %arg12[%add3A_1050, %dma_wait3A_1110] : memref<10240x128xf32, #tpu.memory_space<vmem_shared>> -> memref<32x128xf32, #tpu.memory_space<vmem_shared>>
      tpu.wait_dma2 semaphore(%run_scoped3A_1104 : memref<!tpu.dma_semaphore, #tpu.memory_space<semaphore_mem>>) src(%arg9 : memref<32x128xf32, #tpu.memory_space<vmem>>) dst(%dma_wait3A_1111 : memref<32x128xf32, #tpu.memory_space<vmem_shared>>)
      tpu.yield
    }) : () -> ()
    %add3A_1051 = arith.constant 384 : i32
    %add3A_1052 = arith.addi %mul3A_2, %add3A_1051 : i32
    "tpu.region"() ({
      %run_scoped3A_1104 = tpu.sem_alloc : memref<!tpu.dma_semaphore, #tpu.memory_space<semaphore_mem>>
      %dma_start3A_1105 = arith.constant 0 : i32
      %dma_start3A_1106 = tpu.memref_slice %arg12[%add3A_1052, %dma_start3A_1105] : memref<10240x128xf32, #tpu.memory_space<vmem_shared>> -> memref<32x128xf32, #tpu.memory_space<vmem_shared>>
      %dma_start3A_1107 = arith.constant 0 : i32
      %dma_start3A_1108 = tpu.memref_slice %arg12[%add3A_1052, %dma_start3A_1107] : memref<10240x128xf32, #tpu.memory_space<vmem_shared>> -> memref<32x128xf32, #tpu.memory_space<vmem_shared>>
      tpu.enqueue_dma source(%arg9 : memref<32x128xf32, #tpu.memory_space<vmem>>) target(%dma_start3A_1108 : memref<32x128xf32, #tpu.memory_space<vmem_shared>>) target_semaphore(%run_scoped3A_1104 : memref<!tpu.dma_semaphore, #tpu.memory_space<semaphore_mem>>)
      %dma_wait3A = arith.constant 0 : i32
      %dma_wait3A_1109 = tpu.memref_slice %arg12[%add3A_1052, %dma_wait3A] : memref<10240x128xf32, #tpu.memory_space<vmem_shared>> -> memref<32x128xf32, #tpu.memory_space<vmem_shared>>
      %dma_wait3A_1110 = arith.constant 0 : i32
      %dma_wait3A_1111 = tpu.memref_slice %arg12[%add3A_1052, %dma_wait3A_1110] : memref<10240x128xf32, #tpu.memory_space<vmem_shared>> -> memref<32x128xf32, #tpu.memory_space<vmem_shared>>
      tpu.wait_dma2 semaphore(%run_scoped3A_1104 : memref<!tpu.dma_semaphore, #tpu.memory_space<semaphore_mem>>) src(%arg9 : memref<32x128xf32, #tpu.memory_space<vmem>>) dst(%dma_wait3A_1111 : memref<32x128xf32, #tpu.memory_space<vmem_shared>>)
      tpu.yield
    }) : () -> ()
    %add3A_1053 = arith.constant 416 : i32
    %add3A_1054 = arith.addi %mul3A_2, %add3A_1053 : i32
    "tpu.region"() ({
      %run_scoped3A_1104 = tpu.sem_alloc : memref<!tpu.dma_semaphore, #tpu.memory_space<semaphore_mem>>
      %dma_start3A_1105 = arith.constant 0 : i32
      %dma_start3A_1106 = tpu.memref_slice %arg12[%add3A_1054, %dma_start3A_1105] : memref<10240x128xf32, #tpu.memory_space<vmem_shared>> -> memref<32x128xf32, #tpu.memory_space<vmem_shared>>
      %dma_start3A_1107 = arith.constant 0 : i32
      %dma_start3A_1108 = tpu.memref_slice %arg12[%add3A_1054, %dma_start3A_1107] : memref<10240x128xf32, #tpu.memory_space<vmem_shared>> -> memref<32x128xf32, #tpu.memory_space<vmem_shared>>
      tpu.enqueue_dma source(%arg9 : memref<32x128xf32, #tpu.memory_space<vmem>>) target(%dma_start3A_1108 : memref<32x128xf32, #tpu.memory_space<vmem_shared>>) target_semaphore(%run_scoped3A_1104 : memref<!tpu.dma_semaphore, #tpu.memory_space<semaphore_mem>>)
      %dma_wait3A = arith.constant 0 : i32
      %dma_wait3A_1109 = tpu.memref_slice %arg12[%add3A_1054, %dma_wait3A] : memref<10240x128xf32, #tpu.memory_space<vmem_shared>> -> memref<32x128xf32, #tpu.memory_space<vmem_shared>>
      %dma_wait3A_1110 = arith.constant 0 : i32
      %dma_wait3A_1111 = tpu.memref_slice %arg12[%add3A_1054, %dma_wait3A_1110] : memref<10240x128xf32, #tpu.memory_space<vmem_shared>> -> memref<32x128xf32, #tpu.memory_space<vmem_shared>>
      tpu.wait_dma2 semaphore(%run_scoped3A_1104 : memref<!tpu.dma_semaphore, #tpu.memory_space<semaphore_mem>>) src(%arg9 : memref<32x128xf32, #tpu.memory_space<vmem>>) dst(%dma_wait3A_1111 : memref<32x128xf32, #tpu.memory_space<vmem_shared>>)
      tpu.yield
    }) : () -> ()
    %add3A_1055 = arith.constant 448 : i32
    %add3A_1056 = arith.addi %mul3A_2, %add3A_1055 : i32
    "tpu.region"() ({
      %run_scoped3A_1104 = tpu.sem_alloc : memref<!tpu.dma_semaphore, #tpu.memory_space<semaphore_mem>>
      %dma_start3A_1105 = arith.constant 0 : i32
      %dma_start3A_1106 = tpu.memref_slice %arg12[%add3A_1056, %dma_start3A_1105] : memref<10240x128xf32, #tpu.memory_space<vmem_shared>> -> memref<32x128xf32, #tpu.memory_space<vmem_shared>>
      %dma_start3A_1107 = arith.constant 0 : i32
      %dma_start3A_1108 = tpu.memref_slice %arg12[%add3A_1056, %dma_start3A_1107] : memref<10240x128xf32, #tpu.memory_space<vmem_shared>> -> memref<32x128xf32, #tpu.memory_space<vmem_shared>>
      tpu.enqueue_dma source(%arg9 : memref<32x128xf32, #tpu.memory_space<vmem>>) target(%dma_start3A_1108 : memref<32x128xf32, #tpu.memory_space<vmem_shared>>) target_semaphore(%run_scoped3A_1104 : memref<!tpu.dma_semaphore, #tpu.memory_space<semaphore_mem>>)
      %dma_wait3A = arith.constant 0 : i32
      %dma_wait3A_1109 = tpu.memref_slice %arg12[%add3A_1056, %dma_wait3A] : memref<10240x128xf32, #tpu.memory_space<vmem_shared>> -> memref<32x128xf32, #tpu.memory_space<vmem_shared>>
      %dma_wait3A_1110 = arith.constant 0 : i32
      %dma_wait3A_1111 = tpu.memref_slice %arg12[%add3A_1056, %dma_wait3A_1110] : memref<10240x128xf32, #tpu.memory_space<vmem_shared>> -> memref<32x128xf32, #tpu.memory_space<vmem_shared>>
      tpu.wait_dma2 semaphore(%run_scoped3A_1104 : memref<!tpu.dma_semaphore, #tpu.memory_space<semaphore_mem>>) src(%arg9 : memref<32x128xf32, #tpu.memory_space<vmem>>) dst(%dma_wait3A_1111 : memref<32x128xf32, #tpu.memory_space<vmem_shared>>)
      tpu.yield
    }) : () -> ()
    %add3A_1057 = arith.constant 480 : i32
    %add3A_1058 = arith.addi %mul3A_2, %add3A_1057 : i32
    "tpu.region"() ({
      %run_scoped3A_1104 = tpu.sem_alloc : memref<!tpu.dma_semaphore, #tpu.memory_space<semaphore_mem>>
      %dma_start3A_1105 = arith.constant 0 : i32
      %dma_start3A_1106 = tpu.memref_slice %arg12[%add3A_1058, %dma_start3A_1105] : memref<10240x128xf32, #tpu.memory_space<vmem_shared>> -> memref<32x128xf32, #tpu.memory_space<vmem_shared>>
      %dma_start3A_1107 = arith.constant 0 : i32
      %dma_start3A_1108 = tpu.memref_slice %arg12[%add3A_1058, %dma_start3A_1107] : memref<10240x128xf32, #tpu.memory_space<vmem_shared>> -> memref<32x128xf32, #tpu.memory_space<vmem_shared>>
      tpu.enqueue_dma source(%arg9 : memref<32x128xf32, #tpu.memory_space<vmem>>) target(%dma_start3A_1108 : memref<32x128xf32, #tpu.memory_space<vmem_shared>>) target_semaphore(%run_scoped3A_1104 : memref<!tpu.dma_semaphore, #tpu.memory_space<semaphore_mem>>)
      %dma_wait3A = arith.constant 0 : i32
      %dma_wait3A_1109 = tpu.memref_slice %arg12[%add3A_1058, %dma_wait3A] : memref<10240x128xf32, #tpu.memory_space<vmem_shared>> -> memref<32x128xf32, #tpu.memory_space<vmem_shared>>
      %dma_wait3A_1110 = arith.constant 0 : i32
      %dma_wait3A_1111 = tpu.memref_slice %arg12[%add3A_1058, %dma_wait3A_1110] : memref<10240x128xf32, #tpu.memory_space<vmem_shared>> -> memref<32x128xf32, #tpu.memory_space<vmem_shared>>
      tpu.wait_dma2 semaphore(%run_scoped3A_1104 : memref<!tpu.dma_semaphore, #tpu.memory_space<semaphore_mem>>) src(%arg9 : memref<32x128xf32, #tpu.memory_space<vmem>>) dst(%dma_wait3A_1111 : memref<32x128xf32, #tpu.memory_space<vmem_shared>>)
      tpu.yield
    }) : () -> ()
    %add3A_1059 = arith.constant 512 : i32
    %add3A_1060 = arith.addi %mul3A_2, %add3A_1059 : i32
    "tpu.region"() ({
      %run_scoped3A_1104 = tpu.sem_alloc : memref<!tpu.dma_semaphore, #tpu.memory_space<semaphore_mem>>
      %dma_start3A_1105 = arith.constant 0 : i32
      %dma_start3A_1106 = tpu.memref_slice %arg12[%add3A_1060, %dma_start3A_1105] : memref<10240x128xf32, #tpu.memory_space<vmem_shared>> -> memref<32x128xf32, #tpu.memory_space<vmem_shared>>
      %dma_start3A_1107 = arith.constant 0 : i32
      %dma_start3A_1108 = tpu.memref_slice %arg12[%add3A_1060, %dma_start3A_1107] : memref<10240x128xf32, #tpu.memory_space<vmem_shared>> -> memref<32x128xf32, #tpu.memory_space<vmem_shared>>
      tpu.enqueue_dma source(%arg9 : memref<32x128xf32, #tpu.memory_space<vmem>>) target(%dma_start3A_1108 : memref<32x128xf32, #tpu.memory_space<vmem_shared>>) target_semaphore(%run_scoped3A_1104 : memref<!tpu.dma_semaphore, #tpu.memory_space<semaphore_mem>>)
      %dma_wait3A = arith.constant 0 : i32
      %dma_wait3A_1109 = tpu.memref_slice %arg12[%add3A_1060, %dma_wait3A] : memref<10240x128xf32, #tpu.memory_space<vmem_shared>> -> memref<32x128xf32, #tpu.memory_space<vmem_shared>>
      %dma_wait3A_1110 = arith.constant 0 : i32
      %dma_wait3A_1111 = tpu.memref_slice %arg12[%add3A_1060, %dma_wait3A_1110] : memref<10240x128xf32, #tpu.memory_space<vmem_shared>> -> memref<32x128xf32, #tpu.memory_space<vmem_shared>>
      tpu.wait_dma2 semaphore(%run_scoped3A_1104 : memref<!tpu.dma_semaphore, #tpu.memory_space<semaphore_mem>>) src(%arg9 : memref<32x128xf32, #tpu.memory_space<vmem>>) dst(%dma_wait3A_1111 : memref<32x128xf32, #tpu.memory_space<vmem_shared>>)
      tpu.yield
    }) : () -> ()
    %add3A_1061 = arith.constant 544 : i32
    %add3A_1062 = arith.addi %mul3A_2, %add3A_1061 : i32
    "tpu.region"() ({
      %run_scoped3A_1104 = tpu.sem_alloc : memref<!tpu.dma_semaphore, #tpu.memory_space<semaphore_mem>>
      %dma_start3A_1105 = arith.constant 0 : i32
      %dma_start3A_1106 = tpu.memref_slice %arg12[%add3A_1062, %dma_start3A_1105] : memref<10240x128xf32, #tpu.memory_space<vmem_shared>> -> memref<32x128xf32, #tpu.memory_space<vmem_shared>>
      %dma_start3A_1107 = arith.constant 0 : i32
      %dma_start3A_1108 = tpu.memref_slice %arg12[%add3A_1062, %dma_start3A_1107] : memref<10240x128xf32, #tpu.memory_space<vmem_shared>> -> memref<32x128xf32, #tpu.memory_space<vmem_shared>>
      tpu.enqueue_dma source(%arg9 : memref<32x128xf32, #tpu.memory_space<vmem>>) target(%dma_start3A_1108 : memref<32x128xf32, #tpu.memory_space<vmem_shared>>) target_semaphore(%run_scoped3A_1104 : memref<!tpu.dma_semaphore, #tpu.memory_space<semaphore_mem>>)
      %dma_wait3A = arith.constant 0 : i32
      %dma_wait3A_1109 = tpu.memref_slice %arg12[%add3A_1062, %dma_wait3A] : memref<10240x128xf32, #tpu.memory_space<vmem_shared>> -> memref<32x128xf32, #tpu.memory_space<vmem_shared>>
      %dma_wait3A_1110 = arith.constant 0 : i32
      %dma_wait3A_1111 = tpu.memref_slice %arg12[%add3A_1062, %dma_wait3A_1110] : memref<10240x128xf32, #tpu.memory_space<vmem_shared>> -> memref<32x128xf32, #tpu.memory_space<vmem_shared>>
      tpu.wait_dma2 semaphore(%run_scoped3A_1104 : memref<!tpu.dma_semaphore, #tpu.memory_space<semaphore_mem>>) src(%arg9 : memref<32x128xf32, #tpu.memory_space<vmem>>) dst(%dma_wait3A_1111 : memref<32x128xf32, #tpu.memory_space<vmem_shared>>)
      tpu.yield
    }) : () -> ()
    %add3A_1063 = arith.constant 576 : i32
    %add3A_1064 = arith.addi %mul3A_2, %add3A_1063 : i32
    "tpu.region"() ({
      %run_scoped3A_1104 = tpu.sem_alloc : memref<!tpu.dma_semaphore, #tpu.memory_space<semaphore_mem>>
      %dma_start3A_1105 = arith.constant 0 : i32
      %dma_start3A_1106 = tpu.memref_slice %arg12[%add3A_1064, %dma_start3A_1105] : memref<10240x128xf32, #tpu.memory_space<vmem_shared>> -> memref<32x128xf32, #tpu.memory_space<vmem_shared>>
      %dma_start3A_1107 = arith.constant 0 : i32
      %dma_start3A_1108 = tpu.memref_slice %arg12[%add3A_1064, %dma_start3A_1107] : memref<10240x128xf32, #tpu.memory_space<vmem_shared>> -> memref<32x128xf32, #tpu.memory_space<vmem_shared>>
      tpu.enqueue_dma source(%arg9 : memref<32x128xf32, #tpu.memory_space<vmem>>) target(%dma_start3A_1108 : memref<32x128xf32, #tpu.memory_space<vmem_shared>>) target_semaphore(%run_scoped3A_1104 : memref<!tpu.dma_semaphore, #tpu.memory_space<semaphore_mem>>)
      %dma_wait3A = arith.constant 0 : i32
      %dma_wait3A_1109 = tpu.memref_slice %arg12[%add3A_1064, %dma_wait3A] : memref<10240x128xf32, #tpu.memory_space<vmem_shared>> -> memref<32x128xf32, #tpu.memory_space<vmem_shared>>
      %dma_wait3A_1110 = arith.constant 0 : i32
      %dma_wait3A_1111 = tpu.memref_slice %arg12[%add3A_1064, %dma_wait3A_1110] : memref<10240x128xf32, #tpu.memory_space<vmem_shared>> -> memref<32x128xf32, #tpu.memory_space<vmem_shared>>
      tpu.wait_dma2 semaphore(%run_scoped3A_1104 : memref<!tpu.dma_semaphore, #tpu.memory_space<semaphore_mem>>) src(%arg9 : memref<32x128xf32, #tpu.memory_space<vmem>>) dst(%dma_wait3A_1111 : memref<32x128xf32, #tpu.memory_space<vmem_shared>>)
      tpu.yield
    }) : () -> ()
    %add3A_1065 = arith.constant 608 : i32
    %add3A_1066 = arith.addi %mul3A_2, %add3A_1065 : i32
    "tpu.region"() ({
      %run_scoped3A_1104 = tpu.sem_alloc : memref<!tpu.dma_semaphore, #tpu.memory_space<semaphore_mem>>
      %dma_start3A_1105 = arith.constant 0 : i32
      %dma_start3A_1106 = tpu.memref_slice %arg12[%add3A_1066, %dma_start3A_1105] : memref<10240x128xf32, #tpu.memory_space<vmem_shared>> -> memref<32x128xf32, #tpu.memory_space<vmem_shared>>
      %dma_start3A_1107 = arith.constant 0 : i32
      %dma_start3A_1108 = tpu.memref_slice %arg12[%add3A_1066, %dma_start3A_1107] : memref<10240x128xf32, #tpu.memory_space<vmem_shared>> -> memref<32x128xf32, #tpu.memory_space<vmem_shared>>
      tpu.enqueue_dma source(%arg9 : memref<32x128xf32, #tpu.memory_space<vmem>>) target(%dma_start3A_1108 : memref<32x128xf32, #tpu.memory_space<vmem_shared>>) target_semaphore(%run_scoped3A_1104 : memref<!tpu.dma_semaphore, #tpu.memory_space<semaphore_mem>>)
      %dma_wait3A = arith.constant 0 : i32
      %dma_wait3A_1109 = tpu.memref_slice %arg12[%add3A_1066, %dma_wait3A] : memref<10240x128xf32, #tpu.memory_space<vmem_shared>> -> memref<32x128xf32, #tpu.memory_space<vmem_shared>>
      %dma_wait3A_1110 = arith.constant 0 : i32
      %dma_wait3A_1111 = tpu.memref_slice %arg12[%add3A_1066, %dma_wait3A_1110] : memref<10240x128xf32, #tpu.memory_space<vmem_shared>> -> memref<32x128xf32, #tpu.memory_space<vmem_shared>>
      tpu.wait_dma2 semaphore(%run_scoped3A_1104 : memref<!tpu.dma_semaphore, #tpu.memory_space<semaphore_mem>>) src(%arg9 : memref<32x128xf32, #tpu.memory_space<vmem>>) dst(%dma_wait3A_1111 : memref<32x128xf32, #tpu.memory_space<vmem_shared>>)
      tpu.yield
    }) : () -> ()
    %barrier3A = arith.constant 0 : index
    tpu.barrier barrier_id(%barrier3A)
    %run_scoped3A = arith.constant 0 : i32
    %run_scoped3A_1067 = arith.constant 0 : i32
    "tpu.region"() ({
      %run_scoped3A_1104 = tpu.sem_alloc : memref<!tpu.dma_semaphore, #tpu.memory_space<semaphore_mem>>
      %dma_start3A_1105 = arith.constant 0 : i32
      %dma_start3A_1106 = tpu.memref_slice %arg6[%run_scoped3A_1067, %dma_start3A_1105] : memref<2x128xi32, #tpu.memory_space<vmem>> -> memref<1x128xi32, #tpu.memory_space<vmem>>
      %dma_start3A_1107 = tpu.memref_squeeze %dma_start3A_1106 : memref<1x128xi32, #tpu.memory_space<vmem>> -> memref<128xi32, #tpu.memory_space<vmem>>
      %dma_start3A_1108 = arith.constant 0 : i32
      %dma_start3A_1109 = tpu.memref_slice %arg3[%add3A, %run_scoped3A, %dma_start3A_1108] : memref<32x80x128xi32, #tpu.memory_space<hbm>> -> memref<1x1x128xi32, #tpu.memory_space<hbm>>
      %dma_start3A_1110 = tpu.memref_squeeze %dma_start3A_1109 : memref<1x1x128xi32, #tpu.memory_space<hbm>> -> memref<128xi32, #tpu.memory_space<hbm>>
      %dma_start3A_1111 = arith.constant 0 : i32
      %dma_start3A_1112 = tpu.memref_slice %arg6[%run_scoped3A_1067, %dma_start3A_1111] : memref<2x128xi32, #tpu.memory_space<vmem>> -> memref<1x128xi32, #tpu.memory_space<vmem>>
      %dma_start3A_1113 = tpu.memref_squeeze %dma_start3A_1112 : memref<1x128xi32, #tpu.memory_space<vmem>> -> memref<128xi32, #tpu.memory_space<vmem>>
      %dma_start3A_1114 = arith.constant 0 : i32
      %dma_start3A_1115 = tpu.memref_slice %arg3[%add3A, %run_scoped3A, %dma_start3A_1114] : memref<32x80x128xi32, #tpu.memory_space<hbm>> -> memref<1x1x128xi32, #tpu.memory_space<hbm>>
      %dma_start3A_1116 = tpu.memref_squeeze %dma_start3A_1115 : memref<1x1x128xi32, #tpu.memory_space<hbm>> -> memref<128xi32, #tpu.memory_space<hbm>>
      tpu.enqueue_dma source(%dma_start3A_1116 : memref<128xi32, #tpu.memory_space<hbm>>) target(%dma_start3A_1113 : memref<128xi32, #tpu.memory_space<vmem>>) target_semaphore(%run_scoped3A_1104 : memref<!tpu.dma_semaphore, #tpu.memory_space<semaphore_mem>>)
      %dma_wait3A = arith.constant 0 : i32
      %dma_wait3A_1117 = tpu.memref_slice %arg6[%run_scoped3A_1067, %dma_wait3A] : memref<2x128xi32, #tpu.memory_space<vmem>> -> memref<1x128xi32, #tpu.memory_space<vmem>>
      %dma_wait3A_1118 = tpu.memref_squeeze %dma_wait3A_1117 : memref<1x128xi32, #tpu.memory_space<vmem>> -> memref<128xi32, #tpu.memory_space<vmem>>
      %dma_wait3A_1119 = arith.constant 0 : i32
      %dma_wait3A_1120 = tpu.memref_slice %arg3[%add3A, %run_scoped3A, %dma_wait3A_1119] : memref<32x80x128xi32, #tpu.memory_space<hbm>> -> memref<1x1x128xi32, #tpu.memory_space<hbm>>
      %dma_wait3A_1121 = tpu.memref_squeeze %dma_wait3A_1120 : memref<1x1x128xi32, #tpu.memory_space<hbm>> -> memref<128xi32, #tpu.memory_space<hbm>>
      %dma_wait3A_1122 = arith.constant 0 : i32
      %dma_wait3A_1123 = tpu.memref_slice %arg6[%run_scoped3A_1067, %dma_wait3A_1122] : memref<2x128xi32, #tpu.memory_space<vmem>> -> memref<1x128xi32, #tpu.memory_space<vmem>>
      %dma_wait3A_1124 = tpu.memref_squeeze %dma_wait3A_1123 : memref<1x128xi32, #tpu.memory_space<vmem>> -> memref<128xi32, #tpu.memory_space<vmem>>
      %dma_wait3A_1125 = arith.constant 0 : i32
      %dma_wait3A_1126 = tpu.memref_slice %arg3[%add3A, %run_scoped3A, %dma_wait3A_1125] : memref<32x80x128xi32, #tpu.memory_space<hbm>> -> memref<1x1x128xi32, #tpu.memory_space<hbm>>
      %dma_wait3A_1127 = tpu.memref_squeeze %dma_wait3A_1126 : memref<1x1x128xi32, #tpu.memory_space<hbm>> -> memref<128xi32, #tpu.memory_space<hbm>>
      tpu.wait_dma2 semaphore(%run_scoped3A_1104 : memref<!tpu.dma_semaphore, #tpu.memory_space<semaphore_mem>>) src(%dma_wait3A_1127 : memref<128xi32, #tpu.memory_space<hbm>>) dst(%dma_wait3A_1124 : memref<128xi32, #tpu.memory_space<vmem>>)
      tpu.yield
    }) : () -> ()
    %run_scoped3A_1068 = arith.constant 0 : i32
    %run_scoped3A_1069 = arith.constant 0 : i32
    "tpu.region"() ({
      %run_scoped3A_1104 = tpu.sem_alloc : memref<!tpu.dma_semaphore, #tpu.memory_space<semaphore_mem>>
      %dma_start3A_1105 = arith.constant 0 : i32
      %dma_start3A_1106 = tpu.memref_slice %arg7[%run_scoped3A_1069, %dma_start3A_1105] : memref<2x128xi32, #tpu.memory_space<vmem>> -> memref<1x128xi32, #tpu.memory_space<vmem>>
      %dma_start3A_1107 = tpu.memref_squeeze %dma_start3A_1106 : memref<1x128xi32, #tpu.memory_space<vmem>> -> memref<128xi32, #tpu.memory_space<vmem>>
      %dma_start3A_1108 = arith.constant 0 : i32
      %dma_start3A_1109 = tpu.memref_slice %arg4[%add3A, %run_scoped3A_1068, %dma_start3A_1108] : memref<32x80x128xi32, #tpu.memory_space<hbm>> -> memref<1x1x128xi32, #tpu.memory_space<hbm>>
      %dma_start3A_1110 = tpu.memref_squeeze %dma_start3A_1109 : memref<1x1x128xi32, #tpu.memory_space<hbm>> -> memref<128xi32, #tpu.memory_space<hbm>>
      %dma_start3A_1111 = arith.constant 0 : i32
      %dma_start3A_1112 = tpu.memref_slice %arg7[%run_scoped3A_1069, %dma_start3A_1111] : memref<2x128xi32, #tpu.memory_space<vmem>> -> memref<1x128xi32, #tpu.memory_space<vmem>>
      %dma_start3A_1113 = tpu.memref_squeeze %dma_start3A_1112 : memref<1x128xi32, #tpu.memory_space<vmem>> -> memref<128xi32, #tpu.memory_space<vmem>>
      %dma_start3A_1114 = arith.constant 0 : i32
      %dma_start3A_1115 = tpu.memref_slice %arg4[%add3A, %run_scoped3A_1068, %dma_start3A_1114] : memref<32x80x128xi32, #tpu.memory_space<hbm>> -> memref<1x1x128xi32, #tpu.memory_space<hbm>>
      %dma_start3A_1116 = tpu.memref_squeeze %dma_start3A_1115 : memref<1x1x128xi32, #tpu.memory_space<hbm>> -> memref<128xi32, #tpu.memory_space<hbm>>
      tpu.enqueue_dma source(%dma_start3A_1116 : memref<128xi32, #tpu.memory_space<hbm>>) target(%dma_start3A_1113 : memref<128xi32, #tpu.memory_space<vmem>>) target_semaphore(%run_scoped3A_1104 : memref<!tpu.dma_semaphore, #tpu.memory_space<semaphore_mem>>)
      %dma_wait3A = arith.constant 0 : i32
      %dma_wait3A_1117 = tpu.memref_slice %arg7[%run_scoped3A_1069, %dma_wait3A] : memref<2x128xi32, #tpu.memory_space<vmem>> -> memref<1x128xi32, #tpu.memory_space<vmem>>
      %dma_wait3A_1118 = tpu.memref_squeeze %dma_wait3A_1117 : memref<1x128xi32, #tpu.memory_space<vmem>> -> memref<128xi32, #tpu.memory_space<vmem>>
      %dma_wait3A_1119 = arith.constant 0 : i32
      %dma_wait3A_1120 = tpu.memref_slice %arg4[%add3A, %run_scoped3A_1068, %dma_wait3A_1119] : memref<32x80x128xi32, #tpu.memory_space<hbm>> -> memref<1x1x128xi32, #tpu.memory_space<hbm>>
      %dma_wait3A_1121 = tpu.memref_squeeze %dma_wait3A_1120 : memref<1x1x128xi32, #tpu.memory_space<hbm>> -> memref<128xi32, #tpu.memory_space<hbm>>
      %dma_wait3A_1122 = arith.constant 0 : i32
      %dma_wait3A_1123 = tpu.memref_slice %arg7[%run_scoped3A_1069, %dma_wait3A_1122] : memref<2x128xi32, #tpu.memory_space<vmem>> -> memref<1x128xi32, #tpu.memory_space<vmem>>
      %dma_wait3A_1124 = tpu.memref_squeeze %dma_wait3A_1123 : memref<1x128xi32, #tpu.memory_space<vmem>> -> memref<128xi32, #tpu.memory_space<vmem>>
      %dma_wait3A_1125 = arith.constant 0 : i32
      %dma_wait3A_1126 = tpu.memref_slice %arg4[%add3A, %run_scoped3A_1068, %dma_wait3A_1125] : memref<32x80x128xi32, #tpu.memory_space<hbm>> -> memref<1x1x128xi32, #tpu.memory_space<hbm>>
      %dma_wait3A_1127 = tpu.memref_squeeze %dma_wait3A_1126 : memref<1x1x128xi32, #tpu.memory_space<hbm>> -> memref<128xi32, #tpu.memory_space<hbm>>
      tpu.wait_dma2 semaphore(%run_scoped3A_1104 : memref<!tpu.dma_semaphore, #tpu.memory_space<semaphore_mem>>) src(%dma_wait3A_1127 : memref<128xi32, #tpu.memory_space<hbm>>) dst(%dma_wait3A_1124 : memref<128xi32, #tpu.memory_space<vmem>>)
      tpu.yield
    }) : () -> ()
    %dma_start3A = arith.constant 0 : i32
    %dma_start3A_1070 = arith.constant 0 : i32
    %dma_start3A_1071 = arith.constant 0 : i32
    %dma_start3A_1072 = arith.constant 0 : i32
    %dma_start3A_1073 = tpu.memref_slice %arg8[%dma_start3A_1070, %dma_start3A_1071, %dma_start3A_1072] : memref<2x128x128xf32, #tpu.memory_space<vmem>> -> memref<1x128x128xf32, #tpu.memory_space<vmem>>
    %dma_start3A_1074 = tpu.memref_squeeze %dma_start3A_1073 : memref<1x128x128xf32, #tpu.memory_space<vmem>> -> memref<128x128xf32, #tpu.memory_space<vmem>>
    %dma_start3A_1075 = arith.constant 0 : i32
    %dma_start3A_1076 = tpu.memref_slice %arg6[%dma_start3A, %dma_start3A_1075] : memref<2x128xi32, #tpu.memory_space<vmem>> -> memref<1x128xi32, #tpu.memory_space<vmem>>
    %dma_start3A_1077 = tpu.memref_squeeze %dma_start3A_1076 : memref<1x128xi32, #tpu.memory_space<vmem>> -> memref<128xi32, #tpu.memory_space<vmem>>
    %dma_start3A_1078 = arith.constant 0 : i32
    %dma_start3A_1079 = arith.constant 0 : i32
    %dma_start3A_1080 = tpu.memref_slice %arg2[%dma_start3A_1078, %dma_start3A_1079] : memref<10240x128xf32, #tpu.memory_space<hbm>> -> memref<10240x128xf32, #tpu.memory_space<hbm>>
    tpu.enqueue_indirect_dma source(%dma_start3A_1080 : memref<10240x128xf32, #tpu.memory_space<hbm>>) target(%dma_start3A_1074 : memref<128x128xf32, #tpu.memory_space<vmem>>) offsets(%dma_start3A_1077 : memref<128xi32, #tpu.memory_space<vmem>>) semaphore(%arg10 : memref<!tpu.dma_semaphore, #tpu.memory_space<semaphore_mem>>)
    %run_scoped3A_1081 = arith.constant 1 : i32
    %run_scoped3A_1082 = arith.constant 1 : i32
    "tpu.region"() ({
      %run_scoped3A_1104 = tpu.sem_alloc : memref<!tpu.dma_semaphore, #tpu.memory_space<semaphore_mem>>
      %dma_start3A_1105 = arith.constant 0 : i32
      %dma_start3A_1106 = tpu.memref_slice %arg6[%run_scoped3A_1082, %dma_start3A_1105] : memref<2x128xi32, #tpu.memory_space<vmem>> -> memref<1x128xi32, #tpu.memory_space<vmem>>
      %dma_start3A_1107 = tpu.memref_squeeze %dma_start3A_1106 : memref<1x128xi32, #tpu.memory_space<vmem>> -> memref<128xi32, #tpu.memory_space<vmem>>
      %dma_start3A_1108 = arith.constant 0 : i32
      %dma_start3A_1109 = tpu.memref_slice %arg3[%add3A, %run_scoped3A_1081, %dma_start3A_1108] : memref<32x80x128xi32, #tpu.memory_space<hbm>> -> memref<1x1x128xi32, #tpu.memory_space<hbm>>
      %dma_start3A_1110 = tpu.memref_squeeze %dma_start3A_1109 : memref<1x1x128xi32, #tpu.memory_space<hbm>> -> memref<128xi32, #tpu.memory_space<hbm>>
      %dma_start3A_1111 = arith.constant 0 : i32
      %dma_start3A_1112 = tpu.memref_slice %arg6[%run_scoped3A_1082, %dma_start3A_1111] : memref<2x128xi32, #tpu.memory_space<vmem>> -> memref<1x128xi32, #tpu.memory_space<vmem>>
      %dma_start3A_1113 = tpu.memref_squeeze %dma_start3A_1112 : memref<1x128xi32, #tpu.memory_space<vmem>> -> memref<128xi32, #tpu.memory_space<vmem>>
      %dma_start3A_1114 = arith.constant 0 : i32
      %dma_start3A_1115 = tpu.memref_slice %arg3[%add3A, %run_scoped3A_1081, %dma_start3A_1114] : memref<32x80x128xi32, #tpu.memory_space<hbm>> -> memref<1x1x128xi32, #tpu.memory_space<hbm>>
      %dma_start3A_1116 = tpu.memref_squeeze %dma_start3A_1115 : memref<1x1x128xi32, #tpu.memory_space<hbm>> -> memref<128xi32, #tpu.memory_space<hbm>>
      tpu.enqueue_dma source(%dma_start3A_1116 : memref<128xi32, #tpu.memory_space<hbm>>) target(%dma_start3A_1113 : memref<128xi32, #tpu.memory_space<vmem>>) target_semaphore(%run_scoped3A_1104 : memref<!tpu.dma_semaphore, #tpu.memory_space<semaphore_mem>>)
      %dma_wait3A = arith.constant 0 : i32
      %dma_wait3A_1117 = tpu.memref_slice %arg6[%run_scoped3A_1082, %dma_wait3A] : memref<2x128xi32, #tpu.memory_space<vmem>> -> memref<1x128xi32, #tpu.memory_space<vmem>>
      %dma_wait3A_1118 = tpu.memref_squeeze %dma_wait3A_1117 : memref<1x128xi32, #tpu.memory_space<vmem>> -> memref<128xi32, #tpu.memory_space<vmem>>
      %dma_wait3A_1119 = arith.constant 0 : i32
      %dma_wait3A_1120 = tpu.memref_slice %arg3[%add3A, %run_scoped3A_1081, %dma_wait3A_1119] : memref<32x80x128xi32, #tpu.memory_space<hbm>> -> memref<1x1x128xi32, #tpu.memory_space<hbm>>
      %dma_wait3A_1121 = tpu.memref_squeeze %dma_wait3A_1120 : memref<1x1x128xi32, #tpu.memory_space<hbm>> -> memref<128xi32, #tpu.memory_space<hbm>>
      %dma_wait3A_1122 = arith.constant 0 : i32
      %dma_wait3A_1123 = tpu.memref_slice %arg6[%run_scoped3A_1082, %dma_wait3A_1122] : memref<2x128xi32, #tpu.memory_space<vmem>> -> memref<1x128xi32, #tpu.memory_space<vmem>>
      %dma_wait3A_1124 = tpu.memref_squeeze %dma_wait3A_1123 : memref<1x128xi32, #tpu.memory_space<vmem>> -> memref<128xi32, #tpu.memory_space<vmem>>
      %dma_wait3A_1125 = arith.constant 0 : i32
      %dma_wait3A_1126 = tpu.memref_slice %arg3[%add3A, %run_scoped3A_1081, %dma_wait3A_1125] : memref<32x80x128xi32, #tpu.memory_space<hbm>> -> memref<1x1x128xi32, #tpu.memory_space<hbm>>
      %dma_wait3A_1127 = tpu.memref_squeeze %dma_wait3A_1126 : memref<1x1x128xi32, #tpu.memory_space<hbm>> -> memref<128xi32, #tpu.memory_space<hbm>>
      tpu.wait_dma2 semaphore(%run_scoped3A_1104 : memref<!tpu.dma_semaphore, #tpu.memory_space<semaphore_mem>>) src(%dma_wait3A_1127 : memref<128xi32, #tpu.memory_space<hbm>>) dst(%dma_wait3A_1124 : memref<128xi32, #tpu.memory_space<vmem>>)
      tpu.yield
    }) : () -> ()
    %run_scoped3A_1083 = arith.constant 1 : i32
    %run_scoped3A_1084 = arith.constant 1 : i32
    "tpu.region"() ({
      %run_scoped3A_1104 = tpu.sem_alloc : memref<!tpu.dma_semaphore, #tpu.memory_space<semaphore_mem>>
      %dma_start3A_1105 = arith.constant 0 : i32
      %dma_start3A_1106 = tpu.memref_slice %arg7[%run_scoped3A_1084, %dma_start3A_1105] : memref<2x128xi32, #tpu.memory_space<vmem>> -> memref<1x128xi32, #tpu.memory_space<vmem>>
      %dma_start3A_1107 = tpu.memref_squeeze %dma_start3A_1106 : memref<1x128xi32, #tpu.memory_space<vmem>> -> memref<128xi32, #tpu.memory_space<vmem>>
      %dma_start3A_1108 = arith.constant 0 : i32
      %dma_start3A_1109 = tpu.memref_slice %arg4[%add3A, %run_scoped3A_1083, %dma_start3A_1108] : memref<32x80x128xi32, #tpu.memory_space<hbm>> -> memref<1x1x128xi32, #tpu.memory_space<hbm>>
      %dma_start3A_1110 = tpu.memref_squeeze %dma_start3A_1109 : memref<1x1x128xi32, #tpu.memory_space<hbm>> -> memref<128xi32, #tpu.memory_space<hbm>>
      %dma_start3A_1111 = arith.constant 0 : i32
      %dma_start3A_1112 = tpu.memref_slice %arg7[%run_scoped3A_1084, %dma_start3A_1111] : memref<2x128xi32, #tpu.memory_space<vmem>> -> memref<1x128xi32, #tpu.memory_space<vmem>>
      %dma_start3A_1113 = tpu.memref_squeeze %dma_start3A_1112 : memref<1x128xi32, #tpu.memory_space<vmem>> -> memref<128xi32, #tpu.memory_space<vmem>>
      %dma_start3A_1114 = arith.constant 0 : i32
      %dma_start3A_1115 = tpu.memref_slice %arg4[%add3A, %run_scoped3A_1083, %dma_start3A_1114] : memref<32x80x128xi32, #tpu.memory_space<hbm>> -> memref<1x1x128xi32, #tpu.memory_space<hbm>>
      %dma_start3A_1116 = tpu.memref_squeeze %dma_start3A_1115 : memref<1x1x128xi32, #tpu.memory_space<hbm>> -> memref<128xi32, #tpu.memory_space<hbm>>
      tpu.enqueue_dma source(%dma_start3A_1116 : memref<128xi32, #tpu.memory_space<hbm>>) target(%dma_start3A_1113 : memref<128xi32, #tpu.memory_space<vmem>>) target_semaphore(%run_scoped3A_1104 : memref<!tpu.dma_semaphore, #tpu.memory_space<semaphore_mem>>)
      %dma_wait3A = arith.constant 0 : i32
      %dma_wait3A_1117 = tpu.memref_slice %arg7[%run_scoped3A_1084, %dma_wait3A] : memref<2x128xi32, #tpu.memory_space<vmem>> -> memref<1x128xi32, #tpu.memory_space<vmem>>
      %dma_wait3A_1118 = tpu.memref_squeeze %dma_wait3A_1117 : memref<1x128xi32, #tpu.memory_space<vmem>> -> memref<128xi32, #tpu.memory_space<vmem>>
      %dma_wait3A_1119 = arith.constant 0 : i32
      %dma_wait3A_1120 = tpu.memref_slice %arg4[%add3A, %run_scoped3A_1083, %dma_wait3A_1119] : memref<32x80x128xi32, #tpu.memory_space<hbm>> -> memref<1x1x128xi32, #tpu.memory_space<hbm>>
      %dma_wait3A_1121 = tpu.memref_squeeze %dma_wait3A_1120 : memref<1x1x128xi32, #tpu.memory_space<hbm>> -> memref<128xi32, #tpu.memory_space<hbm>>
      %dma_wait3A_1122 = arith.constant 0 : i32
      %dma_wait3A_1123 = tpu.memref_slice %arg7[%run_scoped3A_1084, %dma_wait3A_1122] : memref<2x128xi32, #tpu.memory_space<vmem>> -> memref<1x128xi32, #tpu.memory_space<vmem>>
      %dma_wait3A_1124 = tpu.memref_squeeze %dma_wait3A_1123 : memref<1x128xi32, #tpu.memory_space<vmem>> -> memref<128xi32, #tpu.memory_space<vmem>>
      %dma_wait3A_1125 = arith.constant 0 : i32
      %dma_wait3A_1126 = tpu.memref_slice %arg4[%add3A, %run_scoped3A_1083, %dma_wait3A_1125] : memref<32x80x128xi32, #tpu.memory_space<hbm>> -> memref<1x1x128xi32, #tpu.memory_space<hbm>>
      %dma_wait3A_1127 = tpu.memref_squeeze %dma_wait3A_1126 : memref<1x1x128xi32, #tpu.memory_space<hbm>> -> memref<128xi32, #tpu.memory_space<hbm>>
      tpu.wait_dma2 semaphore(%run_scoped3A_1104 : memref<!tpu.dma_semaphore, #tpu.memory_space<semaphore_mem>>) src(%dma_wait3A_1127 : memref<128xi32, #tpu.memory_space<hbm>>) dst(%dma_wait3A_1124 : memref<128xi32, #tpu.memory_space<vmem>>)
      tpu.yield
    }) : () -> ()
    %dma_start3A_1085 = arith.constant 1 : i32
    %dma_start3A_1086 = arith.constant 1 : i32
    %dma_start3A_1087 = arith.constant 0 : i32
    %dma_start3A_1088 = arith.constant 0 : i32
    %dma_start3A_1089 = tpu.memref_slice %arg8[%dma_start3A_1086, %dma_start3A_1087, %dma_start3A_1088] : memref<2x128x128xf32, #tpu.memory_space<vmem>> -> memref<1x128x128xf32, #tpu.memory_space<vmem>>
    %dma_start3A_1090 = tpu.memref_squeeze %dma_start3A_1089 : memref<1x128x128xf32, #tpu.memory_space<vmem>> -> memref<128x128xf32, #tpu.memory_space<vmem>>
    %dma_start3A_1091 = arith.constant 0 : i32
    %dma_start3A_1092 = tpu.memref_slice %arg6[%dma_start3A_1085, %dma_start3A_1091] : memref<2x128xi32, #tpu.memory_space<vmem>> -> memref<1x128xi32, #tpu.memory_space<vmem>>
    %dma_start3A_1093 = tpu.memref_squeeze %dma_start3A_1092 : memref<1x128xi32, #tpu.memory_space<vmem>> -> memref<128xi32, #tpu.memory_space<vmem>>
    %dma_start3A_1094 = arith.constant 0 : i32
    %dma_start3A_1095 = arith.constant 0 : i32
    %dma_start3A_1096 = tpu.memref_slice %arg2[%dma_start3A_1094, %dma_start3A_1095] : memref<10240x128xf32, #tpu.memory_space<hbm>> -> memref<10240x128xf32, #tpu.memory_space<hbm>>
    tpu.enqueue_indirect_dma source(%dma_start3A_1096 : memref<10240x128xf32, #tpu.memory_space<hbm>>) target(%dma_start3A_1090 : memref<128x128xf32, #tpu.memory_space<vmem>>) offsets(%dma_start3A_1093 : memref<128xi32, #tpu.memory_space<vmem>>) semaphore(%arg11 : memref<!tpu.dma_semaphore, #tpu.memory_space<semaphore_mem>>)
    %scan3A = arith.constant 0 : i32
    %scan3A_1097 = arith.constant 0 : i32
    %scan3A_1098 = arith.constant 40 : i32
    %scan3A_1099 = arith.addi %scan3A_1097, %scan3A_1098 : i32
    %scan3A_1100 = arith.constant 1 : i32
    %scan3A_1101 = scf.for %scan3A_1104 = %scan3A_1097 to %scan3A_1099 step %scan3A_1100 iter_args(%scan3A_1105 = %scan3A) -> (i32)  : i32 {
      %mul3A_1106 = arith.constant 2 : i32
      %mul3A_1107 = arith.muli %scan3A_1104, %mul3A_1106 : i32
      %add3A_1108 = arith.constant 0 : i32
      %add3A_1109 = arith.addi %mul3A_1107, %add3A_1108 : i32
      %dma_wait3A = arith.constant 0 : i32
      %dma_wait3A_1110 = arith.constant 0 : i32
      %dma_wait3A_1111 = arith.constant 0 : i32
      %dma_wait3A_1112 = arith.constant 0 : i32
      %dma_wait3A_1113 = tpu.memref_slice %arg8[%dma_wait3A_1110, %dma_wait3A_1111, %dma_wait3A_1112] : memref<2x128x128xf32, #tpu.memory_space<vmem>> -> memref<1x128x128xf32, #tpu.memory_space<vmem>>
      %dma_wait3A_1114 = tpu.memref_squeeze %dma_wait3A_1113 : memref<1x128x128xf32, #tpu.memory_space<vmem>> -> memref<128x128xf32, #tpu.memory_space<vmem>>
      %dma_wait3A_1115 = arith.constant 0 : i32
      %dma_wait3A_1116 = tpu.memref_slice %arg6[%dma_wait3A, %dma_wait3A_1115] : memref<2x128xi32, #tpu.memory_space<vmem>> -> memref<1x128xi32, #tpu.memory_space<vmem>>
      %dma_wait3A_1117 = tpu.memref_squeeze %dma_wait3A_1116 : memref<1x128xi32, #tpu.memory_space<vmem>> -> memref<128xi32, #tpu.memory_space<vmem>>
      %dma_wait3A_1118 = arith.constant 0 : i32
      %dma_wait3A_1119 = arith.constant 0 : i32
      %dma_wait3A_1120 = tpu.memref_slice %arg2[%dma_wait3A_1118, %dma_wait3A_1119] : memref<10240x128xf32, #tpu.memory_space<hbm>> -> memref<10240x128xf32, #tpu.memory_space<hbm>>
      tpu.wait_indirect_dma semaphore(%arg10 : memref<!tpu.dma_semaphore, #tpu.memory_space<semaphore_mem>>) src(%dma_wait3A_1120 : memref<10240x128xf32, #tpu.memory_space<hbm>>) dst(%dma_wait3A_1114 : memref<128x128xf32, #tpu.memory_space<vmem>>)
      %add3A_1121 = arith.constant 2 : i32
      %add3A_1122 = arith.addi %add3A_1109, %add3A_1121 : i32
      %lt3A = arith.constant 80 : i32
      %lt3A_1123 = arith.cmpi slt, %add3A_1122, %lt3A : i32
      %convert_element_type3A = arith.extui %lt3A_1123 : i1 to i32
      %cond3A = arith.constant 0 : i32
      %cond3A_1124 = arith.cmpi ne, %convert_element_type3A, %cond3A : i32
      scf.if %cond3A_1124 {
        %add3A_1149 = arith.constant 2 : i32
        %add3A_1150 = arith.addi %add3A_1109, %add3A_1149 : i32
        %run_scoped3A_1151 = arith.constant 0 : i32
        "tpu.region"() ({
          %run_scoped3A_1165 = tpu.sem_alloc : memref<!tpu.dma_semaphore, #tpu.memory_space<semaphore_mem>>
          %dma_start3A_1166 = arith.constant 0 : i32
          %dma_start3A_1167 = tpu.memref_slice %arg6[%run_scoped3A_1151, %dma_start3A_1166] : memref<2x128xi32, #tpu.memory_space<vmem>> -> memref<1x128xi32, #tpu.memory_space<vmem>>
          %dma_start3A_1168 = tpu.memref_squeeze %dma_start3A_1167 : memref<1x128xi32, #tpu.memory_space<vmem>> -> memref<128xi32, #tpu.memory_space<vmem>>
          %dma_start3A_1169 = arith.constant 0 : i32
          %dma_start3A_1170 = tpu.memref_slice %arg3[%add3A, %add3A_1150, %dma_start3A_1169] : memref<32x80x128xi32, #tpu.memory_space<hbm>> -> memref<1x1x128xi32, #tpu.memory_space<hbm>>
          %dma_start3A_1171 = tpu.memref_squeeze %dma_start3A_1170 : memref<1x1x128xi32, #tpu.memory_space<hbm>> -> memref<128xi32, #tpu.memory_space<hbm>>
          %dma_start3A_1172 = arith.constant 0 : i32
          %dma_start3A_1173 = tpu.memref_slice %arg6[%run_scoped3A_1151, %dma_start3A_1172] : memref<2x128xi32, #tpu.memory_space<vmem>> -> memref<1x128xi32, #tpu.memory_space<vmem>>
          %dma_start3A_1174 = tpu.memref_squeeze %dma_start3A_1173 : memref<1x128xi32, #tpu.memory_space<vmem>> -> memref<128xi32, #tpu.memory_space<vmem>>
          %dma_start3A_1175 = arith.constant 0 : i32
          %dma_start3A_1176 = tpu.memref_slice %arg3[%add3A, %add3A_1150, %dma_start3A_1175] : memref<32x80x128xi32, #tpu.memory_space<hbm>> -> memref<1x1x128xi32, #tpu.memory_space<hbm>>
          %dma_start3A_1177 = tpu.memref_squeeze %dma_start3A_1176 : memref<1x1x128xi32, #tpu.memory_space<hbm>> -> memref<128xi32, #tpu.memory_space<hbm>>
          tpu.enqueue_dma source(%dma_start3A_1177 : memref<128xi32, #tpu.memory_space<hbm>>) target(%dma_start3A_1174 : memref<128xi32, #tpu.memory_space<vmem>>) target_semaphore(%run_scoped3A_1165 : memref<!tpu.dma_semaphore, #tpu.memory_space<semaphore_mem>>)
          %dma_wait3A_1178 = arith.constant 0 : i32
          %dma_wait3A_1179 = tpu.memref_slice %arg6[%run_scoped3A_1151, %dma_wait3A_1178] : memref<2x128xi32, #tpu.memory_space<vmem>> -> memref<1x128xi32, #tpu.memory_space<vmem>>
          %dma_wait3A_1180 = tpu.memref_squeeze %dma_wait3A_1179 : memref<1x128xi32, #tpu.memory_space<vmem>> -> memref<128xi32, #tpu.memory_space<vmem>>
          %dma_wait3A_1181 = arith.constant 0 : i32
          %dma_wait3A_1182 = tpu.memref_slice %arg3[%add3A, %add3A_1150, %dma_wait3A_1181] : memref<32x80x128xi32, #tpu.memory_space<hbm>> -> memref<1x1x128xi32, #tpu.memory_space<hbm>>
          %dma_wait3A_1183 = tpu.memref_squeeze %dma_wait3A_1182 : memref<1x1x128xi32, #tpu.memory_space<hbm>> -> memref<128xi32, #tpu.memory_space<hbm>>
          %dma_wait3A_1184 = arith.constant 0 : i32
          %dma_wait3A_1185 = tpu.memref_slice %arg6[%run_scoped3A_1151, %dma_wait3A_1184] : memref<2x128xi32, #tpu.memory_space<vmem>> -> memref<1x128xi32, #tpu.memory_space<vmem>>
          %dma_wait3A_1186 = tpu.memref_squeeze %dma_wait3A_1185 : memref<1x128xi32, #tpu.memory_space<vmem>> -> memref<128xi32, #tpu.memory_space<vmem>>
          %dma_wait3A_1187 = arith.constant 0 : i32
          %dma_wait3A_1188 = tpu.memref_slice %arg3[%add3A, %add3A_1150, %dma_wait3A_1187] : memref<32x80x128xi32, #tpu.memory_space<hbm>> -> memref<1x1x128xi32, #tpu.memory_space<hbm>>
          %dma_wait3A_1189 = tpu.memref_squeeze %dma_wait3A_1188 : memref<1x1x128xi32, #tpu.memory_space<hbm>> -> memref<128xi32, #tpu.memory_space<hbm>>
          tpu.wait_dma2 semaphore(%run_scoped3A_1165 : memref<!tpu.dma_semaphore, #tpu.memory_space<semaphore_mem>>) src(%dma_wait3A_1189 : memref<128xi32, #tpu.memory_space<hbm>>) dst(%dma_wait3A_1186 : memref<128xi32, #tpu.memory_space<vmem>>)
          tpu.yield
        }) : () -> ()
        %run_scoped3A_1152 = arith.constant 0 : i32
        "tpu.region"() ({
          %run_scoped3A_1165 = tpu.sem_alloc : memref<!tpu.dma_semaphore, #tpu.memory_space<semaphore_mem>>
          %dma_start3A_1166 = arith.constant 0 : i32
          %dma_start3A_1167 = tpu.memref_slice %arg7[%run_scoped3A_1152, %dma_start3A_1166] : memref<2x128xi32, #tpu.memory_space<vmem>> -> memref<1x128xi32, #tpu.memory_space<vmem>>
          %dma_start3A_1168 = tpu.memref_squeeze %dma_start3A_1167 : memref<1x128xi32, #tpu.memory_space<vmem>> -> memref<128xi32, #tpu.memory_space<vmem>>
          %dma_start3A_1169 = arith.constant 0 : i32
          %dma_start3A_1170 = tpu.memref_slice %arg4[%add3A, %add3A_1150, %dma_start3A_1169] : memref<32x80x128xi32, #tpu.memory_space<hbm>> -> memref<1x1x128xi32, #tpu.memory_space<hbm>>
          %dma_start3A_1171 = tpu.memref_squeeze %dma_start3A_1170 : memref<1x1x128xi32, #tpu.memory_space<hbm>> -> memref<128xi32, #tpu.memory_space<hbm>>
          %dma_start3A_1172 = arith.constant 0 : i32
          %dma_start3A_1173 = tpu.memref_slice %arg7[%run_scoped3A_1152, %dma_start3A_1172] : memref<2x128xi32, #tpu.memory_space<vmem>> -> memref<1x128xi32, #tpu.memory_space<vmem>>
          %dma_start3A_1174 = tpu.memref_squeeze %dma_start3A_1173 : memref<1x128xi32, #tpu.memory_space<vmem>> -> memref<128xi32, #tpu.memory_space<vmem>>
          %dma_start3A_1175 = arith.constant 0 : i32
          %dma_start3A_1176 = tpu.memref_slice %arg4[%add3A, %add3A_1150, %dma_start3A_1175] : memref<32x80x128xi32, #tpu.memory_space<hbm>> -> memref<1x1x128xi32, #tpu.memory_space<hbm>>
          %dma_start3A_1177 = tpu.memref_squeeze %dma_start3A_1176 : memref<1x1x128xi32, #tpu.memory_space<hbm>> -> memref<128xi32, #tpu.memory_space<hbm>>
          tpu.enqueue_dma source(%dma_start3A_1177 : memref<128xi32, #tpu.memory_space<hbm>>) target(%dma_start3A_1174 : memref<128xi32, #tpu.memory_space<vmem>>) target_semaphore(%run_scoped3A_1165 : memref<!tpu.dma_semaphore, #tpu.memory_space<semaphore_mem>>)
          %dma_wait3A_1178 = arith.constant 0 : i32
          %dma_wait3A_1179 = tpu.memref_slice %arg7[%run_scoped3A_1152, %dma_wait3A_1178] : memref<2x128xi32, #tpu.memory_space<vmem>> -> memref<1x128xi32, #tpu.memory_space<vmem>>
          %dma_wait3A_1180 = tpu.memref_squeeze %dma_wait3A_1179 : memref<1x128xi32, #tpu.memory_space<vmem>> -> memref<128xi32, #tpu.memory_space<vmem>>
          %dma_wait3A_1181 = arith.constant 0 : i32
          %dma_wait3A_1182 = tpu.memref_slice %arg4[%add3A, %add3A_1150, %dma_wait3A_1181] : memref<32x80x128xi32, #tpu.memory_space<hbm>> -> memref<1x1x128xi32, #tpu.memory_space<hbm>>
          %dma_wait3A_1183 = tpu.memref_squeeze %dma_wait3A_1182 : memref<1x1x128xi32, #tpu.memory_space<hbm>> -> memref<128xi32, #tpu.memory_space<hbm>>
          %dma_wait3A_1184 = arith.constant 0 : i32
          %dma_wait3A_1185 = tpu.memref_slice %arg7[%run_scoped3A_1152, %dma_wait3A_1184] : memref<2x128xi32, #tpu.memory_space<vmem>> -> memref<1x128xi32, #tpu.memory_space<vmem>>
          %dma_wait3A_1186 = tpu.memref_squeeze %dma_wait3A_1185 : memref<1x128xi32, #tpu.memory_space<vmem>> -> memref<128xi32, #tpu.memory_space<vmem>>
          %dma_wait3A_1187 = arith.constant 0 : i32
          %dma_wait3A_1188 = tpu.memref_slice %arg4[%add3A, %add3A_1150, %dma_wait3A_1187] : memref<32x80x128xi32, #tpu.memory_space<hbm>> -> memref<1x1x128xi32, #tpu.memory_space<hbm>>
          %dma_wait3A_1189 = tpu.memref_squeeze %dma_wait3A_1188 : memref<1x1x128xi32, #tpu.memory_space<hbm>> -> memref<128xi32, #tpu.memory_space<hbm>>
          tpu.wait_dma2 semaphore(%run_scoped3A_1165 : memref<!tpu.dma_semaphore, #tpu.memory_space<semaphore_mem>>) src(%dma_wait3A_1189 : memref<128xi32, #tpu.memory_space<hbm>>) dst(%dma_wait3A_1186 : memref<128xi32, #tpu.memory_space<vmem>>)
          tpu.yield
        }) : () -> ()
        %dma_start3A_1153 = arith.constant 0 : i32
        %dma_start3A_1154 = arith.constant 0 : i32
        %dma_start3A_1155 = arith.constant 0 : i32
        %dma_start3A_1156 = arith.constant 0 : i32
        %dma_start3A_1157 = tpu.memref_slice %arg8[%dma_start3A_1154, %dma_start3A_1155, %dma_start3A_1156] : memref<2x128x128xf32, #tpu.memory_space<vmem>> -> memref<1x128x128xf32, #tpu.memory_space<vmem>>
        %dma_start3A_1158 = tpu.memref_squeeze %dma_start3A_1157 : memref<1x128x128xf32, #tpu.memory_space<vmem>> -> memref<128x128xf32, #tpu.memory_space<vmem>>
        %dma_start3A_1159 = arith.constant 0 : i32
        %dma_start3A_1160 = tpu.memref_slice %arg6[%dma_start3A_1153, %dma_start3A_1159] : memref<2x128xi32, #tpu.memory_space<vmem>> -> memref<1x128xi32, #tpu.memory_space<vmem>>
        %dma_start3A_1161 = tpu.memref_squeeze %dma_start3A_1160 : memref<1x128xi32, #tpu.memory_space<vmem>> -> memref<128xi32, #tpu.memory_space<vmem>>
        %dma_start3A_1162 = arith.constant 0 : i32
        %dma_start3A_1163 = arith.constant 0 : i32
        %dma_start3A_1164 = tpu.memref_slice %arg2[%dma_start3A_1162, %dma_start3A_1163] : memref<10240x128xf32, #tpu.memory_space<hbm>> -> memref<10240x128xf32, #tpu.memory_space<hbm>>
        tpu.enqueue_indirect_dma source(%dma_start3A_1164 : memref<10240x128xf32, #tpu.memory_space<hbm>>) target(%dma_start3A_1158 : memref<128x128xf32, #tpu.memory_space<vmem>>) offsets(%dma_start3A_1161 : memref<128xi32, #tpu.memory_space<vmem>>) semaphore(%arg10 : memref<!tpu.dma_semaphore, #tpu.memory_space<semaphore_mem>>)
      } else {
      }
      %mul3A_1125 = arith.constant 2 : i32
      %mul3A_1126 = arith.muli %scan3A_1104, %mul3A_1125 : i32
      %add3A_1127 = arith.constant 1 : i32
      %add3A_1128 = arith.addi %mul3A_1126, %add3A_1127 : i32
      %dma_wait3A_1129 = arith.constant 1 : i32
      %dma_wait3A_1130 = arith.constant 1 : i32
      %dma_wait3A_1131 = arith.constant 0 : i32
      %dma_wait3A_1132 = arith.constant 0 : i32
      %dma_wait3A_1133 = tpu.memref_slice %arg8[%dma_wait3A_1130, %dma_wait3A_1131, %dma_wait3A_1132] : memref<2x128x128xf32, #tpu.memory_space<vmem>> -> memref<1x128x128xf32, #tpu.memory_space<vmem>>
      %dma_wait3A_1134 = tpu.memref_squeeze %dma_wait3A_1133 : memref<1x128x128xf32, #tpu.memory_space<vmem>> -> memref<128x128xf32, #tpu.memory_space<vmem>>
      %dma_wait3A_1135 = arith.constant 0 : i32
      %dma_wait3A_1136 = tpu.memref_slice %arg6[%dma_wait3A_1129, %dma_wait3A_1135] : memref<2x128xi32, #tpu.memory_space<vmem>> -> memref<1x128xi32, #tpu.memory_space<vmem>>
      %dma_wait3A_1137 = tpu.memref_squeeze %dma_wait3A_1136 : memref<1x128xi32, #tpu.memory_space<vmem>> -> memref<128xi32, #tpu.memory_space<vmem>>
      %dma_wait3A_1138 = arith.constant 0 : i32
      %dma_wait3A_1139 = arith.constant 0 : i32
      %dma_wait3A_1140 = tpu.memref_slice %arg2[%dma_wait3A_1138, %dma_wait3A_1139] : memref<10240x128xf32, #tpu.memory_space<hbm>> -> memref<10240x128xf32, #tpu.memory_space<hbm>>
      tpu.wait_indirect_dma semaphore(%arg11 : memref<!tpu.dma_semaphore, #tpu.memory_space<semaphore_mem>>) src(%dma_wait3A_1140 : memref<10240x128xf32, #tpu.memory_space<hbm>>) dst(%dma_wait3A_1134 : memref<128x128xf32, #tpu.memory_space<vmem>>)
      %add3A_1141 = arith.constant 2 : i32
      %add3A_1142 = arith.addi %add3A_1128, %add3A_1141 : i32
      %lt3A_1143 = arith.constant 80 : i32
      %lt3A_1144 = arith.cmpi slt, %add3A_1142, %lt3A_1143 : i32
      %convert_element_type3A_1145 = arith.extui %lt3A_1144 : i1 to i32
      %cond3A_1146 = arith.constant 0 : i32
      %cond3A_1147 = arith.cmpi ne, %convert_element_type3A_1145, %cond3A_1146 : i32
      scf.if %cond3A_1147 {
        %add3A_1149 = arith.constant 2 : i32
        %add3A_1150 = arith.addi %add3A_1128, %add3A_1149 : i32
        %run_scoped3A_1151 = arith.constant 1 : i32
        "tpu.region"() ({
          %run_scoped3A_1165 = tpu.sem_alloc : memref<!tpu.dma_semaphore, #tpu.memory_space<semaphore_mem>>
          %dma_start3A_1166 = arith.constant 0 : i32
          %dma_start3A_1167 = tpu.memref_slice %arg6[%run_scoped3A_1151, %dma_start3A_1166] : memref<2x128xi32, #tpu.memory_space<vmem>> -> memref<1x128xi32, #tpu.memory_space<vmem>>
          %dma_start3A_1168 = tpu.memref_squeeze %dma_start3A_1167 : memref<1x128xi32, #tpu.memory_space<vmem>> -> memref<128xi32, #tpu.memory_space<vmem>>
          %dma_start3A_1169 = arith.constant 0 : i32
          %dma_start3A_1170 = tpu.memref_slice %arg3[%add3A, %add3A_1150, %dma_start3A_1169] : memref<32x80x128xi32, #tpu.memory_space<hbm>> -> memref<1x1x128xi32, #tpu.memory_space<hbm>>
          %dma_start3A_1171 = tpu.memref_squeeze %dma_start3A_1170 : memref<1x1x128xi32, #tpu.memory_space<hbm>> -> memref<128xi32, #tpu.memory_space<hbm>>
          %dma_start3A_1172 = arith.constant 0 : i32
          %dma_start3A_1173 = tpu.memref_slice %arg6[%run_scoped3A_1151, %dma_start3A_1172] : memref<2x128xi32, #tpu.memory_space<vmem>> -> memref<1x128xi32, #tpu.memory_space<vmem>>
          %dma_start3A_1174 = tpu.memref_squeeze %dma_start3A_1173 : memref<1x128xi32, #tpu.memory_space<vmem>> -> memref<128xi32, #tpu.memory_space<vmem>>
          %dma_start3A_1175 = arith.constant 0 : i32
          %dma_start3A_1176 = tpu.memref_slice %arg3[%add3A, %add3A_1150, %dma_start3A_1175] : memref<32x80x128xi32, #tpu.memory_space<hbm>> -> memref<1x1x128xi32, #tpu.memory_space<hbm>>
          %dma_start3A_1177 = tpu.memref_squeeze %dma_start3A_1176 : memref<1x1x128xi32, #tpu.memory_space<hbm>> -> memref<128xi32, #tpu.memory_space<hbm>>
          tpu.enqueue_dma source(%dma_start3A_1177 : memref<128xi32, #tpu.memory_space<hbm>>) target(%dma_start3A_1174 : memref<128xi32, #tpu.memory_space<vmem>>) target_semaphore(%run_scoped3A_1165 : memref<!tpu.dma_semaphore, #tpu.memory_space<semaphore_mem>>)
          %dma_wait3A_1178 = arith.constant 0 : i32
          %dma_wait3A_1179 = tpu.memref_slice %arg6[%run_scoped3A_1151, %dma_wait3A_1178] : memref<2x128xi32, #tpu.memory_space<vmem>> -> memref<1x128xi32, #tpu.memory_space<vmem>>
          %dma_wait3A_1180 = tpu.memref_squeeze %dma_wait3A_1179 : memref<1x128xi32, #tpu.memory_space<vmem>> -> memref<128xi32, #tpu.memory_space<vmem>>
          %dma_wait3A_1181 = arith.constant 0 : i32
          %dma_wait3A_1182 = tpu.memref_slice %arg3[%add3A, %add3A_1150, %dma_wait3A_1181] : memref<32x80x128xi32, #tpu.memory_space<hbm>> -> memref<1x1x128xi32, #tpu.memory_space<hbm>>
          %dma_wait3A_1183 = tpu.memref_squeeze %dma_wait3A_1182 : memref<1x1x128xi32, #tpu.memory_space<hbm>> -> memref<128xi32, #tpu.memory_space<hbm>>
          %dma_wait3A_1184 = arith.constant 0 : i32
          %dma_wait3A_1185 = tpu.memref_slice %arg6[%run_scoped3A_1151, %dma_wait3A_1184] : memref<2x128xi32, #tpu.memory_space<vmem>> -> memref<1x128xi32, #tpu.memory_space<vmem>>
          %dma_wait3A_1186 = tpu.memref_squeeze %dma_wait3A_1185 : memref<1x128xi32, #tpu.memory_space<vmem>> -> memref<128xi32, #tpu.memory_space<vmem>>
          %dma_wait3A_1187 = arith.constant 0 : i32
          %dma_wait3A_1188 = tpu.memref_slice %arg3[%add3A, %add3A_1150, %dma_wait3A_1187] : memref<32x80x128xi32, #tpu.memory_space<hbm>> -> memref<1x1x128xi32, #tpu.memory_space<hbm>>
          %dma_wait3A_1189 = tpu.memref_squeeze %dma_wait3A_1188 : memref<1x1x128xi32, #tpu.memory_space<hbm>> -> memref<128xi32, #tpu.memory_space<hbm>>
          tpu.wait_dma2 semaphore(%run_scoped3A_1165 : memref<!tpu.dma_semaphore, #tpu.memory_space<semaphore_mem>>) src(%dma_wait3A_1189 : memref<128xi32, #tpu.memory_space<hbm>>) dst(%dma_wait3A_1186 : memref<128xi32, #tpu.memory_space<vmem>>)
          tpu.yield
        }) : () -> ()
        %run_scoped3A_1152 = arith.constant 1 : i32
        "tpu.region"() ({
          %run_scoped3A_1165 = tpu.sem_alloc : memref<!tpu.dma_semaphore, #tpu.memory_space<semaphore_mem>>
          %dma_start3A_1166 = arith.constant 0 : i32
          %dma_start3A_1167 = tpu.memref_slice %arg7[%run_scoped3A_1152, %dma_start3A_1166] : memref<2x128xi32, #tpu.memory_space<vmem>> -> memref<1x128xi32, #tpu.memory_space<vmem>>
          %dma_start3A_1168 = tpu.memref_squeeze %dma_start3A_1167 : memref<1x128xi32, #tpu.memory_space<vmem>> -> memref<128xi32, #tpu.memory_space<vmem>>
          %dma_start3A_1169 = arith.constant 0 : i32
          %dma_start3A_1170 = tpu.memref_slice %arg4[%add3A, %add3A_1150, %dma_start3A_1169] : memref<32x80x128xi32, #tpu.memory_space<hbm>> -> memref<1x1x128xi32, #tpu.memory_space<hbm>>
          %dma_start3A_1171 = tpu.memref_squeeze %dma_start3A_1170 : memref<1x1x128xi32, #tpu.memory_space<hbm>> -> memref<128xi32, #tpu.memory_space<hbm>>
          %dma_start3A_1172 = arith.constant 0 : i32
          %dma_start3A_1173 = tpu.memref_slice %arg7[%run_scoped3A_1152, %dma_start3A_1172] : memref<2x128xi32, #tpu.memory_space<vmem>> -> memref<1x128xi32, #tpu.memory_space<vmem>>
          %dma_start3A_1174 = tpu.memref_squeeze %dma_start3A_1173 : memref<1x128xi32, #tpu.memory_space<vmem>> -> memref<128xi32, #tpu.memory_space<vmem>>
          %dma_start3A_1175 = arith.constant 0 : i32
          %dma_start3A_1176 = tpu.memref_slice %arg4[%add3A, %add3A_1150, %dma_start3A_1175] : memref<32x80x128xi32, #tpu.memory_space<hbm>> -> memref<1x1x128xi32, #tpu.memory_space<hbm>>
          %dma_start3A_1177 = tpu.memref_squeeze %dma_start3A_1176 : memref<1x1x128xi32, #tpu.memory_space<hbm>> -> memref<128xi32, #tpu.memory_space<hbm>>
          tpu.enqueue_dma source(%dma_start3A_1177 : memref<128xi32, #tpu.memory_space<hbm>>) target(%dma_start3A_1174 : memref<128xi32, #tpu.memory_space<vmem>>) target_semaphore(%run_scoped3A_1165 : memref<!tpu.dma_semaphore, #tpu.memory_space<semaphore_mem>>)
          %dma_wait3A_1178 = arith.constant 0 : i32
          %dma_wait3A_1179 = tpu.memref_slice %arg7[%run_scoped3A_1152, %dma_wait3A_1178] : memref<2x128xi32, #tpu.memory_space<vmem>> -> memref<1x128xi32, #tpu.memory_space<vmem>>
          %dma_wait3A_1180 = tpu.memref_squeeze %dma_wait3A_1179 : memref<1x128xi32, #tpu.memory_space<vmem>> -> memref<128xi32, #tpu.memory_space<vmem>>
          %dma_wait3A_1181 = arith.constant 0 : i32
          %dma_wait3A_1182 = tpu.memref_slice %arg4[%add3A, %add3A_1150, %dma_wait3A_1181] : memref<32x80x128xi32, #tpu.memory_space<hbm>> -> memref<1x1x128xi32, #tpu.memory_space<hbm>>
          %dma_wait3A_1183 = tpu.memref_squeeze %dma_wait3A_1182 : memref<1x1x128xi32, #tpu.memory_space<hbm>> -> memref<128xi32, #tpu.memory_space<hbm>>
          %dma_wait3A_1184 = arith.constant 0 : i32
          %dma_wait3A_1185 = tpu.memref_slice %arg7[%run_scoped3A_1152, %dma_wait3A_1184] : memref<2x128xi32, #tpu.memory_space<vmem>> -> memref<1x128xi32, #tpu.memory_space<vmem>>
          %dma_wait3A_1186 = tpu.memref_squeeze %dma_wait3A_1185 : memref<1x128xi32, #tpu.memory_space<vmem>> -> memref<128xi32, #tpu.memory_space<vmem>>
          %dma_wait3A_1187 = arith.constant 0 : i32
          %dma_wait3A_1188 = tpu.memref_slice %arg4[%add3A, %add3A_1150, %dma_wait3A_1187] : memref<32x80x128xi32, #tpu.memory_space<hbm>> -> memref<1x1x128xi32, #tpu.memory_space<hbm>>
          %dma_wait3A_1189 = tpu.memref_squeeze %dma_wait3A_1188 : memref<1x1x128xi32, #tpu.memory_space<hbm>> -> memref<128xi32, #tpu.memory_space<hbm>>
          tpu.wait_dma2 semaphore(%run_scoped3A_1165 : memref<!tpu.dma_semaphore, #tpu.memory_space<semaphore_mem>>) src(%dma_wait3A_1189 : memref<128xi32, #tpu.memory_space<hbm>>) dst(%dma_wait3A_1186 : memref<128xi32, #tpu.memory_space<vmem>>)
          tpu.yield
        }) : () -> ()
        %dma_start3A_1153 = arith.constant 1 : i32
        %dma_start3A_1154 = arith.constant 1 : i32
        %dma_start3A_1155 = arith.constant 0 : i32
        %dma_start3A_1156 = arith.constant 0 : i32
        %dma_start3A_1157 = tpu.memref_slice %arg8[%dma_start3A_1154, %dma_start3A_1155, %dma_start3A_1156] : memref<2x128x128xf32, #tpu.memory_space<vmem>> -> memref<1x128x128xf32, #tpu.memory_space<vmem>>
        %dma_start3A_1158 = tpu.memref_squeeze %dma_start3A_1157 : memref<1x128x128xf32, #tpu.memory_space<vmem>> -> memref<128x128xf32, #tpu.memory_space<vmem>>
        %dma_start3A_1159 = arith.constant 0 : i32
        %dma_start3A_1160 = tpu.memref_slice %arg6[%dma_start3A_1153, %dma_start3A_1159] : memref<2x128xi32, #tpu.memory_space<vmem>> -> memref<1x128xi32, #tpu.memory_space<vmem>>
        %dma_start3A_1161 = tpu.memref_squeeze %dma_start3A_1160 : memref<1x128xi32, #tpu.memory_space<vmem>> -> memref<128xi32, #tpu.memory_space<vmem>>
        %dma_start3A_1162 = arith.constant 0 : i32
        %dma_start3A_1163 = arith.constant 0 : i32
        %dma_start3A_1164 = tpu.memref_slice %arg2[%dma_start3A_1162, %dma_start3A_1163] : memref<10240x128xf32, #tpu.memory_space<hbm>> -> memref<10240x128xf32, #tpu.memory_space<hbm>>
        tpu.enqueue_indirect_dma source(%dma_start3A_1164 : memref<10240x128xf32, #tpu.memory_space<hbm>>) target(%dma_start3A_1158 : memref<128x128xf32, #tpu.memory_space<vmem>>) offsets(%dma_start3A_1161 : memref<128xi32, #tpu.memory_space<vmem>>) semaphore(%arg11 : memref<!tpu.dma_semaphore, #tpu.memory_space<semaphore_mem>>)
      } else {
      }
      %scan3A_1148 = arith.constant 0 : i32
      scf.yield %scan3A_1148 : i32
    }
    %scan3A_1102 = arith.constant 40 : i32
    %barrier3A_1103 = arith.constant 0 : index
    tpu.barrier barrier_id(%barrier3A_1103)
    "tpu.region"() ({
      %run_scoped3A_1104 = tpu.sem_alloc : memref<!tpu.dma_semaphore, #tpu.memory_space<semaphore_mem>>
      %dma_start3A_1105 = arith.constant 0 : i32
      %dma_start3A_1106 = tpu.memref_slice %arg5[%arg0, %mul3A_2, %dma_start3A_1105] : memref<2x10240x128xf32, #tpu.memory_space<hbm>> -> memref<1x640x128xf32, #tpu.memory_space<hbm>>
      %dma_start3A_1107 = tpu.memref_squeeze %dma_start3A_1106 : memref<1x640x128xf32, #tpu.memory_space<hbm>> -> memref<640x128xf32, #tpu.memory_space<hbm>>
      %dma_start3A_1108 = arith.constant 0 : i32
      %dma_start3A_1109 = tpu.memref_slice %arg12[%mul3A_2, %dma_start3A_1108] : memref<10240x128xf32, #tpu.memory_space<vmem_shared>> -> memref<640x128xf32, #tpu.memory_space<vmem_shared>>
      tpu.enqueue_dma source(%dma_start3A_1109 : memref<640x128xf32, #tpu.memory_space<vmem_shared>>) target(%dma_start3A_1107 : memref<640x128xf32, #tpu.memory_space<hbm>>) target_semaphore(%run_scoped3A_1104 : memref<!tpu.dma_semaphore, #tpu.memory_space<semaphore_mem>>)
      %dma_wait3A = arith.constant 0 : i32
      %dma_wait3A_1110 = tpu.memref_slice %arg5[%arg0, %mul3A_2, %dma_wait3A] : memref<2x10240x128xf32, #tpu.memory_space<hbm>> -> memref<1x640x128xf32, #tpu.memory_space<hbm>>
      %dma_wait3A_1111 = tpu.memref_squeeze %dma_wait3A_1110 : memref<1x640x128xf32, #tpu.memory_space<hbm>> -> memref<640x128xf32, #tpu.memory_space<hbm>>
      %dma_wait3A_1112 = arith.constant 0 : i32
      %dma_wait3A_1113 = tpu.memref_slice %arg12[%mul3A_2, %dma_wait3A_1112] : memref<10240x128xf32, #tpu.memory_space<vmem_shared>> -> memref<640x128xf32, #tpu.memory_space<vmem_shared>>
      tpu.wait_dma2 semaphore(%run_scoped3A_1104 : memref<!tpu.dma_semaphore, #tpu.memory_space<semaphore_mem>>) src(%dma_wait3A_1113 : memref<640x128xf32, #tpu.memory_space<vmem_shared>>) dst(%dma_wait3A_1111 : memref<640x128xf32, #tpu.memory_space<hbm>>)
      tpu.yield
    }) : () -> ()
    return
  }
}

#map = affine_map<(d0, d1) -> (0, 0)>
#map1 = affine_map<(d0, d1) -> (0, 0, 0)>
module attributes {stable_mosaic.version = 14 : i64} {
  func.func @_seg_body(%arg0: i32, %arg1: i32, %arg2: memref<10240x128xf32, #tpu.memory_space<hbm>>, %arg3: memref<32x80x128xi32, #tpu.memory_space<hbm>>, %arg4: memref<32x80x128xi32, #tpu.memory_space<hbm>>, %arg5: memref<2x10240x128xf32, #tpu.memory_space<hbm>>, %arg6: memref<32x80x128xf32, #tpu.memory_space<hbm>>, %arg7: memref<2x128xi32, #tpu.memory_space<vmem>>, %arg8: memref<2x128xi32, #tpu.memory_space<vmem>>, %arg9: memref<2x128x128xf32, #tpu.memory_space<vmem>>, %arg10: memref<32x128xf32, #tpu.memory_space<vmem>>, %arg11: memref<80x128xf32, #tpu.memory_space<vmem>>, %arg12: memref<!tpu.dma_semaphore, #tpu.memory_space<semaphore_mem>>, %arg13: memref<!tpu.dma_semaphore, #tpu.memory_space<semaphore_mem>>, %arg14: memref<10240x128xf32, #tpu.memory_space<vmem_shared>>) attributes {dimension_semantics = [#tpu.dimension_semantics<core_parallel>, #tpu.dimension_semantics<subcore_parallel>], iteration_bounds = array<i64: 2, 16>, scalar_prefetch = 0 : i64, scratch_operands = 8 : i64, tpu.core_type = #tpu.core_type<sc_vector_subcore>, window_params = [{transform_indices = #map}, {transform_indices = #map1}, {transform_indices = #map1}, {transform_indices = #map1}, {transform_indices = #map1}]} {
    %mul3A = arith.constant 16 : i32
    %mul3A_0 = arith.muli %arg0, %mul3A : i32
    %add3A = arith.addi %mul3A_0, %arg1 : i32
    %mul3A_1 = arith.constant 640 : i32
    %mul3A_2 = arith.muli %arg1, %mul3A_1 : i32
    %broadcast_in_dim3A = arith.constant 0.000000e+00 : f32
    %broadcast_in_dim3A_3 = vector.broadcast %broadcast_in_dim3A : f32 to vector<16xf32>
    %swap3A = arith.constant 0 : i32
    %swap3A_4 = arith.index_cast %swap3A : i32 to index
    %swap3A_5 = arith.constant 0 : index
    %swap3A_6 = tpu.vector_load %arg10[%swap3A_4, %swap3A_5] {strides = array<i32>} : memref<32x128xf32, #tpu.memory_space<vmem>>, vector<16xf32>,
    tpu.vector_store %arg10[%swap3A_4, %swap3A_5], %broadcast_in_dim3A_3 {strides = array<i32>} : memref<32x128xf32, #tpu.memory_space<vmem>>, vector<16xf32>,
    %swap3A_7 = arith.constant 0 : i32
    %swap3A_8 = arith.index_cast %swap3A_7 : i32 to index
    %swap3A_9 = arith.constant 16 : index
    %swap3A_10 = tpu.vector_load %arg10[%swap3A_8, %swap3A_9] {strides = array<i32>} : memref<32x128xf32, #tpu.memory_space<vmem>>, vector<16xf32>,
    tpu.vector_store %arg10[%swap3A_8, %swap3A_9], %broadcast_in_dim3A_3 {strides = array<i32>} : memref<32x128xf32, #tpu.memory_space<vmem>>, vector<16xf32>,
    %swap3A_11 = arith.constant 0 : i32
    %swap3A_12 = arith.index_cast %swap3A_11 : i32 to index
    %swap3A_13 = arith.constant 32 : index
    %swap3A_14 = tpu.vector_load %arg10[%swap3A_12, %swap3A_13] {strides = array<i32>} : memref<32x128xf32, #tpu.memory_space<vmem>>, vector<16xf32>,
    tpu.vector_store %arg10[%swap3A_12, %swap3A_13], %broadcast_in_dim3A_3 {strides = array<i32>} : memref<32x128xf32, #tpu.memory_space<vmem>>, vector<16xf32>,
    %swap3A_15 = arith.constant 0 : i32
    %swap3A_16 = arith.index_cast %swap3A_15 : i32 to index
    %swap3A_17 = arith.constant 48 : index
    %swap3A_18 = tpu.vector_load %arg10[%swap3A_16, %swap3A_17] {strides = array<i32>} : memref<32x128xf32, #tpu.memory_space<vmem>>, vector<16xf32>,
    tpu.vector_store %arg10[%swap3A_16, %swap3A_17], %broadcast_in_dim3A_3 {strides = array<i32>} : memref<32x128xf32, #tpu.memory_space<vmem>>, vector<16xf32>,
    %swap3A_19 = arith.constant 0 : i32
    %swap3A_20 = arith.index_cast %swap3A_19 : i32 to index
    %swap3A_21 = arith.constant 64 : index
    %swap3A_22 = tpu.vector_load %arg10[%swap3A_20, %swap3A_21] {strides = array<i32>} : memref<32x128xf32, #tpu.memory_space<vmem>>, vector<16xf32>,
    tpu.vector_store %arg10[%swap3A_20, %swap3A_21], %broadcast_in_dim3A_3 {strides = array<i32>} : memref<32x128xf32, #tpu.memory_space<vmem>>, vector<16xf32>,
    %swap3A_23 = arith.constant 0 : i32
    %swap3A_24 = arith.index_cast %swap3A_23 : i32 to index
    %swap3A_25 = arith.constant 80 : index
    %swap3A_26 = tpu.vector_load %arg10[%swap3A_24, %swap3A_25] {strides = array<i32>} : memref<32x128xf32, #tpu.memory_space<vmem>>, vector<16xf32>,
    tpu.vector_store %arg10[%swap3A_24, %swap3A_25], %broadcast_in_dim3A_3 {strides = array<i32>} : memref<32x128xf32, #tpu.memory_space<vmem>>, vector<16xf32>,
    %swap3A_27 = arith.constant 0 : i32
    %swap3A_28 = arith.index_cast %swap3A_27 : i32 to index
    %swap3A_29 = arith.constant 96 : index
    %swap3A_30 = tpu.vector_load %arg10[%swap3A_28, %swap3A_29] {strides = array<i32>} : memref<32x128xf32, #tpu.memory_space<vmem>>, vector<16xf32>,
    tpu.vector_store %arg10[%swap3A_28, %swap3A_29], %broadcast_in_dim3A_3 {strides = array<i32>} : memref<32x128xf32, #tpu.memory_space<vmem>>, vector<16xf32>,
    %swap3A_31 = arith.constant 0 : i32
    %swap3A_32 = arith.index_cast %swap3A_31 : i32 to index
    %swap3A_33 = arith.constant 112 : index
    %swap3A_34 = tpu.vector_load %arg10[%swap3A_32, %swap3A_33] {strides = array<i32>} : memref<32x128xf32, #tpu.memory_space<vmem>>, vector<16xf32>,
    tpu.vector_store %arg10[%swap3A_32, %swap3A_33], %broadcast_in_dim3A_3 {strides = array<i32>} : memref<32x128xf32, #tpu.memory_space<vmem>>, vector<16xf32>,
    %swap3A_35 = arith.constant 1 : i32
    %swap3A_36 = arith.index_cast %swap3A_35 : i32 to index
    %swap3A_37 = arith.constant 0 : index
    %swap3A_38 = tpu.vector_load %arg10[%swap3A_36, %swap3A_37] {strides = array<i32>} : memref<32x128xf32, #tpu.memory_space<vmem>>, vector<16xf32>,
    tpu.vector_store %arg10[%swap3A_36, %swap3A_37], %broadcast_in_dim3A_3 {strides = array<i32>} : memref<32x128xf32, #tpu.memory_space<vmem>>, vector<16xf32>,
    %swap3A_39 = arith.constant 1 : i32
    %swap3A_40 = arith.index_cast %swap3A_39 : i32 to index
    %swap3A_41 = arith.constant 16 : index
    %swap3A_42 = tpu.vector_load %arg10[%swap3A_40, %swap3A_41] {strides = array<i32>} : memref<32x128xf32, #tpu.memory_space<vmem>>, vector<16xf32>,
    tpu.vector_store %arg10[%swap3A_40, %swap3A_41], %broadcast_in_dim3A_3 {strides = array<i32>} : memref<32x128xf32, #tpu.memory_space<vmem>>, vector<16xf32>,
    %swap3A_43 = arith.constant 1 : i32
    %swap3A_44 = arith.index_cast %swap3A_43 : i32 to index
    %swap3A_45 = arith.constant 32 : index
    %swap3A_46 = tpu.vector_load %arg10[%swap3A_44, %swap3A_45] {strides = array<i32>} : memref<32x128xf32, #tpu.memory_space<vmem>>, vector<16xf32>,
    tpu.vector_store %arg10[%swap3A_44, %swap3A_45], %broadcast_in_dim3A_3 {strides = array<i32>} : memref<32x128xf32, #tpu.memory_space<vmem>>, vector<16xf32>,
    %swap3A_47 = arith.constant 1 : i32
    %swap3A_48 = arith.index_cast %swap3A_47 : i32 to index
    %swap3A_49 = arith.constant 48 : index
    %swap3A_50 = tpu.vector_load %arg10[%swap3A_48, %swap3A_49] {strides = array<i32>} : memref<32x128xf32, #tpu.memory_space<vmem>>, vector<16xf32>,
    tpu.vector_store %arg10[%swap3A_48, %swap3A_49], %broadcast_in_dim3A_3 {strides = array<i32>} : memref<32x128xf32, #tpu.memory_space<vmem>>, vector<16xf32>,
    %swap3A_51 = arith.constant 1 : i32
    %swap3A_52 = arith.index_cast %swap3A_51 : i32 to index
    %swap3A_53 = arith.constant 64 : index
    %swap3A_54 = tpu.vector_load %arg10[%swap3A_52, %swap3A_53] {strides = array<i32>} : memref<32x128xf32, #tpu.memory_space<vmem>>, vector<16xf32>,
    tpu.vector_store %arg10[%swap3A_52, %swap3A_53], %broadcast_in_dim3A_3 {strides = array<i32>} : memref<32x128xf32, #tpu.memory_space<vmem>>, vector<16xf32>,
    %swap3A_55 = arith.constant 1 : i32
    %swap3A_56 = arith.index_cast %swap3A_55 : i32 to index
    %swap3A_57 = arith.constant 80 : index
    %swap3A_58 = tpu.vector_load %arg10[%swap3A_56, %swap3A_57] {strides = array<i32>} : memref<32x128xf32, #tpu.memory_space<vmem>>, vector<16xf32>,
    tpu.vector_store %arg10[%swap3A_56, %swap3A_57], %broadcast_in_dim3A_3 {strides = array<i32>} : memref<32x128xf32, #tpu.memory_space<vmem>>, vector<16xf32>,
    %swap3A_59 = arith.constant 1 : i32
    %swap3A_60 = arith.index_cast %swap3A_59 : i32 to index
    %swap3A_61 = arith.constant 96 : index
    %swap3A_62 = tpu.vector_load %arg10[%swap3A_60, %swap3A_61] {strides = array<i32>} : memref<32x128xf32, #tpu.memory_space<vmem>>, vector<16xf32>,
    tpu.vector_store %arg10[%swap3A_60, %swap3A_61], %broadcast_in_dim3A_3 {strides = array<i32>} : memref<32x128xf32, #tpu.memory_space<vmem>>, vector<16xf32>,
    %swap3A_63 = arith.constant 1 : i32
    %swap3A_64 = arith.index_cast %swap3A_63 : i32 to index
    %swap3A_65 = arith.constant 112 : index
    %swap3A_66 = tpu.vector_load %arg10[%swap3A_64, %swap3A_65] {strides = array<i32>} : memref<32x128xf32, #tpu.memory_space<vmem>>, vector<16xf32>,
    tpu.vector_store %arg10[%swap3A_64, %swap3A_65], %broadcast_in_dim3A_3 {strides = array<i32>} : memref<32x128xf32, #tpu.memory_space<vmem>>, vector<16xf32>,
    %swap3A_67 = arith.constant 2 : i32
    %swap3A_68 = arith.index_cast %swap3A_67 : i32 to index
    %swap3A_69 = arith.constant 0 : index
    %swap3A_70 = tpu.vector_load %arg10[%swap3A_68, %swap3A_69] {strides = array<i32>} : memref<32x128xf32, #tpu.memory_space<vmem>>, vector<16xf32>,
    tpu.vector_store %arg10[%swap3A_68, %swap3A_69], %broadcast_in_dim3A_3 {strides = array<i32>} : memref<32x128xf32, #tpu.memory_space<vmem>>, vector<16xf32>,
    %swap3A_71 = arith.constant 2 : i32
    %swap3A_72 = arith.index_cast %swap3A_71 : i32 to index
    %swap3A_73 = arith.constant 16 : index
    %swap3A_74 = tpu.vector_load %arg10[%swap3A_72, %swap3A_73] {strides = array<i32>} : memref<32x128xf32, #tpu.memory_space<vmem>>, vector<16xf32>,
    tpu.vector_store %arg10[%swap3A_72, %swap3A_73], %broadcast_in_dim3A_3 {strides = array<i32>} : memref<32x128xf32, #tpu.memory_space<vmem>>, vector<16xf32>,
    %swap3A_75 = arith.constant 2 : i32
    %swap3A_76 = arith.index_cast %swap3A_75 : i32 to index
    %swap3A_77 = arith.constant 32 : index
    %swap3A_78 = tpu.vector_load %arg10[%swap3A_76, %swap3A_77] {strides = array<i32>} : memref<32x128xf32, #tpu.memory_space<vmem>>, vector<16xf32>,
    tpu.vector_store %arg10[%swap3A_76, %swap3A_77], %broadcast_in_dim3A_3 {strides = array<i32>} : memref<32x128xf32, #tpu.memory_space<vmem>>, vector<16xf32>,
    %swap3A_79 = arith.constant 2 : i32
    %swap3A_80 = arith.index_cast %swap3A_79 : i32 to index
    %swap3A_81 = arith.constant 48 : index
    %swap3A_82 = tpu.vector_load %arg10[%swap3A_80, %swap3A_81] {strides = array<i32>} : memref<32x128xf32, #tpu.memory_space<vmem>>, vector<16xf32>,
    tpu.vector_store %arg10[%swap3A_80, %swap3A_81], %broadcast_in_dim3A_3 {strides = array<i32>} : memref<32x128xf32, #tpu.memory_space<vmem>>, vector<16xf32>,
    %swap3A_83 = arith.constant 2 : i32
    %swap3A_84 = arith.index_cast %swap3A_83 : i32 to index
    %swap3A_85 = arith.constant 64 : index
    %swap3A_86 = tpu.vector_load %arg10[%swap3A_84, %swap3A_85] {strides = array<i32>} : memref<32x128xf32, #tpu.memory_space<vmem>>, vector<16xf32>,
    tpu.vector_store %arg10[%swap3A_84, %swap3A_85], %broadcast_in_dim3A_3 {strides = array<i32>} : memref<32x128xf32, #tpu.memory_space<vmem>>, vector<16xf32>,
    %swap3A_87 = arith.constant 2 : i32
    %swap3A_88 = arith.index_cast %swap3A_87 : i32 to index
    %swap3A_89 = arith.constant 80 : index
    %swap3A_90 = tpu.vector_load %arg10[%swap3A_88, %swap3A_89] {strides = array<i32>} : memref<32x128xf32, #tpu.memory_space<vmem>>, vector<16xf32>,
    tpu.vector_store %arg10[%swap3A_88, %swap3A_89], %broadcast_in_dim3A_3 {strides = array<i32>} : memref<32x128xf32, #tpu.memory_space<vmem>>, vector<16xf32>,
    %swap3A_91 = arith.constant 2 : i32
    %swap3A_92 = arith.index_cast %swap3A_91 : i32 to index
    %swap3A_93 = arith.constant 96 : index
    %swap3A_94 = tpu.vector_load %arg10[%swap3A_92, %swap3A_93] {strides = array<i32>} : memref<32x128xf32, #tpu.memory_space<vmem>>, vector<16xf32>,
    tpu.vector_store %arg10[%swap3A_92, %swap3A_93], %broadcast_in_dim3A_3 {strides = array<i32>} : memref<32x128xf32, #tpu.memory_space<vmem>>, vector<16xf32>,
    %swap3A_95 = arith.constant 2 : i32
    %swap3A_96 = arith.index_cast %swap3A_95 : i32 to index
    %swap3A_97 = arith.constant 112 : index
    %swap3A_98 = tpu.vector_load %arg10[%swap3A_96, %swap3A_97] {strides = array<i32>} : memref<32x128xf32, #tpu.memory_space<vmem>>, vector<16xf32>,
    tpu.vector_store %arg10[%swap3A_96, %swap3A_97], %broadcast_in_dim3A_3 {strides = array<i32>} : memref<32x128xf32, #tpu.memory_space<vmem>>, vector<16xf32>,
    %swap3A_99 = arith.constant 3 : i32
    %swap3A_100 = arith.index_cast %swap3A_99 : i32 to index
    %swap3A_101 = arith.constant 0 : index
    %swap3A_102 = tpu.vector_load %arg10[%swap3A_100, %swap3A_101] {strides = array<i32>} : memref<32x128xf32, #tpu.memory_space<vmem>>, vector<16xf32>,
    tpu.vector_store %arg10[%swap3A_100, %swap3A_101], %broadcast_in_dim3A_3 {strides = array<i32>} : memref<32x128xf32, #tpu.memory_space<vmem>>, vector<16xf32>,
    %swap3A_103 = arith.constant 3 : i32
    %swap3A_104 = arith.index_cast %swap3A_103 : i32 to index
    %swap3A_105 = arith.constant 16 : index
    %swap3A_106 = tpu.vector_load %arg10[%swap3A_104, %swap3A_105] {strides = array<i32>} : memref<32x128xf32, #tpu.memory_space<vmem>>, vector<16xf32>,
    tpu.vector_store %arg10[%swap3A_104, %swap3A_105], %broadcast_in_dim3A_3 {strides = array<i32>} : memref<32x128xf32, #tpu.memory_space<vmem>>, vector<16xf32>,
    %swap3A_107 = arith.constant 3 : i32
    %swap3A_108 = arith.index_cast %swap3A_107 : i32 to index
    %swap3A_109 = arith.constant 32 : index
    %swap3A_110 = tpu.vector_load %arg10[%swap3A_108, %swap3A_109] {strides = array<i32>} : memref<32x128xf32, #tpu.memory_space<vmem>>, vector<16xf32>,
    tpu.vector_store %arg10[%swap3A_108, %swap3A_109], %broadcast_in_dim3A_3 {strides = array<i32>} : memref<32x128xf32, #tpu.memory_space<vmem>>, vector<16xf32>,
    %swap3A_111 = arith.constant 3 : i32
    %swap3A_112 = arith.index_cast %swap3A_111 : i32 to index
    %swap3A_113 = arith.constant 48 : index
    %swap3A_114 = tpu.vector_load %arg10[%swap3A_112, %swap3A_113] {strides = array<i32>} : memref<32x128xf32, #tpu.memory_space<vmem>>, vector<16xf32>,
    tpu.vector_store %arg10[%swap3A_112, %swap3A_113], %broadcast_in_dim3A_3 {strides = array<i32>} : memref<32x128xf32, #tpu.memory_space<vmem>>, vector<16xf32>,
    %swap3A_115 = arith.constant 3 : i32
    %swap3A_116 = arith.index_cast %swap3A_115 : i32 to index
    %swap3A_117 = arith.constant 64 : index
    %swap3A_118 = tpu.vector_load %arg10[%swap3A_116, %swap3A_117] {strides = array<i32>} : memref<32x128xf32, #tpu.memory_space<vmem>>, vector<16xf32>,
    tpu.vector_store %arg10[%swap3A_116, %swap3A_117], %broadcast_in_dim3A_3 {strides = array<i32>} : memref<32x128xf32, #tpu.memory_space<vmem>>, vector<16xf32>,
    %swap3A_119 = arith.constant 3 : i32
    %swap3A_120 = arith.index_cast %swap3A_119 : i32 to index
    %swap3A_121 = arith.constant 80 : index
    %swap3A_122 = tpu.vector_load %arg10[%swap3A_120, %swap3A_121] {strides = array<i32>} : memref<32x128xf32, #tpu.memory_space<vmem>>, vector<16xf32>,
    tpu.vector_store %arg10[%swap3A_120, %swap3A_121], %broadcast_in_dim3A_3 {strides = array<i32>} : memref<32x128xf32, #tpu.memory_space<vmem>>, vector<16xf32>,
    %swap3A_123 = arith.constant 3 : i32
    %swap3A_124 = arith.index_cast %swap3A_123 : i32 to index
    %swap3A_125 = arith.constant 96 : index
    %swap3A_126 = tpu.vector_load %arg10[%swap3A_124, %swap3A_125] {strides = array<i32>} : memref<32x128xf32, #tpu.memory_space<vmem>>, vector<16xf32>,
    tpu.vector_store %arg10[%swap3A_124, %swap3A_125], %broadcast_in_dim3A_3 {strides = array<i32>} : memref<32x128xf32, #tpu.memory_space<vmem>>, vector<16xf32>,
    %swap3A_127 = arith.constant 3 : i32
    %swap3A_128 = arith.index_cast %swap3A_127 : i32 to index
    %swap3A_129 = arith.constant 112 : index
    %swap3A_130 = tpu.vector_load %arg10[%swap3A_128, %swap3A_129] {strides = array<i32>} : memref<32x128xf32, #tpu.memory_space<vmem>>, vector<16xf32>,
    tpu.vector_store %arg10[%swap3A_128, %swap3A_129], %broadcast_in_dim3A_3 {strides = array<i32>} : memref<32x128xf32, #tpu.memory_space<vmem>>, vector<16xf32>,
    %swap3A_131 = arith.constant 4 : i32
    %swap3A_132 = arith.index_cast %swap3A_131 : i32 to index
    %swap3A_133 = arith.constant 0 : index
    %swap3A_134 = tpu.vector_load %arg10[%swap3A_132, %swap3A_133] {strides = array<i32>} : memref<32x128xf32, #tpu.memory_space<vmem>>, vector<16xf32>,
    tpu.vector_store %arg10[%swap3A_132, %swap3A_133], %broadcast_in_dim3A_3 {strides = array<i32>} : memref<32x128xf32, #tpu.memory_space<vmem>>, vector<16xf32>,
    %swap3A_135 = arith.constant 4 : i32
    %swap3A_136 = arith.index_cast %swap3A_135 : i32 to index
    %swap3A_137 = arith.constant 16 : index
    %swap3A_138 = tpu.vector_load %arg10[%swap3A_136, %swap3A_137] {strides = array<i32>} : memref<32x128xf32, #tpu.memory_space<vmem>>, vector<16xf32>,
    tpu.vector_store %arg10[%swap3A_136, %swap3A_137], %broadcast_in_dim3A_3 {strides = array<i32>} : memref<32x128xf32, #tpu.memory_space<vmem>>, vector<16xf32>,
    %swap3A_139 = arith.constant 4 : i32
    %swap3A_140 = arith.index_cast %swap3A_139 : i32 to index
    %swap3A_141 = arith.constant 32 : index
    %swap3A_142 = tpu.vector_load %arg10[%swap3A_140, %swap3A_141] {strides = array<i32>} : memref<32x128xf32, #tpu.memory_space<vmem>>, vector<16xf32>,
    tpu.vector_store %arg10[%swap3A_140, %swap3A_141], %broadcast_in_dim3A_3 {strides = array<i32>} : memref<32x128xf32, #tpu.memory_space<vmem>>, vector<16xf32>,
    %swap3A_143 = arith.constant 4 : i32
    %swap3A_144 = arith.index_cast %swap3A_143 : i32 to index
    %swap3A_145 = arith.constant 48 : index
    %swap3A_146 = tpu.vector_load %arg10[%swap3A_144, %swap3A_145] {strides = array<i32>} : memref<32x128xf32, #tpu.memory_space<vmem>>, vector<16xf32>,
    tpu.vector_store %arg10[%swap3A_144, %swap3A_145], %broadcast_in_dim3A_3 {strides = array<i32>} : memref<32x128xf32, #tpu.memory_space<vmem>>, vector<16xf32>,
    %swap3A_147 = arith.constant 4 : i32
    %swap3A_148 = arith.index_cast %swap3A_147 : i32 to index
    %swap3A_149 = arith.constant 64 : index
    %swap3A_150 = tpu.vector_load %arg10[%swap3A_148, %swap3A_149] {strides = array<i32>} : memref<32x128xf32, #tpu.memory_space<vmem>>, vector<16xf32>,
    tpu.vector_store %arg10[%swap3A_148, %swap3A_149], %broadcast_in_dim3A_3 {strides = array<i32>} : memref<32x128xf32, #tpu.memory_space<vmem>>, vector<16xf32>,
    %swap3A_151 = arith.constant 4 : i32
    %swap3A_152 = arith.index_cast %swap3A_151 : i32 to index
    %swap3A_153 = arith.constant 80 : index
    %swap3A_154 = tpu.vector_load %arg10[%swap3A_152, %swap3A_153] {strides = array<i32>} : memref<32x128xf32, #tpu.memory_space<vmem>>, vector<16xf32>,
    tpu.vector_store %arg10[%swap3A_152, %swap3A_153], %broadcast_in_dim3A_3 {strides = array<i32>} : memref<32x128xf32, #tpu.memory_space<vmem>>, vector<16xf32>,
    %swap3A_155 = arith.constant 4 : i32
    %swap3A_156 = arith.index_cast %swap3A_155 : i32 to index
    %swap3A_157 = arith.constant 96 : index
    %swap3A_158 = tpu.vector_load %arg10[%swap3A_156, %swap3A_157] {strides = array<i32>} : memref<32x128xf32, #tpu.memory_space<vmem>>, vector<16xf32>,
    tpu.vector_store %arg10[%swap3A_156, %swap3A_157], %broadcast_in_dim3A_3 {strides = array<i32>} : memref<32x128xf32, #tpu.memory_space<vmem>>, vector<16xf32>,
    %swap3A_159 = arith.constant 4 : i32
    %swap3A_160 = arith.index_cast %swap3A_159 : i32 to index
    %swap3A_161 = arith.constant 112 : index
    %swap3A_162 = tpu.vector_load %arg10[%swap3A_160, %swap3A_161] {strides = array<i32>} : memref<32x128xf32, #tpu.memory_space<vmem>>, vector<16xf32>,
    tpu.vector_store %arg10[%swap3A_160, %swap3A_161], %broadcast_in_dim3A_3 {strides = array<i32>} : memref<32x128xf32, #tpu.memory_space<vmem>>, vector<16xf32>,
    %swap3A_163 = arith.constant 5 : i32
    %swap3A_164 = arith.index_cast %swap3A_163 : i32 to index
    %swap3A_165 = arith.constant 0 : index
    %swap3A_166 = tpu.vector_load %arg10[%swap3A_164, %swap3A_165] {strides = array<i32>} : memref<32x128xf32, #tpu.memory_space<vmem>>, vector<16xf32>,
    tpu.vector_store %arg10[%swap3A_164, %swap3A_165], %broadcast_in_dim3A_3 {strides = array<i32>} : memref<32x128xf32, #tpu.memory_space<vmem>>, vector<16xf32>,
    %swap3A_167 = arith.constant 5 : i32
    %swap3A_168 = arith.index_cast %swap3A_167 : i32 to index
    %swap3A_169 = arith.constant 16 : index
    %swap3A_170 = tpu.vector_load %arg10[%swap3A_168, %swap3A_169] {strides = array<i32>} : memref<32x128xf32, #tpu.memory_space<vmem>>, vector<16xf32>,
    tpu.vector_store %arg10[%swap3A_168, %swap3A_169], %broadcast_in_dim3A_3 {strides = array<i32>} : memref<32x128xf32, #tpu.memory_space<vmem>>, vector<16xf32>,
    %swap3A_171 = arith.constant 5 : i32
    %swap3A_172 = arith.index_cast %swap3A_171 : i32 to index
    %swap3A_173 = arith.constant 32 : index
    %swap3A_174 = tpu.vector_load %arg10[%swap3A_172, %swap3A_173] {strides = array<i32>} : memref<32x128xf32, #tpu.memory_space<vmem>>, vector<16xf32>,
    tpu.vector_store %arg10[%swap3A_172, %swap3A_173], %broadcast_in_dim3A_3 {strides = array<i32>} : memref<32x128xf32, #tpu.memory_space<vmem>>, vector<16xf32>,
    %swap3A_175 = arith.constant 5 : i32
    %swap3A_176 = arith.index_cast %swap3A_175 : i32 to index
    %swap3A_177 = arith.constant 48 : index
    %swap3A_178 = tpu.vector_load %arg10[%swap3A_176, %swap3A_177] {strides = array<i32>} : memref<32x128xf32, #tpu.memory_space<vmem>>, vector<16xf32>,
    tpu.vector_store %arg10[%swap3A_176, %swap3A_177], %broadcast_in_dim3A_3 {strides = array<i32>} : memref<32x128xf32, #tpu.memory_space<vmem>>, vector<16xf32>,
    %swap3A_179 = arith.constant 5 : i32
    %swap3A_180 = arith.index_cast %swap3A_179 : i32 to index
    %swap3A_181 = arith.constant 64 : index
    %swap3A_182 = tpu.vector_load %arg10[%swap3A_180, %swap3A_181] {strides = array<i32>} : memref<32x128xf32, #tpu.memory_space<vmem>>, vector<16xf32>,
    tpu.vector_store %arg10[%swap3A_180, %swap3A_181], %broadcast_in_dim3A_3 {strides = array<i32>} : memref<32x128xf32, #tpu.memory_space<vmem>>, vector<16xf32>,
    %swap3A_183 = arith.constant 5 : i32
    %swap3A_184 = arith.index_cast %swap3A_183 : i32 to index
    %swap3A_185 = arith.constant 80 : index
    %swap3A_186 = tpu.vector_load %arg10[%swap3A_184, %swap3A_185] {strides = array<i32>} : memref<32x128xf32, #tpu.memory_space<vmem>>, vector<16xf32>,
    tpu.vector_store %arg10[%swap3A_184, %swap3A_185], %broadcast_in_dim3A_3 {strides = array<i32>} : memref<32x128xf32, #tpu.memory_space<vmem>>, vector<16xf32>,
    %swap3A_187 = arith.constant 5 : i32
    %swap3A_188 = arith.index_cast %swap3A_187 : i32 to index
    %swap3A_189 = arith.constant 96 : index
    %swap3A_190 = tpu.vector_load %arg10[%swap3A_188, %swap3A_189] {strides = array<i32>} : memref<32x128xf32, #tpu.memory_space<vmem>>, vector<16xf32>,
    tpu.vector_store %arg10[%swap3A_188, %swap3A_189], %broadcast_in_dim3A_3 {strides = array<i32>} : memref<32x128xf32, #tpu.memory_space<vmem>>, vector<16xf32>,
    %swap3A_191 = arith.constant 5 : i32
    %swap3A_192 = arith.index_cast %swap3A_191 : i32 to index
    %swap3A_193 = arith.constant 112 : index
    %swap3A_194 = tpu.vector_load %arg10[%swap3A_192, %swap3A_193] {strides = array<i32>} : memref<32x128xf32, #tpu.memory_space<vmem>>, vector<16xf32>,
    tpu.vector_store %arg10[%swap3A_192, %swap3A_193], %broadcast_in_dim3A_3 {strides = array<i32>} : memref<32x128xf32, #tpu.memory_space<vmem>>, vector<16xf32>,
    %swap3A_195 = arith.constant 6 : i32
    %swap3A_196 = arith.index_cast %swap3A_195 : i32 to index
    %swap3A_197 = arith.constant 0 : index
    %swap3A_198 = tpu.vector_load %arg10[%swap3A_196, %swap3A_197] {strides = array<i32>} : memref<32x128xf32, #tpu.memory_space<vmem>>, vector<16xf32>,
    tpu.vector_store %arg10[%swap3A_196, %swap3A_197], %broadcast_in_dim3A_3 {strides = array<i32>} : memref<32x128xf32, #tpu.memory_space<vmem>>, vector<16xf32>,
    %swap3A_199 = arith.constant 6 : i32
    %swap3A_200 = arith.index_cast %swap3A_199 : i32 to index
    %swap3A_201 = arith.constant 16 : index
    %swap3A_202 = tpu.vector_load %arg10[%swap3A_200, %swap3A_201] {strides = array<i32>} : memref<32x128xf32, #tpu.memory_space<vmem>>, vector<16xf32>,
    tpu.vector_store %arg10[%swap3A_200, %swap3A_201], %broadcast_in_dim3A_3 {strides = array<i32>} : memref<32x128xf32, #tpu.memory_space<vmem>>, vector<16xf32>,
    %swap3A_203 = arith.constant 6 : i32
    %swap3A_204 = arith.index_cast %swap3A_203 : i32 to index
    %swap3A_205 = arith.constant 32 : index
    %swap3A_206 = tpu.vector_load %arg10[%swap3A_204, %swap3A_205] {strides = array<i32>} : memref<32x128xf32, #tpu.memory_space<vmem>>, vector<16xf32>,
    tpu.vector_store %arg10[%swap3A_204, %swap3A_205], %broadcast_in_dim3A_3 {strides = array<i32>} : memref<32x128xf32, #tpu.memory_space<vmem>>, vector<16xf32>,
    %swap3A_207 = arith.constant 6 : i32
    %swap3A_208 = arith.index_cast %swap3A_207 : i32 to index
    %swap3A_209 = arith.constant 48 : index
    %swap3A_210 = tpu.vector_load %arg10[%swap3A_208, %swap3A_209] {strides = array<i32>} : memref<32x128xf32, #tpu.memory_space<vmem>>, vector<16xf32>,
    tpu.vector_store %arg10[%swap3A_208, %swap3A_209], %broadcast_in_dim3A_3 {strides = array<i32>} : memref<32x128xf32, #tpu.memory_space<vmem>>, vector<16xf32>,
    %swap3A_211 = arith.constant 6 : i32
    %swap3A_212 = arith.index_cast %swap3A_211 : i32 to index
    %swap3A_213 = arith.constant 64 : index
    %swap3A_214 = tpu.vector_load %arg10[%swap3A_212, %swap3A_213] {strides = array<i32>} : memref<32x128xf32, #tpu.memory_space<vmem>>, vector<16xf32>,
    tpu.vector_store %arg10[%swap3A_212, %swap3A_213], %broadcast_in_dim3A_3 {strides = array<i32>} : memref<32x128xf32, #tpu.memory_space<vmem>>, vector<16xf32>,
    %swap3A_215 = arith.constant 6 : i32
    %swap3A_216 = arith.index_cast %swap3A_215 : i32 to index
    %swap3A_217 = arith.constant 80 : index
    %swap3A_218 = tpu.vector_load %arg10[%swap3A_216, %swap3A_217] {strides = array<i32>} : memref<32x128xf32, #tpu.memory_space<vmem>>, vector<16xf32>,
    tpu.vector_store %arg10[%swap3A_216, %swap3A_217], %broadcast_in_dim3A_3 {strides = array<i32>} : memref<32x128xf32, #tpu.memory_space<vmem>>, vector<16xf32>,
    %swap3A_219 = arith.constant 6 : i32
    %swap3A_220 = arith.index_cast %swap3A_219 : i32 to index
    %swap3A_221 = arith.constant 96 : index
    %swap3A_222 = tpu.vector_load %arg10[%swap3A_220, %swap3A_221] {strides = array<i32>} : memref<32x128xf32, #tpu.memory_space<vmem>>, vector<16xf32>,
    tpu.vector_store %arg10[%swap3A_220, %swap3A_221], %broadcast_in_dim3A_3 {strides = array<i32>} : memref<32x128xf32, #tpu.memory_space<vmem>>, vector<16xf32>,
    %swap3A_223 = arith.constant 6 : i32
    %swap3A_224 = arith.index_cast %swap3A_223 : i32 to index
    %swap3A_225 = arith.constant 112 : index
    %swap3A_226 = tpu.vector_load %arg10[%swap3A_224, %swap3A_225] {strides = array<i32>} : memref<32x128xf32, #tpu.memory_space<vmem>>, vector<16xf32>,
    tpu.vector_store %arg10[%swap3A_224, %swap3A_225], %broadcast_in_dim3A_3 {strides = array<i32>} : memref<32x128xf32, #tpu.memory_space<vmem>>, vector<16xf32>,
    %swap3A_227 = arith.constant 7 : i32
    %swap3A_228 = arith.index_cast %swap3A_227 : i32 to index
    %swap3A_229 = arith.constant 0 : index
    %swap3A_230 = tpu.vector_load %arg10[%swap3A_228, %swap3A_229] {strides = array<i32>} : memref<32x128xf32, #tpu.memory_space<vmem>>, vector<16xf32>,
    tpu.vector_store %arg10[%swap3A_228, %swap3A_229], %broadcast_in_dim3A_3 {strides = array<i32>} : memref<32x128xf32, #tpu.memory_space<vmem>>, vector<16xf32>,
    %swap3A_231 = arith.constant 7 : i32
    %swap3A_232 = arith.index_cast %swap3A_231 : i32 to index
    %swap3A_233 = arith.constant 16 : index
    %swap3A_234 = tpu.vector_load %arg10[%swap3A_232, %swap3A_233] {strides = array<i32>} : memref<32x128xf32, #tpu.memory_space<vmem>>, vector<16xf32>,
    tpu.vector_store %arg10[%swap3A_232, %swap3A_233], %broadcast_in_dim3A_3 {strides = array<i32>} : memref<32x128xf32, #tpu.memory_space<vmem>>, vector<16xf32>,
    %swap3A_235 = arith.constant 7 : i32
    %swap3A_236 = arith.index_cast %swap3A_235 : i32 to index
    %swap3A_237 = arith.constant 32 : index
    %swap3A_238 = tpu.vector_load %arg10[%swap3A_236, %swap3A_237] {strides = array<i32>} : memref<32x128xf32, #tpu.memory_space<vmem>>, vector<16xf32>,
    tpu.vector_store %arg10[%swap3A_236, %swap3A_237], %broadcast_in_dim3A_3 {strides = array<i32>} : memref<32x128xf32, #tpu.memory_space<vmem>>, vector<16xf32>,
    %swap3A_239 = arith.constant 7 : i32
    %swap3A_240 = arith.index_cast %swap3A_239 : i32 to index
    %swap3A_241 = arith.constant 48 : index
    %swap3A_242 = tpu.vector_load %arg10[%swap3A_240, %swap3A_241] {strides = array<i32>} : memref<32x128xf32, #tpu.memory_space<vmem>>, vector<16xf32>,
    tpu.vector_store %arg10[%swap3A_240, %swap3A_241], %broadcast_in_dim3A_3 {strides = array<i32>} : memref<32x128xf32, #tpu.memory_space<vmem>>, vector<16xf32>,
    %swap3A_243 = arith.constant 7 : i32
    %swap3A_244 = arith.index_cast %swap3A_243 : i32 to index
    %swap3A_245 = arith.constant 64 : index
    %swap3A_246 = tpu.vector_load %arg10[%swap3A_244, %swap3A_245] {strides = array<i32>} : memref<32x128xf32, #tpu.memory_space<vmem>>, vector<16xf32>,
    tpu.vector_store %arg10[%swap3A_244, %swap3A_245], %broadcast_in_dim3A_3 {strides = array<i32>} : memref<32x128xf32, #tpu.memory_space<vmem>>, vector<16xf32>,
    %swap3A_247 = arith.constant 7 : i32
    %swap3A_248 = arith.index_cast %swap3A_247 : i32 to index
    %swap3A_249 = arith.constant 80 : index
    %swap3A_250 = tpu.vector_load %arg10[%swap3A_248, %swap3A_249] {strides = array<i32>} : memref<32x128xf32, #tpu.memory_space<vmem>>, vector<16xf32>,
    tpu.vector_store %arg10[%swap3A_248, %swap3A_249], %broadcast_in_dim3A_3 {strides = array<i32>} : memref<32x128xf32, #tpu.memory_space<vmem>>, vector<16xf32>,
    %swap3A_251 = arith.constant 7 : i32
    %swap3A_252 = arith.index_cast %swap3A_251 : i32 to index
    %swap3A_253 = arith.constant 96 : index
    %swap3A_254 = tpu.vector_load %arg10[%swap3A_252, %swap3A_253] {strides = array<i32>} : memref<32x128xf32, #tpu.memory_space<vmem>>, vector<16xf32>,
    tpu.vector_store %arg10[%swap3A_252, %swap3A_253], %broadcast_in_dim3A_3 {strides = array<i32>} : memref<32x128xf32, #tpu.memory_space<vmem>>, vector<16xf32>,
    %swap3A_255 = arith.constant 7 : i32
    %swap3A_256 = arith.index_cast %swap3A_255 : i32 to index
    %swap3A_257 = arith.constant 112 : index
    %swap3A_258 = tpu.vector_load %arg10[%swap3A_256, %swap3A_257] {strides = array<i32>} : memref<32x128xf32, #tpu.memory_space<vmem>>, vector<16xf32>,
    tpu.vector_store %arg10[%swap3A_256, %swap3A_257], %broadcast_in_dim3A_3 {strides = array<i32>} : memref<32x128xf32, #tpu.memory_space<vmem>>, vector<16xf32>,
    %swap3A_259 = arith.constant 8 : i32
    %swap3A_260 = arith.index_cast %swap3A_259 : i32 to index
    %swap3A_261 = arith.constant 0 : index
    %swap3A_262 = tpu.vector_load %arg10[%swap3A_260, %swap3A_261] {strides = array<i32>} : memref<32x128xf32, #tpu.memory_space<vmem>>, vector<16xf32>,
    tpu.vector_store %arg10[%swap3A_260, %swap3A_261], %broadcast_in_dim3A_3 {strides = array<i32>} : memref<32x128xf32, #tpu.memory_space<vmem>>, vector<16xf32>,
    %swap3A_263 = arith.constant 8 : i32
    %swap3A_264 = arith.index_cast %swap3A_263 : i32 to index
    %swap3A_265 = arith.constant 16 : index
    %swap3A_266 = tpu.vector_load %arg10[%swap3A_264, %swap3A_265] {strides = array<i32>} : memref<32x128xf32, #tpu.memory_space<vmem>>, vector<16xf32>,
    tpu.vector_store %arg10[%swap3A_264, %swap3A_265], %broadcast_in_dim3A_3 {strides = array<i32>} : memref<32x128xf32, #tpu.memory_space<vmem>>, vector<16xf32>,
    %swap3A_267 = arith.constant 8 : i32
    %swap3A_268 = arith.index_cast %swap3A_267 : i32 to index
    %swap3A_269 = arith.constant 32 : index
    %swap3A_270 = tpu.vector_load %arg10[%swap3A_268, %swap3A_269] {strides = array<i32>} : memref<32x128xf32, #tpu.memory_space<vmem>>, vector<16xf32>,
    tpu.vector_store %arg10[%swap3A_268, %swap3A_269], %broadcast_in_dim3A_3 {strides = array<i32>} : memref<32x128xf32, #tpu.memory_space<vmem>>, vector<16xf32>,
    %swap3A_271 = arith.constant 8 : i32
    %swap3A_272 = arith.index_cast %swap3A_271 : i32 to index
    %swap3A_273 = arith.constant 48 : index
    %swap3A_274 = tpu.vector_load %arg10[%swap3A_272, %swap3A_273] {strides = array<i32>} : memref<32x128xf32, #tpu.memory_space<vmem>>, vector<16xf32>,
    tpu.vector_store %arg10[%swap3A_272, %swap3A_273], %broadcast_in_dim3A_3 {strides = array<i32>} : memref<32x128xf32, #tpu.memory_space<vmem>>, vector<16xf32>,
    %swap3A_275 = arith.constant 8 : i32
    %swap3A_276 = arith.index_cast %swap3A_275 : i32 to index
    %swap3A_277 = arith.constant 64 : index
    %swap3A_278 = tpu.vector_load %arg10[%swap3A_276, %swap3A_277] {strides = array<i32>} : memref<32x128xf32, #tpu.memory_space<vmem>>, vector<16xf32>,
    tpu.vector_store %arg10[%swap3A_276, %swap3A_277], %broadcast_in_dim3A_3 {strides = array<i32>} : memref<32x128xf32, #tpu.memory_space<vmem>>, vector<16xf32>,
    %swap3A_279 = arith.constant 8 : i32
    %swap3A_280 = arith.index_cast %swap3A_279 : i32 to index
    %swap3A_281 = arith.constant 80 : index
    %swap3A_282 = tpu.vector_load %arg10[%swap3A_280, %swap3A_281] {strides = array<i32>} : memref<32x128xf32, #tpu.memory_space<vmem>>, vector<16xf32>,
    tpu.vector_store %arg10[%swap3A_280, %swap3A_281], %broadcast_in_dim3A_3 {strides = array<i32>} : memref<32x128xf32, #tpu.memory_space<vmem>>, vector<16xf32>,
    %swap3A_283 = arith.constant 8 : i32
    %swap3A_284 = arith.index_cast %swap3A_283 : i32 to index
    %swap3A_285 = arith.constant 96 : index
    %swap3A_286 = tpu.vector_load %arg10[%swap3A_284, %swap3A_285] {strides = array<i32>} : memref<32x128xf32, #tpu.memory_space<vmem>>, vector<16xf32>,
    tpu.vector_store %arg10[%swap3A_284, %swap3A_285], %broadcast_in_dim3A_3 {strides = array<i32>} : memref<32x128xf32, #tpu.memory_space<vmem>>, vector<16xf32>,
    %swap3A_287 = arith.constant 8 : i32
    %swap3A_288 = arith.index_cast %swap3A_287 : i32 to index
    %swap3A_289 = arith.constant 112 : index
    %swap3A_290 = tpu.vector_load %arg10[%swap3A_288, %swap3A_289] {strides = array<i32>} : memref<32x128xf32, #tpu.memory_space<vmem>>, vector<16xf32>,
    tpu.vector_store %arg10[%swap3A_288, %swap3A_289], %broadcast_in_dim3A_3 {strides = array<i32>} : memref<32x128xf32, #tpu.memory_space<vmem>>, vector<16xf32>,
    %swap3A_291 = arith.constant 9 : i32
    %swap3A_292 = arith.index_cast %swap3A_291 : i32 to index
    %swap3A_293 = arith.constant 0 : index
    %swap3A_294 = tpu.vector_load %arg10[%swap3A_292, %swap3A_293] {strides = array<i32>} : memref<32x128xf32, #tpu.memory_space<vmem>>, vector<16xf32>,
    tpu.vector_store %arg10[%swap3A_292, %swap3A_293], %broadcast_in_dim3A_3 {strides = array<i32>} : memref<32x128xf32, #tpu.memory_space<vmem>>, vector<16xf32>,
    %swap3A_295 = arith.constant 9 : i32
    %swap3A_296 = arith.index_cast %swap3A_295 : i32 to index
    %swap3A_297 = arith.constant 16 : index
    %swap3A_298 = tpu.vector_load %arg10[%swap3A_296, %swap3A_297] {strides = array<i32>} : memref<32x128xf32, #tpu.memory_space<vmem>>, vector<16xf32>,
    tpu.vector_store %arg10[%swap3A_296, %swap3A_297], %broadcast_in_dim3A_3 {strides = array<i32>} : memref<32x128xf32, #tpu.memory_space<vmem>>, vector<16xf32>,
    %swap3A_299 = arith.constant 9 : i32
    %swap3A_300 = arith.index_cast %swap3A_299 : i32 to index
    %swap3A_301 = arith.constant 32 : index
    %swap3A_302 = tpu.vector_load %arg10[%swap3A_300, %swap3A_301] {strides = array<i32>} : memref<32x128xf32, #tpu.memory_space<vmem>>, vector<16xf32>,
    tpu.vector_store %arg10[%swap3A_300, %swap3A_301], %broadcast_in_dim3A_3 {strides = array<i32>} : memref<32x128xf32, #tpu.memory_space<vmem>>, vector<16xf32>,
    %swap3A_303 = arith.constant 9 : i32
    %swap3A_304 = arith.index_cast %swap3A_303 : i32 to index
    %swap3A_305 = arith.constant 48 : index
    %swap3A_306 = tpu.vector_load %arg10[%swap3A_304, %swap3A_305] {strides = array<i32>} : memref<32x128xf32, #tpu.memory_space<vmem>>, vector<16xf32>,
    tpu.vector_store %arg10[%swap3A_304, %swap3A_305], %broadcast_in_dim3A_3 {strides = array<i32>} : memref<32x128xf32, #tpu.memory_space<vmem>>, vector<16xf32>,
    %swap3A_307 = arith.constant 9 : i32
    %swap3A_308 = arith.index_cast %swap3A_307 : i32 to index
    %swap3A_309 = arith.constant 64 : index
    %swap3A_310 = tpu.vector_load %arg10[%swap3A_308, %swap3A_309] {strides = array<i32>} : memref<32x128xf32, #tpu.memory_space<vmem>>, vector<16xf32>,
    tpu.vector_store %arg10[%swap3A_308, %swap3A_309], %broadcast_in_dim3A_3 {strides = array<i32>} : memref<32x128xf32, #tpu.memory_space<vmem>>, vector<16xf32>,
    %swap3A_311 = arith.constant 9 : i32
    %swap3A_312 = arith.index_cast %swap3A_311 : i32 to index
    %swap3A_313 = arith.constant 80 : index
    %swap3A_314 = tpu.vector_load %arg10[%swap3A_312, %swap3A_313] {strides = array<i32>} : memref<32x128xf32, #tpu.memory_space<vmem>>, vector<16xf32>,
    tpu.vector_store %arg10[%swap3A_312, %swap3A_313], %broadcast_in_dim3A_3 {strides = array<i32>} : memref<32x128xf32, #tpu.memory_space<vmem>>, vector<16xf32>,
    %swap3A_315 = arith.constant 9 : i32
    %swap3A_316 = arith.index_cast %swap3A_315 : i32 to index
    %swap3A_317 = arith.constant 96 : index
    %swap3A_318 = tpu.vector_load %arg10[%swap3A_316, %swap3A_317] {strides = array<i32>} : memref<32x128xf32, #tpu.memory_space<vmem>>, vector<16xf32>,
    tpu.vector_store %arg10[%swap3A_316, %swap3A_317], %broadcast_in_dim3A_3 {strides = array<i32>} : memref<32x128xf32, #tpu.memory_space<vmem>>, vector<16xf32>,
    %swap3A_319 = arith.constant 9 : i32
    %swap3A_320 = arith.index_cast %swap3A_319 : i32 to index
    %swap3A_321 = arith.constant 112 : index
    %swap3A_322 = tpu.vector_load %arg10[%swap3A_320, %swap3A_321] {strides = array<i32>} : memref<32x128xf32, #tpu.memory_space<vmem>>, vector<16xf32>,
    tpu.vector_store %arg10[%swap3A_320, %swap3A_321], %broadcast_in_dim3A_3 {strides = array<i32>} : memref<32x128xf32, #tpu.memory_space<vmem>>, vector<16xf32>,
    %swap3A_323 = arith.constant 10 : i32
    %swap3A_324 = arith.index_cast %swap3A_323 : i32 to index
    %swap3A_325 = arith.constant 0 : index
    %swap3A_326 = tpu.vector_load %arg10[%swap3A_324, %swap3A_325] {strides = array<i32>} : memref<32x128xf32, #tpu.memory_space<vmem>>, vector<16xf32>,
    tpu.vector_store %arg10[%swap3A_324, %swap3A_325], %broadcast_in_dim3A_3 {strides = array<i32>} : memref<32x128xf32, #tpu.memory_space<vmem>>, vector<16xf32>,
    %swap3A_327 = arith.constant 10 : i32
    %swap3A_328 = arith.index_cast %swap3A_327 : i32 to index
    %swap3A_329 = arith.constant 16 : index
    %swap3A_330 = tpu.vector_load %arg10[%swap3A_328, %swap3A_329] {strides = array<i32>} : memref<32x128xf32, #tpu.memory_space<vmem>>, vector<16xf32>,
    tpu.vector_store %arg10[%swap3A_328, %swap3A_329], %broadcast_in_dim3A_3 {strides = array<i32>} : memref<32x128xf32, #tpu.memory_space<vmem>>, vector<16xf32>,
    %swap3A_331 = arith.constant 10 : i32
    %swap3A_332 = arith.index_cast %swap3A_331 : i32 to index
    %swap3A_333 = arith.constant 32 : index
    %swap3A_334 = tpu.vector_load %arg10[%swap3A_332, %swap3A_333] {strides = array<i32>} : memref<32x128xf32, #tpu.memory_space<vmem>>, vector<16xf32>,
    tpu.vector_store %arg10[%swap3A_332, %swap3A_333], %broadcast_in_dim3A_3 {strides = array<i32>} : memref<32x128xf32, #tpu.memory_space<vmem>>, vector<16xf32>,
    %swap3A_335 = arith.constant 10 : i32
    %swap3A_336 = arith.index_cast %swap3A_335 : i32 to index
    %swap3A_337 = arith.constant 48 : index
    %swap3A_338 = tpu.vector_load %arg10[%swap3A_336, %swap3A_337] {strides = array<i32>} : memref<32x128xf32, #tpu.memory_space<vmem>>, vector<16xf32>,
    tpu.vector_store %arg10[%swap3A_336, %swap3A_337], %broadcast_in_dim3A_3 {strides = array<i32>} : memref<32x128xf32, #tpu.memory_space<vmem>>, vector<16xf32>,
    %swap3A_339 = arith.constant 10 : i32
    %swap3A_340 = arith.index_cast %swap3A_339 : i32 to index
    %swap3A_341 = arith.constant 64 : index
    %swap3A_342 = tpu.vector_load %arg10[%swap3A_340, %swap3A_341] {strides = array<i32>} : memref<32x128xf32, #tpu.memory_space<vmem>>, vector<16xf32>,
    tpu.vector_store %arg10[%swap3A_340, %swap3A_341], %broadcast_in_dim3A_3 {strides = array<i32>} : memref<32x128xf32, #tpu.memory_space<vmem>>, vector<16xf32>,
    %swap3A_343 = arith.constant 10 : i32
    %swap3A_344 = arith.index_cast %swap3A_343 : i32 to index
    %swap3A_345 = arith.constant 80 : index
    %swap3A_346 = tpu.vector_load %arg10[%swap3A_344, %swap3A_345] {strides = array<i32>} : memref<32x128xf32, #tpu.memory_space<vmem>>, vector<16xf32>,
    tpu.vector_store %arg10[%swap3A_344, %swap3A_345], %broadcast_in_dim3A_3 {strides = array<i32>} : memref<32x128xf32, #tpu.memory_space<vmem>>, vector<16xf32>,
    %swap3A_347 = arith.constant 10 : i32
    %swap3A_348 = arith.index_cast %swap3A_347 : i32 to index
    %swap3A_349 = arith.constant 96 : index
    %swap3A_350 = tpu.vector_load %arg10[%swap3A_348, %swap3A_349] {strides = array<i32>} : memref<32x128xf32, #tpu.memory_space<vmem>>, vector<16xf32>,
    tpu.vector_store %arg10[%swap3A_348, %swap3A_349], %broadcast_in_dim3A_3 {strides = array<i32>} : memref<32x128xf32, #tpu.memory_space<vmem>>, vector<16xf32>,
    %swap3A_351 = arith.constant 10 : i32
    %swap3A_352 = arith.index_cast %swap3A_351 : i32 to index
    %swap3A_353 = arith.constant 112 : index
    %swap3A_354 = tpu.vector_load %arg10[%swap3A_352, %swap3A_353] {strides = array<i32>} : memref<32x128xf32, #tpu.memory_space<vmem>>, vector<16xf32>,
    tpu.vector_store %arg10[%swap3A_352, %swap3A_353], %broadcast_in_dim3A_3 {strides = array<i32>} : memref<32x128xf32, #tpu.memory_space<vmem>>, vector<16xf32>,
    %swap3A_355 = arith.constant 11 : i32
    %swap3A_356 = arith.index_cast %swap3A_355 : i32 to index
    %swap3A_357 = arith.constant 0 : index
    %swap3A_358 = tpu.vector_load %arg10[%swap3A_356, %swap3A_357] {strides = array<i32>} : memref<32x128xf32, #tpu.memory_space<vmem>>, vector<16xf32>,
    tpu.vector_store %arg10[%swap3A_356, %swap3A_357], %broadcast_in_dim3A_3 {strides = array<i32>} : memref<32x128xf32, #tpu.memory_space<vmem>>, vector<16xf32>,
    %swap3A_359 = arith.constant 11 : i32
    %swap3A_360 = arith.index_cast %swap3A_359 : i32 to index
    %swap3A_361 = arith.constant 16 : index
    %swap3A_362 = tpu.vector_load %arg10[%swap3A_360, %swap3A_361] {strides = array<i32>} : memref<32x128xf32, #tpu.memory_space<vmem>>, vector<16xf32>,
    tpu.vector_store %arg10[%swap3A_360, %swap3A_361], %broadcast_in_dim3A_3 {strides = array<i32>} : memref<32x128xf32, #tpu.memory_space<vmem>>, vector<16xf32>,
    %swap3A_363 = arith.constant 11 : i32
    %swap3A_364 = arith.index_cast %swap3A_363 : i32 to index
    %swap3A_365 = arith.constant 32 : index
    %swap3A_366 = tpu.vector_load %arg10[%swap3A_364, %swap3A_365] {strides = array<i32>} : memref<32x128xf32, #tpu.memory_space<vmem>>, vector<16xf32>,
    tpu.vector_store %arg10[%swap3A_364, %swap3A_365], %broadcast_in_dim3A_3 {strides = array<i32>} : memref<32x128xf32, #tpu.memory_space<vmem>>, vector<16xf32>,
    %swap3A_367 = arith.constant 11 : i32
    %swap3A_368 = arith.index_cast %swap3A_367 : i32 to index
    %swap3A_369 = arith.constant 48 : index
    %swap3A_370 = tpu.vector_load %arg10[%swap3A_368, %swap3A_369] {strides = array<i32>} : memref<32x128xf32, #tpu.memory_space<vmem>>, vector<16xf32>,
    tpu.vector_store %arg10[%swap3A_368, %swap3A_369], %broadcast_in_dim3A_3 {strides = array<i32>} : memref<32x128xf32, #tpu.memory_space<vmem>>, vector<16xf32>,
    %swap3A_371 = arith.constant 11 : i32
    %swap3A_372 = arith.index_cast %swap3A_371 : i32 to index
    %swap3A_373 = arith.constant 64 : index
    %swap3A_374 = tpu.vector_load %arg10[%swap3A_372, %swap3A_373] {strides = array<i32>} : memref<32x128xf32, #tpu.memory_space<vmem>>, vector<16xf32>,
    tpu.vector_store %arg10[%swap3A_372, %swap3A_373], %broadcast_in_dim3A_3 {strides = array<i32>} : memref<32x128xf32, #tpu.memory_space<vmem>>, vector<16xf32>,
    %swap3A_375 = arith.constant 11 : i32
    %swap3A_376 = arith.index_cast %swap3A_375 : i32 to index
    %swap3A_377 = arith.constant 80 : index
    %swap3A_378 = tpu.vector_load %arg10[%swap3A_376, %swap3A_377] {strides = array<i32>} : memref<32x128xf32, #tpu.memory_space<vmem>>, vector<16xf32>,
    tpu.vector_store %arg10[%swap3A_376, %swap3A_377], %broadcast_in_dim3A_3 {strides = array<i32>} : memref<32x128xf32, #tpu.memory_space<vmem>>, vector<16xf32>,
    %swap3A_379 = arith.constant 11 : i32
    %swap3A_380 = arith.index_cast %swap3A_379 : i32 to index
    %swap3A_381 = arith.constant 96 : index
    %swap3A_382 = tpu.vector_load %arg10[%swap3A_380, %swap3A_381] {strides = array<i32>} : memref<32x128xf32, #tpu.memory_space<vmem>>, vector<16xf32>,
    tpu.vector_store %arg10[%swap3A_380, %swap3A_381], %broadcast_in_dim3A_3 {strides = array<i32>} : memref<32x128xf32, #tpu.memory_space<vmem>>, vector<16xf32>,
    %swap3A_383 = arith.constant 11 : i32
    %swap3A_384 = arith.index_cast %swap3A_383 : i32 to index
    %swap3A_385 = arith.constant 112 : index
    %swap3A_386 = tpu.vector_load %arg10[%swap3A_384, %swap3A_385] {strides = array<i32>} : memref<32x128xf32, #tpu.memory_space<vmem>>, vector<16xf32>,
    tpu.vector_store %arg10[%swap3A_384, %swap3A_385], %broadcast_in_dim3A_3 {strides = array<i32>} : memref<32x128xf32, #tpu.memory_space<vmem>>, vector<16xf32>,
    %swap3A_387 = arith.constant 12 : i32
    %swap3A_388 = arith.index_cast %swap3A_387 : i32 to index
    %swap3A_389 = arith.constant 0 : index
    %swap3A_390 = tpu.vector_load %arg10[%swap3A_388, %swap3A_389] {strides = array<i32>} : memref<32x128xf32, #tpu.memory_space<vmem>>, vector<16xf32>,
    tpu.vector_store %arg10[%swap3A_388, %swap3A_389], %broadcast_in_dim3A_3 {strides = array<i32>} : memref<32x128xf32, #tpu.memory_space<vmem>>, vector<16xf32>,
    %swap3A_391 = arith.constant 12 : i32
    %swap3A_392 = arith.index_cast %swap3A_391 : i32 to index
    %swap3A_393 = arith.constant 16 : index
    %swap3A_394 = tpu.vector_load %arg10[%swap3A_392, %swap3A_393] {strides = array<i32>} : memref<32x128xf32, #tpu.memory_space<vmem>>, vector<16xf32>,
    tpu.vector_store %arg10[%swap3A_392, %swap3A_393], %broadcast_in_dim3A_3 {strides = array<i32>} : memref<32x128xf32, #tpu.memory_space<vmem>>, vector<16xf32>,
    %swap3A_395 = arith.constant 12 : i32
    %swap3A_396 = arith.index_cast %swap3A_395 : i32 to index
    %swap3A_397 = arith.constant 32 : index
    %swap3A_398 = tpu.vector_load %arg10[%swap3A_396, %swap3A_397] {strides = array<i32>} : memref<32x128xf32, #tpu.memory_space<vmem>>, vector<16xf32>,
    tpu.vector_store %arg10[%swap3A_396, %swap3A_397], %broadcast_in_dim3A_3 {strides = array<i32>} : memref<32x128xf32, #tpu.memory_space<vmem>>, vector<16xf32>,
    %swap3A_399 = arith.constant 12 : i32
    %swap3A_400 = arith.index_cast %swap3A_399 : i32 to index
    %swap3A_401 = arith.constant 48 : index
    %swap3A_402 = tpu.vector_load %arg10[%swap3A_400, %swap3A_401] {strides = array<i32>} : memref<32x128xf32, #tpu.memory_space<vmem>>, vector<16xf32>,
    tpu.vector_store %arg10[%swap3A_400, %swap3A_401], %broadcast_in_dim3A_3 {strides = array<i32>} : memref<32x128xf32, #tpu.memory_space<vmem>>, vector<16xf32>,
    %swap3A_403 = arith.constant 12 : i32
    %swap3A_404 = arith.index_cast %swap3A_403 : i32 to index
    %swap3A_405 = arith.constant 64 : index
    %swap3A_406 = tpu.vector_load %arg10[%swap3A_404, %swap3A_405] {strides = array<i32>} : memref<32x128xf32, #tpu.memory_space<vmem>>, vector<16xf32>,
    tpu.vector_store %arg10[%swap3A_404, %swap3A_405], %broadcast_in_dim3A_3 {strides = array<i32>} : memref<32x128xf32, #tpu.memory_space<vmem>>, vector<16xf32>,
    %swap3A_407 = arith.constant 12 : i32
    %swap3A_408 = arith.index_cast %swap3A_407 : i32 to index
    %swap3A_409 = arith.constant 80 : index
    %swap3A_410 = tpu.vector_load %arg10[%swap3A_408, %swap3A_409] {strides = array<i32>} : memref<32x128xf32, #tpu.memory_space<vmem>>, vector<16xf32>,
    tpu.vector_store %arg10[%swap3A_408, %swap3A_409], %broadcast_in_dim3A_3 {strides = array<i32>} : memref<32x128xf32, #tpu.memory_space<vmem>>, vector<16xf32>,
    %swap3A_411 = arith.constant 12 : i32
    %swap3A_412 = arith.index_cast %swap3A_411 : i32 to index
    %swap3A_413 = arith.constant 96 : index
    %swap3A_414 = tpu.vector_load %arg10[%swap3A_412, %swap3A_413] {strides = array<i32>} : memref<32x128xf32, #tpu.memory_space<vmem>>, vector<16xf32>,
    tpu.vector_store %arg10[%swap3A_412, %swap3A_413], %broadcast_in_dim3A_3 {strides = array<i32>} : memref<32x128xf32, #tpu.memory_space<vmem>>, vector<16xf32>,
    %swap3A_415 = arith.constant 12 : i32
    %swap3A_416 = arith.index_cast %swap3A_415 : i32 to index
    %swap3A_417 = arith.constant 112 : index
    %swap3A_418 = tpu.vector_load %arg10[%swap3A_416, %swap3A_417] {strides = array<i32>} : memref<32x128xf32, #tpu.memory_space<vmem>>, vector<16xf32>,
    tpu.vector_store %arg10[%swap3A_416, %swap3A_417], %broadcast_in_dim3A_3 {strides = array<i32>} : memref<32x128xf32, #tpu.memory_space<vmem>>, vector<16xf32>,
    %swap3A_419 = arith.constant 13 : i32
    %swap3A_420 = arith.index_cast %swap3A_419 : i32 to index
    %swap3A_421 = arith.constant 0 : index
    %swap3A_422 = tpu.vector_load %arg10[%swap3A_420, %swap3A_421] {strides = array<i32>} : memref<32x128xf32, #tpu.memory_space<vmem>>, vector<16xf32>,
    tpu.vector_store %arg10[%swap3A_420, %swap3A_421], %broadcast_in_dim3A_3 {strides = array<i32>} : memref<32x128xf32, #tpu.memory_space<vmem>>, vector<16xf32>,
    %swap3A_423 = arith.constant 13 : i32
    %swap3A_424 = arith.index_cast %swap3A_423 : i32 to index
    %swap3A_425 = arith.constant 16 : index
    %swap3A_426 = tpu.vector_load %arg10[%swap3A_424, %swap3A_425] {strides = array<i32>} : memref<32x128xf32, #tpu.memory_space<vmem>>, vector<16xf32>,
    tpu.vector_store %arg10[%swap3A_424, %swap3A_425], %broadcast_in_dim3A_3 {strides = array<i32>} : memref<32x128xf32, #tpu.memory_space<vmem>>, vector<16xf32>,
    %swap3A_427 = arith.constant 13 : i32
    %swap3A_428 = arith.index_cast %swap3A_427 : i32 to index
    %swap3A_429 = arith.constant 32 : index
    %swap3A_430 = tpu.vector_load %arg10[%swap3A_428, %swap3A_429] {strides = array<i32>} : memref<32x128xf32, #tpu.memory_space<vmem>>, vector<16xf32>,
    tpu.vector_store %arg10[%swap3A_428, %swap3A_429], %broadcast_in_dim3A_3 {strides = array<i32>} : memref<32x128xf32, #tpu.memory_space<vmem>>, vector<16xf32>,
    %swap3A_431 = arith.constant 13 : i32
    %swap3A_432 = arith.index_cast %swap3A_431 : i32 to index
    %swap3A_433 = arith.constant 48 : index
    %swap3A_434 = tpu.vector_load %arg10[%swap3A_432, %swap3A_433] {strides = array<i32>} : memref<32x128xf32, #tpu.memory_space<vmem>>, vector<16xf32>,
    tpu.vector_store %arg10[%swap3A_432, %swap3A_433], %broadcast_in_dim3A_3 {strides = array<i32>} : memref<32x128xf32, #tpu.memory_space<vmem>>, vector<16xf32>,
    %swap3A_435 = arith.constant 13 : i32
    %swap3A_436 = arith.index_cast %swap3A_435 : i32 to index
    %swap3A_437 = arith.constant 64 : index
    %swap3A_438 = tpu.vector_load %arg10[%swap3A_436, %swap3A_437] {strides = array<i32>} : memref<32x128xf32, #tpu.memory_space<vmem>>, vector<16xf32>,
    tpu.vector_store %arg10[%swap3A_436, %swap3A_437], %broadcast_in_dim3A_3 {strides = array<i32>} : memref<32x128xf32, #tpu.memory_space<vmem>>, vector<16xf32>,
    %swap3A_439 = arith.constant 13 : i32
    %swap3A_440 = arith.index_cast %swap3A_439 : i32 to index
    %swap3A_441 = arith.constant 80 : index
    %swap3A_442 = tpu.vector_load %arg10[%swap3A_440, %swap3A_441] {strides = array<i32>} : memref<32x128xf32, #tpu.memory_space<vmem>>, vector<16xf32>,
    tpu.vector_store %arg10[%swap3A_440, %swap3A_441], %broadcast_in_dim3A_3 {strides = array<i32>} : memref<32x128xf32, #tpu.memory_space<vmem>>, vector<16xf32>,
    %swap3A_443 = arith.constant 13 : i32
    %swap3A_444 = arith.index_cast %swap3A_443 : i32 to index
    %swap3A_445 = arith.constant 96 : index
    %swap3A_446 = tpu.vector_load %arg10[%swap3A_444, %swap3A_445] {strides = array<i32>} : memref<32x128xf32, #tpu.memory_space<vmem>>, vector<16xf32>,
    tpu.vector_store %arg10[%swap3A_444, %swap3A_445], %broadcast_in_dim3A_3 {strides = array<i32>} : memref<32x128xf32, #tpu.memory_space<vmem>>, vector<16xf32>,
    %swap3A_447 = arith.constant 13 : i32
    %swap3A_448 = arith.index_cast %swap3A_447 : i32 to index
    %swap3A_449 = arith.constant 112 : index
    %swap3A_450 = tpu.vector_load %arg10[%swap3A_448, %swap3A_449] {strides = array<i32>} : memref<32x128xf32, #tpu.memory_space<vmem>>, vector<16xf32>,
    tpu.vector_store %arg10[%swap3A_448, %swap3A_449], %broadcast_in_dim3A_3 {strides = array<i32>} : memref<32x128xf32, #tpu.memory_space<vmem>>, vector<16xf32>,
    %swap3A_451 = arith.constant 14 : i32
    %swap3A_452 = arith.index_cast %swap3A_451 : i32 to index
    %swap3A_453 = arith.constant 0 : index
    %swap3A_454 = tpu.vector_load %arg10[%swap3A_452, %swap3A_453] {strides = array<i32>} : memref<32x128xf32, #tpu.memory_space<vmem>>, vector<16xf32>,
    tpu.vector_store %arg10[%swap3A_452, %swap3A_453], %broadcast_in_dim3A_3 {strides = array<i32>} : memref<32x128xf32, #tpu.memory_space<vmem>>, vector<16xf32>,
    %swap3A_455 = arith.constant 14 : i32
    %swap3A_456 = arith.index_cast %swap3A_455 : i32 to index
    %swap3A_457 = arith.constant 16 : index
    %swap3A_458 = tpu.vector_load %arg10[%swap3A_456, %swap3A_457] {strides = array<i32>} : memref<32x128xf32, #tpu.memory_space<vmem>>, vector<16xf32>,
    tpu.vector_store %arg10[%swap3A_456, %swap3A_457], %broadcast_in_dim3A_3 {strides = array<i32>} : memref<32x128xf32, #tpu.memory_space<vmem>>, vector<16xf32>,
    %swap3A_459 = arith.constant 14 : i32
    %swap3A_460 = arith.index_cast %swap3A_459 : i32 to index
    %swap3A_461 = arith.constant 32 : index
    %swap3A_462 = tpu.vector_load %arg10[%swap3A_460, %swap3A_461] {strides = array<i32>} : memref<32x128xf32, #tpu.memory_space<vmem>>, vector<16xf32>,
    tpu.vector_store %arg10[%swap3A_460, %swap3A_461], %broadcast_in_dim3A_3 {strides = array<i32>} : memref<32x128xf32, #tpu.memory_space<vmem>>, vector<16xf32>,
    %swap3A_463 = arith.constant 14 : i32
    %swap3A_464 = arith.index_cast %swap3A_463 : i32 to index
    %swap3A_465 = arith.constant 48 : index
    %swap3A_466 = tpu.vector_load %arg10[%swap3A_464, %swap3A_465] {strides = array<i32>} : memref<32x128xf32, #tpu.memory_space<vmem>>, vector<16xf32>,
    tpu.vector_store %arg10[%swap3A_464, %swap3A_465], %broadcast_in_dim3A_3 {strides = array<i32>} : memref<32x128xf32, #tpu.memory_space<vmem>>, vector<16xf32>,
    %swap3A_467 = arith.constant 14 : i32
    %swap3A_468 = arith.index_cast %swap3A_467 : i32 to index
    %swap3A_469 = arith.constant 64 : index
    %swap3A_470 = tpu.vector_load %arg10[%swap3A_468, %swap3A_469] {strides = array<i32>} : memref<32x128xf32, #tpu.memory_space<vmem>>, vector<16xf32>,
    tpu.vector_store %arg10[%swap3A_468, %swap3A_469], %broadcast_in_dim3A_3 {strides = array<i32>} : memref<32x128xf32, #tpu.memory_space<vmem>>, vector<16xf32>,
    %swap3A_471 = arith.constant 14 : i32
    %swap3A_472 = arith.index_cast %swap3A_471 : i32 to index
    %swap3A_473 = arith.constant 80 : index
    %swap3A_474 = tpu.vector_load %arg10[%swap3A_472, %swap3A_473] {strides = array<i32>} : memref<32x128xf32, #tpu.memory_space<vmem>>, vector<16xf32>,
    tpu.vector_store %arg10[%swap3A_472, %swap3A_473], %broadcast_in_dim3A_3 {strides = array<i32>} : memref<32x128xf32, #tpu.memory_space<vmem>>, vector<16xf32>,
    %swap3A_475 = arith.constant 14 : i32
    %swap3A_476 = arith.index_cast %swap3A_475 : i32 to index
    %swap3A_477 = arith.constant 96 : index
    %swap3A_478 = tpu.vector_load %arg10[%swap3A_476, %swap3A_477] {strides = array<i32>} : memref<32x128xf32, #tpu.memory_space<vmem>>, vector<16xf32>,
    tpu.vector_store %arg10[%swap3A_476, %swap3A_477], %broadcast_in_dim3A_3 {strides = array<i32>} : memref<32x128xf32, #tpu.memory_space<vmem>>, vector<16xf32>,
    %swap3A_479 = arith.constant 14 : i32
    %swap3A_480 = arith.index_cast %swap3A_479 : i32 to index
    %swap3A_481 = arith.constant 112 : index
    %swap3A_482 = tpu.vector_load %arg10[%swap3A_480, %swap3A_481] {strides = array<i32>} : memref<32x128xf32, #tpu.memory_space<vmem>>, vector<16xf32>,
    tpu.vector_store %arg10[%swap3A_480, %swap3A_481], %broadcast_in_dim3A_3 {strides = array<i32>} : memref<32x128xf32, #tpu.memory_space<vmem>>, vector<16xf32>,
    %swap3A_483 = arith.constant 15 : i32
    %swap3A_484 = arith.index_cast %swap3A_483 : i32 to index
    %swap3A_485 = arith.constant 0 : index
    %swap3A_486 = tpu.vector_load %arg10[%swap3A_484, %swap3A_485] {strides = array<i32>} : memref<32x128xf32, #tpu.memory_space<vmem>>, vector<16xf32>,
    tpu.vector_store %arg10[%swap3A_484, %swap3A_485], %broadcast_in_dim3A_3 {strides = array<i32>} : memref<32x128xf32, #tpu.memory_space<vmem>>, vector<16xf32>,
    %swap3A_487 = arith.constant 15 : i32
    %swap3A_488 = arith.index_cast %swap3A_487 : i32 to index
    %swap3A_489 = arith.constant 16 : index
    %swap3A_490 = tpu.vector_load %arg10[%swap3A_488, %swap3A_489] {strides = array<i32>} : memref<32x128xf32, #tpu.memory_space<vmem>>, vector<16xf32>,
    tpu.vector_store %arg10[%swap3A_488, %swap3A_489], %broadcast_in_dim3A_3 {strides = array<i32>} : memref<32x128xf32, #tpu.memory_space<vmem>>, vector<16xf32>,
    %swap3A_491 = arith.constant 15 : i32
    %swap3A_492 = arith.index_cast %swap3A_491 : i32 to index
    %swap3A_493 = arith.constant 32 : index
    %swap3A_494 = tpu.vector_load %arg10[%swap3A_492, %swap3A_493] {strides = array<i32>} : memref<32x128xf32, #tpu.memory_space<vmem>>, vector<16xf32>,
    tpu.vector_store %arg10[%swap3A_492, %swap3A_493], %broadcast_in_dim3A_3 {strides = array<i32>} : memref<32x128xf32, #tpu.memory_space<vmem>>, vector<16xf32>,
    %swap3A_495 = arith.constant 15 : i32
    %swap3A_496 = arith.index_cast %swap3A_495 : i32 to index
    %swap3A_497 = arith.constant 48 : index
    %swap3A_498 = tpu.vector_load %arg10[%swap3A_496, %swap3A_497] {strides = array<i32>} : memref<32x128xf32, #tpu.memory_space<vmem>>, vector<16xf32>,
    tpu.vector_store %arg10[%swap3A_496, %swap3A_497], %broadcast_in_dim3A_3 {strides = array<i32>} : memref<32x128xf32, #tpu.memory_space<vmem>>, vector<16xf32>,
    %swap3A_499 = arith.constant 15 : i32
    %swap3A_500 = arith.index_cast %swap3A_499 : i32 to index
    %swap3A_501 = arith.constant 64 : index
    %swap3A_502 = tpu.vector_load %arg10[%swap3A_500, %swap3A_501] {strides = array<i32>} : memref<32x128xf32, #tpu.memory_space<vmem>>, vector<16xf32>,
    tpu.vector_store %arg10[%swap3A_500, %swap3A_501], %broadcast_in_dim3A_3 {strides = array<i32>} : memref<32x128xf32, #tpu.memory_space<vmem>>, vector<16xf32>,
    %swap3A_503 = arith.constant 15 : i32
    %swap3A_504 = arith.index_cast %swap3A_503 : i32 to index
    %swap3A_505 = arith.constant 80 : index
    %swap3A_506 = tpu.vector_load %arg10[%swap3A_504, %swap3A_505] {strides = array<i32>} : memref<32x128xf32, #tpu.memory_space<vmem>>, vector<16xf32>,
    tpu.vector_store %arg10[%swap3A_504, %swap3A_505], %broadcast_in_dim3A_3 {strides = array<i32>} : memref<32x128xf32, #tpu.memory_space<vmem>>, vector<16xf32>,
    %swap3A_507 = arith.constant 15 : i32
    %swap3A_508 = arith.index_cast %swap3A_507 : i32 to index
    %swap3A_509 = arith.constant 96 : index
    %swap3A_510 = tpu.vector_load %arg10[%swap3A_508, %swap3A_509] {strides = array<i32>} : memref<32x128xf32, #tpu.memory_space<vmem>>, vector<16xf32>,
    tpu.vector_store %arg10[%swap3A_508, %swap3A_509], %broadcast_in_dim3A_3 {strides = array<i32>} : memref<32x128xf32, #tpu.memory_space<vmem>>, vector<16xf32>,
    %swap3A_511 = arith.constant 15 : i32
    %swap3A_512 = arith.index_cast %swap3A_511 : i32 to index
    %swap3A_513 = arith.constant 112 : index
    %swap3A_514 = tpu.vector_load %arg10[%swap3A_512, %swap3A_513] {strides = array<i32>} : memref<32x128xf32, #tpu.memory_space<vmem>>, vector<16xf32>,
    tpu.vector_store %arg10[%swap3A_512, %swap3A_513], %broadcast_in_dim3A_3 {strides = array<i32>} : memref<32x128xf32, #tpu.memory_space<vmem>>, vector<16xf32>,
    %swap3A_515 = arith.constant 16 : i32
    %swap3A_516 = arith.index_cast %swap3A_515 : i32 to index
    %swap3A_517 = arith.constant 0 : index
    %swap3A_518 = tpu.vector_load %arg10[%swap3A_516, %swap3A_517] {strides = array<i32>} : memref<32x128xf32, #tpu.memory_space<vmem>>, vector<16xf32>,
    tpu.vector_store %arg10[%swap3A_516, %swap3A_517], %broadcast_in_dim3A_3 {strides = array<i32>} : memref<32x128xf32, #tpu.memory_space<vmem>>, vector<16xf32>,
    %swap3A_519 = arith.constant 16 : i32
    %swap3A_520 = arith.index_cast %swap3A_519 : i32 to index
    %swap3A_521 = arith.constant 16 : index
    %swap3A_522 = tpu.vector_load %arg10[%swap3A_520, %swap3A_521] {strides = array<i32>} : memref<32x128xf32, #tpu.memory_space<vmem>>, vector<16xf32>,
    tpu.vector_store %arg10[%swap3A_520, %swap3A_521], %broadcast_in_dim3A_3 {strides = array<i32>} : memref<32x128xf32, #tpu.memory_space<vmem>>, vector<16xf32>,
    %swap3A_523 = arith.constant 16 : i32
    %swap3A_524 = arith.index_cast %swap3A_523 : i32 to index
    %swap3A_525 = arith.constant 32 : index
    %swap3A_526 = tpu.vector_load %arg10[%swap3A_524, %swap3A_525] {strides = array<i32>} : memref<32x128xf32, #tpu.memory_space<vmem>>, vector<16xf32>,
    tpu.vector_store %arg10[%swap3A_524, %swap3A_525], %broadcast_in_dim3A_3 {strides = array<i32>} : memref<32x128xf32, #tpu.memory_space<vmem>>, vector<16xf32>,
    %swap3A_527 = arith.constant 16 : i32
    %swap3A_528 = arith.index_cast %swap3A_527 : i32 to index
    %swap3A_529 = arith.constant 48 : index
    %swap3A_530 = tpu.vector_load %arg10[%swap3A_528, %swap3A_529] {strides = array<i32>} : memref<32x128xf32, #tpu.memory_space<vmem>>, vector<16xf32>,
    tpu.vector_store %arg10[%swap3A_528, %swap3A_529], %broadcast_in_dim3A_3 {strides = array<i32>} : memref<32x128xf32, #tpu.memory_space<vmem>>, vector<16xf32>,
    %swap3A_531 = arith.constant 16 : i32
    %swap3A_532 = arith.index_cast %swap3A_531 : i32 to index
    %swap3A_533 = arith.constant 64 : index
    %swap3A_534 = tpu.vector_load %arg10[%swap3A_532, %swap3A_533] {strides = array<i32>} : memref<32x128xf32, #tpu.memory_space<vmem>>, vector<16xf32>,
    tpu.vector_store %arg10[%swap3A_532, %swap3A_533], %broadcast_in_dim3A_3 {strides = array<i32>} : memref<32x128xf32, #tpu.memory_space<vmem>>, vector<16xf32>,
    %swap3A_535 = arith.constant 16 : i32
    %swap3A_536 = arith.index_cast %swap3A_535 : i32 to index
    %swap3A_537 = arith.constant 80 : index
    %swap3A_538 = tpu.vector_load %arg10[%swap3A_536, %swap3A_537] {strides = array<i32>} : memref<32x128xf32, #tpu.memory_space<vmem>>, vector<16xf32>,
    tpu.vector_store %arg10[%swap3A_536, %swap3A_537], %broadcast_in_dim3A_3 {strides = array<i32>} : memref<32x128xf32, #tpu.memory_space<vmem>>, vector<16xf32>,
    %swap3A_539 = arith.constant 16 : i32
    %swap3A_540 = arith.index_cast %swap3A_539 : i32 to index
    %swap3A_541 = arith.constant 96 : index
    %swap3A_542 = tpu.vector_load %arg10[%swap3A_540, %swap3A_541] {strides = array<i32>} : memref<32x128xf32, #tpu.memory_space<vmem>>, vector<16xf32>,
    tpu.vector_store %arg10[%swap3A_540, %swap3A_541], %broadcast_in_dim3A_3 {strides = array<i32>} : memref<32x128xf32, #tpu.memory_space<vmem>>, vector<16xf32>,
    %swap3A_543 = arith.constant 16 : i32
    %swap3A_544 = arith.index_cast %swap3A_543 : i32 to index
    %swap3A_545 = arith.constant 112 : index
    %swap3A_546 = tpu.vector_load %arg10[%swap3A_544, %swap3A_545] {strides = array<i32>} : memref<32x128xf32, #tpu.memory_space<vmem>>, vector<16xf32>,
    tpu.vector_store %arg10[%swap3A_544, %swap3A_545], %broadcast_in_dim3A_3 {strides = array<i32>} : memref<32x128xf32, #tpu.memory_space<vmem>>, vector<16xf32>,
    %swap3A_547 = arith.constant 17 : i32
    %swap3A_548 = arith.index_cast %swap3A_547 : i32 to index
    %swap3A_549 = arith.constant 0 : index
    %swap3A_550 = tpu.vector_load %arg10[%swap3A_548, %swap3A_549] {strides = array<i32>} : memref<32x128xf32, #tpu.memory_space<vmem>>, vector<16xf32>,
    tpu.vector_store %arg10[%swap3A_548, %swap3A_549], %broadcast_in_dim3A_3 {strides = array<i32>} : memref<32x128xf32, #tpu.memory_space<vmem>>, vector<16xf32>,
    %swap3A_551 = arith.constant 17 : i32
    %swap3A_552 = arith.index_cast %swap3A_551 : i32 to index
    %swap3A_553 = arith.constant 16 : index
    %swap3A_554 = tpu.vector_load %arg10[%swap3A_552, %swap3A_553] {strides = array<i32>} : memref<32x128xf32, #tpu.memory_space<vmem>>, vector<16xf32>,
    tpu.vector_store %arg10[%swap3A_552, %swap3A_553], %broadcast_in_dim3A_3 {strides = array<i32>} : memref<32x128xf32, #tpu.memory_space<vmem>>, vector<16xf32>,
    %swap3A_555 = arith.constant 17 : i32
    %swap3A_556 = arith.index_cast %swap3A_555 : i32 to index
    %swap3A_557 = arith.constant 32 : index
    %swap3A_558 = tpu.vector_load %arg10[%swap3A_556, %swap3A_557] {strides = array<i32>} : memref<32x128xf32, #tpu.memory_space<vmem>>, vector<16xf32>,
    tpu.vector_store %arg10[%swap3A_556, %swap3A_557], %broadcast_in_dim3A_3 {strides = array<i32>} : memref<32x128xf32, #tpu.memory_space<vmem>>, vector<16xf32>,
    %swap3A_559 = arith.constant 17 : i32
    %swap3A_560 = arith.index_cast %swap3A_559 : i32 to index
    %swap3A_561 = arith.constant 48 : index
    %swap3A_562 = tpu.vector_load %arg10[%swap3A_560, %swap3A_561] {strides = array<i32>} : memref<32x128xf32, #tpu.memory_space<vmem>>, vector<16xf32>,
    tpu.vector_store %arg10[%swap3A_560, %swap3A_561], %broadcast_in_dim3A_3 {strides = array<i32>} : memref<32x128xf32, #tpu.memory_space<vmem>>, vector<16xf32>,
    %swap3A_563 = arith.constant 17 : i32
    %swap3A_564 = arith.index_cast %swap3A_563 : i32 to index
    %swap3A_565 = arith.constant 64 : index
    %swap3A_566 = tpu.vector_load %arg10[%swap3A_564, %swap3A_565] {strides = array<i32>} : memref<32x128xf32, #tpu.memory_space<vmem>>, vector<16xf32>,
    tpu.vector_store %arg10[%swap3A_564, %swap3A_565], %broadcast_in_dim3A_3 {strides = array<i32>} : memref<32x128xf32, #tpu.memory_space<vmem>>, vector<16xf32>,
    %swap3A_567 = arith.constant 17 : i32
    %swap3A_568 = arith.index_cast %swap3A_567 : i32 to index
    %swap3A_569 = arith.constant 80 : index
    %swap3A_570 = tpu.vector_load %arg10[%swap3A_568, %swap3A_569] {strides = array<i32>} : memref<32x128xf32, #tpu.memory_space<vmem>>, vector<16xf32>,
    tpu.vector_store %arg10[%swap3A_568, %swap3A_569], %broadcast_in_dim3A_3 {strides = array<i32>} : memref<32x128xf32, #tpu.memory_space<vmem>>, vector<16xf32>,
    %swap3A_571 = arith.constant 17 : i32
    %swap3A_572 = arith.index_cast %swap3A_571 : i32 to index
    %swap3A_573 = arith.constant 96 : index
    %swap3A_574 = tpu.vector_load %arg10[%swap3A_572, %swap3A_573] {strides = array<i32>} : memref<32x128xf32, #tpu.memory_space<vmem>>, vector<16xf32>,
    tpu.vector_store %arg10[%swap3A_572, %swap3A_573], %broadcast_in_dim3A_3 {strides = array<i32>} : memref<32x128xf32, #tpu.memory_space<vmem>>, vector<16xf32>,
    %swap3A_575 = arith.constant 17 : i32
    %swap3A_576 = arith.index_cast %swap3A_575 : i32 to index
    %swap3A_577 = arith.constant 112 : index
    %swap3A_578 = tpu.vector_load %arg10[%swap3A_576, %swap3A_577] {strides = array<i32>} : memref<32x128xf32, #tpu.memory_space<vmem>>, vector<16xf32>,
    tpu.vector_store %arg10[%swap3A_576, %swap3A_577], %broadcast_in_dim3A_3 {strides = array<i32>} : memref<32x128xf32, #tpu.memory_space<vmem>>, vector<16xf32>,
    %swap3A_579 = arith.constant 18 : i32
    %swap3A_580 = arith.index_cast %swap3A_579 : i32 to index
    %swap3A_581 = arith.constant 0 : index
    %swap3A_582 = tpu.vector_load %arg10[%swap3A_580, %swap3A_581] {strides = array<i32>} : memref<32x128xf32, #tpu.memory_space<vmem>>, vector<16xf32>,
    tpu.vector_store %arg10[%swap3A_580, %swap3A_581], %broadcast_in_dim3A_3 {strides = array<i32>} : memref<32x128xf32, #tpu.memory_space<vmem>>, vector<16xf32>,
    %swap3A_583 = arith.constant 18 : i32
    %swap3A_584 = arith.index_cast %swap3A_583 : i32 to index
    %swap3A_585 = arith.constant 16 : index
    %swap3A_586 = tpu.vector_load %arg10[%swap3A_584, %swap3A_585] {strides = array<i32>} : memref<32x128xf32, #tpu.memory_space<vmem>>, vector<16xf32>,
    tpu.vector_store %arg10[%swap3A_584, %swap3A_585], %broadcast_in_dim3A_3 {strides = array<i32>} : memref<32x128xf32, #tpu.memory_space<vmem>>, vector<16xf32>,
    %swap3A_587 = arith.constant 18 : i32
    %swap3A_588 = arith.index_cast %swap3A_587 : i32 to index
    %swap3A_589 = arith.constant 32 : index
    %swap3A_590 = tpu.vector_load %arg10[%swap3A_588, %swap3A_589] {strides = array<i32>} : memref<32x128xf32, #tpu.memory_space<vmem>>, vector<16xf32>,
    tpu.vector_store %arg10[%swap3A_588, %swap3A_589], %broadcast_in_dim3A_3 {strides = array<i32>} : memref<32x128xf32, #tpu.memory_space<vmem>>, vector<16xf32>,
    %swap3A_591 = arith.constant 18 : i32
    %swap3A_592 = arith.index_cast %swap3A_591 : i32 to index
    %swap3A_593 = arith.constant 48 : index
    %swap3A_594 = tpu.vector_load %arg10[%swap3A_592, %swap3A_593] {strides = array<i32>} : memref<32x128xf32, #tpu.memory_space<vmem>>, vector<16xf32>,
    tpu.vector_store %arg10[%swap3A_592, %swap3A_593], %broadcast_in_dim3A_3 {strides = array<i32>} : memref<32x128xf32, #tpu.memory_space<vmem>>, vector<16xf32>,
    %swap3A_595 = arith.constant 18 : i32
    %swap3A_596 = arith.index_cast %swap3A_595 : i32 to index
    %swap3A_597 = arith.constant 64 : index
    %swap3A_598 = tpu.vector_load %arg10[%swap3A_596, %swap3A_597] {strides = array<i32>} : memref<32x128xf32, #tpu.memory_space<vmem>>, vector<16xf32>,
    tpu.vector_store %arg10[%swap3A_596, %swap3A_597], %broadcast_in_dim3A_3 {strides = array<i32>} : memref<32x128xf32, #tpu.memory_space<vmem>>, vector<16xf32>,
    %swap3A_599 = arith.constant 18 : i32
    %swap3A_600 = arith.index_cast %swap3A_599 : i32 to index
    %swap3A_601 = arith.constant 80 : index
    %swap3A_602 = tpu.vector_load %arg10[%swap3A_600, %swap3A_601] {strides = array<i32>} : memref<32x128xf32, #tpu.memory_space<vmem>>, vector<16xf32>,
    tpu.vector_store %arg10[%swap3A_600, %swap3A_601], %broadcast_in_dim3A_3 {strides = array<i32>} : memref<32x128xf32, #tpu.memory_space<vmem>>, vector<16xf32>,
    %swap3A_603 = arith.constant 18 : i32
    %swap3A_604 = arith.index_cast %swap3A_603 : i32 to index
    %swap3A_605 = arith.constant 96 : index
    %swap3A_606 = tpu.vector_load %arg10[%swap3A_604, %swap3A_605] {strides = array<i32>} : memref<32x128xf32, #tpu.memory_space<vmem>>, vector<16xf32>,
    tpu.vector_store %arg10[%swap3A_604, %swap3A_605], %broadcast_in_dim3A_3 {strides = array<i32>} : memref<32x128xf32, #tpu.memory_space<vmem>>, vector<16xf32>,
    %swap3A_607 = arith.constant 18 : i32
    %swap3A_608 = arith.index_cast %swap3A_607 : i32 to index
    %swap3A_609 = arith.constant 112 : index
    %swap3A_610 = tpu.vector_load %arg10[%swap3A_608, %swap3A_609] {strides = array<i32>} : memref<32x128xf32, #tpu.memory_space<vmem>>, vector<16xf32>,
    tpu.vector_store %arg10[%swap3A_608, %swap3A_609], %broadcast_in_dim3A_3 {strides = array<i32>} : memref<32x128xf32, #tpu.memory_space<vmem>>, vector<16xf32>,
    %swap3A_611 = arith.constant 19 : i32
    %swap3A_612 = arith.index_cast %swap3A_611 : i32 to index
    %swap3A_613 = arith.constant 0 : index
    %swap3A_614 = tpu.vector_load %arg10[%swap3A_612, %swap3A_613] {strides = array<i32>} : memref<32x128xf32, #tpu.memory_space<vmem>>, vector<16xf32>,
    tpu.vector_store %arg10[%swap3A_612, %swap3A_613], %broadcast_in_dim3A_3 {strides = array<i32>} : memref<32x128xf32, #tpu.memory_space<vmem>>, vector<16xf32>,
    %swap3A_615 = arith.constant 19 : i32
    %swap3A_616 = arith.index_cast %swap3A_615 : i32 to index
    %swap3A_617 = arith.constant 16 : index
    %swap3A_618 = tpu.vector_load %arg10[%swap3A_616, %swap3A_617] {strides = array<i32>} : memref<32x128xf32, #tpu.memory_space<vmem>>, vector<16xf32>,
    tpu.vector_store %arg10[%swap3A_616, %swap3A_617], %broadcast_in_dim3A_3 {strides = array<i32>} : memref<32x128xf32, #tpu.memory_space<vmem>>, vector<16xf32>,
    %swap3A_619 = arith.constant 19 : i32
    %swap3A_620 = arith.index_cast %swap3A_619 : i32 to index
    %swap3A_621 = arith.constant 32 : index
    %swap3A_622 = tpu.vector_load %arg10[%swap3A_620, %swap3A_621] {strides = array<i32>} : memref<32x128xf32, #tpu.memory_space<vmem>>, vector<16xf32>,
    tpu.vector_store %arg10[%swap3A_620, %swap3A_621], %broadcast_in_dim3A_3 {strides = array<i32>} : memref<32x128xf32, #tpu.memory_space<vmem>>, vector<16xf32>,
    %swap3A_623 = arith.constant 19 : i32
    %swap3A_624 = arith.index_cast %swap3A_623 : i32 to index
    %swap3A_625 = arith.constant 48 : index
    %swap3A_626 = tpu.vector_load %arg10[%swap3A_624, %swap3A_625] {strides = array<i32>} : memref<32x128xf32, #tpu.memory_space<vmem>>, vector<16xf32>,
    tpu.vector_store %arg10[%swap3A_624, %swap3A_625], %broadcast_in_dim3A_3 {strides = array<i32>} : memref<32x128xf32, #tpu.memory_space<vmem>>, vector<16xf32>,
    %swap3A_627 = arith.constant 19 : i32
    %swap3A_628 = arith.index_cast %swap3A_627 : i32 to index
    %swap3A_629 = arith.constant 64 : index
    %swap3A_630 = tpu.vector_load %arg10[%swap3A_628, %swap3A_629] {strides = array<i32>} : memref<32x128xf32, #tpu.memory_space<vmem>>, vector<16xf32>,
    tpu.vector_store %arg10[%swap3A_628, %swap3A_629], %broadcast_in_dim3A_3 {strides = array<i32>} : memref<32x128xf32, #tpu.memory_space<vmem>>, vector<16xf32>,
    %swap3A_631 = arith.constant 19 : i32
    %swap3A_632 = arith.index_cast %swap3A_631 : i32 to index
    %swap3A_633 = arith.constant 80 : index
    %swap3A_634 = tpu.vector_load %arg10[%swap3A_632, %swap3A_633] {strides = array<i32>} : memref<32x128xf32, #tpu.memory_space<vmem>>, vector<16xf32>,
    tpu.vector_store %arg10[%swap3A_632, %swap3A_633], %broadcast_in_dim3A_3 {strides = array<i32>} : memref<32x128xf32, #tpu.memory_space<vmem>>, vector<16xf32>,
    %swap3A_635 = arith.constant 19 : i32
    %swap3A_636 = arith.index_cast %swap3A_635 : i32 to index
    %swap3A_637 = arith.constant 96 : index
    %swap3A_638 = tpu.vector_load %arg10[%swap3A_636, %swap3A_637] {strides = array<i32>} : memref<32x128xf32, #tpu.memory_space<vmem>>, vector<16xf32>,
    tpu.vector_store %arg10[%swap3A_636, %swap3A_637], %broadcast_in_dim3A_3 {strides = array<i32>} : memref<32x128xf32, #tpu.memory_space<vmem>>, vector<16xf32>,
    %swap3A_639 = arith.constant 19 : i32
    %swap3A_640 = arith.index_cast %swap3A_639 : i32 to index
    %swap3A_641 = arith.constant 112 : index
    %swap3A_642 = tpu.vector_load %arg10[%swap3A_640, %swap3A_641] {strides = array<i32>} : memref<32x128xf32, #tpu.memory_space<vmem>>, vector<16xf32>,
    tpu.vector_store %arg10[%swap3A_640, %swap3A_641], %broadcast_in_dim3A_3 {strides = array<i32>} : memref<32x128xf32, #tpu.memory_space<vmem>>, vector<16xf32>,
    %swap3A_643 = arith.constant 20 : i32
    %swap3A_644 = arith.index_cast %swap3A_643 : i32 to index
    %swap3A_645 = arith.constant 0 : index
    %swap3A_646 = tpu.vector_load %arg10[%swap3A_644, %swap3A_645] {strides = array<i32>} : memref<32x128xf32, #tpu.memory_space<vmem>>, vector<16xf32>,
    tpu.vector_store %arg10[%swap3A_644, %swap3A_645], %broadcast_in_dim3A_3 {strides = array<i32>} : memref<32x128xf32, #tpu.memory_space<vmem>>, vector<16xf32>,
    %swap3A_647 = arith.constant 20 : i32
    %swap3A_648 = arith.index_cast %swap3A_647 : i32 to index
    %swap3A_649 = arith.constant 16 : index
    %swap3A_650 = tpu.vector_load %arg10[%swap3A_648, %swap3A_649] {strides = array<i32>} : memref<32x128xf32, #tpu.memory_space<vmem>>, vector<16xf32>,
    tpu.vector_store %arg10[%swap3A_648, %swap3A_649], %broadcast_in_dim3A_3 {strides = array<i32>} : memref<32x128xf32, #tpu.memory_space<vmem>>, vector<16xf32>,
    %swap3A_651 = arith.constant 20 : i32
    %swap3A_652 = arith.index_cast %swap3A_651 : i32 to index
    %swap3A_653 = arith.constant 32 : index
    %swap3A_654 = tpu.vector_load %arg10[%swap3A_652, %swap3A_653] {strides = array<i32>} : memref<32x128xf32, #tpu.memory_space<vmem>>, vector<16xf32>,
    tpu.vector_store %arg10[%swap3A_652, %swap3A_653], %broadcast_in_dim3A_3 {strides = array<i32>} : memref<32x128xf32, #tpu.memory_space<vmem>>, vector<16xf32>,
    %swap3A_655 = arith.constant 20 : i32
    %swap3A_656 = arith.index_cast %swap3A_655 : i32 to index
    %swap3A_657 = arith.constant 48 : index
    %swap3A_658 = tpu.vector_load %arg10[%swap3A_656, %swap3A_657] {strides = array<i32>} : memref<32x128xf32, #tpu.memory_space<vmem>>, vector<16xf32>,
    tpu.vector_store %arg10[%swap3A_656, %swap3A_657], %broadcast_in_dim3A_3 {strides = array<i32>} : memref<32x128xf32, #tpu.memory_space<vmem>>, vector<16xf32>,
    %swap3A_659 = arith.constant 20 : i32
    %swap3A_660 = arith.index_cast %swap3A_659 : i32 to index
    %swap3A_661 = arith.constant 64 : index
    %swap3A_662 = tpu.vector_load %arg10[%swap3A_660, %swap3A_661] {strides = array<i32>} : memref<32x128xf32, #tpu.memory_space<vmem>>, vector<16xf32>,
    tpu.vector_store %arg10[%swap3A_660, %swap3A_661], %broadcast_in_dim3A_3 {strides = array<i32>} : memref<32x128xf32, #tpu.memory_space<vmem>>, vector<16xf32>,
    %swap3A_663 = arith.constant 20 : i32
    %swap3A_664 = arith.index_cast %swap3A_663 : i32 to index
    %swap3A_665 = arith.constant 80 : index
    %swap3A_666 = tpu.vector_load %arg10[%swap3A_664, %swap3A_665] {strides = array<i32>} : memref<32x128xf32, #tpu.memory_space<vmem>>, vector<16xf32>,
    tpu.vector_store %arg10[%swap3A_664, %swap3A_665], %broadcast_in_dim3A_3 {strides = array<i32>} : memref<32x128xf32, #tpu.memory_space<vmem>>, vector<16xf32>,
    %swap3A_667 = arith.constant 20 : i32
    %swap3A_668 = arith.index_cast %swap3A_667 : i32 to index
    %swap3A_669 = arith.constant 96 : index
    %swap3A_670 = tpu.vector_load %arg10[%swap3A_668, %swap3A_669] {strides = array<i32>} : memref<32x128xf32, #tpu.memory_space<vmem>>, vector<16xf32>,
    tpu.vector_store %arg10[%swap3A_668, %swap3A_669], %broadcast_in_dim3A_3 {strides = array<i32>} : memref<32x128xf32, #tpu.memory_space<vmem>>, vector<16xf32>,
    %swap3A_671 = arith.constant 20 : i32
    %swap3A_672 = arith.index_cast %swap3A_671 : i32 to index
    %swap3A_673 = arith.constant 112 : index
    %swap3A_674 = tpu.vector_load %arg10[%swap3A_672, %swap3A_673] {strides = array<i32>} : memref<32x128xf32, #tpu.memory_space<vmem>>, vector<16xf32>,
    tpu.vector_store %arg10[%swap3A_672, %swap3A_673], %broadcast_in_dim3A_3 {strides = array<i32>} : memref<32x128xf32, #tpu.memory_space<vmem>>, vector<16xf32>,
    %swap3A_675 = arith.constant 21 : i32
    %swap3A_676 = arith.index_cast %swap3A_675 : i32 to index
    %swap3A_677 = arith.constant 0 : index
    %swap3A_678 = tpu.vector_load %arg10[%swap3A_676, %swap3A_677] {strides = array<i32>} : memref<32x128xf32, #tpu.memory_space<vmem>>, vector<16xf32>,
    tpu.vector_store %arg10[%swap3A_676, %swap3A_677], %broadcast_in_dim3A_3 {strides = array<i32>} : memref<32x128xf32, #tpu.memory_space<vmem>>, vector<16xf32>,
    %swap3A_679 = arith.constant 21 : i32
    %swap3A_680 = arith.index_cast %swap3A_679 : i32 to index
    %swap3A_681 = arith.constant 16 : index
    %swap3A_682 = tpu.vector_load %arg10[%swap3A_680, %swap3A_681] {strides = array<i32>} : memref<32x128xf32, #tpu.memory_space<vmem>>, vector<16xf32>,
    tpu.vector_store %arg10[%swap3A_680, %swap3A_681], %broadcast_in_dim3A_3 {strides = array<i32>} : memref<32x128xf32, #tpu.memory_space<vmem>>, vector<16xf32>,
    %swap3A_683 = arith.constant 21 : i32
    %swap3A_684 = arith.index_cast %swap3A_683 : i32 to index
    %swap3A_685 = arith.constant 32 : index
    %swap3A_686 = tpu.vector_load %arg10[%swap3A_684, %swap3A_685] {strides = array<i32>} : memref<32x128xf32, #tpu.memory_space<vmem>>, vector<16xf32>,
    tpu.vector_store %arg10[%swap3A_684, %swap3A_685], %broadcast_in_dim3A_3 {strides = array<i32>} : memref<32x128xf32, #tpu.memory_space<vmem>>, vector<16xf32>,
    %swap3A_687 = arith.constant 21 : i32
    %swap3A_688 = arith.index_cast %swap3A_687 : i32 to index
    %swap3A_689 = arith.constant 48 : index
    %swap3A_690 = tpu.vector_load %arg10[%swap3A_688, %swap3A_689] {strides = array<i32>} : memref<32x128xf32, #tpu.memory_space<vmem>>, vector<16xf32>,
    tpu.vector_store %arg10[%swap3A_688, %swap3A_689], %broadcast_in_dim3A_3 {strides = array<i32>} : memref<32x128xf32, #tpu.memory_space<vmem>>, vector<16xf32>,
    %swap3A_691 = arith.constant 21 : i32
    %swap3A_692 = arith.index_cast %swap3A_691 : i32 to index
    %swap3A_693 = arith.constant 64 : index
    %swap3A_694 = tpu.vector_load %arg10[%swap3A_692, %swap3A_693] {strides = array<i32>} : memref<32x128xf32, #tpu.memory_space<vmem>>, vector<16xf32>,
    tpu.vector_store %arg10[%swap3A_692, %swap3A_693], %broadcast_in_dim3A_3 {strides = array<i32>} : memref<32x128xf32, #tpu.memory_space<vmem>>, vector<16xf32>,
    %swap3A_695 = arith.constant 21 : i32
    %swap3A_696 = arith.index_cast %swap3A_695 : i32 to index
    %swap3A_697 = arith.constant 80 : index
    %swap3A_698 = tpu.vector_load %arg10[%swap3A_696, %swap3A_697] {strides = array<i32>} : memref<32x128xf32, #tpu.memory_space<vmem>>, vector<16xf32>,
    tpu.vector_store %arg10[%swap3A_696, %swap3A_697], %broadcast_in_dim3A_3 {strides = array<i32>} : memref<32x128xf32, #tpu.memory_space<vmem>>, vector<16xf32>,
    %swap3A_699 = arith.constant 21 : i32
    %swap3A_700 = arith.index_cast %swap3A_699 : i32 to index
    %swap3A_701 = arith.constant 96 : index
    %swap3A_702 = tpu.vector_load %arg10[%swap3A_700, %swap3A_701] {strides = array<i32>} : memref<32x128xf32, #tpu.memory_space<vmem>>, vector<16xf32>,
    tpu.vector_store %arg10[%swap3A_700, %swap3A_701], %broadcast_in_dim3A_3 {strides = array<i32>} : memref<32x128xf32, #tpu.memory_space<vmem>>, vector<16xf32>,
    %swap3A_703 = arith.constant 21 : i32
    %swap3A_704 = arith.index_cast %swap3A_703 : i32 to index
    %swap3A_705 = arith.constant 112 : index
    %swap3A_706 = tpu.vector_load %arg10[%swap3A_704, %swap3A_705] {strides = array<i32>} : memref<32x128xf32, #tpu.memory_space<vmem>>, vector<16xf32>,
    tpu.vector_store %arg10[%swap3A_704, %swap3A_705], %broadcast_in_dim3A_3 {strides = array<i32>} : memref<32x128xf32, #tpu.memory_space<vmem>>, vector<16xf32>,
    %swap3A_707 = arith.constant 22 : i32
    %swap3A_708 = arith.index_cast %swap3A_707 : i32 to index
    %swap3A_709 = arith.constant 0 : index
    %swap3A_710 = tpu.vector_load %arg10[%swap3A_708, %swap3A_709] {strides = array<i32>} : memref<32x128xf32, #tpu.memory_space<vmem>>, vector<16xf32>,
    tpu.vector_store %arg10[%swap3A_708, %swap3A_709], %broadcast_in_dim3A_3 {strides = array<i32>} : memref<32x128xf32, #tpu.memory_space<vmem>>, vector<16xf32>,
    %swap3A_711 = arith.constant 22 : i32
    %swap3A_712 = arith.index_cast %swap3A_711 : i32 to index
    %swap3A_713 = arith.constant 16 : index
    %swap3A_714 = tpu.vector_load %arg10[%swap3A_712, %swap3A_713] {strides = array<i32>} : memref<32x128xf32, #tpu.memory_space<vmem>>, vector<16xf32>,
    tpu.vector_store %arg10[%swap3A_712, %swap3A_713], %broadcast_in_dim3A_3 {strides = array<i32>} : memref<32x128xf32, #tpu.memory_space<vmem>>, vector<16xf32>,
    %swap3A_715 = arith.constant 22 : i32
    %swap3A_716 = arith.index_cast %swap3A_715 : i32 to index
    %swap3A_717 = arith.constant 32 : index
    %swap3A_718 = tpu.vector_load %arg10[%swap3A_716, %swap3A_717] {strides = array<i32>} : memref<32x128xf32, #tpu.memory_space<vmem>>, vector<16xf32>,
    tpu.vector_store %arg10[%swap3A_716, %swap3A_717], %broadcast_in_dim3A_3 {strides = array<i32>} : memref<32x128xf32, #tpu.memory_space<vmem>>, vector<16xf32>,
    %swap3A_719 = arith.constant 22 : i32
    %swap3A_720 = arith.index_cast %swap3A_719 : i32 to index
    %swap3A_721 = arith.constant 48 : index
    %swap3A_722 = tpu.vector_load %arg10[%swap3A_720, %swap3A_721] {strides = array<i32>} : memref<32x128xf32, #tpu.memory_space<vmem>>, vector<16xf32>,
    tpu.vector_store %arg10[%swap3A_720, %swap3A_721], %broadcast_in_dim3A_3 {strides = array<i32>} : memref<32x128xf32, #tpu.memory_space<vmem>>, vector<16xf32>,
    %swap3A_723 = arith.constant 22 : i32
    %swap3A_724 = arith.index_cast %swap3A_723 : i32 to index
    %swap3A_725 = arith.constant 64 : index
    %swap3A_726 = tpu.vector_load %arg10[%swap3A_724, %swap3A_725] {strides = array<i32>} : memref<32x128xf32, #tpu.memory_space<vmem>>, vector<16xf32>,
    tpu.vector_store %arg10[%swap3A_724, %swap3A_725], %broadcast_in_dim3A_3 {strides = array<i32>} : memref<32x128xf32, #tpu.memory_space<vmem>>, vector<16xf32>,
    %swap3A_727 = arith.constant 22 : i32
    %swap3A_728 = arith.index_cast %swap3A_727 : i32 to index
    %swap3A_729 = arith.constant 80 : index
    %swap3A_730 = tpu.vector_load %arg10[%swap3A_728, %swap3A_729] {strides = array<i32>} : memref<32x128xf32, #tpu.memory_space<vmem>>, vector<16xf32>,
    tpu.vector_store %arg10[%swap3A_728, %swap3A_729], %broadcast_in_dim3A_3 {strides = array<i32>} : memref<32x128xf32, #tpu.memory_space<vmem>>, vector<16xf32>,
    %swap3A_731 = arith.constant 22 : i32
    %swap3A_732 = arith.index_cast %swap3A_731 : i32 to index
    %swap3A_733 = arith.constant 96 : index
    %swap3A_734 = tpu.vector_load %arg10[%swap3A_732, %swap3A_733] {strides = array<i32>} : memref<32x128xf32, #tpu.memory_space<vmem>>, vector<16xf32>,
    tpu.vector_store %arg10[%swap3A_732, %swap3A_733], %broadcast_in_dim3A_3 {strides = array<i32>} : memref<32x128xf32, #tpu.memory_space<vmem>>, vector<16xf32>,
    %swap3A_735 = arith.constant 22 : i32
    %swap3A_736 = arith.index_cast %swap3A_735 : i32 to index
    %swap3A_737 = arith.constant 112 : index
    %swap3A_738 = tpu.vector_load %arg10[%swap3A_736, %swap3A_737] {strides = array<i32>} : memref<32x128xf32, #tpu.memory_space<vmem>>, vector<16xf32>,
    tpu.vector_store %arg10[%swap3A_736, %swap3A_737], %broadcast_in_dim3A_3 {strides = array<i32>} : memref<32x128xf32, #tpu.memory_space<vmem>>, vector<16xf32>,
    %swap3A_739 = arith.constant 23 : i32
    %swap3A_740 = arith.index_cast %swap3A_739 : i32 to index
    %swap3A_741 = arith.constant 0 : index
    %swap3A_742 = tpu.vector_load %arg10[%swap3A_740, %swap3A_741] {strides = array<i32>} : memref<32x128xf32, #tpu.memory_space<vmem>>, vector<16xf32>,
    tpu.vector_store %arg10[%swap3A_740, %swap3A_741], %broadcast_in_dim3A_3 {strides = array<i32>} : memref<32x128xf32, #tpu.memory_space<vmem>>, vector<16xf32>,
    %swap3A_743 = arith.constant 23 : i32
    %swap3A_744 = arith.index_cast %swap3A_743 : i32 to index
    %swap3A_745 = arith.constant 16 : index
    %swap3A_746 = tpu.vector_load %arg10[%swap3A_744, %swap3A_745] {strides = array<i32>} : memref<32x128xf32, #tpu.memory_space<vmem>>, vector<16xf32>,
    tpu.vector_store %arg10[%swap3A_744, %swap3A_745], %broadcast_in_dim3A_3 {strides = array<i32>} : memref<32x128xf32, #tpu.memory_space<vmem>>, vector<16xf32>,
    %swap3A_747 = arith.constant 23 : i32
    %swap3A_748 = arith.index_cast %swap3A_747 : i32 to index
    %swap3A_749 = arith.constant 32 : index
    %swap3A_750 = tpu.vector_load %arg10[%swap3A_748, %swap3A_749] {strides = array<i32>} : memref<32x128xf32, #tpu.memory_space<vmem>>, vector<16xf32>,
    tpu.vector_store %arg10[%swap3A_748, %swap3A_749], %broadcast_in_dim3A_3 {strides = array<i32>} : memref<32x128xf32, #tpu.memory_space<vmem>>, vector<16xf32>,
    %swap3A_751 = arith.constant 23 : i32
    %swap3A_752 = arith.index_cast %swap3A_751 : i32 to index
    %swap3A_753 = arith.constant 48 : index
    %swap3A_754 = tpu.vector_load %arg10[%swap3A_752, %swap3A_753] {strides = array<i32>} : memref<32x128xf32, #tpu.memory_space<vmem>>, vector<16xf32>,
    tpu.vector_store %arg10[%swap3A_752, %swap3A_753], %broadcast_in_dim3A_3 {strides = array<i32>} : memref<32x128xf32, #tpu.memory_space<vmem>>, vector<16xf32>,
    %swap3A_755 = arith.constant 23 : i32
    %swap3A_756 = arith.index_cast %swap3A_755 : i32 to index
    %swap3A_757 = arith.constant 64 : index
    %swap3A_758 = tpu.vector_load %arg10[%swap3A_756, %swap3A_757] {strides = array<i32>} : memref<32x128xf32, #tpu.memory_space<vmem>>, vector<16xf32>,
    tpu.vector_store %arg10[%swap3A_756, %swap3A_757], %broadcast_in_dim3A_3 {strides = array<i32>} : memref<32x128xf32, #tpu.memory_space<vmem>>, vector<16xf32>,
    %swap3A_759 = arith.constant 23 : i32
    %swap3A_760 = arith.index_cast %swap3A_759 : i32 to index
    %swap3A_761 = arith.constant 80 : index
    %swap3A_762 = tpu.vector_load %arg10[%swap3A_760, %swap3A_761] {strides = array<i32>} : memref<32x128xf32, #tpu.memory_space<vmem>>, vector<16xf32>,
    tpu.vector_store %arg10[%swap3A_760, %swap3A_761], %broadcast_in_dim3A_3 {strides = array<i32>} : memref<32x128xf32, #tpu.memory_space<vmem>>, vector<16xf32>,
    %swap3A_763 = arith.constant 23 : i32
    %swap3A_764 = arith.index_cast %swap3A_763 : i32 to index
    %swap3A_765 = arith.constant 96 : index
    %swap3A_766 = tpu.vector_load %arg10[%swap3A_764, %swap3A_765] {strides = array<i32>} : memref<32x128xf32, #tpu.memory_space<vmem>>, vector<16xf32>,
    tpu.vector_store %arg10[%swap3A_764, %swap3A_765], %broadcast_in_dim3A_3 {strides = array<i32>} : memref<32x128xf32, #tpu.memory_space<vmem>>, vector<16xf32>,
    %swap3A_767 = arith.constant 23 : i32
    %swap3A_768 = arith.index_cast %swap3A_767 : i32 to index
    %swap3A_769 = arith.constant 112 : index
    %swap3A_770 = tpu.vector_load %arg10[%swap3A_768, %swap3A_769] {strides = array<i32>} : memref<32x128xf32, #tpu.memory_space<vmem>>, vector<16xf32>,
    tpu.vector_store %arg10[%swap3A_768, %swap3A_769], %broadcast_in_dim3A_3 {strides = array<i32>} : memref<32x128xf32, #tpu.memory_space<vmem>>, vector<16xf32>,
    %swap3A_771 = arith.constant 24 : i32
    %swap3A_772 = arith.index_cast %swap3A_771 : i32 to index
    %swap3A_773 = arith.constant 0 : index
    %swap3A_774 = tpu.vector_load %arg10[%swap3A_772, %swap3A_773] {strides = array<i32>} : memref<32x128xf32, #tpu.memory_space<vmem>>, vector<16xf32>,
    tpu.vector_store %arg10[%swap3A_772, %swap3A_773], %broadcast_in_dim3A_3 {strides = array<i32>} : memref<32x128xf32, #tpu.memory_space<vmem>>, vector<16xf32>,
    %swap3A_775 = arith.constant 24 : i32
    %swap3A_776 = arith.index_cast %swap3A_775 : i32 to index
    %swap3A_777 = arith.constant 16 : index
    %swap3A_778 = tpu.vector_load %arg10[%swap3A_776, %swap3A_777] {strides = array<i32>} : memref<32x128xf32, #tpu.memory_space<vmem>>, vector<16xf32>,
    tpu.vector_store %arg10[%swap3A_776, %swap3A_777], %broadcast_in_dim3A_3 {strides = array<i32>} : memref<32x128xf32, #tpu.memory_space<vmem>>, vector<16xf32>,
    %swap3A_779 = arith.constant 24 : i32
    %swap3A_780 = arith.index_cast %swap3A_779 : i32 to index
    %swap3A_781 = arith.constant 32 : index
    %swap3A_782 = tpu.vector_load %arg10[%swap3A_780, %swap3A_781] {strides = array<i32>} : memref<32x128xf32, #tpu.memory_space<vmem>>, vector<16xf32>,
    tpu.vector_store %arg10[%swap3A_780, %swap3A_781], %broadcast_in_dim3A_3 {strides = array<i32>} : memref<32x128xf32, #tpu.memory_space<vmem>>, vector<16xf32>,
    %swap3A_783 = arith.constant 24 : i32
    %swap3A_784 = arith.index_cast %swap3A_783 : i32 to index
    %swap3A_785 = arith.constant 48 : index
    %swap3A_786 = tpu.vector_load %arg10[%swap3A_784, %swap3A_785] {strides = array<i32>} : memref<32x128xf32, #tpu.memory_space<vmem>>, vector<16xf32>,
    tpu.vector_store %arg10[%swap3A_784, %swap3A_785], %broadcast_in_dim3A_3 {strides = array<i32>} : memref<32x128xf32, #tpu.memory_space<vmem>>, vector<16xf32>,
    %swap3A_787 = arith.constant 24 : i32
    %swap3A_788 = arith.index_cast %swap3A_787 : i32 to index
    %swap3A_789 = arith.constant 64 : index
    %swap3A_790 = tpu.vector_load %arg10[%swap3A_788, %swap3A_789] {strides = array<i32>} : memref<32x128xf32, #tpu.memory_space<vmem>>, vector<16xf32>,
    tpu.vector_store %arg10[%swap3A_788, %swap3A_789], %broadcast_in_dim3A_3 {strides = array<i32>} : memref<32x128xf32, #tpu.memory_space<vmem>>, vector<16xf32>,
    %swap3A_791 = arith.constant 24 : i32
    %swap3A_792 = arith.index_cast %swap3A_791 : i32 to index
    %swap3A_793 = arith.constant 80 : index
    %swap3A_794 = tpu.vector_load %arg10[%swap3A_792, %swap3A_793] {strides = array<i32>} : memref<32x128xf32, #tpu.memory_space<vmem>>, vector<16xf32>,
    tpu.vector_store %arg10[%swap3A_792, %swap3A_793], %broadcast_in_dim3A_3 {strides = array<i32>} : memref<32x128xf32, #tpu.memory_space<vmem>>, vector<16xf32>,
    %swap3A_795 = arith.constant 24 : i32
    %swap3A_796 = arith.index_cast %swap3A_795 : i32 to index
    %swap3A_797 = arith.constant 96 : index
    %swap3A_798 = tpu.vector_load %arg10[%swap3A_796, %swap3A_797] {strides = array<i32>} : memref<32x128xf32, #tpu.memory_space<vmem>>, vector<16xf32>,
    tpu.vector_store %arg10[%swap3A_796, %swap3A_797], %broadcast_in_dim3A_3 {strides = array<i32>} : memref<32x128xf32, #tpu.memory_space<vmem>>, vector<16xf32>,
    %swap3A_799 = arith.constant 24 : i32
    %swap3A_800 = arith.index_cast %swap3A_799 : i32 to index
    %swap3A_801 = arith.constant 112 : index
    %swap3A_802 = tpu.vector_load %arg10[%swap3A_800, %swap3A_801] {strides = array<i32>} : memref<32x128xf32, #tpu.memory_space<vmem>>, vector<16xf32>,
    tpu.vector_store %arg10[%swap3A_800, %swap3A_801], %broadcast_in_dim3A_3 {strides = array<i32>} : memref<32x128xf32, #tpu.memory_space<vmem>>, vector<16xf32>,
    %swap3A_803 = arith.constant 25 : i32
    %swap3A_804 = arith.index_cast %swap3A_803 : i32 to index
    %swap3A_805 = arith.constant 0 : index
    %swap3A_806 = tpu.vector_load %arg10[%swap3A_804, %swap3A_805] {strides = array<i32>} : memref<32x128xf32, #tpu.memory_space<vmem>>, vector<16xf32>,
    tpu.vector_store %arg10[%swap3A_804, %swap3A_805], %broadcast_in_dim3A_3 {strides = array<i32>} : memref<32x128xf32, #tpu.memory_space<vmem>>, vector<16xf32>,
    %swap3A_807 = arith.constant 25 : i32
    %swap3A_808 = arith.index_cast %swap3A_807 : i32 to index
    %swap3A_809 = arith.constant 16 : index
    %swap3A_810 = tpu.vector_load %arg10[%swap3A_808, %swap3A_809] {strides = array<i32>} : memref<32x128xf32, #tpu.memory_space<vmem>>, vector<16xf32>,
    tpu.vector_store %arg10[%swap3A_808, %swap3A_809], %broadcast_in_dim3A_3 {strides = array<i32>} : memref<32x128xf32, #tpu.memory_space<vmem>>, vector<16xf32>,
    %swap3A_811 = arith.constant 25 : i32
    %swap3A_812 = arith.index_cast %swap3A_811 : i32 to index
    %swap3A_813 = arith.constant 32 : index
    %swap3A_814 = tpu.vector_load %arg10[%swap3A_812, %swap3A_813] {strides = array<i32>} : memref<32x128xf32, #tpu.memory_space<vmem>>, vector<16xf32>,
    tpu.vector_store %arg10[%swap3A_812, %swap3A_813], %broadcast_in_dim3A_3 {strides = array<i32>} : memref<32x128xf32, #tpu.memory_space<vmem>>, vector<16xf32>,
    %swap3A_815 = arith.constant 25 : i32
    %swap3A_816 = arith.index_cast %swap3A_815 : i32 to index
    %swap3A_817 = arith.constant 48 : index
    %swap3A_818 = tpu.vector_load %arg10[%swap3A_816, %swap3A_817] {strides = array<i32>} : memref<32x128xf32, #tpu.memory_space<vmem>>, vector<16xf32>,
    tpu.vector_store %arg10[%swap3A_816, %swap3A_817], %broadcast_in_dim3A_3 {strides = array<i32>} : memref<32x128xf32, #tpu.memory_space<vmem>>, vector<16xf32>,
    %swap3A_819 = arith.constant 25 : i32
    %swap3A_820 = arith.index_cast %swap3A_819 : i32 to index
    %swap3A_821 = arith.constant 64 : index
    %swap3A_822 = tpu.vector_load %arg10[%swap3A_820, %swap3A_821] {strides = array<i32>} : memref<32x128xf32, #tpu.memory_space<vmem>>, vector<16xf32>,
    tpu.vector_store %arg10[%swap3A_820, %swap3A_821], %broadcast_in_dim3A_3 {strides = array<i32>} : memref<32x128xf32, #tpu.memory_space<vmem>>, vector<16xf32>,
    %swap3A_823 = arith.constant 25 : i32
    %swap3A_824 = arith.index_cast %swap3A_823 : i32 to index
    %swap3A_825 = arith.constant 80 : index
    %swap3A_826 = tpu.vector_load %arg10[%swap3A_824, %swap3A_825] {strides = array<i32>} : memref<32x128xf32, #tpu.memory_space<vmem>>, vector<16xf32>,
    tpu.vector_store %arg10[%swap3A_824, %swap3A_825], %broadcast_in_dim3A_3 {strides = array<i32>} : memref<32x128xf32, #tpu.memory_space<vmem>>, vector<16xf32>,
    %swap3A_827 = arith.constant 25 : i32
    %swap3A_828 = arith.index_cast %swap3A_827 : i32 to index
    %swap3A_829 = arith.constant 96 : index
    %swap3A_830 = tpu.vector_load %arg10[%swap3A_828, %swap3A_829] {strides = array<i32>} : memref<32x128xf32, #tpu.memory_space<vmem>>, vector<16xf32>,
    tpu.vector_store %arg10[%swap3A_828, %swap3A_829], %broadcast_in_dim3A_3 {strides = array<i32>} : memref<32x128xf32, #tpu.memory_space<vmem>>, vector<16xf32>,
    %swap3A_831 = arith.constant 25 : i32
    %swap3A_832 = arith.index_cast %swap3A_831 : i32 to index
    %swap3A_833 = arith.constant 112 : index
    %swap3A_834 = tpu.vector_load %arg10[%swap3A_832, %swap3A_833] {strides = array<i32>} : memref<32x128xf32, #tpu.memory_space<vmem>>, vector<16xf32>,
    tpu.vector_store %arg10[%swap3A_832, %swap3A_833], %broadcast_in_dim3A_3 {strides = array<i32>} : memref<32x128xf32, #tpu.memory_space<vmem>>, vector<16xf32>,
    %swap3A_835 = arith.constant 26 : i32
    %swap3A_836 = arith.index_cast %swap3A_835 : i32 to index
    %swap3A_837 = arith.constant 0 : index
    %swap3A_838 = tpu.vector_load %arg10[%swap3A_836, %swap3A_837] {strides = array<i32>} : memref<32x128xf32, #tpu.memory_space<vmem>>, vector<16xf32>,
    tpu.vector_store %arg10[%swap3A_836, %swap3A_837], %broadcast_in_dim3A_3 {strides = array<i32>} : memref<32x128xf32, #tpu.memory_space<vmem>>, vector<16xf32>,
    %swap3A_839 = arith.constant 26 : i32
    %swap3A_840 = arith.index_cast %swap3A_839 : i32 to index
    %swap3A_841 = arith.constant 16 : index
    %swap3A_842 = tpu.vector_load %arg10[%swap3A_840, %swap3A_841] {strides = array<i32>} : memref<32x128xf32, #tpu.memory_space<vmem>>, vector<16xf32>,
    tpu.vector_store %arg10[%swap3A_840, %swap3A_841], %broadcast_in_dim3A_3 {strides = array<i32>} : memref<32x128xf32, #tpu.memory_space<vmem>>, vector<16xf32>,
    %swap3A_843 = arith.constant 26 : i32
    %swap3A_844 = arith.index_cast %swap3A_843 : i32 to index
    %swap3A_845 = arith.constant 32 : index
    %swap3A_846 = tpu.vector_load %arg10[%swap3A_844, %swap3A_845] {strides = array<i32>} : memref<32x128xf32, #tpu.memory_space<vmem>>, vector<16xf32>,
    tpu.vector_store %arg10[%swap3A_844, %swap3A_845], %broadcast_in_dim3A_3 {strides = array<i32>} : memref<32x128xf32, #tpu.memory_space<vmem>>, vector<16xf32>,
    %swap3A_847 = arith.constant 26 : i32
    %swap3A_848 = arith.index_cast %swap3A_847 : i32 to index
    %swap3A_849 = arith.constant 48 : index
    %swap3A_850 = tpu.vector_load %arg10[%swap3A_848, %swap3A_849] {strides = array<i32>} : memref<32x128xf32, #tpu.memory_space<vmem>>, vector<16xf32>,
    tpu.vector_store %arg10[%swap3A_848, %swap3A_849], %broadcast_in_dim3A_3 {strides = array<i32>} : memref<32x128xf32, #tpu.memory_space<vmem>>, vector<16xf32>,
    %swap3A_851 = arith.constant 26 : i32
    %swap3A_852 = arith.index_cast %swap3A_851 : i32 to index
    %swap3A_853 = arith.constant 64 : index
    %swap3A_854 = tpu.vector_load %arg10[%swap3A_852, %swap3A_853] {strides = array<i32>} : memref<32x128xf32, #tpu.memory_space<vmem>>, vector<16xf32>,
    tpu.vector_store %arg10[%swap3A_852, %swap3A_853], %broadcast_in_dim3A_3 {strides = array<i32>} : memref<32x128xf32, #tpu.memory_space<vmem>>, vector<16xf32>,
    %swap3A_855 = arith.constant 26 : i32
    %swap3A_856 = arith.index_cast %swap3A_855 : i32 to index
    %swap3A_857 = arith.constant 80 : index
    %swap3A_858 = tpu.vector_load %arg10[%swap3A_856, %swap3A_857] {strides = array<i32>} : memref<32x128xf32, #tpu.memory_space<vmem>>, vector<16xf32>,
    tpu.vector_store %arg10[%swap3A_856, %swap3A_857], %broadcast_in_dim3A_3 {strides = array<i32>} : memref<32x128xf32, #tpu.memory_space<vmem>>, vector<16xf32>,
    %swap3A_859 = arith.constant 26 : i32
    %swap3A_860 = arith.index_cast %swap3A_859 : i32 to index
    %swap3A_861 = arith.constant 96 : index
    %swap3A_862 = tpu.vector_load %arg10[%swap3A_860, %swap3A_861] {strides = array<i32>} : memref<32x128xf32, #tpu.memory_space<vmem>>, vector<16xf32>,
    tpu.vector_store %arg10[%swap3A_860, %swap3A_861], %broadcast_in_dim3A_3 {strides = array<i32>} : memref<32x128xf32, #tpu.memory_space<vmem>>, vector<16xf32>,
    %swap3A_863 = arith.constant 26 : i32
    %swap3A_864 = arith.index_cast %swap3A_863 : i32 to index
    %swap3A_865 = arith.constant 112 : index
    %swap3A_866 = tpu.vector_load %arg10[%swap3A_864, %swap3A_865] {strides = array<i32>} : memref<32x128xf32, #tpu.memory_space<vmem>>, vector<16xf32>,
    tpu.vector_store %arg10[%swap3A_864, %swap3A_865], %broadcast_in_dim3A_3 {strides = array<i32>} : memref<32x128xf32, #tpu.memory_space<vmem>>, vector<16xf32>,
    %swap3A_867 = arith.constant 27 : i32
    %swap3A_868 = arith.index_cast %swap3A_867 : i32 to index
    %swap3A_869 = arith.constant 0 : index
    %swap3A_870 = tpu.vector_load %arg10[%swap3A_868, %swap3A_869] {strides = array<i32>} : memref<32x128xf32, #tpu.memory_space<vmem>>, vector<16xf32>,
    tpu.vector_store %arg10[%swap3A_868, %swap3A_869], %broadcast_in_dim3A_3 {strides = array<i32>} : memref<32x128xf32, #tpu.memory_space<vmem>>, vector<16xf32>,
    %swap3A_871 = arith.constant 27 : i32
    %swap3A_872 = arith.index_cast %swap3A_871 : i32 to index
    %swap3A_873 = arith.constant 16 : index
    %swap3A_874 = tpu.vector_load %arg10[%swap3A_872, %swap3A_873] {strides = array<i32>} : memref<32x128xf32, #tpu.memory_space<vmem>>, vector<16xf32>,
    tpu.vector_store %arg10[%swap3A_872, %swap3A_873], %broadcast_in_dim3A_3 {strides = array<i32>} : memref<32x128xf32, #tpu.memory_space<vmem>>, vector<16xf32>,
    %swap3A_875 = arith.constant 27 : i32
    %swap3A_876 = arith.index_cast %swap3A_875 : i32 to index
    %swap3A_877 = arith.constant 32 : index
    %swap3A_878 = tpu.vector_load %arg10[%swap3A_876, %swap3A_877] {strides = array<i32>} : memref<32x128xf32, #tpu.memory_space<vmem>>, vector<16xf32>,
    tpu.vector_store %arg10[%swap3A_876, %swap3A_877], %broadcast_in_dim3A_3 {strides = array<i32>} : memref<32x128xf32, #tpu.memory_space<vmem>>, vector<16xf32>,
    %swap3A_879 = arith.constant 27 : i32
    %swap3A_880 = arith.index_cast %swap3A_879 : i32 to index
    %swap3A_881 = arith.constant 48 : index
    %swap3A_882 = tpu.vector_load %arg10[%swap3A_880, %swap3A_881] {strides = array<i32>} : memref<32x128xf32, #tpu.memory_space<vmem>>, vector<16xf32>,
    tpu.vector_store %arg10[%swap3A_880, %swap3A_881], %broadcast_in_dim3A_3 {strides = array<i32>} : memref<32x128xf32, #tpu.memory_space<vmem>>, vector<16xf32>,
    %swap3A_883 = arith.constant 27 : i32
    %swap3A_884 = arith.index_cast %swap3A_883 : i32 to index
    %swap3A_885 = arith.constant 64 : index
    %swap3A_886 = tpu.vector_load %arg10[%swap3A_884, %swap3A_885] {strides = array<i32>} : memref<32x128xf32, #tpu.memory_space<vmem>>, vector<16xf32>,
    tpu.vector_store %arg10[%swap3A_884, %swap3A_885], %broadcast_in_dim3A_3 {strides = array<i32>} : memref<32x128xf32, #tpu.memory_space<vmem>>, vector<16xf32>,
    %swap3A_887 = arith.constant 27 : i32
    %swap3A_888 = arith.index_cast %swap3A_887 : i32 to index
    %swap3A_889 = arith.constant 80 : index
    %swap3A_890 = tpu.vector_load %arg10[%swap3A_888, %swap3A_889] {strides = array<i32>} : memref<32x128xf32, #tpu.memory_space<vmem>>, vector<16xf32>,
    tpu.vector_store %arg10[%swap3A_888, %swap3A_889], %broadcast_in_dim3A_3 {strides = array<i32>} : memref<32x128xf32, #tpu.memory_space<vmem>>, vector<16xf32>,
    %swap3A_891 = arith.constant 27 : i32
    %swap3A_892 = arith.index_cast %swap3A_891 : i32 to index
    %swap3A_893 = arith.constant 96 : index
    %swap3A_894 = tpu.vector_load %arg10[%swap3A_892, %swap3A_893] {strides = array<i32>} : memref<32x128xf32, #tpu.memory_space<vmem>>, vector<16xf32>,
    tpu.vector_store %arg10[%swap3A_892, %swap3A_893], %broadcast_in_dim3A_3 {strides = array<i32>} : memref<32x128xf32, #tpu.memory_space<vmem>>, vector<16xf32>,
    %swap3A_895 = arith.constant 27 : i32
    %swap3A_896 = arith.index_cast %swap3A_895 : i32 to index
    %swap3A_897 = arith.constant 112 : index
    %swap3A_898 = tpu.vector_load %arg10[%swap3A_896, %swap3A_897] {strides = array<i32>} : memref<32x128xf32, #tpu.memory_space<vmem>>, vector<16xf32>,
    tpu.vector_store %arg10[%swap3A_896, %swap3A_897], %broadcast_in_dim3A_3 {strides = array<i32>} : memref<32x128xf32, #tpu.memory_space<vmem>>, vector<16xf32>,
    %swap3A_899 = arith.constant 28 : i32
    %swap3A_900 = arith.index_cast %swap3A_899 : i32 to index
    %swap3A_901 = arith.constant 0 : index
    %swap3A_902 = tpu.vector_load %arg10[%swap3A_900, %swap3A_901] {strides = array<i32>} : memref<32x128xf32, #tpu.memory_space<vmem>>, vector<16xf32>,
    tpu.vector_store %arg10[%swap3A_900, %swap3A_901], %broadcast_in_dim3A_3 {strides = array<i32>} : memref<32x128xf32, #tpu.memory_space<vmem>>, vector<16xf32>,
    %swap3A_903 = arith.constant 28 : i32
    %swap3A_904 = arith.index_cast %swap3A_903 : i32 to index
    %swap3A_905 = arith.constant 16 : index
    %swap3A_906 = tpu.vector_load %arg10[%swap3A_904, %swap3A_905] {strides = array<i32>} : memref<32x128xf32, #tpu.memory_space<vmem>>, vector<16xf32>,
    tpu.vector_store %arg10[%swap3A_904, %swap3A_905], %broadcast_in_dim3A_3 {strides = array<i32>} : memref<32x128xf32, #tpu.memory_space<vmem>>, vector<16xf32>,
    %swap3A_907 = arith.constant 28 : i32
    %swap3A_908 = arith.index_cast %swap3A_907 : i32 to index
    %swap3A_909 = arith.constant 32 : index
    %swap3A_910 = tpu.vector_load %arg10[%swap3A_908, %swap3A_909] {strides = array<i32>} : memref<32x128xf32, #tpu.memory_space<vmem>>, vector<16xf32>,
    tpu.vector_store %arg10[%swap3A_908, %swap3A_909], %broadcast_in_dim3A_3 {strides = array<i32>} : memref<32x128xf32, #tpu.memory_space<vmem>>, vector<16xf32>,
    %swap3A_911 = arith.constant 28 : i32
    %swap3A_912 = arith.index_cast %swap3A_911 : i32 to index
    %swap3A_913 = arith.constant 48 : index
    %swap3A_914 = tpu.vector_load %arg10[%swap3A_912, %swap3A_913] {strides = array<i32>} : memref<32x128xf32, #tpu.memory_space<vmem>>, vector<16xf32>,
    tpu.vector_store %arg10[%swap3A_912, %swap3A_913], %broadcast_in_dim3A_3 {strides = array<i32>} : memref<32x128xf32, #tpu.memory_space<vmem>>, vector<16xf32>,
    %swap3A_915 = arith.constant 28 : i32
    %swap3A_916 = arith.index_cast %swap3A_915 : i32 to index
    %swap3A_917 = arith.constant 64 : index
    %swap3A_918 = tpu.vector_load %arg10[%swap3A_916, %swap3A_917] {strides = array<i32>} : memref<32x128xf32, #tpu.memory_space<vmem>>, vector<16xf32>,
    tpu.vector_store %arg10[%swap3A_916, %swap3A_917], %broadcast_in_dim3A_3 {strides = array<i32>} : memref<32x128xf32, #tpu.memory_space<vmem>>, vector<16xf32>,
    %swap3A_919 = arith.constant 28 : i32
    %swap3A_920 = arith.index_cast %swap3A_919 : i32 to index
    %swap3A_921 = arith.constant 80 : index
    %swap3A_922 = tpu.vector_load %arg10[%swap3A_920, %swap3A_921] {strides = array<i32>} : memref<32x128xf32, #tpu.memory_space<vmem>>, vector<16xf32>,
    tpu.vector_store %arg10[%swap3A_920, %swap3A_921], %broadcast_in_dim3A_3 {strides = array<i32>} : memref<32x128xf32, #tpu.memory_space<vmem>>, vector<16xf32>,
    %swap3A_923 = arith.constant 28 : i32
    %swap3A_924 = arith.index_cast %swap3A_923 : i32 to index
    %swap3A_925 = arith.constant 96 : index
    %swap3A_926 = tpu.vector_load %arg10[%swap3A_924, %swap3A_925] {strides = array<i32>} : memref<32x128xf32, #tpu.memory_space<vmem>>, vector<16xf32>,
    tpu.vector_store %arg10[%swap3A_924, %swap3A_925], %broadcast_in_dim3A_3 {strides = array<i32>} : memref<32x128xf32, #tpu.memory_space<vmem>>, vector<16xf32>,
    %swap3A_927 = arith.constant 28 : i32
    %swap3A_928 = arith.index_cast %swap3A_927 : i32 to index
    %swap3A_929 = arith.constant 112 : index
    %swap3A_930 = tpu.vector_load %arg10[%swap3A_928, %swap3A_929] {strides = array<i32>} : memref<32x128xf32, #tpu.memory_space<vmem>>, vector<16xf32>,
    tpu.vector_store %arg10[%swap3A_928, %swap3A_929], %broadcast_in_dim3A_3 {strides = array<i32>} : memref<32x128xf32, #tpu.memory_space<vmem>>, vector<16xf32>,
    %swap3A_931 = arith.constant 29 : i32
    %swap3A_932 = arith.index_cast %swap3A_931 : i32 to index
    %swap3A_933 = arith.constant 0 : index
    %swap3A_934 = tpu.vector_load %arg10[%swap3A_932, %swap3A_933] {strides = array<i32>} : memref<32x128xf32, #tpu.memory_space<vmem>>, vector<16xf32>,
    tpu.vector_store %arg10[%swap3A_932, %swap3A_933], %broadcast_in_dim3A_3 {strides = array<i32>} : memref<32x128xf32, #tpu.memory_space<vmem>>, vector<16xf32>,
    %swap3A_935 = arith.constant 29 : i32
    %swap3A_936 = arith.index_cast %swap3A_935 : i32 to index
    %swap3A_937 = arith.constant 16 : index
    %swap3A_938 = tpu.vector_load %arg10[%swap3A_936, %swap3A_937] {strides = array<i32>} : memref<32x128xf32, #tpu.memory_space<vmem>>, vector<16xf32>,
    tpu.vector_store %arg10[%swap3A_936, %swap3A_937], %broadcast_in_dim3A_3 {strides = array<i32>} : memref<32x128xf32, #tpu.memory_space<vmem>>, vector<16xf32>,
    %swap3A_939 = arith.constant 29 : i32
    %swap3A_940 = arith.index_cast %swap3A_939 : i32 to index
    %swap3A_941 = arith.constant 32 : index
    %swap3A_942 = tpu.vector_load %arg10[%swap3A_940, %swap3A_941] {strides = array<i32>} : memref<32x128xf32, #tpu.memory_space<vmem>>, vector<16xf32>,
    tpu.vector_store %arg10[%swap3A_940, %swap3A_941], %broadcast_in_dim3A_3 {strides = array<i32>} : memref<32x128xf32, #tpu.memory_space<vmem>>, vector<16xf32>,
    %swap3A_943 = arith.constant 29 : i32
    %swap3A_944 = arith.index_cast %swap3A_943 : i32 to index
    %swap3A_945 = arith.constant 48 : index
    %swap3A_946 = tpu.vector_load %arg10[%swap3A_944, %swap3A_945] {strides = array<i32>} : memref<32x128xf32, #tpu.memory_space<vmem>>, vector<16xf32>,
    tpu.vector_store %arg10[%swap3A_944, %swap3A_945], %broadcast_in_dim3A_3 {strides = array<i32>} : memref<32x128xf32, #tpu.memory_space<vmem>>, vector<16xf32>,
    %swap3A_947 = arith.constant 29 : i32
    %swap3A_948 = arith.index_cast %swap3A_947 : i32 to index
    %swap3A_949 = arith.constant 64 : index
    %swap3A_950 = tpu.vector_load %arg10[%swap3A_948, %swap3A_949] {strides = array<i32>} : memref<32x128xf32, #tpu.memory_space<vmem>>, vector<16xf32>,
    tpu.vector_store %arg10[%swap3A_948, %swap3A_949], %broadcast_in_dim3A_3 {strides = array<i32>} : memref<32x128xf32, #tpu.memory_space<vmem>>, vector<16xf32>,
    %swap3A_951 = arith.constant 29 : i32
    %swap3A_952 = arith.index_cast %swap3A_951 : i32 to index
    %swap3A_953 = arith.constant 80 : index
    %swap3A_954 = tpu.vector_load %arg10[%swap3A_952, %swap3A_953] {strides = array<i32>} : memref<32x128xf32, #tpu.memory_space<vmem>>, vector<16xf32>,
    tpu.vector_store %arg10[%swap3A_952, %swap3A_953], %broadcast_in_dim3A_3 {strides = array<i32>} : memref<32x128xf32, #tpu.memory_space<vmem>>, vector<16xf32>,
    %swap3A_955 = arith.constant 29 : i32
    %swap3A_956 = arith.index_cast %swap3A_955 : i32 to index
    %swap3A_957 = arith.constant 96 : index
    %swap3A_958 = tpu.vector_load %arg10[%swap3A_956, %swap3A_957] {strides = array<i32>} : memref<32x128xf32, #tpu.memory_space<vmem>>, vector<16xf32>,
    tpu.vector_store %arg10[%swap3A_956, %swap3A_957], %broadcast_in_dim3A_3 {strides = array<i32>} : memref<32x128xf32, #tpu.memory_space<vmem>>, vector<16xf32>,
    %swap3A_959 = arith.constant 29 : i32
    %swap3A_960 = arith.index_cast %swap3A_959 : i32 to index
    %swap3A_961 = arith.constant 112 : index
    %swap3A_962 = tpu.vector_load %arg10[%swap3A_960, %swap3A_961] {strides = array<i32>} : memref<32x128xf32, #tpu.memory_space<vmem>>, vector<16xf32>,
    tpu.vector_store %arg10[%swap3A_960, %swap3A_961], %broadcast_in_dim3A_3 {strides = array<i32>} : memref<32x128xf32, #tpu.memory_space<vmem>>, vector<16xf32>,
    %swap3A_963 = arith.constant 30 : i32
    %swap3A_964 = arith.index_cast %swap3A_963 : i32 to index
    %swap3A_965 = arith.constant 0 : index
    %swap3A_966 = tpu.vector_load %arg10[%swap3A_964, %swap3A_965] {strides = array<i32>} : memref<32x128xf32, #tpu.memory_space<vmem>>, vector<16xf32>,
    tpu.vector_store %arg10[%swap3A_964, %swap3A_965], %broadcast_in_dim3A_3 {strides = array<i32>} : memref<32x128xf32, #tpu.memory_space<vmem>>, vector<16xf32>,
    %swap3A_967 = arith.constant 30 : i32
    %swap3A_968 = arith.index_cast %swap3A_967 : i32 to index
    %swap3A_969 = arith.constant 16 : index
    %swap3A_970 = tpu.vector_load %arg10[%swap3A_968, %swap3A_969] {strides = array<i32>} : memref<32x128xf32, #tpu.memory_space<vmem>>, vector<16xf32>,
    tpu.vector_store %arg10[%swap3A_968, %swap3A_969], %broadcast_in_dim3A_3 {strides = array<i32>} : memref<32x128xf32, #tpu.memory_space<vmem>>, vector<16xf32>,
    %swap3A_971 = arith.constant 30 : i32
    %swap3A_972 = arith.index_cast %swap3A_971 : i32 to index
    %swap3A_973 = arith.constant 32 : index
    %swap3A_974 = tpu.vector_load %arg10[%swap3A_972, %swap3A_973] {strides = array<i32>} : memref<32x128xf32, #tpu.memory_space<vmem>>, vector<16xf32>,
    tpu.vector_store %arg10[%swap3A_972, %swap3A_973], %broadcast_in_dim3A_3 {strides = array<i32>} : memref<32x128xf32, #tpu.memory_space<vmem>>, vector<16xf32>,
    %swap3A_975 = arith.constant 30 : i32
    %swap3A_976 = arith.index_cast %swap3A_975 : i32 to index
    %swap3A_977 = arith.constant 48 : index
    %swap3A_978 = tpu.vector_load %arg10[%swap3A_976, %swap3A_977] {strides = array<i32>} : memref<32x128xf32, #tpu.memory_space<vmem>>, vector<16xf32>,
    tpu.vector_store %arg10[%swap3A_976, %swap3A_977], %broadcast_in_dim3A_3 {strides = array<i32>} : memref<32x128xf32, #tpu.memory_space<vmem>>, vector<16xf32>,
    %swap3A_979 = arith.constant 30 : i32
    %swap3A_980 = arith.index_cast %swap3A_979 : i32 to index
    %swap3A_981 = arith.constant 64 : index
    %swap3A_982 = tpu.vector_load %arg10[%swap3A_980, %swap3A_981] {strides = array<i32>} : memref<32x128xf32, #tpu.memory_space<vmem>>, vector<16xf32>,
    tpu.vector_store %arg10[%swap3A_980, %swap3A_981], %broadcast_in_dim3A_3 {strides = array<i32>} : memref<32x128xf32, #tpu.memory_space<vmem>>, vector<16xf32>,
    %swap3A_983 = arith.constant 30 : i32
    %swap3A_984 = arith.index_cast %swap3A_983 : i32 to index
    %swap3A_985 = arith.constant 80 : index
    %swap3A_986 = tpu.vector_load %arg10[%swap3A_984, %swap3A_985] {strides = array<i32>} : memref<32x128xf32, #tpu.memory_space<vmem>>, vector<16xf32>,
    tpu.vector_store %arg10[%swap3A_984, %swap3A_985], %broadcast_in_dim3A_3 {strides = array<i32>} : memref<32x128xf32, #tpu.memory_space<vmem>>, vector<16xf32>,
    %swap3A_987 = arith.constant 30 : i32
    %swap3A_988 = arith.index_cast %swap3A_987 : i32 to index
    %swap3A_989 = arith.constant 96 : index
    %swap3A_990 = tpu.vector_load %arg10[%swap3A_988, %swap3A_989] {strides = array<i32>} : memref<32x128xf32, #tpu.memory_space<vmem>>, vector<16xf32>,
    tpu.vector_store %arg10[%swap3A_988, %swap3A_989], %broadcast_in_dim3A_3 {strides = array<i32>} : memref<32x128xf32, #tpu.memory_space<vmem>>, vector<16xf32>,
    %swap3A_991 = arith.constant 30 : i32
    %swap3A_992 = arith.index_cast %swap3A_991 : i32 to index
    %swap3A_993 = arith.constant 112 : index
    %swap3A_994 = tpu.vector_load %arg10[%swap3A_992, %swap3A_993] {strides = array<i32>} : memref<32x128xf32, #tpu.memory_space<vmem>>, vector<16xf32>,
    tpu.vector_store %arg10[%swap3A_992, %swap3A_993], %broadcast_in_dim3A_3 {strides = array<i32>} : memref<32x128xf32, #tpu.memory_space<vmem>>, vector<16xf32>,
    %swap3A_995 = arith.constant 31 : i32
    %swap3A_996 = arith.index_cast %swap3A_995 : i32 to index
    %swap3A_997 = arith.constant 0 : index
    %swap3A_998 = tpu.vector_load %arg10[%swap3A_996, %swap3A_997] {strides = array<i32>} : memref<32x128xf32, #tpu.memory_space<vmem>>, vector<16xf32>,
    tpu.vector_store %arg10[%swap3A_996, %swap3A_997], %broadcast_in_dim3A_3 {strides = array<i32>} : memref<32x128xf32, #tpu.memory_space<vmem>>, vector<16xf32>,
    %swap3A_999 = arith.constant 31 : i32
    %swap3A_1000 = arith.index_cast %swap3A_999 : i32 to index
    %swap3A_1001 = arith.constant 16 : index
    %swap3A_1002 = tpu.vector_load %arg10[%swap3A_1000, %swap3A_1001] {strides = array<i32>} : memref<32x128xf32, #tpu.memory_space<vmem>>, vector<16xf32>,
    tpu.vector_store %arg10[%swap3A_1000, %swap3A_1001], %broadcast_in_dim3A_3 {strides = array<i32>} : memref<32x128xf32, #tpu.memory_space<vmem>>, vector<16xf32>,
    %swap3A_1003 = arith.constant 31 : i32
    %swap3A_1004 = arith.index_cast %swap3A_1003 : i32 to index
    %swap3A_1005 = arith.constant 32 : index
    %swap3A_1006 = tpu.vector_load %arg10[%swap3A_1004, %swap3A_1005] {strides = array<i32>} : memref<32x128xf32, #tpu.memory_space<vmem>>, vector<16xf32>,
    tpu.vector_store %arg10[%swap3A_1004, %swap3A_1005], %broadcast_in_dim3A_3 {strides = array<i32>} : memref<32x128xf32, #tpu.memory_space<vmem>>, vector<16xf32>,
    %swap3A_1007 = arith.constant 31 : i32
    %swap3A_1008 = arith.index_cast %swap3A_1007 : i32 to index
    %swap3A_1009 = arith.constant 48 : index
    %swap3A_1010 = tpu.vector_load %arg10[%swap3A_1008, %swap3A_1009] {strides = array<i32>} : memref<32x128xf32, #tpu.memory_space<vmem>>, vector<16xf32>,
    tpu.vector_store %arg10[%swap3A_1008, %swap3A_1009], %broadcast_in_dim3A_3 {strides = array<i32>} : memref<32x128xf32, #tpu.memory_space<vmem>>, vector<16xf32>,
    %swap3A_1011 = arith.constant 31 : i32
    %swap3A_1012 = arith.index_cast %swap3A_1011 : i32 to index
    %swap3A_1013 = arith.constant 64 : index
    %swap3A_1014 = tpu.vector_load %arg10[%swap3A_1012, %swap3A_1013] {strides = array<i32>} : memref<32x128xf32, #tpu.memory_space<vmem>>, vector<16xf32>,
    tpu.vector_store %arg10[%swap3A_1012, %swap3A_1013], %broadcast_in_dim3A_3 {strides = array<i32>} : memref<32x128xf32, #tpu.memory_space<vmem>>, vector<16xf32>,
    %swap3A_1015 = arith.constant 31 : i32
    %swap3A_1016 = arith.index_cast %swap3A_1015 : i32 to index
    %swap3A_1017 = arith.constant 80 : index
    %swap3A_1018 = tpu.vector_load %arg10[%swap3A_1016, %swap3A_1017] {strides = array<i32>} : memref<32x128xf32, #tpu.memory_space<vmem>>, vector<16xf32>,
    tpu.vector_store %arg10[%swap3A_1016, %swap3A_1017], %broadcast_in_dim3A_3 {strides = array<i32>} : memref<32x128xf32, #tpu.memory_space<vmem>>, vector<16xf32>,
    %swap3A_1019 = arith.constant 31 : i32
    %swap3A_1020 = arith.index_cast %swap3A_1019 : i32 to index
    %swap3A_1021 = arith.constant 96 : index
    %swap3A_1022 = tpu.vector_load %arg10[%swap3A_1020, %swap3A_1021] {strides = array<i32>} : memref<32x128xf32, #tpu.memory_space<vmem>>, vector<16xf32>,
    tpu.vector_store %arg10[%swap3A_1020, %swap3A_1021], %broadcast_in_dim3A_3 {strides = array<i32>} : memref<32x128xf32, #tpu.memory_space<vmem>>, vector<16xf32>,
    %swap3A_1023 = arith.constant 31 : i32
    %swap3A_1024 = arith.index_cast %swap3A_1023 : i32 to index
    %swap3A_1025 = arith.constant 112 : index
    %swap3A_1026 = tpu.vector_load %arg10[%swap3A_1024, %swap3A_1025] {strides = array<i32>} : memref<32x128xf32, #tpu.memory_space<vmem>>, vector<16xf32>,
    tpu.vector_store %arg10[%swap3A_1024, %swap3A_1025], %broadcast_in_dim3A_3 {strides = array<i32>} : memref<32x128xf32, #tpu.memory_space<vmem>>, vector<16xf32>,
    %add3A_1027 = arith.constant 0 : i32
    %add3A_1028 = arith.addi %mul3A_2, %add3A_1027 : i32
    "tpu.region"() ({
      %run_scoped3A_1113 = tpu.sem_alloc : memref<!tpu.dma_semaphore, #tpu.memory_space<semaphore_mem>>
      %dma_start3A_1114 = arith.constant 0 : i32
      %dma_start3A_1115 = tpu.memref_slice %arg14[%add3A_1028, %dma_start3A_1114] : memref<10240x128xf32, #tpu.memory_space<vmem_shared>> -> memref<32x128xf32, #tpu.memory_space<vmem_shared>>
      %dma_start3A_1116 = arith.constant 0 : i32
      %dma_start3A_1117 = tpu.memref_slice %arg14[%add3A_1028, %dma_start3A_1116] : memref<10240x128xf32, #tpu.memory_space<vmem_shared>> -> memref<32x128xf32, #tpu.memory_space<vmem_shared>>
      tpu.enqueue_dma source(%arg10 : memref<32x128xf32, #tpu.memory_space<vmem>>) target(%dma_start3A_1117 : memref<32x128xf32, #tpu.memory_space<vmem_shared>>) target_semaphore(%run_scoped3A_1113 : memref<!tpu.dma_semaphore, #tpu.memory_space<semaphore_mem>>)
      %dma_wait3A = arith.constant 0 : i32
      %dma_wait3A_1118 = tpu.memref_slice %arg14[%add3A_1028, %dma_wait3A] : memref<10240x128xf32, #tpu.memory_space<vmem_shared>> -> memref<32x128xf32, #tpu.memory_space<vmem_shared>>
      %dma_wait3A_1119 = arith.constant 0 : i32
      %dma_wait3A_1120 = tpu.memref_slice %arg14[%add3A_1028, %dma_wait3A_1119] : memref<10240x128xf32, #tpu.memory_space<vmem_shared>> -> memref<32x128xf32, #tpu.memory_space<vmem_shared>>
      tpu.wait_dma2 semaphore(%run_scoped3A_1113 : memref<!tpu.dma_semaphore, #tpu.memory_space<semaphore_mem>>) src(%arg10 : memref<32x128xf32, #tpu.memory_space<vmem>>) dst(%dma_wait3A_1120 : memref<32x128xf32, #tpu.memory_space<vmem_shared>>)
      tpu.yield
    }) : () -> ()
    %add3A_1029 = arith.constant 32 : i32
    %add3A_1030 = arith.addi %mul3A_2, %add3A_1029 : i32
    "tpu.region"() ({
      %run_scoped3A_1113 = tpu.sem_alloc : memref<!tpu.dma_semaphore, #tpu.memory_space<semaphore_mem>>
      %dma_start3A_1114 = arith.constant 0 : i32
      %dma_start3A_1115 = tpu.memref_slice %arg14[%add3A_1030, %dma_start3A_1114] : memref<10240x128xf32, #tpu.memory_space<vmem_shared>> -> memref<32x128xf32, #tpu.memory_space<vmem_shared>>
      %dma_start3A_1116 = arith.constant 0 : i32
      %dma_start3A_1117 = tpu.memref_slice %arg14[%add3A_1030, %dma_start3A_1116] : memref<10240x128xf32, #tpu.memory_space<vmem_shared>> -> memref<32x128xf32, #tpu.memory_space<vmem_shared>>
      tpu.enqueue_dma source(%arg10 : memref<32x128xf32, #tpu.memory_space<vmem>>) target(%dma_start3A_1117 : memref<32x128xf32, #tpu.memory_space<vmem_shared>>) target_semaphore(%run_scoped3A_1113 : memref<!tpu.dma_semaphore, #tpu.memory_space<semaphore_mem>>)
      %dma_wait3A = arith.constant 0 : i32
      %dma_wait3A_1118 = tpu.memref_slice %arg14[%add3A_1030, %dma_wait3A] : memref<10240x128xf32, #tpu.memory_space<vmem_shared>> -> memref<32x128xf32, #tpu.memory_space<vmem_shared>>
      %dma_wait3A_1119 = arith.constant 0 : i32
      %dma_wait3A_1120 = tpu.memref_slice %arg14[%add3A_1030, %dma_wait3A_1119] : memref<10240x128xf32, #tpu.memory_space<vmem_shared>> -> memref<32x128xf32, #tpu.memory_space<vmem_shared>>
      tpu.wait_dma2 semaphore(%run_scoped3A_1113 : memref<!tpu.dma_semaphore, #tpu.memory_space<semaphore_mem>>) src(%arg10 : memref<32x128xf32, #tpu.memory_space<vmem>>) dst(%dma_wait3A_1120 : memref<32x128xf32, #tpu.memory_space<vmem_shared>>)
      tpu.yield
    }) : () -> ()
    %add3A_1031 = arith.constant 64 : i32
    %add3A_1032 = arith.addi %mul3A_2, %add3A_1031 : i32
    "tpu.region"() ({
      %run_scoped3A_1113 = tpu.sem_alloc : memref<!tpu.dma_semaphore, #tpu.memory_space<semaphore_mem>>
      %dma_start3A_1114 = arith.constant 0 : i32
      %dma_start3A_1115 = tpu.memref_slice %arg14[%add3A_1032, %dma_start3A_1114] : memref<10240x128xf32, #tpu.memory_space<vmem_shared>> -> memref<32x128xf32, #tpu.memory_space<vmem_shared>>
      %dma_start3A_1116 = arith.constant 0 : i32
      %dma_start3A_1117 = tpu.memref_slice %arg14[%add3A_1032, %dma_start3A_1116] : memref<10240x128xf32, #tpu.memory_space<vmem_shared>> -> memref<32x128xf32, #tpu.memory_space<vmem_shared>>
      tpu.enqueue_dma source(%arg10 : memref<32x128xf32, #tpu.memory_space<vmem>>) target(%dma_start3A_1117 : memref<32x128xf32, #tpu.memory_space<vmem_shared>>) target_semaphore(%run_scoped3A_1113 : memref<!tpu.dma_semaphore, #tpu.memory_space<semaphore_mem>>)
      %dma_wait3A = arith.constant 0 : i32
      %dma_wait3A_1118 = tpu.memref_slice %arg14[%add3A_1032, %dma_wait3A] : memref<10240x128xf32, #tpu.memory_space<vmem_shared>> -> memref<32x128xf32, #tpu.memory_space<vmem_shared>>
      %dma_wait3A_1119 = arith.constant 0 : i32
      %dma_wait3A_1120 = tpu.memref_slice %arg14[%add3A_1032, %dma_wait3A_1119] : memref<10240x128xf32, #tpu.memory_space<vmem_shared>> -> memref<32x128xf32, #tpu.memory_space<vmem_shared>>
      tpu.wait_dma2 semaphore(%run_scoped3A_1113 : memref<!tpu.dma_semaphore, #tpu.memory_space<semaphore_mem>>) src(%arg10 : memref<32x128xf32, #tpu.memory_space<vmem>>) dst(%dma_wait3A_1120 : memref<32x128xf32, #tpu.memory_space<vmem_shared>>)
      tpu.yield
    }) : () -> ()
    %add3A_1033 = arith.constant 96 : i32
    %add3A_1034 = arith.addi %mul3A_2, %add3A_1033 : i32
    "tpu.region"() ({
      %run_scoped3A_1113 = tpu.sem_alloc : memref<!tpu.dma_semaphore, #tpu.memory_space<semaphore_mem>>
      %dma_start3A_1114 = arith.constant 0 : i32
      %dma_start3A_1115 = tpu.memref_slice %arg14[%add3A_1034, %dma_start3A_1114] : memref<10240x128xf32, #tpu.memory_space<vmem_shared>> -> memref<32x128xf32, #tpu.memory_space<vmem_shared>>
      %dma_start3A_1116 = arith.constant 0 : i32
      %dma_start3A_1117 = tpu.memref_slice %arg14[%add3A_1034, %dma_start3A_1116] : memref<10240x128xf32, #tpu.memory_space<vmem_shared>> -> memref<32x128xf32, #tpu.memory_space<vmem_shared>>
      tpu.enqueue_dma source(%arg10 : memref<32x128xf32, #tpu.memory_space<vmem>>) target(%dma_start3A_1117 : memref<32x128xf32, #tpu.memory_space<vmem_shared>>) target_semaphore(%run_scoped3A_1113 : memref<!tpu.dma_semaphore, #tpu.memory_space<semaphore_mem>>)
      %dma_wait3A = arith.constant 0 : i32
      %dma_wait3A_1118 = tpu.memref_slice %arg14[%add3A_1034, %dma_wait3A] : memref<10240x128xf32, #tpu.memory_space<vmem_shared>> -> memref<32x128xf32, #tpu.memory_space<vmem_shared>>
      %dma_wait3A_1119 = arith.constant 0 : i32
      %dma_wait3A_1120 = tpu.memref_slice %arg14[%add3A_1034, %dma_wait3A_1119] : memref<10240x128xf32, #tpu.memory_space<vmem_shared>> -> memref<32x128xf32, #tpu.memory_space<vmem_shared>>
      tpu.wait_dma2 semaphore(%run_scoped3A_1113 : memref<!tpu.dma_semaphore, #tpu.memory_space<semaphore_mem>>) src(%arg10 : memref<32x128xf32, #tpu.memory_space<vmem>>) dst(%dma_wait3A_1120 : memref<32x128xf32, #tpu.memory_space<vmem_shared>>)
      tpu.yield
    }) : () -> ()
    %add3A_1035 = arith.constant 128 : i32
    %add3A_1036 = arith.addi %mul3A_2, %add3A_1035 : i32
    "tpu.region"() ({
      %run_scoped3A_1113 = tpu.sem_alloc : memref<!tpu.dma_semaphore, #tpu.memory_space<semaphore_mem>>
      %dma_start3A_1114 = arith.constant 0 : i32
      %dma_start3A_1115 = tpu.memref_slice %arg14[%add3A_1036, %dma_start3A_1114] : memref<10240x128xf32, #tpu.memory_space<vmem_shared>> -> memref<32x128xf32, #tpu.memory_space<vmem_shared>>
      %dma_start3A_1116 = arith.constant 0 : i32
      %dma_start3A_1117 = tpu.memref_slice %arg14[%add3A_1036, %dma_start3A_1116] : memref<10240x128xf32, #tpu.memory_space<vmem_shared>> -> memref<32x128xf32, #tpu.memory_space<vmem_shared>>
      tpu.enqueue_dma source(%arg10 : memref<32x128xf32, #tpu.memory_space<vmem>>) target(%dma_start3A_1117 : memref<32x128xf32, #tpu.memory_space<vmem_shared>>) target_semaphore(%run_scoped3A_1113 : memref<!tpu.dma_semaphore, #tpu.memory_space<semaphore_mem>>)
      %dma_wait3A = arith.constant 0 : i32
      %dma_wait3A_1118 = tpu.memref_slice %arg14[%add3A_1036, %dma_wait3A] : memref<10240x128xf32, #tpu.memory_space<vmem_shared>> -> memref<32x128xf32, #tpu.memory_space<vmem_shared>>
      %dma_wait3A_1119 = arith.constant 0 : i32
      %dma_wait3A_1120 = tpu.memref_slice %arg14[%add3A_1036, %dma_wait3A_1119] : memref<10240x128xf32, #tpu.memory_space<vmem_shared>> -> memref<32x128xf32, #tpu.memory_space<vmem_shared>>
      tpu.wait_dma2 semaphore(%run_scoped3A_1113 : memref<!tpu.dma_semaphore, #tpu.memory_space<semaphore_mem>>) src(%arg10 : memref<32x128xf32, #tpu.memory_space<vmem>>) dst(%dma_wait3A_1120 : memref<32x128xf32, #tpu.memory_space<vmem_shared>>)
      tpu.yield
    }) : () -> ()
    %add3A_1037 = arith.constant 160 : i32
    %add3A_1038 = arith.addi %mul3A_2, %add3A_1037 : i32
    "tpu.region"() ({
      %run_scoped3A_1113 = tpu.sem_alloc : memref<!tpu.dma_semaphore, #tpu.memory_space<semaphore_mem>>
      %dma_start3A_1114 = arith.constant 0 : i32
      %dma_start3A_1115 = tpu.memref_slice %arg14[%add3A_1038, %dma_start3A_1114] : memref<10240x128xf32, #tpu.memory_space<vmem_shared>> -> memref<32x128xf32, #tpu.memory_space<vmem_shared>>
      %dma_start3A_1116 = arith.constant 0 : i32
      %dma_start3A_1117 = tpu.memref_slice %arg14[%add3A_1038, %dma_start3A_1116] : memref<10240x128xf32, #tpu.memory_space<vmem_shared>> -> memref<32x128xf32, #tpu.memory_space<vmem_shared>>
      tpu.enqueue_dma source(%arg10 : memref<32x128xf32, #tpu.memory_space<vmem>>) target(%dma_start3A_1117 : memref<32x128xf32, #tpu.memory_space<vmem_shared>>) target_semaphore(%run_scoped3A_1113 : memref<!tpu.dma_semaphore, #tpu.memory_space<semaphore_mem>>)
      %dma_wait3A = arith.constant 0 : i32
      %dma_wait3A_1118 = tpu.memref_slice %arg14[%add3A_1038, %dma_wait3A] : memref<10240x128xf32, #tpu.memory_space<vmem_shared>> -> memref<32x128xf32, #tpu.memory_space<vmem_shared>>
      %dma_wait3A_1119 = arith.constant 0 : i32
      %dma_wait3A_1120 = tpu.memref_slice %arg14[%add3A_1038, %dma_wait3A_1119] : memref<10240x128xf32, #tpu.memory_space<vmem_shared>> -> memref<32x128xf32, #tpu.memory_space<vmem_shared>>
      tpu.wait_dma2 semaphore(%run_scoped3A_1113 : memref<!tpu.dma_semaphore, #tpu.memory_space<semaphore_mem>>) src(%arg10 : memref<32x128xf32, #tpu.memory_space<vmem>>) dst(%dma_wait3A_1120 : memref<32x128xf32, #tpu.memory_space<vmem_shared>>)
      tpu.yield
    }) : () -> ()
    %add3A_1039 = arith.constant 192 : i32
    %add3A_1040 = arith.addi %mul3A_2, %add3A_1039 : i32
    "tpu.region"() ({
      %run_scoped3A_1113 = tpu.sem_alloc : memref<!tpu.dma_semaphore, #tpu.memory_space<semaphore_mem>>
      %dma_start3A_1114 = arith.constant 0 : i32
      %dma_start3A_1115 = tpu.memref_slice %arg14[%add3A_1040, %dma_start3A_1114] : memref<10240x128xf32, #tpu.memory_space<vmem_shared>> -> memref<32x128xf32, #tpu.memory_space<vmem_shared>>
      %dma_start3A_1116 = arith.constant 0 : i32
      %dma_start3A_1117 = tpu.memref_slice %arg14[%add3A_1040, %dma_start3A_1116] : memref<10240x128xf32, #tpu.memory_space<vmem_shared>> -> memref<32x128xf32, #tpu.memory_space<vmem_shared>>
      tpu.enqueue_dma source(%arg10 : memref<32x128xf32, #tpu.memory_space<vmem>>) target(%dma_start3A_1117 : memref<32x128xf32, #tpu.memory_space<vmem_shared>>) target_semaphore(%run_scoped3A_1113 : memref<!tpu.dma_semaphore, #tpu.memory_space<semaphore_mem>>)
      %dma_wait3A = arith.constant 0 : i32
      %dma_wait3A_1118 = tpu.memref_slice %arg14[%add3A_1040, %dma_wait3A] : memref<10240x128xf32, #tpu.memory_space<vmem_shared>> -> memref<32x128xf32, #tpu.memory_space<vmem_shared>>
      %dma_wait3A_1119 = arith.constant 0 : i32
      %dma_wait3A_1120 = tpu.memref_slice %arg14[%add3A_1040, %dma_wait3A_1119] : memref<10240x128xf32, #tpu.memory_space<vmem_shared>> -> memref<32x128xf32, #tpu.memory_space<vmem_shared>>
      tpu.wait_dma2 semaphore(%run_scoped3A_1113 : memref<!tpu.dma_semaphore, #tpu.memory_space<semaphore_mem>>) src(%arg10 : memref<32x128xf32, #tpu.memory_space<vmem>>) dst(%dma_wait3A_1120 : memref<32x128xf32, #tpu.memory_space<vmem_shared>>)
      tpu.yield
    }) : () -> ()
    %add3A_1041 = arith.constant 224 : i32
    %add3A_1042 = arith.addi %mul3A_2, %add3A_1041 : i32
    "tpu.region"() ({
      %run_scoped3A_1113 = tpu.sem_alloc : memref<!tpu.dma_semaphore, #tpu.memory_space<semaphore_mem>>
      %dma_start3A_1114 = arith.constant 0 : i32
      %dma_start3A_1115 = tpu.memref_slice %arg14[%add3A_1042, %dma_start3A_1114] : memref<10240x128xf32, #tpu.memory_space<vmem_shared>> -> memref<32x128xf32, #tpu.memory_space<vmem_shared>>
      %dma_start3A_1116 = arith.constant 0 : i32
      %dma_start3A_1117 = tpu.memref_slice %arg14[%add3A_1042, %dma_start3A_1116] : memref<10240x128xf32, #tpu.memory_space<vmem_shared>> -> memref<32x128xf32, #tpu.memory_space<vmem_shared>>
      tpu.enqueue_dma source(%arg10 : memref<32x128xf32, #tpu.memory_space<vmem>>) target(%dma_start3A_1117 : memref<32x128xf32, #tpu.memory_space<vmem_shared>>) target_semaphore(%run_scoped3A_1113 : memref<!tpu.dma_semaphore, #tpu.memory_space<semaphore_mem>>)
      %dma_wait3A = arith.constant 0 : i32
      %dma_wait3A_1118 = tpu.memref_slice %arg14[%add3A_1042, %dma_wait3A] : memref<10240x128xf32, #tpu.memory_space<vmem_shared>> -> memref<32x128xf32, #tpu.memory_space<vmem_shared>>
      %dma_wait3A_1119 = arith.constant 0 : i32
      %dma_wait3A_1120 = tpu.memref_slice %arg14[%add3A_1042, %dma_wait3A_1119] : memref<10240x128xf32, #tpu.memory_space<vmem_shared>> -> memref<32x128xf32, #tpu.memory_space<vmem_shared>>
      tpu.wait_dma2 semaphore(%run_scoped3A_1113 : memref<!tpu.dma_semaphore, #tpu.memory_space<semaphore_mem>>) src(%arg10 : memref<32x128xf32, #tpu.memory_space<vmem>>) dst(%dma_wait3A_1120 : memref<32x128xf32, #tpu.memory_space<vmem_shared>>)
      tpu.yield
    }) : () -> ()
    %add3A_1043 = arith.constant 256 : i32
    %add3A_1044 = arith.addi %mul3A_2, %add3A_1043 : i32
    "tpu.region"() ({
      %run_scoped3A_1113 = tpu.sem_alloc : memref<!tpu.dma_semaphore, #tpu.memory_space<semaphore_mem>>
      %dma_start3A_1114 = arith.constant 0 : i32
      %dma_start3A_1115 = tpu.memref_slice %arg14[%add3A_1044, %dma_start3A_1114] : memref<10240x128xf32, #tpu.memory_space<vmem_shared>> -> memref<32x128xf32, #tpu.memory_space<vmem_shared>>
      %dma_start3A_1116 = arith.constant 0 : i32
      %dma_start3A_1117 = tpu.memref_slice %arg14[%add3A_1044, %dma_start3A_1116] : memref<10240x128xf32, #tpu.memory_space<vmem_shared>> -> memref<32x128xf32, #tpu.memory_space<vmem_shared>>
      tpu.enqueue_dma source(%arg10 : memref<32x128xf32, #tpu.memory_space<vmem>>) target(%dma_start3A_1117 : memref<32x128xf32, #tpu.memory_space<vmem_shared>>) target_semaphore(%run_scoped3A_1113 : memref<!tpu.dma_semaphore, #tpu.memory_space<semaphore_mem>>)
      %dma_wait3A = arith.constant 0 : i32
      %dma_wait3A_1118 = tpu.memref_slice %arg14[%add3A_1044, %dma_wait3A] : memref<10240x128xf32, #tpu.memory_space<vmem_shared>> -> memref<32x128xf32, #tpu.memory_space<vmem_shared>>
      %dma_wait3A_1119 = arith.constant 0 : i32
      %dma_wait3A_1120 = tpu.memref_slice %arg14[%add3A_1044, %dma_wait3A_1119] : memref<10240x128xf32, #tpu.memory_space<vmem_shared>> -> memref<32x128xf32, #tpu.memory_space<vmem_shared>>
      tpu.wait_dma2 semaphore(%run_scoped3A_1113 : memref<!tpu.dma_semaphore, #tpu.memory_space<semaphore_mem>>) src(%arg10 : memref<32x128xf32, #tpu.memory_space<vmem>>) dst(%dma_wait3A_1120 : memref<32x128xf32, #tpu.memory_space<vmem_shared>>)
      tpu.yield
    }) : () -> ()
    %add3A_1045 = arith.constant 288 : i32
    %add3A_1046 = arith.addi %mul3A_2, %add3A_1045 : i32
    "tpu.region"() ({
      %run_scoped3A_1113 = tpu.sem_alloc : memref<!tpu.dma_semaphore, #tpu.memory_space<semaphore_mem>>
      %dma_start3A_1114 = arith.constant 0 : i32
      %dma_start3A_1115 = tpu.memref_slice %arg14[%add3A_1046, %dma_start3A_1114] : memref<10240x128xf32, #tpu.memory_space<vmem_shared>> -> memref<32x128xf32, #tpu.memory_space<vmem_shared>>
      %dma_start3A_1116 = arith.constant 0 : i32
      %dma_start3A_1117 = tpu.memref_slice %arg14[%add3A_1046, %dma_start3A_1116] : memref<10240x128xf32, #tpu.memory_space<vmem_shared>> -> memref<32x128xf32, #tpu.memory_space<vmem_shared>>
      tpu.enqueue_dma source(%arg10 : memref<32x128xf32, #tpu.memory_space<vmem>>) target(%dma_start3A_1117 : memref<32x128xf32, #tpu.memory_space<vmem_shared>>) target_semaphore(%run_scoped3A_1113 : memref<!tpu.dma_semaphore, #tpu.memory_space<semaphore_mem>>)
      %dma_wait3A = arith.constant 0 : i32
      %dma_wait3A_1118 = tpu.memref_slice %arg14[%add3A_1046, %dma_wait3A] : memref<10240x128xf32, #tpu.memory_space<vmem_shared>> -> memref<32x128xf32, #tpu.memory_space<vmem_shared>>
      %dma_wait3A_1119 = arith.constant 0 : i32
      %dma_wait3A_1120 = tpu.memref_slice %arg14[%add3A_1046, %dma_wait3A_1119] : memref<10240x128xf32, #tpu.memory_space<vmem_shared>> -> memref<32x128xf32, #tpu.memory_space<vmem_shared>>
      tpu.wait_dma2 semaphore(%run_scoped3A_1113 : memref<!tpu.dma_semaphore, #tpu.memory_space<semaphore_mem>>) src(%arg10 : memref<32x128xf32, #tpu.memory_space<vmem>>) dst(%dma_wait3A_1120 : memref<32x128xf32, #tpu.memory_space<vmem_shared>>)
      tpu.yield
    }) : () -> ()
    %add3A_1047 = arith.constant 320 : i32
    %add3A_1048 = arith.addi %mul3A_2, %add3A_1047 : i32
    "tpu.region"() ({
      %run_scoped3A_1113 = tpu.sem_alloc : memref<!tpu.dma_semaphore, #tpu.memory_space<semaphore_mem>>
      %dma_start3A_1114 = arith.constant 0 : i32
      %dma_start3A_1115 = tpu.memref_slice %arg14[%add3A_1048, %dma_start3A_1114] : memref<10240x128xf32, #tpu.memory_space<vmem_shared>> -> memref<32x128xf32, #tpu.memory_space<vmem_shared>>
      %dma_start3A_1116 = arith.constant 0 : i32
      %dma_start3A_1117 = tpu.memref_slice %arg14[%add3A_1048, %dma_start3A_1116] : memref<10240x128xf32, #tpu.memory_space<vmem_shared>> -> memref<32x128xf32, #tpu.memory_space<vmem_shared>>
      tpu.enqueue_dma source(%arg10 : memref<32x128xf32, #tpu.memory_space<vmem>>) target(%dma_start3A_1117 : memref<32x128xf32, #tpu.memory_space<vmem_shared>>) target_semaphore(%run_scoped3A_1113 : memref<!tpu.dma_semaphore, #tpu.memory_space<semaphore_mem>>)
      %dma_wait3A = arith.constant 0 : i32
      %dma_wait3A_1118 = tpu.memref_slice %arg14[%add3A_1048, %dma_wait3A] : memref<10240x128xf32, #tpu.memory_space<vmem_shared>> -> memref<32x128xf32, #tpu.memory_space<vmem_shared>>
      %dma_wait3A_1119 = arith.constant 0 : i32
      %dma_wait3A_1120 = tpu.memref_slice %arg14[%add3A_1048, %dma_wait3A_1119] : memref<10240x128xf32, #tpu.memory_space<vmem_shared>> -> memref<32x128xf32, #tpu.memory_space<vmem_shared>>
      tpu.wait_dma2 semaphore(%run_scoped3A_1113 : memref<!tpu.dma_semaphore, #tpu.memory_space<semaphore_mem>>) src(%arg10 : memref<32x128xf32, #tpu.memory_space<vmem>>) dst(%dma_wait3A_1120 : memref<32x128xf32, #tpu.memory_space<vmem_shared>>)
      tpu.yield
    }) : () -> ()
    %add3A_1049 = arith.constant 352 : i32
    %add3A_1050 = arith.addi %mul3A_2, %add3A_1049 : i32
    "tpu.region"() ({
      %run_scoped3A_1113 = tpu.sem_alloc : memref<!tpu.dma_semaphore, #tpu.memory_space<semaphore_mem>>
      %dma_start3A_1114 = arith.constant 0 : i32
      %dma_start3A_1115 = tpu.memref_slice %arg14[%add3A_1050, %dma_start3A_1114] : memref<10240x128xf32, #tpu.memory_space<vmem_shared>> -> memref<32x128xf32, #tpu.memory_space<vmem_shared>>
      %dma_start3A_1116 = arith.constant 0 : i32
      %dma_start3A_1117 = tpu.memref_slice %arg14[%add3A_1050, %dma_start3A_1116] : memref<10240x128xf32, #tpu.memory_space<vmem_shared>> -> memref<32x128xf32, #tpu.memory_space<vmem_shared>>
      tpu.enqueue_dma source(%arg10 : memref<32x128xf32, #tpu.memory_space<vmem>>) target(%dma_start3A_1117 : memref<32x128xf32, #tpu.memory_space<vmem_shared>>) target_semaphore(%run_scoped3A_1113 : memref<!tpu.dma_semaphore, #tpu.memory_space<semaphore_mem>>)
      %dma_wait3A = arith.constant 0 : i32
      %dma_wait3A_1118 = tpu.memref_slice %arg14[%add3A_1050, %dma_wait3A] : memref<10240x128xf32, #tpu.memory_space<vmem_shared>> -> memref<32x128xf32, #tpu.memory_space<vmem_shared>>
      %dma_wait3A_1119 = arith.constant 0 : i32
      %dma_wait3A_1120 = tpu.memref_slice %arg14[%add3A_1050, %dma_wait3A_1119] : memref<10240x128xf32, #tpu.memory_space<vmem_shared>> -> memref<32x128xf32, #tpu.memory_space<vmem_shared>>
      tpu.wait_dma2 semaphore(%run_scoped3A_1113 : memref<!tpu.dma_semaphore, #tpu.memory_space<semaphore_mem>>) src(%arg10 : memref<32x128xf32, #tpu.memory_space<vmem>>) dst(%dma_wait3A_1120 : memref<32x128xf32, #tpu.memory_space<vmem_shared>>)
      tpu.yield
    }) : () -> ()
    %add3A_1051 = arith.constant 384 : i32
    %add3A_1052 = arith.addi %mul3A_2, %add3A_1051 : i32
    "tpu.region"() ({
      %run_scoped3A_1113 = tpu.sem_alloc : memref<!tpu.dma_semaphore, #tpu.memory_space<semaphore_mem>>
      %dma_start3A_1114 = arith.constant 0 : i32
      %dma_start3A_1115 = tpu.memref_slice %arg14[%add3A_1052, %dma_start3A_1114] : memref<10240x128xf32, #tpu.memory_space<vmem_shared>> -> memref<32x128xf32, #tpu.memory_space<vmem_shared>>
      %dma_start3A_1116 = arith.constant 0 : i32
      %dma_start3A_1117 = tpu.memref_slice %arg14[%add3A_1052, %dma_start3A_1116] : memref<10240x128xf32, #tpu.memory_space<vmem_shared>> -> memref<32x128xf32, #tpu.memory_space<vmem_shared>>
      tpu.enqueue_dma source(%arg10 : memref<32x128xf32, #tpu.memory_space<vmem>>) target(%dma_start3A_1117 : memref<32x128xf32, #tpu.memory_space<vmem_shared>>) target_semaphore(%run_scoped3A_1113 : memref<!tpu.dma_semaphore, #tpu.memory_space<semaphore_mem>>)
      %dma_wait3A = arith.constant 0 : i32
      %dma_wait3A_1118 = tpu.memref_slice %arg14[%add3A_1052, %dma_wait3A] : memref<10240x128xf32, #tpu.memory_space<vmem_shared>> -> memref<32x128xf32, #tpu.memory_space<vmem_shared>>
      %dma_wait3A_1119 = arith.constant 0 : i32
      %dma_wait3A_1120 = tpu.memref_slice %arg14[%add3A_1052, %dma_wait3A_1119] : memref<10240x128xf32, #tpu.memory_space<vmem_shared>> -> memref<32x128xf32, #tpu.memory_space<vmem_shared>>
      tpu.wait_dma2 semaphore(%run_scoped3A_1113 : memref<!tpu.dma_semaphore, #tpu.memory_space<semaphore_mem>>) src(%arg10 : memref<32x128xf32, #tpu.memory_space<vmem>>) dst(%dma_wait3A_1120 : memref<32x128xf32, #tpu.memory_space<vmem_shared>>)
      tpu.yield
    }) : () -> ()
    %add3A_1053 = arith.constant 416 : i32
    %add3A_1054 = arith.addi %mul3A_2, %add3A_1053 : i32
    "tpu.region"() ({
      %run_scoped3A_1113 = tpu.sem_alloc : memref<!tpu.dma_semaphore, #tpu.memory_space<semaphore_mem>>
      %dma_start3A_1114 = arith.constant 0 : i32
      %dma_start3A_1115 = tpu.memref_slice %arg14[%add3A_1054, %dma_start3A_1114] : memref<10240x128xf32, #tpu.memory_space<vmem_shared>> -> memref<32x128xf32, #tpu.memory_space<vmem_shared>>
      %dma_start3A_1116 = arith.constant 0 : i32
      %dma_start3A_1117 = tpu.memref_slice %arg14[%add3A_1054, %dma_start3A_1116] : memref<10240x128xf32, #tpu.memory_space<vmem_shared>> -> memref<32x128xf32, #tpu.memory_space<vmem_shared>>
      tpu.enqueue_dma source(%arg10 : memref<32x128xf32, #tpu.memory_space<vmem>>) target(%dma_start3A_1117 : memref<32x128xf32, #tpu.memory_space<vmem_shared>>) target_semaphore(%run_scoped3A_1113 : memref<!tpu.dma_semaphore, #tpu.memory_space<semaphore_mem>>)
      %dma_wait3A = arith.constant 0 : i32
      %dma_wait3A_1118 = tpu.memref_slice %arg14[%add3A_1054, %dma_wait3A] : memref<10240x128xf32, #tpu.memory_space<vmem_shared>> -> memref<32x128xf32, #tpu.memory_space<vmem_shared>>
      %dma_wait3A_1119 = arith.constant 0 : i32
      %dma_wait3A_1120 = tpu.memref_slice %arg14[%add3A_1054, %dma_wait3A_1119] : memref<10240x128xf32, #tpu.memory_space<vmem_shared>> -> memref<32x128xf32, #tpu.memory_space<vmem_shared>>
      tpu.wait_dma2 semaphore(%run_scoped3A_1113 : memref<!tpu.dma_semaphore, #tpu.memory_space<semaphore_mem>>) src(%arg10 : memref<32x128xf32, #tpu.memory_space<vmem>>) dst(%dma_wait3A_1120 : memref<32x128xf32, #tpu.memory_space<vmem_shared>>)
      tpu.yield
    }) : () -> ()
    %add3A_1055 = arith.constant 448 : i32
    %add3A_1056 = arith.addi %mul3A_2, %add3A_1055 : i32
    "tpu.region"() ({
      %run_scoped3A_1113 = tpu.sem_alloc : memref<!tpu.dma_semaphore, #tpu.memory_space<semaphore_mem>>
      %dma_start3A_1114 = arith.constant 0 : i32
      %dma_start3A_1115 = tpu.memref_slice %arg14[%add3A_1056, %dma_start3A_1114] : memref<10240x128xf32, #tpu.memory_space<vmem_shared>> -> memref<32x128xf32, #tpu.memory_space<vmem_shared>>
      %dma_start3A_1116 = arith.constant 0 : i32
      %dma_start3A_1117 = tpu.memref_slice %arg14[%add3A_1056, %dma_start3A_1116] : memref<10240x128xf32, #tpu.memory_space<vmem_shared>> -> memref<32x128xf32, #tpu.memory_space<vmem_shared>>
      tpu.enqueue_dma source(%arg10 : memref<32x128xf32, #tpu.memory_space<vmem>>) target(%dma_start3A_1117 : memref<32x128xf32, #tpu.memory_space<vmem_shared>>) target_semaphore(%run_scoped3A_1113 : memref<!tpu.dma_semaphore, #tpu.memory_space<semaphore_mem>>)
      %dma_wait3A = arith.constant 0 : i32
      %dma_wait3A_1118 = tpu.memref_slice %arg14[%add3A_1056, %dma_wait3A] : memref<10240x128xf32, #tpu.memory_space<vmem_shared>> -> memref<32x128xf32, #tpu.memory_space<vmem_shared>>
      %dma_wait3A_1119 = arith.constant 0 : i32
      %dma_wait3A_1120 = tpu.memref_slice %arg14[%add3A_1056, %dma_wait3A_1119] : memref<10240x128xf32, #tpu.memory_space<vmem_shared>> -> memref<32x128xf32, #tpu.memory_space<vmem_shared>>
      tpu.wait_dma2 semaphore(%run_scoped3A_1113 : memref<!tpu.dma_semaphore, #tpu.memory_space<semaphore_mem>>) src(%arg10 : memref<32x128xf32, #tpu.memory_space<vmem>>) dst(%dma_wait3A_1120 : memref<32x128xf32, #tpu.memory_space<vmem_shared>>)
      tpu.yield
    }) : () -> ()
    %add3A_1057 = arith.constant 480 : i32
    %add3A_1058 = arith.addi %mul3A_2, %add3A_1057 : i32
    "tpu.region"() ({
      %run_scoped3A_1113 = tpu.sem_alloc : memref<!tpu.dma_semaphore, #tpu.memory_space<semaphore_mem>>
      %dma_start3A_1114 = arith.constant 0 : i32
      %dma_start3A_1115 = tpu.memref_slice %arg14[%add3A_1058, %dma_start3A_1114] : memref<10240x128xf32, #tpu.memory_space<vmem_shared>> -> memref<32x128xf32, #tpu.memory_space<vmem_shared>>
      %dma_start3A_1116 = arith.constant 0 : i32
      %dma_start3A_1117 = tpu.memref_slice %arg14[%add3A_1058, %dma_start3A_1116] : memref<10240x128xf32, #tpu.memory_space<vmem_shared>> -> memref<32x128xf32, #tpu.memory_space<vmem_shared>>
      tpu.enqueue_dma source(%arg10 : memref<32x128xf32, #tpu.memory_space<vmem>>) target(%dma_start3A_1117 : memref<32x128xf32, #tpu.memory_space<vmem_shared>>) target_semaphore(%run_scoped3A_1113 : memref<!tpu.dma_semaphore, #tpu.memory_space<semaphore_mem>>)
      %dma_wait3A = arith.constant 0 : i32
      %dma_wait3A_1118 = tpu.memref_slice %arg14[%add3A_1058, %dma_wait3A] : memref<10240x128xf32, #tpu.memory_space<vmem_shared>> -> memref<32x128xf32, #tpu.memory_space<vmem_shared>>
      %dma_wait3A_1119 = arith.constant 0 : i32
      %dma_wait3A_1120 = tpu.memref_slice %arg14[%add3A_1058, %dma_wait3A_1119] : memref<10240x128xf32, #tpu.memory_space<vmem_shared>> -> memref<32x128xf32, #tpu.memory_space<vmem_shared>>
      tpu.wait_dma2 semaphore(%run_scoped3A_1113 : memref<!tpu.dma_semaphore, #tpu.memory_space<semaphore_mem>>) src(%arg10 : memref<32x128xf32, #tpu.memory_space<vmem>>) dst(%dma_wait3A_1120 : memref<32x128xf32, #tpu.memory_space<vmem_shared>>)
      tpu.yield
    }) : () -> ()
    %add3A_1059 = arith.constant 512 : i32
    %add3A_1060 = arith.addi %mul3A_2, %add3A_1059 : i32
    "tpu.region"() ({
      %run_scoped3A_1113 = tpu.sem_alloc : memref<!tpu.dma_semaphore, #tpu.memory_space<semaphore_mem>>
      %dma_start3A_1114 = arith.constant 0 : i32
      %dma_start3A_1115 = tpu.memref_slice %arg14[%add3A_1060, %dma_start3A_1114] : memref<10240x128xf32, #tpu.memory_space<vmem_shared>> -> memref<32x128xf32, #tpu.memory_space<vmem_shared>>
      %dma_start3A_1116 = arith.constant 0 : i32
      %dma_start3A_1117 = tpu.memref_slice %arg14[%add3A_1060, %dma_start3A_1116] : memref<10240x128xf32, #tpu.memory_space<vmem_shared>> -> memref<32x128xf32, #tpu.memory_space<vmem_shared>>
      tpu.enqueue_dma source(%arg10 : memref<32x128xf32, #tpu.memory_space<vmem>>) target(%dma_start3A_1117 : memref<32x128xf32, #tpu.memory_space<vmem_shared>>) target_semaphore(%run_scoped3A_1113 : memref<!tpu.dma_semaphore, #tpu.memory_space<semaphore_mem>>)
      %dma_wait3A = arith.constant 0 : i32
      %dma_wait3A_1118 = tpu.memref_slice %arg14[%add3A_1060, %dma_wait3A] : memref<10240x128xf32, #tpu.memory_space<vmem_shared>> -> memref<32x128xf32, #tpu.memory_space<vmem_shared>>
      %dma_wait3A_1119 = arith.constant 0 : i32
      %dma_wait3A_1120 = tpu.memref_slice %arg14[%add3A_1060, %dma_wait3A_1119] : memref<10240x128xf32, #tpu.memory_space<vmem_shared>> -> memref<32x128xf32, #tpu.memory_space<vmem_shared>>
      tpu.wait_dma2 semaphore(%run_scoped3A_1113 : memref<!tpu.dma_semaphore, #tpu.memory_space<semaphore_mem>>) src(%arg10 : memref<32x128xf32, #tpu.memory_space<vmem>>) dst(%dma_wait3A_1120 : memref<32x128xf32, #tpu.memory_space<vmem_shared>>)
      tpu.yield
    }) : () -> ()
    %add3A_1061 = arith.constant 544 : i32
    %add3A_1062 = arith.addi %mul3A_2, %add3A_1061 : i32
    "tpu.region"() ({
      %run_scoped3A_1113 = tpu.sem_alloc : memref<!tpu.dma_semaphore, #tpu.memory_space<semaphore_mem>>
      %dma_start3A_1114 = arith.constant 0 : i32
      %dma_start3A_1115 = tpu.memref_slice %arg14[%add3A_1062, %dma_start3A_1114] : memref<10240x128xf32, #tpu.memory_space<vmem_shared>> -> memref<32x128xf32, #tpu.memory_space<vmem_shared>>
      %dma_start3A_1116 = arith.constant 0 : i32
      %dma_start3A_1117 = tpu.memref_slice %arg14[%add3A_1062, %dma_start3A_1116] : memref<10240x128xf32, #tpu.memory_space<vmem_shared>> -> memref<32x128xf32, #tpu.memory_space<vmem_shared>>
      tpu.enqueue_dma source(%arg10 : memref<32x128xf32, #tpu.memory_space<vmem>>) target(%dma_start3A_1117 : memref<32x128xf32, #tpu.memory_space<vmem_shared>>) target_semaphore(%run_scoped3A_1113 : memref<!tpu.dma_semaphore, #tpu.memory_space<semaphore_mem>>)
      %dma_wait3A = arith.constant 0 : i32
      %dma_wait3A_1118 = tpu.memref_slice %arg14[%add3A_1062, %dma_wait3A] : memref<10240x128xf32, #tpu.memory_space<vmem_shared>> -> memref<32x128xf32, #tpu.memory_space<vmem_shared>>
      %dma_wait3A_1119 = arith.constant 0 : i32
      %dma_wait3A_1120 = tpu.memref_slice %arg14[%add3A_1062, %dma_wait3A_1119] : memref<10240x128xf32, #tpu.memory_space<vmem_shared>> -> memref<32x128xf32, #tpu.memory_space<vmem_shared>>
      tpu.wait_dma2 semaphore(%run_scoped3A_1113 : memref<!tpu.dma_semaphore, #tpu.memory_space<semaphore_mem>>) src(%arg10 : memref<32x128xf32, #tpu.memory_space<vmem>>) dst(%dma_wait3A_1120 : memref<32x128xf32, #tpu.memory_space<vmem_shared>>)
      tpu.yield
    }) : () -> ()
    %add3A_1063 = arith.constant 576 : i32
    %add3A_1064 = arith.addi %mul3A_2, %add3A_1063 : i32
    "tpu.region"() ({
      %run_scoped3A_1113 = tpu.sem_alloc : memref<!tpu.dma_semaphore, #tpu.memory_space<semaphore_mem>>
      %dma_start3A_1114 = arith.constant 0 : i32
      %dma_start3A_1115 = tpu.memref_slice %arg14[%add3A_1064, %dma_start3A_1114] : memref<10240x128xf32, #tpu.memory_space<vmem_shared>> -> memref<32x128xf32, #tpu.memory_space<vmem_shared>>
      %dma_start3A_1116 = arith.constant 0 : i32
      %dma_start3A_1117 = tpu.memref_slice %arg14[%add3A_1064, %dma_start3A_1116] : memref<10240x128xf32, #tpu.memory_space<vmem_shared>> -> memref<32x128xf32, #tpu.memory_space<vmem_shared>>
      tpu.enqueue_dma source(%arg10 : memref<32x128xf32, #tpu.memory_space<vmem>>) target(%dma_start3A_1117 : memref<32x128xf32, #tpu.memory_space<vmem_shared>>) target_semaphore(%run_scoped3A_1113 : memref<!tpu.dma_semaphore, #tpu.memory_space<semaphore_mem>>)
      %dma_wait3A = arith.constant 0 : i32
      %dma_wait3A_1118 = tpu.memref_slice %arg14[%add3A_1064, %dma_wait3A] : memref<10240x128xf32, #tpu.memory_space<vmem_shared>> -> memref<32x128xf32, #tpu.memory_space<vmem_shared>>
      %dma_wait3A_1119 = arith.constant 0 : i32
      %dma_wait3A_1120 = tpu.memref_slice %arg14[%add3A_1064, %dma_wait3A_1119] : memref<10240x128xf32, #tpu.memory_space<vmem_shared>> -> memref<32x128xf32, #tpu.memory_space<vmem_shared>>
      tpu.wait_dma2 semaphore(%run_scoped3A_1113 : memref<!tpu.dma_semaphore, #tpu.memory_space<semaphore_mem>>) src(%arg10 : memref<32x128xf32, #tpu.memory_space<vmem>>) dst(%dma_wait3A_1120 : memref<32x128xf32, #tpu.memory_space<vmem_shared>>)
      tpu.yield
    }) : () -> ()
    %add3A_1065 = arith.constant 608 : i32
    %add3A_1066 = arith.addi %mul3A_2, %add3A_1065 : i32
    "tpu.region"() ({
      %run_scoped3A_1113 = tpu.sem_alloc : memref<!tpu.dma_semaphore, #tpu.memory_space<semaphore_mem>>
      %dma_start3A_1114 = arith.constant 0 : i32
      %dma_start3A_1115 = tpu.memref_slice %arg14[%add3A_1066, %dma_start3A_1114] : memref<10240x128xf32, #tpu.memory_space<vmem_shared>> -> memref<32x128xf32, #tpu.memory_space<vmem_shared>>
      %dma_start3A_1116 = arith.constant 0 : i32
      %dma_start3A_1117 = tpu.memref_slice %arg14[%add3A_1066, %dma_start3A_1116] : memref<10240x128xf32, #tpu.memory_space<vmem_shared>> -> memref<32x128xf32, #tpu.memory_space<vmem_shared>>
      tpu.enqueue_dma source(%arg10 : memref<32x128xf32, #tpu.memory_space<vmem>>) target(%dma_start3A_1117 : memref<32x128xf32, #tpu.memory_space<vmem_shared>>) target_semaphore(%run_scoped3A_1113 : memref<!tpu.dma_semaphore, #tpu.memory_space<semaphore_mem>>)
      %dma_wait3A = arith.constant 0 : i32
      %dma_wait3A_1118 = tpu.memref_slice %arg14[%add3A_1066, %dma_wait3A] : memref<10240x128xf32, #tpu.memory_space<vmem_shared>> -> memref<32x128xf32, #tpu.memory_space<vmem_shared>>
      %dma_wait3A_1119 = arith.constant 0 : i32
      %dma_wait3A_1120 = tpu.memref_slice %arg14[%add3A_1066, %dma_wait3A_1119] : memref<10240x128xf32, #tpu.memory_space<vmem_shared>> -> memref<32x128xf32, #tpu.memory_space<vmem_shared>>
      tpu.wait_dma2 semaphore(%run_scoped3A_1113 : memref<!tpu.dma_semaphore, #tpu.memory_space<semaphore_mem>>) src(%arg10 : memref<32x128xf32, #tpu.memory_space<vmem>>) dst(%dma_wait3A_1120 : memref<32x128xf32, #tpu.memory_space<vmem_shared>>)
      tpu.yield
    }) : () -> ()
    %broadcast_in_dim3A_1067 = arith.constant 1.000000e+00 : f32
    %broadcast_in_dim3A_1068 = vector.broadcast %broadcast_in_dim3A_1067 : f32 to vector<16xf32>
    %scan3A = arith.constant 0 : i32
    %scan3A_1069 = arith.constant 0 : i32
    %scan3A_1070 = arith.constant 80 : i32
    %scan3A_1071 = arith.addi %scan3A_1069, %scan3A_1070 : i32
    %scan3A_1072 = arith.constant 1 : i32
    %scan3A_1073 = scf.for %scan3A_1113 = %scan3A_1069 to %scan3A_1071 step %scan3A_1072 iter_args(%scan3A_1114 = %scan3A) -> (i32)  : i32 {
      %swap3A_1115 = arith.index_cast %scan3A_1113 : i32 to index
      %swap3A_1116 = arith.constant 0 : index
      %swap3A_1117 = tpu.vector_load %arg11[%swap3A_1115, %swap3A_1116] {strides = array<i32>} : memref<80x128xf32, #tpu.memory_space<vmem>>, vector<16xf32>,
      tpu.vector_store %arg11[%swap3A_1115, %swap3A_1116], %broadcast_in_dim3A_3 {strides = array<i32>} : memref<80x128xf32, #tpu.memory_space<vmem>>, vector<16xf32>,
      %swap3A_1118 = arith.index_cast %scan3A_1113 : i32 to index
      %swap3A_1119 = arith.constant 16 : index
      %swap3A_1120 = tpu.vector_load %arg11[%swap3A_1118, %swap3A_1119] {strides = array<i32>} : memref<80x128xf32, #tpu.memory_space<vmem>>, vector<16xf32>,
      tpu.vector_store %arg11[%swap3A_1118, %swap3A_1119], %broadcast_in_dim3A_3 {strides = array<i32>} : memref<80x128xf32, #tpu.memory_space<vmem>>, vector<16xf32>,
      %swap3A_1121 = arith.index_cast %scan3A_1113 : i32 to index
      %swap3A_1122 = arith.constant 32 : index
      %swap3A_1123 = tpu.vector_load %arg11[%swap3A_1121, %swap3A_1122] {strides = array<i32>} : memref<80x128xf32, #tpu.memory_space<vmem>>, vector<16xf32>,
      tpu.vector_store %arg11[%swap3A_1121, %swap3A_1122], %broadcast_in_dim3A_3 {strides = array<i32>} : memref<80x128xf32, #tpu.memory_space<vmem>>, vector<16xf32>,
      %swap3A_1124 = arith.index_cast %scan3A_1113 : i32 to index
      %swap3A_1125 = arith.constant 48 : index
      %swap3A_1126 = tpu.vector_load %arg11[%swap3A_1124, %swap3A_1125] {strides = array<i32>} : memref<80x128xf32, #tpu.memory_space<vmem>>, vector<16xf32>,
      tpu.vector_store %arg11[%swap3A_1124, %swap3A_1125], %broadcast_in_dim3A_3 {strides = array<i32>} : memref<80x128xf32, #tpu.memory_space<vmem>>, vector<16xf32>,
      %swap3A_1127 = arith.index_cast %scan3A_1113 : i32 to index
      %swap3A_1128 = arith.constant 64 : index
      %swap3A_1129 = tpu.vector_load %arg11[%swap3A_1127, %swap3A_1128] {strides = array<i32>} : memref<80x128xf32, #tpu.memory_space<vmem>>, vector<16xf32>,
      tpu.vector_store %arg11[%swap3A_1127, %swap3A_1128], %broadcast_in_dim3A_3 {strides = array<i32>} : memref<80x128xf32, #tpu.memory_space<vmem>>, vector<16xf32>,
      %swap3A_1130 = arith.index_cast %scan3A_1113 : i32 to index
      %swap3A_1131 = arith.constant 80 : index
      %swap3A_1132 = tpu.vector_load %arg11[%swap3A_1130, %swap3A_1131] {strides = array<i32>} : memref<80x128xf32, #tpu.memory_space<vmem>>, vector<16xf32>,
      tpu.vector_store %arg11[%swap3A_1130, %swap3A_1131], %broadcast_in_dim3A_3 {strides = array<i32>} : memref<80x128xf32, #tpu.memory_space<vmem>>, vector<16xf32>,
      %swap3A_1133 = arith.index_cast %scan3A_1113 : i32 to index
      %swap3A_1134 = arith.constant 96 : index
      %swap3A_1135 = tpu.vector_load %arg11[%swap3A_1133, %swap3A_1134] {strides = array<i32>} : memref<80x128xf32, #tpu.memory_space<vmem>>, vector<16xf32>,
      tpu.vector_store %arg11[%swap3A_1133, %swap3A_1134], %broadcast_in_dim3A_3 {strides = array<i32>} : memref<80x128xf32, #tpu.memory_space<vmem>>, vector<16xf32>,
      %swap3A_1136 = arith.index_cast %scan3A_1113 : i32 to index
      %swap3A_1137 = arith.constant 112 : index
      %swap3A_1138 = tpu.vector_load %arg11[%swap3A_1136, %swap3A_1137] {strides = array<i32>} : memref<80x128xf32, #tpu.memory_space<vmem>>, vector<16xf32>,
      tpu.vector_store %arg11[%swap3A_1136, %swap3A_1137], %broadcast_in_dim3A_3 {strides = array<i32>} : memref<80x128xf32, #tpu.memory_space<vmem>>, vector<16xf32>,
      %scan3A_1139 = arith.constant 0 : i32
      scf.yield %scan3A_1139 : i32
    }
    %scan3A_1074 = arith.constant 80 : i32
    %barrier3A = arith.constant 0 : index
    tpu.barrier barrier_id(%barrier3A)
    %run_scoped3A = arith.constant 0 : i32
    %run_scoped3A_1075 = arith.constant 0 : i32
    "tpu.region"() ({
      %run_scoped3A_1113 = tpu.sem_alloc : memref<!tpu.dma_semaphore, #tpu.memory_space<semaphore_mem>>
      %dma_start3A_1114 = arith.constant 0 : i32
      %dma_start3A_1115 = tpu.memref_slice %arg7[%run_scoped3A_1075, %dma_start3A_1114] : memref<2x128xi32, #tpu.memory_space<vmem>> -> memref<1x128xi32, #tpu.memory_space<vmem>>
      %dma_start3A_1116 = tpu.memref_squeeze %dma_start3A_1115 : memref<1x128xi32, #tpu.memory_space<vmem>> -> memref<128xi32, #tpu.memory_space<vmem>>
      %dma_start3A_1117 = arith.constant 0 : i32
      %dma_start3A_1118 = tpu.memref_slice %arg3[%add3A, %run_scoped3A, %dma_start3A_1117] : memref<32x80x128xi32, #tpu.memory_space<hbm>> -> memref<1x1x128xi32, #tpu.memory_space<hbm>>
      %dma_start3A_1119 = tpu.memref_squeeze %dma_start3A_1118 : memref<1x1x128xi32, #tpu.memory_space<hbm>> -> memref<128xi32, #tpu.memory_space<hbm>>
      %dma_start3A_1120 = arith.constant 0 : i32
      %dma_start3A_1121 = tpu.memref_slice %arg7[%run_scoped3A_1075, %dma_start3A_1120] : memref<2x128xi32, #tpu.memory_space<vmem>> -> memref<1x128xi32, #tpu.memory_space<vmem>>
      %dma_start3A_1122 = tpu.memref_squeeze %dma_start3A_1121 : memref<1x128xi32, #tpu.memory_space<vmem>> -> memref<128xi32, #tpu.memory_space<vmem>>
      %dma_start3A_1123 = arith.constant 0 : i32
      %dma_start3A_1124 = tpu.memref_slice %arg3[%add3A, %run_scoped3A, %dma_start3A_1123] : memref<32x80x128xi32, #tpu.memory_space<hbm>> -> memref<1x1x128xi32, #tpu.memory_space<hbm>>
      %dma_start3A_1125 = tpu.memref_squeeze %dma_start3A_1124 : memref<1x1x128xi32, #tpu.memory_space<hbm>> -> memref<128xi32, #tpu.memory_space<hbm>>
      tpu.enqueue_dma source(%dma_start3A_1125 : memref<128xi32, #tpu.memory_space<hbm>>) target(%dma_start3A_1122 : memref<128xi32, #tpu.memory_space<vmem>>) target_semaphore(%run_scoped3A_1113 : memref<!tpu.dma_semaphore, #tpu.memory_space<semaphore_mem>>)
      %dma_wait3A = arith.constant 0 : i32
      %dma_wait3A_1126 = tpu.memref_slice %arg7[%run_scoped3A_1075, %dma_wait3A] : memref<2x128xi32, #tpu.memory_space<vmem>> -> memref<1x128xi32, #tpu.memory_space<vmem>>
      %dma_wait3A_1127 = tpu.memref_squeeze %dma_wait3A_1126 : memref<1x128xi32, #tpu.memory_space<vmem>> -> memref<128xi32, #tpu.memory_space<vmem>>
      %dma_wait3A_1128 = arith.constant 0 : i32
      %dma_wait3A_1129 = tpu.memref_slice %arg3[%add3A, %run_scoped3A, %dma_wait3A_1128] : memref<32x80x128xi32, #tpu.memory_space<hbm>> -> memref<1x1x128xi32, #tpu.memory_space<hbm>>
      %dma_wait3A_1130 = tpu.memref_squeeze %dma_wait3A_1129 : memref<1x1x128xi32, #tpu.memory_space<hbm>> -> memref<128xi32, #tpu.memory_space<hbm>>
      %dma_wait3A_1131 = arith.constant 0 : i32
      %dma_wait3A_1132 = tpu.memref_slice %arg7[%run_scoped3A_1075, %dma_wait3A_1131] : memref<2x128xi32, #tpu.memory_space<vmem>> -> memref<1x128xi32, #tpu.memory_space<vmem>>
      %dma_wait3A_1133 = tpu.memref_squeeze %dma_wait3A_1132 : memref<1x128xi32, #tpu.memory_space<vmem>> -> memref<128xi32, #tpu.memory_space<vmem>>
      %dma_wait3A_1134 = arith.constant 0 : i32
      %dma_wait3A_1135 = tpu.memref_slice %arg3[%add3A, %run_scoped3A, %dma_wait3A_1134] : memref<32x80x128xi32, #tpu.memory_space<hbm>> -> memref<1x1x128xi32, #tpu.memory_space<hbm>>
      %dma_wait3A_1136 = tpu.memref_squeeze %dma_wait3A_1135 : memref<1x1x128xi32, #tpu.memory_space<hbm>> -> memref<128xi32, #tpu.memory_space<hbm>>
      tpu.wait_dma2 semaphore(%run_scoped3A_1113 : memref<!tpu.dma_semaphore, #tpu.memory_space<semaphore_mem>>) src(%dma_wait3A_1136 : memref<128xi32, #tpu.memory_space<hbm>>) dst(%dma_wait3A_1133 : memref<128xi32, #tpu.memory_space<vmem>>)
      tpu.yield
    }) : () -> ()
    %run_scoped3A_1076 = arith.constant 0 : i32
    %run_scoped3A_1077 = arith.constant 0 : i32
    "tpu.region"() ({
      %run_scoped3A_1113 = tpu.sem_alloc : memref<!tpu.dma_semaphore, #tpu.memory_space<semaphore_mem>>
      %dma_start3A_1114 = arith.constant 0 : i32
      %dma_start3A_1115 = tpu.memref_slice %arg8[%run_scoped3A_1077, %dma_start3A_1114] : memref<2x128xi32, #tpu.memory_space<vmem>> -> memref<1x128xi32, #tpu.memory_space<vmem>>
      %dma_start3A_1116 = tpu.memref_squeeze %dma_start3A_1115 : memref<1x128xi32, #tpu.memory_space<vmem>> -> memref<128xi32, #tpu.memory_space<vmem>>
      %dma_start3A_1117 = arith.constant 0 : i32
      %dma_start3A_1118 = tpu.memref_slice %arg4[%add3A, %run_scoped3A_1076, %dma_start3A_1117] : memref<32x80x128xi32, #tpu.memory_space<hbm>> -> memref<1x1x128xi32, #tpu.memory_space<hbm>>
      %dma_start3A_1119 = tpu.memref_squeeze %dma_start3A_1118 : memref<1x1x128xi32, #tpu.memory_space<hbm>> -> memref<128xi32, #tpu.memory_space<hbm>>
      %dma_start3A_1120 = arith.constant 0 : i32
      %dma_start3A_1121 = tpu.memref_slice %arg8[%run_scoped3A_1077, %dma_start3A_1120] : memref<2x128xi32, #tpu.memory_space<vmem>> -> memref<1x128xi32, #tpu.memory_space<vmem>>
      %dma_start3A_1122 = tpu.memref_squeeze %dma_start3A_1121 : memref<1x128xi32, #tpu.memory_space<vmem>> -> memref<128xi32, #tpu.memory_space<vmem>>
      %dma_start3A_1123 = arith.constant 0 : i32
      %dma_start3A_1124 = tpu.memref_slice %arg4[%add3A, %run_scoped3A_1076, %dma_start3A_1123] : memref<32x80x128xi32, #tpu.memory_space<hbm>> -> memref<1x1x128xi32, #tpu.memory_space<hbm>>
      %dma_start3A_1125 = tpu.memref_squeeze %dma_start3A_1124 : memref<1x1x128xi32, #tpu.memory_space<hbm>> -> memref<128xi32, #tpu.memory_space<hbm>>
      tpu.enqueue_dma source(%dma_start3A_1125 : memref<128xi32, #tpu.memory_space<hbm>>) target(%dma_start3A_1122 : memref<128xi32, #tpu.memory_space<vmem>>) target_semaphore(%run_scoped3A_1113 : memref<!tpu.dma_semaphore, #tpu.memory_space<semaphore_mem>>)
      %dma_wait3A = arith.constant 0 : i32
      %dma_wait3A_1126 = tpu.memref_slice %arg8[%run_scoped3A_1077, %dma_wait3A] : memref<2x128xi32, #tpu.memory_space<vmem>> -> memref<1x128xi32, #tpu.memory_space<vmem>>
      %dma_wait3A_1127 = tpu.memref_squeeze %dma_wait3A_1126 : memref<1x128xi32, #tpu.memory_space<vmem>> -> memref<128xi32, #tpu.memory_space<vmem>>
      %dma_wait3A_1128 = arith.constant 0 : i32
      %dma_wait3A_1129 = tpu.memref_slice %arg4[%add3A, %run_scoped3A_1076, %dma_wait3A_1128] : memref<32x80x128xi32, #tpu.memory_space<hbm>> -> memref<1x1x128xi32, #tpu.memory_space<hbm>>
      %dma_wait3A_1130 = tpu.memref_squeeze %dma_wait3A_1129 : memref<1x1x128xi32, #tpu.memory_space<hbm>> -> memref<128xi32, #tpu.memory_space<hbm>>
      %dma_wait3A_1131 = arith.constant 0 : i32
      %dma_wait3A_1132 = tpu.memref_slice %arg8[%run_scoped3A_1077, %dma_wait3A_1131] : memref<2x128xi32, #tpu.memory_space<vmem>> -> memref<1x128xi32, #tpu.memory_space<vmem>>
      %dma_wait3A_1133 = tpu.memref_squeeze %dma_wait3A_1132 : memref<1x128xi32, #tpu.memory_space<vmem>> -> memref<128xi32, #tpu.memory_space<vmem>>
      %dma_wait3A_1134 = arith.constant 0 : i32
      %dma_wait3A_1135 = tpu.memref_slice %arg4[%add3A, %run_scoped3A_1076, %dma_wait3A_1134] : memref<32x80x128xi32, #tpu.memory_space<hbm>> -> memref<1x1x128xi32, #tpu.memory_space<hbm>>
      %dma_wait3A_1136 = tpu.memref_squeeze %dma_wait3A_1135 : memref<1x1x128xi32, #tpu.memory_space<hbm>> -> memref<128xi32, #tpu.memory_space<hbm>>
      tpu.wait_dma2 semaphore(%run_scoped3A_1113 : memref<!tpu.dma_semaphore, #tpu.memory_space<semaphore_mem>>) src(%dma_wait3A_1136 : memref<128xi32, #tpu.memory_space<hbm>>) dst(%dma_wait3A_1133 : memref<128xi32, #tpu.memory_space<vmem>>)
      tpu.yield
    }) : () -> ()
    %dma_start3A = arith.constant 0 : i32
    %dma_start3A_1078 = arith.constant 0 : i32
    %dma_start3A_1079 = arith.constant 0 : i32
    %dma_start3A_1080 = arith.constant 0 : i32
    %dma_start3A_1081 = tpu.memref_slice %arg9[%dma_start3A_1078, %dma_start3A_1079, %dma_start3A_1080] : memref<2x128x128xf32, #tpu.memory_space<vmem>> -> memref<1x128x128xf32, #tpu.memory_space<vmem>>
    %dma_start3A_1082 = tpu.memref_squeeze %dma_start3A_1081 : memref<1x128x128xf32, #tpu.memory_space<vmem>> -> memref<128x128xf32, #tpu.memory_space<vmem>>
    %dma_start3A_1083 = arith.constant 0 : i32
    %dma_start3A_1084 = tpu.memref_slice %arg7[%dma_start3A, %dma_start3A_1083] : memref<2x128xi32, #tpu.memory_space<vmem>> -> memref<1x128xi32, #tpu.memory_space<vmem>>
    %dma_start3A_1085 = tpu.memref_squeeze %dma_start3A_1084 : memref<1x128xi32, #tpu.memory_space<vmem>> -> memref<128xi32, #tpu.memory_space<vmem>>
    %dma_start3A_1086 = arith.constant 0 : i32
    %dma_start3A_1087 = arith.constant 0 : i32
    %dma_start3A_1088 = tpu.memref_slice %arg2[%dma_start3A_1086, %dma_start3A_1087] : memref<10240x128xf32, #tpu.memory_space<hbm>> -> memref<10240x128xf32, #tpu.memory_space<hbm>>
    tpu.enqueue_indirect_dma source(%dma_start3A_1088 : memref<10240x128xf32, #tpu.memory_space<hbm>>) target(%dma_start3A_1082 : memref<128x128xf32, #tpu.memory_space<vmem>>) offsets(%dma_start3A_1085 : memref<128xi32, #tpu.memory_space<vmem>>) semaphore(%arg12 : memref<!tpu.dma_semaphore, #tpu.memory_space<semaphore_mem>>)
    %run_scoped3A_1089 = arith.constant 1 : i32
    %run_scoped3A_1090 = arith.constant 1 : i32
    "tpu.region"() ({
      %run_scoped3A_1113 = tpu.sem_alloc : memref<!tpu.dma_semaphore, #tpu.memory_space<semaphore_mem>>
      %dma_start3A_1114 = arith.constant 0 : i32
      %dma_start3A_1115 = tpu.memref_slice %arg7[%run_scoped3A_1090, %dma_start3A_1114] : memref<2x128xi32, #tpu.memory_space<vmem>> -> memref<1x128xi32, #tpu.memory_space<vmem>>
      %dma_start3A_1116 = tpu.memref_squeeze %dma_start3A_1115 : memref<1x128xi32, #tpu.memory_space<vmem>> -> memref<128xi32, #tpu.memory_space<vmem>>
      %dma_start3A_1117 = arith.constant 0 : i32
      %dma_start3A_1118 = tpu.memref_slice %arg3[%add3A, %run_scoped3A_1089, %dma_start3A_1117] : memref<32x80x128xi32, #tpu.memory_space<hbm>> -> memref<1x1x128xi32, #tpu.memory_space<hbm>>
      %dma_start3A_1119 = tpu.memref_squeeze %dma_start3A_1118 : memref<1x1x128xi32, #tpu.memory_space<hbm>> -> memref<128xi32, #tpu.memory_space<hbm>>
      %dma_start3A_1120 = arith.constant 0 : i32
      %dma_start3A_1121 = tpu.memref_slice %arg7[%run_scoped3A_1090, %dma_start3A_1120] : memref<2x128xi32, #tpu.memory_space<vmem>> -> memref<1x128xi32, #tpu.memory_space<vmem>>
      %dma_start3A_1122 = tpu.memref_squeeze %dma_start3A_1121 : memref<1x128xi32, #tpu.memory_space<vmem>> -> memref<128xi32, #tpu.memory_space<vmem>>
      %dma_start3A_1123 = arith.constant 0 : i32
      %dma_start3A_1124 = tpu.memref_slice %arg3[%add3A, %run_scoped3A_1089, %dma_start3A_1123] : memref<32x80x128xi32, #tpu.memory_space<hbm>> -> memref<1x1x128xi32, #tpu.memory_space<hbm>>
      %dma_start3A_1125 = tpu.memref_squeeze %dma_start3A_1124 : memref<1x1x128xi32, #tpu.memory_space<hbm>> -> memref<128xi32, #tpu.memory_space<hbm>>
      tpu.enqueue_dma source(%dma_start3A_1125 : memref<128xi32, #tpu.memory_space<hbm>>) target(%dma_start3A_1122 : memref<128xi32, #tpu.memory_space<vmem>>) target_semaphore(%run_scoped3A_1113 : memref<!tpu.dma_semaphore, #tpu.memory_space<semaphore_mem>>)
      %dma_wait3A = arith.constant 0 : i32
      %dma_wait3A_1126 = tpu.memref_slice %arg7[%run_scoped3A_1090, %dma_wait3A] : memref<2x128xi32, #tpu.memory_space<vmem>> -> memref<1x128xi32, #tpu.memory_space<vmem>>
      %dma_wait3A_1127 = tpu.memref_squeeze %dma_wait3A_1126 : memref<1x128xi32, #tpu.memory_space<vmem>> -> memref<128xi32, #tpu.memory_space<vmem>>
      %dma_wait3A_1128 = arith.constant 0 : i32
      %dma_wait3A_1129 = tpu.memref_slice %arg3[%add3A, %run_scoped3A_1089, %dma_wait3A_1128] : memref<32x80x128xi32, #tpu.memory_space<hbm>> -> memref<1x1x128xi32, #tpu.memory_space<hbm>>
      %dma_wait3A_1130 = tpu.memref_squeeze %dma_wait3A_1129 : memref<1x1x128xi32, #tpu.memory_space<hbm>> -> memref<128xi32, #tpu.memory_space<hbm>>
      %dma_wait3A_1131 = arith.constant 0 : i32
      %dma_wait3A_1132 = tpu.memref_slice %arg7[%run_scoped3A_1090, %dma_wait3A_1131] : memref<2x128xi32, #tpu.memory_space<vmem>> -> memref<1x128xi32, #tpu.memory_space<vmem>>
      %dma_wait3A_1133 = tpu.memref_squeeze %dma_wait3A_1132 : memref<1x128xi32, #tpu.memory_space<vmem>> -> memref<128xi32, #tpu.memory_space<vmem>>
      %dma_wait3A_1134 = arith.constant 0 : i32
      %dma_wait3A_1135 = tpu.memref_slice %arg3[%add3A, %run_scoped3A_1089, %dma_wait3A_1134] : memref<32x80x128xi32, #tpu.memory_space<hbm>> -> memref<1x1x128xi32, #tpu.memory_space<hbm>>
      %dma_wait3A_1136 = tpu.memref_squeeze %dma_wait3A_1135 : memref<1x1x128xi32, #tpu.memory_space<hbm>> -> memref<128xi32, #tpu.memory_space<hbm>>
      tpu.wait_dma2 semaphore(%run_scoped3A_1113 : memref<!tpu.dma_semaphore, #tpu.memory_space<semaphore_mem>>) src(%dma_wait3A_1136 : memref<128xi32, #tpu.memory_space<hbm>>) dst(%dma_wait3A_1133 : memref<128xi32, #tpu.memory_space<vmem>>)
      tpu.yield
    }) : () -> ()
    %run_scoped3A_1091 = arith.constant 1 : i32
    %run_scoped3A_1092 = arith.constant 1 : i32
    "tpu.region"() ({
      %run_scoped3A_1113 = tpu.sem_alloc : memref<!tpu.dma_semaphore, #tpu.memory_space<semaphore_mem>>
      %dma_start3A_1114 = arith.constant 0 : i32
      %dma_start3A_1115 = tpu.memref_slice %arg8[%run_scoped3A_1092, %dma_start3A_1114] : memref<2x128xi32, #tpu.memory_space<vmem>> -> memref<1x128xi32, #tpu.memory_space<vmem>>
      %dma_start3A_1116 = tpu.memref_squeeze %dma_start3A_1115 : memref<1x128xi32, #tpu.memory_space<vmem>> -> memref<128xi32, #tpu.memory_space<vmem>>
      %dma_start3A_1117 = arith.constant 0 : i32
      %dma_start3A_1118 = tpu.memref_slice %arg4[%add3A, %run_scoped3A_1091, %dma_start3A_1117] : memref<32x80x128xi32, #tpu.memory_space<hbm>> -> memref<1x1x128xi32, #tpu.memory_space<hbm>>
      %dma_start3A_1119 = tpu.memref_squeeze %dma_start3A_1118 : memref<1x1x128xi32, #tpu.memory_space<hbm>> -> memref<128xi32, #tpu.memory_space<hbm>>
      %dma_start3A_1120 = arith.constant 0 : i32
      %dma_start3A_1121 = tpu.memref_slice %arg8[%run_scoped3A_1092, %dma_start3A_1120] : memref<2x128xi32, #tpu.memory_space<vmem>> -> memref<1x128xi32, #tpu.memory_space<vmem>>
      %dma_start3A_1122 = tpu.memref_squeeze %dma_start3A_1121 : memref<1x128xi32, #tpu.memory_space<vmem>> -> memref<128xi32, #tpu.memory_space<vmem>>
      %dma_start3A_1123 = arith.constant 0 : i32
      %dma_start3A_1124 = tpu.memref_slice %arg4[%add3A, %run_scoped3A_1091, %dma_start3A_1123] : memref<32x80x128xi32, #tpu.memory_space<hbm>> -> memref<1x1x128xi32, #tpu.memory_space<hbm>>
      %dma_start3A_1125 = tpu.memref_squeeze %dma_start3A_1124 : memref<1x1x128xi32, #tpu.memory_space<hbm>> -> memref<128xi32, #tpu.memory_space<hbm>>
      tpu.enqueue_dma source(%dma_start3A_1125 : memref<128xi32, #tpu.memory_space<hbm>>) target(%dma_start3A_1122 : memref<128xi32, #tpu.memory_space<vmem>>) target_semaphore(%run_scoped3A_1113 : memref<!tpu.dma_semaphore, #tpu.memory_space<semaphore_mem>>)
      %dma_wait3A = arith.constant 0 : i32
      %dma_wait3A_1126 = tpu.memref_slice %arg8[%run_scoped3A_1092, %dma_wait3A] : memref<2x128xi32, #tpu.memory_space<vmem>> -> memref<1x128xi32, #tpu.memory_space<vmem>>
      %dma_wait3A_1127 = tpu.memref_squeeze %dma_wait3A_1126 : memref<1x128xi32, #tpu.memory_space<vmem>> -> memref<128xi32, #tpu.memory_space<vmem>>
      %dma_wait3A_1128 = arith.constant 0 : i32
      %dma_wait3A_1129 = tpu.memref_slice %arg4[%add3A, %run_scoped3A_1091, %dma_wait3A_1128] : memref<32x80x128xi32, #tpu.memory_space<hbm>> -> memref<1x1x128xi32, #tpu.memory_space<hbm>>
      %dma_wait3A_1130 = tpu.memref_squeeze %dma_wait3A_1129 : memref<1x1x128xi32, #tpu.memory_space<hbm>> -> memref<128xi32, #tpu.memory_space<hbm>>
      %dma_wait3A_1131 = arith.constant 0 : i32
      %dma_wait3A_1132 = tpu.memref_slice %arg8[%run_scoped3A_1092, %dma_wait3A_1131] : memref<2x128xi32, #tpu.memory_space<vmem>> -> memref<1x128xi32, #tpu.memory_space<vmem>>
      %dma_wait3A_1133 = tpu.memref_squeeze %dma_wait3A_1132 : memref<1x128xi32, #tpu.memory_space<vmem>> -> memref<128xi32, #tpu.memory_space<vmem>>
      %dma_wait3A_1134 = arith.constant 0 : i32
      %dma_wait3A_1135 = tpu.memref_slice %arg4[%add3A, %run_scoped3A_1091, %dma_wait3A_1134] : memref<32x80x128xi32, #tpu.memory_space<hbm>> -> memref<1x1x128xi32, #tpu.memory_space<hbm>>
      %dma_wait3A_1136 = tpu.memref_squeeze %dma_wait3A_1135 : memref<1x1x128xi32, #tpu.memory_space<hbm>> -> memref<128xi32, #tpu.memory_space<hbm>>
      tpu.wait_dma2 semaphore(%run_scoped3A_1113 : memref<!tpu.dma_semaphore, #tpu.memory_space<semaphore_mem>>) src(%dma_wait3A_1136 : memref<128xi32, #tpu.memory_space<hbm>>) dst(%dma_wait3A_1133 : memref<128xi32, #tpu.memory_space<vmem>>)
      tpu.yield
    }) : () -> ()
    %dma_start3A_1093 = arith.constant 1 : i32
    %dma_start3A_1094 = arith.constant 1 : i32
    %dma_start3A_1095 = arith.constant 0 : i32
    %dma_start3A_1096 = arith.constant 0 : i32
    %dma_start3A_1097 = tpu.memref_slice %arg9[%dma_start3A_1094, %dma_start3A_1095, %dma_start3A_1096] : memref<2x128x128xf32, #tpu.memory_space<vmem>> -> memref<1x128x128xf32, #tpu.memory_space<vmem>>
    %dma_start3A_1098 = tpu.memref_squeeze %dma_start3A_1097 : memref<1x128x128xf32, #tpu.memory_space<vmem>> -> memref<128x128xf32, #tpu.memory_space<vmem>>
    %dma_start3A_1099 = arith.constant 0 : i32
    %dma_start3A_1100 = tpu.memref_slice %arg7[%dma_start3A_1093, %dma_start3A_1099] : memref<2x128xi32, #tpu.memory_space<vmem>> -> memref<1x128xi32, #tpu.memory_space<vmem>>
    %dma_start3A_1101 = tpu.memref_squeeze %dma_start3A_1100 : memref<1x128xi32, #tpu.memory_space<vmem>> -> memref<128xi32, #tpu.memory_space<vmem>>
    %dma_start3A_1102 = arith.constant 0 : i32
    %dma_start3A_1103 = arith.constant 0 : i32
    %dma_start3A_1104 = tpu.memref_slice %arg2[%dma_start3A_1102, %dma_start3A_1103] : memref<10240x128xf32, #tpu.memory_space<hbm>> -> memref<10240x128xf32, #tpu.memory_space<hbm>>
    tpu.enqueue_indirect_dma source(%dma_start3A_1104 : memref<10240x128xf32, #tpu.memory_space<hbm>>) target(%dma_start3A_1098 : memref<128x128xf32, #tpu.memory_space<vmem>>) offsets(%dma_start3A_1101 : memref<128xi32, #tpu.memory_space<vmem>>) semaphore(%arg13 : memref<!tpu.dma_semaphore, #tpu.memory_space<semaphore_mem>>)
    %scan3A_1105 = arith.constant 0 : i32
    %scan3A_1106 = arith.constant 0 : i32
    %scan3A_1107 = arith.constant 40 : i32
    %scan3A_1108 = arith.addi %scan3A_1106, %scan3A_1107 : i32
    %scan3A_1109 = arith.constant 1 : i32
    %scan3A_1110 = scf.for %scan3A_1113 = %scan3A_1106 to %scan3A_1108 step %scan3A_1109 iter_args(%scan3A_1114 = %scan3A_1105) -> (i32)  : i32 {
      %mul3A_1115 = arith.constant 2 : i32
      %mul3A_1116 = arith.muli %scan3A_1113, %mul3A_1115 : i32
      %add3A_1117 = arith.constant 0 : i32
      %add3A_1118 = arith.addi %mul3A_1116, %add3A_1117 : i32
      %get3A = arith.constant 0 : i32
      %get3A_1119 = arith.index_cast %get3A : i32 to index
      %get3A_1120 = arith.constant 0 : index
      %get3A_1121 = tpu.vector_load %arg8[%get3A_1119, %get3A_1120] {strides = array<i32>} : memref<2x128xi32, #tpu.memory_space<vmem>>, vector<16xi32>,
      %shift_right_logical3A = arith.constant 7 : i32
      %shift_right_logical3A_1122 = vector.broadcast %shift_right_logical3A : i32 to vector<16xi32>
      %shift_right_logical3A_1123 = arith.shrui %get3A_1121, %shift_right_logical3A_1122 : vector<16xi32>
      %and3A = arith.constant 127 : i32
      %and3A_1124 = vector.broadcast %and3A : i32 to vector<16xi32>
      %and3A_1125 = arith.andi %get3A_1121, %and3A_1124 : vector<16xi32>
      tpu.vector_store_idx %arg11[%shift_right_logical3A_1123, %and3A_1125], %broadcast_in_dim3A_1068 {add = true} : memref<80x128xf32, #tpu.memory_space<vmem>>[vector<16xi32>, vector<16xi32>], vector<16xf32>,
      %get3A_1126 = arith.constant 0 : i32
      %get3A_1127 = arith.index_cast %get3A_1126 : i32 to index
      %get3A_1128 = arith.constant 16 : index
      %get3A_1129 = tpu.vector_load %arg8[%get3A_1127, %get3A_1128] {strides = array<i32>} : memref<2x128xi32, #tpu.memory_space<vmem>>, vector<16xi32>,
      %shift_right_logical3A_1130 = arith.constant 7 : i32
      %shift_right_logical3A_1131 = vector.broadcast %shift_right_logical3A_1130 : i32 to vector<16xi32>
      %shift_right_logical3A_1132 = arith.shrui %get3A_1129, %shift_right_logical3A_1131 : vector<16xi32>
      %and3A_1133 = arith.constant 127 : i32
      %and3A_1134 = vector.broadcast %and3A_1133 : i32 to vector<16xi32>
      %and3A_1135 = arith.andi %get3A_1129, %and3A_1134 : vector<16xi32>
      tpu.vector_store_idx %arg11[%shift_right_logical3A_1132, %and3A_1135], %broadcast_in_dim3A_1068 {add = true} : memref<80x128xf32, #tpu.memory_space<vmem>>[vector<16xi32>, vector<16xi32>], vector<16xf32>,
      %get3A_1136 = arith.constant 0 : i32
      %get3A_1137 = arith.index_cast %get3A_1136 : i32 to index
      %get3A_1138 = arith.constant 32 : index
      %get3A_1139 = tpu.vector_load %arg8[%get3A_1137, %get3A_1138] {strides = array<i32>} : memref<2x128xi32, #tpu.memory_space<vmem>>, vector<16xi32>,
      %shift_right_logical3A_1140 = arith.constant 7 : i32
      %shift_right_logical3A_1141 = vector.broadcast %shift_right_logical3A_1140 : i32 to vector<16xi32>
      %shift_right_logical3A_1142 = arith.shrui %get3A_1139, %shift_right_logical3A_1141 : vector<16xi32>
      %and3A_1143 = arith.constant 127 : i32
      %and3A_1144 = vector.broadcast %and3A_1143 : i32 to vector<16xi32>
      %and3A_1145 = arith.andi %get3A_1139, %and3A_1144 : vector<16xi32>
      tpu.vector_store_idx %arg11[%shift_right_logical3A_1142, %and3A_1145], %broadcast_in_dim3A_1068 {add = true} : memref<80x128xf32, #tpu.memory_space<vmem>>[vector<16xi32>, vector<16xi32>], vector<16xf32>,
      %get3A_1146 = arith.constant 0 : i32
      %get3A_1147 = arith.index_cast %get3A_1146 : i32 to index
      %get3A_1148 = arith.constant 48 : index
      %get3A_1149 = tpu.vector_load %arg8[%get3A_1147, %get3A_1148] {strides = array<i32>} : memref<2x128xi32, #tpu.memory_space<vmem>>, vector<16xi32>,
      %shift_right_logical3A_1150 = arith.constant 7 : i32
      %shift_right_logical3A_1151 = vector.broadcast %shift_right_logical3A_1150 : i32 to vector<16xi32>
      %shift_right_logical3A_1152 = arith.shrui %get3A_1149, %shift_right_logical3A_1151 : vector<16xi32>
      %and3A_1153 = arith.constant 127 : i32
      %and3A_1154 = vector.broadcast %and3A_1153 : i32 to vector<16xi32>
      %and3A_1155 = arith.andi %get3A_1149, %and3A_1154 : vector<16xi32>
      tpu.vector_store_idx %arg11[%shift_right_logical3A_1152, %and3A_1155], %broadcast_in_dim3A_1068 {add = true} : memref<80x128xf32, #tpu.memory_space<vmem>>[vector<16xi32>, vector<16xi32>], vector<16xf32>,
      %get3A_1156 = arith.constant 0 : i32
      %get3A_1157 = arith.index_cast %get3A_1156 : i32 to index
      %get3A_1158 = arith.constant 64 : index
      %get3A_1159 = tpu.vector_load %arg8[%get3A_1157, %get3A_1158] {strides = array<i32>} : memref<2x128xi32, #tpu.memory_space<vmem>>, vector<16xi32>,
      %shift_right_logical3A_1160 = arith.constant 7 : i32
      %shift_right_logical3A_1161 = vector.broadcast %shift_right_logical3A_1160 : i32 to vector<16xi32>
      %shift_right_logical3A_1162 = arith.shrui %get3A_1159, %shift_right_logical3A_1161 : vector<16xi32>
      %and3A_1163 = arith.constant 127 : i32
      %and3A_1164 = vector.broadcast %and3A_1163 : i32 to vector<16xi32>
      %and3A_1165 = arith.andi %get3A_1159, %and3A_1164 : vector<16xi32>
      tpu.vector_store_idx %arg11[%shift_right_logical3A_1162, %and3A_1165], %broadcast_in_dim3A_1068 {add = true} : memref<80x128xf32, #tpu.memory_space<vmem>>[vector<16xi32>, vector<16xi32>], vector<16xf32>,
      %get3A_1166 = arith.constant 0 : i32
      %get3A_1167 = arith.index_cast %get3A_1166 : i32 to index
      %get3A_1168 = arith.constant 80 : index
      %get3A_1169 = tpu.vector_load %arg8[%get3A_1167, %get3A_1168] {strides = array<i32>} : memref<2x128xi32, #tpu.memory_space<vmem>>, vector<16xi32>,
      %shift_right_logical3A_1170 = arith.constant 7 : i32
      %shift_right_logical3A_1171 = vector.broadcast %shift_right_logical3A_1170 : i32 to vector<16xi32>
      %shift_right_logical3A_1172 = arith.shrui %get3A_1169, %shift_right_logical3A_1171 : vector<16xi32>
      %and3A_1173 = arith.constant 127 : i32
      %and3A_1174 = vector.broadcast %and3A_1173 : i32 to vector<16xi32>
      %and3A_1175 = arith.andi %get3A_1169, %and3A_1174 : vector<16xi32>
      tpu.vector_store_idx %arg11[%shift_right_logical3A_1172, %and3A_1175], %broadcast_in_dim3A_1068 {add = true} : memref<80x128xf32, #tpu.memory_space<vmem>>[vector<16xi32>, vector<16xi32>], vector<16xf32>,
      %get3A_1176 = arith.constant 0 : i32
      %get3A_1177 = arith.index_cast %get3A_1176 : i32 to index
      %get3A_1178 = arith.constant 96 : index
      %get3A_1179 = tpu.vector_load %arg8[%get3A_1177, %get3A_1178] {strides = array<i32>} : memref<2x128xi32, #tpu.memory_space<vmem>>, vector<16xi32>,
      %shift_right_logical3A_1180 = arith.constant 7 : i32
      %shift_right_logical3A_1181 = vector.broadcast %shift_right_logical3A_1180 : i32 to vector<16xi32>
      %shift_right_logical3A_1182 = arith.shrui %get3A_1179, %shift_right_logical3A_1181 : vector<16xi32>
      %and3A_1183 = arith.constant 127 : i32
      %and3A_1184 = vector.broadcast %and3A_1183 : i32 to vector<16xi32>
      %and3A_1185 = arith.andi %get3A_1179, %and3A_1184 : vector<16xi32>
      tpu.vector_store_idx %arg11[%shift_right_logical3A_1182, %and3A_1185], %broadcast_in_dim3A_1068 {add = true} : memref<80x128xf32, #tpu.memory_space<vmem>>[vector<16xi32>, vector<16xi32>], vector<16xf32>,
      %get3A_1186 = arith.constant 0 : i32
      %get3A_1187 = arith.index_cast %get3A_1186 : i32 to index
      %get3A_1188 = arith.constant 112 : index
      %get3A_1189 = tpu.vector_load %arg8[%get3A_1187, %get3A_1188] {strides = array<i32>} : memref<2x128xi32, #tpu.memory_space<vmem>>, vector<16xi32>,
      %shift_right_logical3A_1190 = arith.constant 7 : i32
      %shift_right_logical3A_1191 = vector.broadcast %shift_right_logical3A_1190 : i32 to vector<16xi32>
      %shift_right_logical3A_1192 = arith.shrui %get3A_1189, %shift_right_logical3A_1191 : vector<16xi32>
      %and3A_1193 = arith.constant 127 : i32
      %and3A_1194 = vector.broadcast %and3A_1193 : i32 to vector<16xi32>
      %and3A_1195 = arith.andi %get3A_1189, %and3A_1194 : vector<16xi32>
      tpu.vector_store_idx %arg11[%shift_right_logical3A_1192, %and3A_1195], %broadcast_in_dim3A_1068 {add = true} : memref<80x128xf32, #tpu.memory_space<vmem>>[vector<16xi32>, vector<16xi32>], vector<16xf32>,
      %dma_wait3A = arith.constant 0 : i32
      %dma_wait3A_1196 = arith.constant 0 : i32
      %dma_wait3A_1197 = arith.constant 0 : i32
      %dma_wait3A_1198 = arith.constant 0 : i32
      %dma_wait3A_1199 = tpu.memref_slice %arg9[%dma_wait3A_1196, %dma_wait3A_1197, %dma_wait3A_1198] : memref<2x128x128xf32, #tpu.memory_space<vmem>> -> memref<1x128x128xf32, #tpu.memory_space<vmem>>
      %dma_wait3A_1200 = tpu.memref_squeeze %dma_wait3A_1199 : memref<1x128x128xf32, #tpu.memory_space<vmem>> -> memref<128x128xf32, #tpu.memory_space<vmem>>
      %dma_wait3A_1201 = arith.constant 0 : i32
      %dma_wait3A_1202 = tpu.memref_slice %arg7[%dma_wait3A, %dma_wait3A_1201] : memref<2x128xi32, #tpu.memory_space<vmem>> -> memref<1x128xi32, #tpu.memory_space<vmem>>
      %dma_wait3A_1203 = tpu.memref_squeeze %dma_wait3A_1202 : memref<1x128xi32, #tpu.memory_space<vmem>> -> memref<128xi32, #tpu.memory_space<vmem>>
      %dma_wait3A_1204 = arith.constant 0 : i32
      %dma_wait3A_1205 = arith.constant 0 : i32
      %dma_wait3A_1206 = tpu.memref_slice %arg2[%dma_wait3A_1204, %dma_wait3A_1205] : memref<10240x128xf32, #tpu.memory_space<hbm>> -> memref<10240x128xf32, #tpu.memory_space<hbm>>
      tpu.wait_indirect_dma semaphore(%arg12 : memref<!tpu.dma_semaphore, #tpu.memory_space<semaphore_mem>>) src(%dma_wait3A_1206 : memref<10240x128xf32, #tpu.memory_space<hbm>>) dst(%dma_wait3A_1200 : memref<128x128xf32, #tpu.memory_space<vmem>>)
      %add3A_1207 = arith.constant 2 : i32
      %add3A_1208 = arith.addi %add3A_1118, %add3A_1207 : i32
      %lt3A = arith.constant 80 : i32
      %lt3A_1209 = arith.cmpi slt, %add3A_1208, %lt3A : i32
      %convert_element_type3A = arith.extui %lt3A_1209 : i1 to i32
      %cond3A = arith.constant 0 : i32
      %cond3A_1210 = arith.cmpi ne, %convert_element_type3A, %cond3A : i32
      scf.if %cond3A_1210 {
        %add3A_1315 = arith.constant 2 : i32
        %add3A_1316 = arith.addi %add3A_1118, %add3A_1315 : i32
        %run_scoped3A_1317 = arith.constant 0 : i32
        "tpu.region"() ({
          %run_scoped3A_1331 = tpu.sem_alloc : memref<!tpu.dma_semaphore, #tpu.memory_space<semaphore_mem>>
          %dma_start3A_1332 = arith.constant 0 : i32
          %dma_start3A_1333 = tpu.memref_slice %arg7[%run_scoped3A_1317, %dma_start3A_1332] : memref<2x128xi32, #tpu.memory_space<vmem>> -> memref<1x128xi32, #tpu.memory_space<vmem>>
          %dma_start3A_1334 = tpu.memref_squeeze %dma_start3A_1333 : memref<1x128xi32, #tpu.memory_space<vmem>> -> memref<128xi32, #tpu.memory_space<vmem>>
          %dma_start3A_1335 = arith.constant 0 : i32
          %dma_start3A_1336 = tpu.memref_slice %arg3[%add3A, %add3A_1316, %dma_start3A_1335] : memref<32x80x128xi32, #tpu.memory_space<hbm>> -> memref<1x1x128xi32, #tpu.memory_space<hbm>>
          %dma_start3A_1337 = tpu.memref_squeeze %dma_start3A_1336 : memref<1x1x128xi32, #tpu.memory_space<hbm>> -> memref<128xi32, #tpu.memory_space<hbm>>
          %dma_start3A_1338 = arith.constant 0 : i32
          %dma_start3A_1339 = tpu.memref_slice %arg7[%run_scoped3A_1317, %dma_start3A_1338] : memref<2x128xi32, #tpu.memory_space<vmem>> -> memref<1x128xi32, #tpu.memory_space<vmem>>
          %dma_start3A_1340 = tpu.memref_squeeze %dma_start3A_1339 : memref<1x128xi32, #tpu.memory_space<vmem>> -> memref<128xi32, #tpu.memory_space<vmem>>
          %dma_start3A_1341 = arith.constant 0 : i32
          %dma_start3A_1342 = tpu.memref_slice %arg3[%add3A, %add3A_1316, %dma_start3A_1341] : memref<32x80x128xi32, #tpu.memory_space<hbm>> -> memref<1x1x128xi32, #tpu.memory_space<hbm>>
          %dma_start3A_1343 = tpu.memref_squeeze %dma_start3A_1342 : memref<1x1x128xi32, #tpu.memory_space<hbm>> -> memref<128xi32, #tpu.memory_space<hbm>>
          tpu.enqueue_dma source(%dma_start3A_1343 : memref<128xi32, #tpu.memory_space<hbm>>) target(%dma_start3A_1340 : memref<128xi32, #tpu.memory_space<vmem>>) target_semaphore(%run_scoped3A_1331 : memref<!tpu.dma_semaphore, #tpu.memory_space<semaphore_mem>>)
          %dma_wait3A_1344 = arith.constant 0 : i32
          %dma_wait3A_1345 = tpu.memref_slice %arg7[%run_scoped3A_1317, %dma_wait3A_1344] : memref<2x128xi32, #tpu.memory_space<vmem>> -> memref<1x128xi32, #tpu.memory_space<vmem>>
          %dma_wait3A_1346 = tpu.memref_squeeze %dma_wait3A_1345 : memref<1x128xi32, #tpu.memory_space<vmem>> -> memref<128xi32, #tpu.memory_space<vmem>>
          %dma_wait3A_1347 = arith.constant 0 : i32
          %dma_wait3A_1348 = tpu.memref_slice %arg3[%add3A, %add3A_1316, %dma_wait3A_1347] : memref<32x80x128xi32, #tpu.memory_space<hbm>> -> memref<1x1x128xi32, #tpu.memory_space<hbm>>
          %dma_wait3A_1349 = tpu.memref_squeeze %dma_wait3A_1348 : memref<1x1x128xi32, #tpu.memory_space<hbm>> -> memref<128xi32, #tpu.memory_space<hbm>>
          %dma_wait3A_1350 = arith.constant 0 : i32
          %dma_wait3A_1351 = tpu.memref_slice %arg7[%run_scoped3A_1317, %dma_wait3A_1350] : memref<2x128xi32, #tpu.memory_space<vmem>> -> memref<1x128xi32, #tpu.memory_space<vmem>>
          %dma_wait3A_1352 = tpu.memref_squeeze %dma_wait3A_1351 : memref<1x128xi32, #tpu.memory_space<vmem>> -> memref<128xi32, #tpu.memory_space<vmem>>
          %dma_wait3A_1353 = arith.constant 0 : i32
          %dma_wait3A_1354 = tpu.memref_slice %arg3[%add3A, %add3A_1316, %dma_wait3A_1353] : memref<32x80x128xi32, #tpu.memory_space<hbm>> -> memref<1x1x128xi32, #tpu.memory_space<hbm>>
          %dma_wait3A_1355 = tpu.memref_squeeze %dma_wait3A_1354 : memref<1x1x128xi32, #tpu.memory_space<hbm>> -> memref<128xi32, #tpu.memory_space<hbm>>
          tpu.wait_dma2 semaphore(%run_scoped3A_1331 : memref<!tpu.dma_semaphore, #tpu.memory_space<semaphore_mem>>) src(%dma_wait3A_1355 : memref<128xi32, #tpu.memory_space<hbm>>) dst(%dma_wait3A_1352 : memref<128xi32, #tpu.memory_space<vmem>>)
          tpu.yield
        }) : () -> ()
        %run_scoped3A_1318 = arith.constant 0 : i32
        "tpu.region"() ({
          %run_scoped3A_1331 = tpu.sem_alloc : memref<!tpu.dma_semaphore, #tpu.memory_space<semaphore_mem>>
          %dma_start3A_1332 = arith.constant 0 : i32
          %dma_start3A_1333 = tpu.memref_slice %arg8[%run_scoped3A_1318, %dma_start3A_1332] : memref<2x128xi32, #tpu.memory_space<vmem>> -> memref<1x128xi32, #tpu.memory_space<vmem>>
          %dma_start3A_1334 = tpu.memref_squeeze %dma_start3A_1333 : memref<1x128xi32, #tpu.memory_space<vmem>> -> memref<128xi32, #tpu.memory_space<vmem>>
          %dma_start3A_1335 = arith.constant 0 : i32
          %dma_start3A_1336 = tpu.memref_slice %arg4[%add3A, %add3A_1316, %dma_start3A_1335] : memref<32x80x128xi32, #tpu.memory_space<hbm>> -> memref<1x1x128xi32, #tpu.memory_space<hbm>>
          %dma_start3A_1337 = tpu.memref_squeeze %dma_start3A_1336 : memref<1x1x128xi32, #tpu.memory_space<hbm>> -> memref<128xi32, #tpu.memory_space<hbm>>
          %dma_start3A_1338 = arith.constant 0 : i32
          %dma_start3A_1339 = tpu.memref_slice %arg8[%run_scoped3A_1318, %dma_start3A_1338] : memref<2x128xi32, #tpu.memory_space<vmem>> -> memref<1x128xi32, #tpu.memory_space<vmem>>
          %dma_start3A_1340 = tpu.memref_squeeze %dma_start3A_1339 : memref<1x128xi32, #tpu.memory_space<vmem>> -> memref<128xi32, #tpu.memory_space<vmem>>
          %dma_start3A_1341 = arith.constant 0 : i32
          %dma_start3A_1342 = tpu.memref_slice %arg4[%add3A, %add3A_1316, %dma_start3A_1341] : memref<32x80x128xi32, #tpu.memory_space<hbm>> -> memref<1x1x128xi32, #tpu.memory_space<hbm>>
          %dma_start3A_1343 = tpu.memref_squeeze %dma_start3A_1342 : memref<1x1x128xi32, #tpu.memory_space<hbm>> -> memref<128xi32, #tpu.memory_space<hbm>>
          tpu.enqueue_dma source(%dma_start3A_1343 : memref<128xi32, #tpu.memory_space<hbm>>) target(%dma_start3A_1340 : memref<128xi32, #tpu.memory_space<vmem>>) target_semaphore(%run_scoped3A_1331 : memref<!tpu.dma_semaphore, #tpu.memory_space<semaphore_mem>>)
          %dma_wait3A_1344 = arith.constant 0 : i32
          %dma_wait3A_1345 = tpu.memref_slice %arg8[%run_scoped3A_1318, %dma_wait3A_1344] : memref<2x128xi32, #tpu.memory_space<vmem>> -> memref<1x128xi32, #tpu.memory_space<vmem>>
          %dma_wait3A_1346 = tpu.memref_squeeze %dma_wait3A_1345 : memref<1x128xi32, #tpu.memory_space<vmem>> -> memref<128xi32, #tpu.memory_space<vmem>>
          %dma_wait3A_1347 = arith.constant 0 : i32
          %dma_wait3A_1348 = tpu.memref_slice %arg4[%add3A, %add3A_1316, %dma_wait3A_1347] : memref<32x80x128xi32, #tpu.memory_space<hbm>> -> memref<1x1x128xi32, #tpu.memory_space<hbm>>
          %dma_wait3A_1349 = tpu.memref_squeeze %dma_wait3A_1348 : memref<1x1x128xi32, #tpu.memory_space<hbm>> -> memref<128xi32, #tpu.memory_space<hbm>>
          %dma_wait3A_1350 = arith.constant 0 : i32
          %dma_wait3A_1351 = tpu.memref_slice %arg8[%run_scoped3A_1318, %dma_wait3A_1350] : memref<2x128xi32, #tpu.memory_space<vmem>> -> memref<1x128xi32, #tpu.memory_space<vmem>>
          %dma_wait3A_1352 = tpu.memref_squeeze %dma_wait3A_1351 : memref<1x128xi32, #tpu.memory_space<vmem>> -> memref<128xi32, #tpu.memory_space<vmem>>
          %dma_wait3A_1353 = arith.constant 0 : i32
          %dma_wait3A_1354 = tpu.memref_slice %arg4[%add3A, %add3A_1316, %dma_wait3A_1353] : memref<32x80x128xi32, #tpu.memory_space<hbm>> -> memref<1x1x128xi32, #tpu.memory_space<hbm>>
          %dma_wait3A_1355 = tpu.memref_squeeze %dma_wait3A_1354 : memref<1x1x128xi32, #tpu.memory_space<hbm>> -> memref<128xi32, #tpu.memory_space<hbm>>
          tpu.wait_dma2 semaphore(%run_scoped3A_1331 : memref<!tpu.dma_semaphore, #tpu.memory_space<semaphore_mem>>) src(%dma_wait3A_1355 : memref<128xi32, #tpu.memory_space<hbm>>) dst(%dma_wait3A_1352 : memref<128xi32, #tpu.memory_space<vmem>>)
          tpu.yield
        }) : () -> ()
        %dma_start3A_1319 = arith.constant 0 : i32
        %dma_start3A_1320 = arith.constant 0 : i32
        %dma_start3A_1321 = arith.constant 0 : i32
        %dma_start3A_1322 = arith.constant 0 : i32
        %dma_start3A_1323 = tpu.memref_slice %arg9[%dma_start3A_1320, %dma_start3A_1321, %dma_start3A_1322] : memref<2x128x128xf32, #tpu.memory_space<vmem>> -> memref<1x128x128xf32, #tpu.memory_space<vmem>>
        %dma_start3A_1324 = tpu.memref_squeeze %dma_start3A_1323 : memref<1x128x128xf32, #tpu.memory_space<vmem>> -> memref<128x128xf32, #tpu.memory_space<vmem>>
        %dma_start3A_1325 = arith.constant 0 : i32
        %dma_start3A_1326 = tpu.memref_slice %arg7[%dma_start3A_1319, %dma_start3A_1325] : memref<2x128xi32, #tpu.memory_space<vmem>> -> memref<1x128xi32, #tpu.memory_space<vmem>>
        %dma_start3A_1327 = tpu.memref_squeeze %dma_start3A_1326 : memref<1x128xi32, #tpu.memory_space<vmem>> -> memref<128xi32, #tpu.memory_space<vmem>>
        %dma_start3A_1328 = arith.constant 0 : i32
        %dma_start3A_1329 = arith.constant 0 : i32
        %dma_start3A_1330 = tpu.memref_slice %arg2[%dma_start3A_1328, %dma_start3A_1329] : memref<10240x128xf32, #tpu.memory_space<hbm>> -> memref<10240x128xf32, #tpu.memory_space<hbm>>
        tpu.enqueue_indirect_dma source(%dma_start3A_1330 : memref<10240x128xf32, #tpu.memory_space<hbm>>) target(%dma_start3A_1324 : memref<128x128xf32, #tpu.memory_space<vmem>>) offsets(%dma_start3A_1327 : memref<128xi32, #tpu.memory_space<vmem>>) semaphore(%arg12 : memref<!tpu.dma_semaphore, #tpu.memory_space<semaphore_mem>>)
      } else {
      }
      %mul3A_1211 = arith.constant 2 : i32
      %mul3A_1212 = arith.muli %scan3A_1113, %mul3A_1211 : i32
      %add3A_1213 = arith.constant 1 : i32
      %add3A_1214 = arith.addi %mul3A_1212, %add3A_1213 : i32
      %get3A_1215 = arith.constant 1 : i32
      %get3A_1216 = arith.index_cast %get3A_1215 : i32 to index
      %get3A_1217 = arith.constant 0 : index
      %get3A_1218 = tpu.vector_load %arg8[%get3A_1216, %get3A_1217] {strides = array<i32>} : memref<2x128xi32, #tpu.memory_space<vmem>>, vector<16xi32>,
      %shift_right_logical3A_1219 = arith.constant 7 : i32
      %shift_right_logical3A_1220 = vector.broadcast %shift_right_logical3A_1219 : i32 to vector<16xi32>
      %shift_right_logical3A_1221 = arith.shrui %get3A_1218, %shift_right_logical3A_1220 : vector<16xi32>
      %and3A_1222 = arith.constant 127 : i32
      %and3A_1223 = vector.broadcast %and3A_1222 : i32 to vector<16xi32>
      %and3A_1224 = arith.andi %get3A_1218, %and3A_1223 : vector<16xi32>
      tpu.vector_store_idx %arg11[%shift_right_logical3A_1221, %and3A_1224], %broadcast_in_dim3A_1068 {add = true} : memref<80x128xf32, #tpu.memory_space<vmem>>[vector<16xi32>, vector<16xi32>], vector<16xf32>,
      %get3A_1225 = arith.constant 1 : i32
      %get3A_1226 = arith.index_cast %get3A_1225 : i32 to index
      %get3A_1227 = arith.constant 16 : index
      %get3A_1228 = tpu.vector_load %arg8[%get3A_1226, %get3A_1227] {strides = array<i32>} : memref<2x128xi32, #tpu.memory_space<vmem>>, vector<16xi32>,
      %shift_right_logical3A_1229 = arith.constant 7 : i32
      %shift_right_logical3A_1230 = vector.broadcast %shift_right_logical3A_1229 : i32 to vector<16xi32>
      %shift_right_logical3A_1231 = arith.shrui %get3A_1228, %shift_right_logical3A_1230 : vector<16xi32>
      %and3A_1232 = arith.constant 127 : i32
      %and3A_1233 = vector.broadcast %and3A_1232 : i32 to vector<16xi32>
      %and3A_1234 = arith.andi %get3A_1228, %and3A_1233 : vector<16xi32>
      tpu.vector_store_idx %arg11[%shift_right_logical3A_1231, %and3A_1234], %broadcast_in_dim3A_1068 {add = true} : memref<80x128xf32, #tpu.memory_space<vmem>>[vector<16xi32>, vector<16xi32>], vector<16xf32>,
      %get3A_1235 = arith.constant 1 : i32
      %get3A_1236 = arith.index_cast %get3A_1235 : i32 to index
      %get3A_1237 = arith.constant 32 : index
      %get3A_1238 = tpu.vector_load %arg8[%get3A_1236, %get3A_1237] {strides = array<i32>} : memref<2x128xi32, #tpu.memory_space<vmem>>, vector<16xi32>,
      %shift_right_logical3A_1239 = arith.constant 7 : i32
      %shift_right_logical3A_1240 = vector.broadcast %shift_right_logical3A_1239 : i32 to vector<16xi32>
      %shift_right_logical3A_1241 = arith.shrui %get3A_1238, %shift_right_logical3A_1240 : vector<16xi32>
      %and3A_1242 = arith.constant 127 : i32
      %and3A_1243 = vector.broadcast %and3A_1242 : i32 to vector<16xi32>
      %and3A_1244 = arith.andi %get3A_1238, %and3A_1243 : vector<16xi32>
      tpu.vector_store_idx %arg11[%shift_right_logical3A_1241, %and3A_1244], %broadcast_in_dim3A_1068 {add = true} : memref<80x128xf32, #tpu.memory_space<vmem>>[vector<16xi32>, vector<16xi32>], vector<16xf32>,
      %get3A_1245 = arith.constant 1 : i32
      %get3A_1246 = arith.index_cast %get3A_1245 : i32 to index
      %get3A_1247 = arith.constant 48 : index
      %get3A_1248 = tpu.vector_load %arg8[%get3A_1246, %get3A_1247] {strides = array<i32>} : memref<2x128xi32, #tpu.memory_space<vmem>>, vector<16xi32>,
      %shift_right_logical3A_1249 = arith.constant 7 : i32
      %shift_right_logical3A_1250 = vector.broadcast %shift_right_logical3A_1249 : i32 to vector<16xi32>
      %shift_right_logical3A_1251 = arith.shrui %get3A_1248, %shift_right_logical3A_1250 : vector<16xi32>
      %and3A_1252 = arith.constant 127 : i32
      %and3A_1253 = vector.broadcast %and3A_1252 : i32 to vector<16xi32>
      %and3A_1254 = arith.andi %get3A_1248, %and3A_1253 : vector<16xi32>
      tpu.vector_store_idx %arg11[%shift_right_logical3A_1251, %and3A_1254], %broadcast_in_dim3A_1068 {add = true} : memref<80x128xf32, #tpu.memory_space<vmem>>[vector<16xi32>, vector<16xi32>], vector<16xf32>,
      %get3A_1255 = arith.constant 1 : i32
      %get3A_1256 = arith.index_cast %get3A_1255 : i32 to index
      %get3A_1257 = arith.constant 64 : index
      %get3A_1258 = tpu.vector_load %arg8[%get3A_1256, %get3A_1257] {strides = array<i32>} : memref<2x128xi32, #tpu.memory_space<vmem>>, vector<16xi32>,
      %shift_right_logical3A_1259 = arith.constant 7 : i32
      %shift_right_logical3A_1260 = vector.broadcast %shift_right_logical3A_1259 : i32 to vector<16xi32>
      %shift_right_logical3A_1261 = arith.shrui %get3A_1258, %shift_right_logical3A_1260 : vector<16xi32>
      %and3A_1262 = arith.constant 127 : i32
      %and3A_1263 = vector.broadcast %and3A_1262 : i32 to vector<16xi32>
      %and3A_1264 = arith.andi %get3A_1258, %and3A_1263 : vector<16xi32>
      tpu.vector_store_idx %arg11[%shift_right_logical3A_1261, %and3A_1264], %broadcast_in_dim3A_1068 {add = true} : memref<80x128xf32, #tpu.memory_space<vmem>>[vector<16xi32>, vector<16xi32>], vector<16xf32>,
      %get3A_1265 = arith.constant 1 : i32
      %get3A_1266 = arith.index_cast %get3A_1265 : i32 to index
      %get3A_1267 = arith.constant 80 : index
      %get3A_1268 = tpu.vector_load %arg8[%get3A_1266, %get3A_1267] {strides = array<i32>} : memref<2x128xi32, #tpu.memory_space<vmem>>, vector<16xi32>,
      %shift_right_logical3A_1269 = arith.constant 7 : i32
      %shift_right_logical3A_1270 = vector.broadcast %shift_right_logical3A_1269 : i32 to vector<16xi32>
      %shift_right_logical3A_1271 = arith.shrui %get3A_1268, %shift_right_logical3A_1270 : vector<16xi32>
      %and3A_1272 = arith.constant 127 : i32
      %and3A_1273 = vector.broadcast %and3A_1272 : i32 to vector<16xi32>
      %and3A_1274 = arith.andi %get3A_1268, %and3A_1273 : vector<16xi32>
      tpu.vector_store_idx %arg11[%shift_right_logical3A_1271, %and3A_1274], %broadcast_in_dim3A_1068 {add = true} : memref<80x128xf32, #tpu.memory_space<vmem>>[vector<16xi32>, vector<16xi32>], vector<16xf32>,
      %get3A_1275 = arith.constant 1 : i32
      %get3A_1276 = arith.index_cast %get3A_1275 : i32 to index
      %get3A_1277 = arith.constant 96 : index
      %get3A_1278 = tpu.vector_load %arg8[%get3A_1276, %get3A_1277] {strides = array<i32>} : memref<2x128xi32, #tpu.memory_space<vmem>>, vector<16xi32>,
      %shift_right_logical3A_1279 = arith.constant 7 : i32
      %shift_right_logical3A_1280 = vector.broadcast %shift_right_logical3A_1279 : i32 to vector<16xi32>
      %shift_right_logical3A_1281 = arith.shrui %get3A_1278, %shift_right_logical3A_1280 : vector<16xi32>
      %and3A_1282 = arith.constant 127 : i32
      %and3A_1283 = vector.broadcast %and3A_1282 : i32 to vector<16xi32>
      %and3A_1284 = arith.andi %get3A_1278, %and3A_1283 : vector<16xi32>
      tpu.vector_store_idx %arg11[%shift_right_logical3A_1281, %and3A_1284], %broadcast_in_dim3A_1068 {add = true} : memref<80x128xf32, #tpu.memory_space<vmem>>[vector<16xi32>, vector<16xi32>], vector<16xf32>,
      %get3A_1285 = arith.constant 1 : i32
      %get3A_1286 = arith.index_cast %get3A_1285 : i32 to index
      %get3A_1287 = arith.constant 112 : index
      %get3A_1288 = tpu.vector_load %arg8[%get3A_1286, %get3A_1287] {strides = array<i32>} : memref<2x128xi32, #tpu.memory_space<vmem>>, vector<16xi32>,
      %shift_right_logical3A_1289 = arith.constant 7 : i32
      %shift_right_logical3A_1290 = vector.broadcast %shift_right_logical3A_1289 : i32 to vector<16xi32>
      %shift_right_logical3A_1291 = arith.shrui %get3A_1288, %shift_right_logical3A_1290 : vector<16xi32>
      %and3A_1292 = arith.constant 127 : i32
      %and3A_1293 = vector.broadcast %and3A_1292 : i32 to vector<16xi32>
      %and3A_1294 = arith.andi %get3A_1288, %and3A_1293 : vector<16xi32>
      tpu.vector_store_idx %arg11[%shift_right_logical3A_1291, %and3A_1294], %broadcast_in_dim3A_1068 {add = true} : memref<80x128xf32, #tpu.memory_space<vmem>>[vector<16xi32>, vector<16xi32>], vector<16xf32>,
      %dma_wait3A_1295 = arith.constant 1 : i32
      %dma_wait3A_1296 = arith.constant 1 : i32
      %dma_wait3A_1297 = arith.constant 0 : i32
      %dma_wait3A_1298 = arith.constant 0 : i32
      %dma_wait3A_1299 = tpu.memref_slice %arg9[%dma_wait3A_1296, %dma_wait3A_1297, %dma_wait3A_1298] : memref<2x128x128xf32, #tpu.memory_space<vmem>> -> memref<1x128x128xf32, #tpu.memory_space<vmem>>
      %dma_wait3A_1300 = tpu.memref_squeeze %dma_wait3A_1299 : memref<1x128x128xf32, #tpu.memory_space<vmem>> -> memref<128x128xf32, #tpu.memory_space<vmem>>
      %dma_wait3A_1301 = arith.constant 0 : i32
      %dma_wait3A_1302 = tpu.memref_slice %arg7[%dma_wait3A_1295, %dma_wait3A_1301] : memref<2x128xi32, #tpu.memory_space<vmem>> -> memref<1x128xi32, #tpu.memory_space<vmem>>
      %dma_wait3A_1303 = tpu.memref_squeeze %dma_wait3A_1302 : memref<1x128xi32, #tpu.memory_space<vmem>> -> memref<128xi32, #tpu.memory_space<vmem>>
      %dma_wait3A_1304 = arith.constant 0 : i32
      %dma_wait3A_1305 = arith.constant 0 : i32
      %dma_wait3A_1306 = tpu.memref_slice %arg2[%dma_wait3A_1304, %dma_wait3A_1305] : memref<10240x128xf32, #tpu.memory_space<hbm>> -> memref<10240x128xf32, #tpu.memory_space<hbm>>
      tpu.wait_indirect_dma semaphore(%arg13 : memref<!tpu.dma_semaphore, #tpu.memory_space<semaphore_mem>>) src(%dma_wait3A_1306 : memref<10240x128xf32, #tpu.memory_space<hbm>>) dst(%dma_wait3A_1300 : memref<128x128xf32, #tpu.memory_space<vmem>>)
      %add3A_1307 = arith.constant 2 : i32
      %add3A_1308 = arith.addi %add3A_1214, %add3A_1307 : i32
      %lt3A_1309 = arith.constant 80 : i32
      %lt3A_1310 = arith.cmpi slt, %add3A_1308, %lt3A_1309 : i32
      %convert_element_type3A_1311 = arith.extui %lt3A_1310 : i1 to i32
      %cond3A_1312 = arith.constant 0 : i32
      %cond3A_1313 = arith.cmpi ne, %convert_element_type3A_1311, %cond3A_1312 : i32
      scf.if %cond3A_1313 {
        %add3A_1315 = arith.constant 2 : i32
        %add3A_1316 = arith.addi %add3A_1214, %add3A_1315 : i32
        %run_scoped3A_1317 = arith.constant 1 : i32
        "tpu.region"() ({
          %run_scoped3A_1331 = tpu.sem_alloc : memref<!tpu.dma_semaphore, #tpu.memory_space<semaphore_mem>>
          %dma_start3A_1332 = arith.constant 0 : i32
          %dma_start3A_1333 = tpu.memref_slice %arg7[%run_scoped3A_1317, %dma_start3A_1332] : memref<2x128xi32, #tpu.memory_space<vmem>> -> memref<1x128xi32, #tpu.memory_space<vmem>>
          %dma_start3A_1334 = tpu.memref_squeeze %dma_start3A_1333 : memref<1x128xi32, #tpu.memory_space<vmem>> -> memref<128xi32, #tpu.memory_space<vmem>>
          %dma_start3A_1335 = arith.constant 0 : i32
          %dma_start3A_1336 = tpu.memref_slice %arg3[%add3A, %add3A_1316, %dma_start3A_1335] : memref<32x80x128xi32, #tpu.memory_space<hbm>> -> memref<1x1x128xi32, #tpu.memory_space<hbm>>
          %dma_start3A_1337 = tpu.memref_squeeze %dma_start3A_1336 : memref<1x1x128xi32, #tpu.memory_space<hbm>> -> memref<128xi32, #tpu.memory_space<hbm>>
          %dma_start3A_1338 = arith.constant 0 : i32
          %dma_start3A_1339 = tpu.memref_slice %arg7[%run_scoped3A_1317, %dma_start3A_1338] : memref<2x128xi32, #tpu.memory_space<vmem>> -> memref<1x128xi32, #tpu.memory_space<vmem>>
          %dma_start3A_1340 = tpu.memref_squeeze %dma_start3A_1339 : memref<1x128xi32, #tpu.memory_space<vmem>> -> memref<128xi32, #tpu.memory_space<vmem>>
          %dma_start3A_1341 = arith.constant 0 : i32
          %dma_start3A_1342 = tpu.memref_slice %arg3[%add3A, %add3A_1316, %dma_start3A_1341] : memref<32x80x128xi32, #tpu.memory_space<hbm>> -> memref<1x1x128xi32, #tpu.memory_space<hbm>>
          %dma_start3A_1343 = tpu.memref_squeeze %dma_start3A_1342 : memref<1x1x128xi32, #tpu.memory_space<hbm>> -> memref<128xi32, #tpu.memory_space<hbm>>
          tpu.enqueue_dma source(%dma_start3A_1343 : memref<128xi32, #tpu.memory_space<hbm>>) target(%dma_start3A_1340 : memref<128xi32, #tpu.memory_space<vmem>>) target_semaphore(%run_scoped3A_1331 : memref<!tpu.dma_semaphore, #tpu.memory_space<semaphore_mem>>)
          %dma_wait3A_1344 = arith.constant 0 : i32
          %dma_wait3A_1345 = tpu.memref_slice %arg7[%run_scoped3A_1317, %dma_wait3A_1344] : memref<2x128xi32, #tpu.memory_space<vmem>> -> memref<1x128xi32, #tpu.memory_space<vmem>>
          %dma_wait3A_1346 = tpu.memref_squeeze %dma_wait3A_1345 : memref<1x128xi32, #tpu.memory_space<vmem>> -> memref<128xi32, #tpu.memory_space<vmem>>
          %dma_wait3A_1347 = arith.constant 0 : i32
          %dma_wait3A_1348 = tpu.memref_slice %arg3[%add3A, %add3A_1316, %dma_wait3A_1347] : memref<32x80x128xi32, #tpu.memory_space<hbm>> -> memref<1x1x128xi32, #tpu.memory_space<hbm>>
          %dma_wait3A_1349 = tpu.memref_squeeze %dma_wait3A_1348 : memref<1x1x128xi32, #tpu.memory_space<hbm>> -> memref<128xi32, #tpu.memory_space<hbm>>
          %dma_wait3A_1350 = arith.constant 0 : i32
          %dma_wait3A_1351 = tpu.memref_slice %arg7[%run_scoped3A_1317, %dma_wait3A_1350] : memref<2x128xi32, #tpu.memory_space<vmem>> -> memref<1x128xi32, #tpu.memory_space<vmem>>
          %dma_wait3A_1352 = tpu.memref_squeeze %dma_wait3A_1351 : memref<1x128xi32, #tpu.memory_space<vmem>> -> memref<128xi32, #tpu.memory_space<vmem>>
          %dma_wait3A_1353 = arith.constant 0 : i32
          %dma_wait3A_1354 = tpu.memref_slice %arg3[%add3A, %add3A_1316, %dma_wait3A_1353] : memref<32x80x128xi32, #tpu.memory_space<hbm>> -> memref<1x1x128xi32, #tpu.memory_space<hbm>>
          %dma_wait3A_1355 = tpu.memref_squeeze %dma_wait3A_1354 : memref<1x1x128xi32, #tpu.memory_space<hbm>> -> memref<128xi32, #tpu.memory_space<hbm>>
          tpu.wait_dma2 semaphore(%run_scoped3A_1331 : memref<!tpu.dma_semaphore, #tpu.memory_space<semaphore_mem>>) src(%dma_wait3A_1355 : memref<128xi32, #tpu.memory_space<hbm>>) dst(%dma_wait3A_1352 : memref<128xi32, #tpu.memory_space<vmem>>)
          tpu.yield
        }) : () -> ()
        %run_scoped3A_1318 = arith.constant 1 : i32
        "tpu.region"() ({
          %run_scoped3A_1331 = tpu.sem_alloc : memref<!tpu.dma_semaphore, #tpu.memory_space<semaphore_mem>>
          %dma_start3A_1332 = arith.constant 0 : i32
          %dma_start3A_1333 = tpu.memref_slice %arg8[%run_scoped3A_1318, %dma_start3A_1332] : memref<2x128xi32, #tpu.memory_space<vmem>> -> memref<1x128xi32, #tpu.memory_space<vmem>>
          %dma_start3A_1334 = tpu.memref_squeeze %dma_start3A_1333 : memref<1x128xi32, #tpu.memory_space<vmem>> -> memref<128xi32, #tpu.memory_space<vmem>>
          %dma_start3A_1335 = arith.constant 0 : i32
          %dma_start3A_1336 = tpu.memref_slice %arg4[%add3A, %add3A_1316, %dma_start3A_1335] : memref<32x80x128xi32, #tpu.memory_space<hbm>> -> memref<1x1x128xi32, #tpu.memory_space<hbm>>
          %dma_start3A_1337 = tpu.memref_squeeze %dma_start3A_1336 : memref<1x1x128xi32, #tpu.memory_space<hbm>> -> memref<128xi32, #tpu.memory_space<hbm>>
          %dma_start3A_1338 = arith.constant 0 : i32
          %dma_start3A_1339 = tpu.memref_slice %arg8[%run_scoped3A_1318, %dma_start3A_1338] : memref<2x128xi32, #tpu.memory_space<vmem>> -> memref<1x128xi32, #tpu.memory_space<vmem>>
          %dma_start3A_1340 = tpu.memref_squeeze %dma_start3A_1339 : memref<1x128xi32, #tpu.memory_space<vmem>> -> memref<128xi32, #tpu.memory_space<vmem>>
          %dma_start3A_1341 = arith.constant 0 : i32
          %dma_start3A_1342 = tpu.memref_slice %arg4[%add3A, %add3A_1316, %dma_start3A_1341] : memref<32x80x128xi32, #tpu.memory_space<hbm>> -> memref<1x1x128xi32, #tpu.memory_space<hbm>>
          %dma_start3A_1343 = tpu.memref_squeeze %dma_start3A_1342 : memref<1x1x128xi32, #tpu.memory_space<hbm>> -> memref<128xi32, #tpu.memory_space<hbm>>
          tpu.enqueue_dma source(%dma_start3A_1343 : memref<128xi32, #tpu.memory_space<hbm>>) target(%dma_start3A_1340 : memref<128xi32, #tpu.memory_space<vmem>>) target_semaphore(%run_scoped3A_1331 : memref<!tpu.dma_semaphore, #tpu.memory_space<semaphore_mem>>)
          %dma_wait3A_1344 = arith.constant 0 : i32
          %dma_wait3A_1345 = tpu.memref_slice %arg8[%run_scoped3A_1318, %dma_wait3A_1344] : memref<2x128xi32, #tpu.memory_space<vmem>> -> memref<1x128xi32, #tpu.memory_space<vmem>>
          %dma_wait3A_1346 = tpu.memref_squeeze %dma_wait3A_1345 : memref<1x128xi32, #tpu.memory_space<vmem>> -> memref<128xi32, #tpu.memory_space<vmem>>
          %dma_wait3A_1347 = arith.constant 0 : i32
          %dma_wait3A_1348 = tpu.memref_slice %arg4[%add3A, %add3A_1316, %dma_wait3A_1347] : memref<32x80x128xi32, #tpu.memory_space<hbm>> -> memref<1x1x128xi32, #tpu.memory_space<hbm>>
          %dma_wait3A_1349 = tpu.memref_squeeze %dma_wait3A_1348 : memref<1x1x128xi32, #tpu.memory_space<hbm>> -> memref<128xi32, #tpu.memory_space<hbm>>
          %dma_wait3A_1350 = arith.constant 0 : i32
          %dma_wait3A_1351 = tpu.memref_slice %arg8[%run_scoped3A_1318, %dma_wait3A_1350] : memref<2x128xi32, #tpu.memory_space<vmem>> -> memref<1x128xi32, #tpu.memory_space<vmem>>
          %dma_wait3A_1352 = tpu.memref_squeeze %dma_wait3A_1351 : memref<1x128xi32, #tpu.memory_space<vmem>> -> memref<128xi32, #tpu.memory_space<vmem>>
          %dma_wait3A_1353 = arith.constant 0 : i32
          %dma_wait3A_1354 = tpu.memref_slice %arg4[%add3A, %add3A_1316, %dma_wait3A_1353] : memref<32x80x128xi32, #tpu.memory_space<hbm>> -> memref<1x1x128xi32, #tpu.memory_space<hbm>>
          %dma_wait3A_1355 = tpu.memref_squeeze %dma_wait3A_1354 : memref<1x1x128xi32, #tpu.memory_space<hbm>> -> memref<128xi32, #tpu.memory_space<hbm>>
          tpu.wait_dma2 semaphore(%run_scoped3A_1331 : memref<!tpu.dma_semaphore, #tpu.memory_space<semaphore_mem>>) src(%dma_wait3A_1355 : memref<128xi32, #tpu.memory_space<hbm>>) dst(%dma_wait3A_1352 : memref<128xi32, #tpu.memory_space<vmem>>)
          tpu.yield
        }) : () -> ()
        %dma_start3A_1319 = arith.constant 1 : i32
        %dma_start3A_1320 = arith.constant 1 : i32
        %dma_start3A_1321 = arith.constant 0 : i32
        %dma_start3A_1322 = arith.constant 0 : i32
        %dma_start3A_1323 = tpu.memref_slice %arg9[%dma_start3A_1320, %dma_start3A_1321, %dma_start3A_1322] : memref<2x128x128xf32, #tpu.memory_space<vmem>> -> memref<1x128x128xf32, #tpu.memory_space<vmem>>
        %dma_start3A_1324 = tpu.memref_squeeze %dma_start3A_1323 : memref<1x128x128xf32, #tpu.memory_space<vmem>> -> memref<128x128xf32, #tpu.memory_space<vmem>>
        %dma_start3A_1325 = arith.constant 0 : i32
        %dma_start3A_1326 = tpu.memref_slice %arg7[%dma_start3A_1319, %dma_start3A_1325] : memref<2x128xi32, #tpu.memory_space<vmem>> -> memref<1x128xi32, #tpu.memory_space<vmem>>
        %dma_start3A_1327 = tpu.memref_squeeze %dma_start3A_1326 : memref<1x128xi32, #tpu.memory_space<vmem>> -> memref<128xi32, #tpu.memory_space<vmem>>
        %dma_start3A_1328 = arith.constant 0 : i32
        %dma_start3A_1329 = arith.constant 0 : i32
        %dma_start3A_1330 = tpu.memref_slice %arg2[%dma_start3A_1328, %dma_start3A_1329] : memref<10240x128xf32, #tpu.memory_space<hbm>> -> memref<10240x128xf32, #tpu.memory_space<hbm>>
        tpu.enqueue_indirect_dma source(%dma_start3A_1330 : memref<10240x128xf32, #tpu.memory_space<hbm>>) target(%dma_start3A_1324 : memref<128x128xf32, #tpu.memory_space<vmem>>) offsets(%dma_start3A_1327 : memref<128xi32, #tpu.memory_space<vmem>>) semaphore(%arg13 : memref<!tpu.dma_semaphore, #tpu.memory_space<semaphore_mem>>)
      } else {
      }
      %scan3A_1314 = arith.constant 0 : i32
      scf.yield %scan3A_1314 : i32
    }
    %scan3A_1111 = arith.constant 40 : i32
    %barrier3A_1112 = arith.constant 0 : index
    tpu.barrier barrier_id(%barrier3A_1112)
    "tpu.region"() ({
      %run_scoped3A_1113 = tpu.sem_alloc : memref<!tpu.dma_semaphore, #tpu.memory_space<semaphore_mem>>
      %dma_start3A_1114 = arith.constant 0 : i32
      %dma_start3A_1115 = tpu.memref_slice %arg5[%arg0, %mul3A_2, %dma_start3A_1114] : memref<2x10240x128xf32, #tpu.memory_space<hbm>> -> memref<1x640x128xf32, #tpu.memory_space<hbm>>
      %dma_start3A_1116 = tpu.memref_squeeze %dma_start3A_1115 : memref<1x640x128xf32, #tpu.memory_space<hbm>> -> memref<640x128xf32, #tpu.memory_space<hbm>>
      %dma_start3A_1117 = arith.constant 0 : i32
      %dma_start3A_1118 = tpu.memref_slice %arg14[%mul3A_2, %dma_start3A_1117] : memref<10240x128xf32, #tpu.memory_space<vmem_shared>> -> memref<640x128xf32, #tpu.memory_space<vmem_shared>>
      tpu.enqueue_dma source(%dma_start3A_1118 : memref<640x128xf32, #tpu.memory_space<vmem_shared>>) target(%dma_start3A_1116 : memref<640x128xf32, #tpu.memory_space<hbm>>) target_semaphore(%run_scoped3A_1113 : memref<!tpu.dma_semaphore, #tpu.memory_space<semaphore_mem>>)
      %dma_wait3A = arith.constant 0 : i32
      %dma_wait3A_1119 = tpu.memref_slice %arg5[%arg0, %mul3A_2, %dma_wait3A] : memref<2x10240x128xf32, #tpu.memory_space<hbm>> -> memref<1x640x128xf32, #tpu.memory_space<hbm>>
      %dma_wait3A_1120 = tpu.memref_squeeze %dma_wait3A_1119 : memref<1x640x128xf32, #tpu.memory_space<hbm>> -> memref<640x128xf32, #tpu.memory_space<hbm>>
      %dma_wait3A_1121 = arith.constant 0 : i32
      %dma_wait3A_1122 = tpu.memref_slice %arg14[%mul3A_2, %dma_wait3A_1121] : memref<10240x128xf32, #tpu.memory_space<vmem_shared>> -> memref<640x128xf32, #tpu.memory_space<vmem_shared>>
      tpu.wait_dma2 semaphore(%run_scoped3A_1113 : memref<!tpu.dma_semaphore, #tpu.memory_space<semaphore_mem>>) src(%dma_wait3A_1122 : memref<640x128xf32, #tpu.memory_space<vmem_shared>>) dst(%dma_wait3A_1120 : memref<640x128xf32, #tpu.memory_space<hbm>>)
      tpu.yield
    }) : () -> ()
    "tpu.region"() ({
      %run_scoped3A_1113 = tpu.sem_alloc : memref<!tpu.dma_semaphore, #tpu.memory_space<semaphore_mem>>
      %dma_start3A_1114 = arith.constant 0 : i32
      %dma_start3A_1115 = arith.constant 0 : i32
      %dma_start3A_1116 = tpu.memref_slice %arg6[%add3A, %dma_start3A_1114, %dma_start3A_1115] : memref<32x80x128xf32, #tpu.memory_space<hbm>> -> memref<1x80x128xf32, #tpu.memory_space<hbm>>
      %dma_start3A_1117 = tpu.memref_squeeze %dma_start3A_1116 : memref<1x80x128xf32, #tpu.memory_space<hbm>> -> memref<80x128xf32, #tpu.memory_space<hbm>>
      %dma_start3A_1118 = arith.constant 0 : i32
      %dma_start3A_1119 = arith.constant 0 : i32
      %dma_start3A_1120 = tpu.memref_slice %arg6[%add3A, %dma_start3A_1118, %dma_start3A_1119] : memref<32x80x128xf32, #tpu.memory_space<hbm>> -> memref<1x80x128xf32, #tpu.memory_space<hbm>>
      %dma_start3A_1121 = tpu.memref_squeeze %dma_start3A_1120 : memref<1x80x128xf32, #tpu.memory_space<hbm>> -> memref<80x128xf32, #tpu.memory_space<hbm>>
      tpu.enqueue_dma source(%arg11 : memref<80x128xf32, #tpu.memory_space<vmem>>) target(%dma_start3A_1121 : memref<80x128xf32, #tpu.memory_space<hbm>>) target_semaphore(%run_scoped3A_1113 : memref<!tpu.dma_semaphore, #tpu.memory_space<semaphore_mem>>)
      %dma_wait3A = arith.constant 0 : i32
      %dma_wait3A_1122 = arith.constant 0 : i32
      %dma_wait3A_1123 = tpu.memref_slice %arg6[%add3A, %dma_wait3A, %dma_wait3A_1122] : memref<32x80x128xf32, #tpu.memory_space<hbm>> -> memref<1x80x128xf32, #tpu.memory_space<hbm>>
      %dma_wait3A_1124 = tpu.memref_squeeze %dma_wait3A_1123 : memref<1x80x128xf32, #tpu.memory_space<hbm>> -> memref<80x128xf32, #tpu.memory_space<hbm>>
      %dma_wait3A_1125 = arith.constant 0 : i32
      %dma_wait3A_1126 = arith.constant 0 : i32
      %dma_wait3A_1127 = tpu.memref_slice %arg6[%add3A, %dma_wait3A_1125, %dma_wait3A_1126] : memref<32x80x128xf32, #tpu.memory_space<hbm>> -> memref<1x80x128xf32, #tpu.memory_space<hbm>>
      %dma_wait3A_1128 = tpu.memref_squeeze %dma_wait3A_1127 : memref<1x80x128xf32, #tpu.memory_space<hbm>> -> memref<80x128xf32, #tpu.memory_space<hbm>>
      tpu.wait_dma2 semaphore(%run_scoped3A_1113 : memref<!tpu.dma_semaphore, #tpu.memory_space<semaphore_mem>>) src(%arg11 : memref<80x128xf32, #tpu.memory_space<vmem>>) dst(%dma_wait3A_1128 : memref<80x128xf32, #tpu.memory_space<hbm>>)
      tpu.yield
    }) : () -> ()
    return
  }
}

module attributes {stable_mosaic.version = 14 : i64} {
  func.func @_tc1_body(%arg0: i32, %arg1: memref<1280x8xf32, #tpu.memory_space<vmem>>, %arg2: memref<8x64xf32, #tpu.memory_space<vmem>>, %arg3: memref<1x64xf32, #tpu.memory_space<vmem>>, %arg4: memref<64x128xf32, #tpu.memory_space<vmem>>, %arg5: memref<1x128xf32, #tpu.memory_space<vmem>>, %arg6: memref<128x128xf32, #tpu.memory_space<vmem>>, %arg7: memref<1x128xf32, #tpu.memory_space<vmem>>, %arg8: memref<128x128xf32, #tpu.memory_space<vmem>>, %arg9: memref<1x128xf32, #tpu.memory_space<vmem>>, %arg10: memref<128x128xf32, #tpu.memory_space<vmem>>, %arg11: memref<1280x128xf32, #tpu.memory_space<vmem>>, %arg12: memref<1280x128xf32, #tpu.memory_space<vmem>>) attributes {dimension_semantics = [#tpu.dimension_semantics<arbitrary>], iteration_bounds = array<i64: 8>, scalar_prefetch = 0 : i64, scratch_operands = 0 : i64, tpu.core_type = #tpu.core_type<tc>, window_params = [{transform_indices = @transform_0, window_bounds = array<i64: 1280, 8>}, {pipeline_mode = #tpu.pipeline_mode<synchronous>, transform_indices = @transform_1, window_bounds = array<i64: 8, 64>}, {pipeline_mode = #tpu.pipeline_mode<synchronous>, transform_indices = @transform_2, window_bounds = array<i64: 1, 64>}, {pipeline_mode = #tpu.pipeline_mode<synchronous>, transform_indices = @transform_3, window_bounds = array<i64: 64, 128>}, {pipeline_mode = #tpu.pipeline_mode<synchronous>, transform_indices = @transform_4, window_bounds = array<i64: 1, 128>}, {pipeline_mode = #tpu.pipeline_mode<synchronous>, transform_indices = @transform_5, window_bounds = array<i64: 128, 128>}, {pipeline_mode = #tpu.pipeline_mode<synchronous>, transform_indices = @transform_6, window_bounds = array<i64: 1, 128>}, {pipeline_mode = #tpu.pipeline_mode<synchronous>, transform_indices = @transform_7, window_bounds = array<i64: 128, 128>}, {pipeline_mode = #tpu.pipeline_mode<synchronous>, transform_indices = @transform_8, window_bounds = array<i64: 1, 128>}, {pipeline_mode = #tpu.pipeline_mode<synchronous>, transform_indices = @transform_9, window_bounds = array<i64: 128, 128>}, {transform_indices = @transform_10, window_bounds = array<i64: 1280, 128>}, {transform_indices = @transform_11, window_bounds = array<i64: 1280, 128>}]} {
    %get3A = arith.constant 0 : index
    %get3A_0 = arith.constant 0 : index
    %get3A_1 = vector.load %arg1[%get3A, %get3A_0] : memref<1280x8xf32, #tpu.memory_space<vmem>>, vector<1280x8xf32>
    %get3A_2 = arith.constant 0 : index
    %get3A_3 = arith.constant 0 : index
    %get3A_4 = vector.load %arg2[%get3A_2, %get3A_3] : memref<8x64xf32, #tpu.memory_space<vmem>>, vector<8x64xf32>
    %dot_general3A = arith.constant dense<0.000000e+00> : vector<1280x64xf32>
    %dot_general3A_5 = tpu.matmul %get3A_1, %get3A_4, %dot_general3A {dimension_numbers = #tpu.dot_dimension_numbers<[1], [0], [0], [1], [0, 0, 1, 1], [], []>, transpose_lhs_hint = false} : vector<1280x8xf32>, vector<8x64xf32>, vector<1280x64xf32> -> vector<1280x64xf32>
    %get3A_6 = arith.constant 0 : index
    %get3A_7 = arith.constant 0 : index
    %get3A_8 = vector.load %arg3[%get3A_6, %get3A_7] : memref<1x64xf32, #tpu.memory_space<vmem>>, vector<1x64xf32>
    %add3A = vector.broadcast %get3A_8 : vector<1x64xf32> to vector<1280x64xf32>
    %add3A_9 = arith.addf %dot_general3A_5, %add3A : vector<1280x64xf32>
    %max3A = arith.constant 0.000000e+00 : f32
    %max3A_10 = vector.broadcast %max3A : f32 to vector<1280x64xf32>
    %max3A_11 = arith.maximumf %add3A_9, %max3A_10 : vector<1280x64xf32>
    %get3A_12 = arith.constant 0 : index
    %get3A_13 = arith.constant 0 : index
    %get3A_14 = vector.load %arg4[%get3A_12, %get3A_13] : memref<64x128xf32, #tpu.memory_space<vmem>>, vector<64x128xf32>
    %dot_general3A_15 = arith.constant dense<0.000000e+00> : vector<1280x128xf32>
    %dot_general3A_16 = tpu.matmul %max3A_11, %get3A_14, %dot_general3A_15 {dimension_numbers = #tpu.dot_dimension_numbers<[1], [0], [0], [1], [0, 0, 1, 1], [], []>, transpose_lhs_hint = false} : vector<1280x64xf32>, vector<64x128xf32>, vector<1280x128xf32> -> vector<1280x128xf32>
    %get3A_17 = arith.constant 0 : index
    %get3A_18 = arith.constant 0 : index
    %get3A_19 = vector.load %arg5[%get3A_17, %get3A_18] : memref<1x128xf32, #tpu.memory_space<vmem>>, vector<1x128xf32>
    %add3A_20 = vector.broadcast %get3A_19 : vector<1x128xf32> to vector<1280x128xf32>
    %add3A_21 = arith.addf %dot_general3A_16, %add3A_20 : vector<1280x128xf32>
    %max3A_22 = arith.constant 0.000000e+00 : f32
    %max3A_23 = vector.broadcast %max3A_22 : f32 to vector<1280x128xf32>
    %max3A_24 = arith.maximumf %add3A_21, %max3A_23 : vector<1280x128xf32>
    %get3A_25 = arith.constant 0 : index
    %get3A_26 = arith.constant 0 : index
    %get3A_27 = vector.load %arg6[%get3A_25, %get3A_26] : memref<128x128xf32, #tpu.memory_space<vmem>>, vector<128x128xf32>
    %dot_general3A_28 = arith.constant dense<0.000000e+00> : vector<1280x128xf32>
    %dot_general3A_29 = tpu.matmul %max3A_24, %get3A_27, %dot_general3A_28 {dimension_numbers = #tpu.dot_dimension_numbers<[1], [0], [0], [1], [0, 0, 1, 1], [], []>, transpose_lhs_hint = false} : vector<1280x128xf32>, vector<128x128xf32>, vector<1280x128xf32> -> vector<1280x128xf32>
    %get3A_30 = arith.constant 0 : index
    %get3A_31 = arith.constant 0 : index
    %get3A_32 = vector.load %arg7[%get3A_30, %get3A_31] : memref<1x128xf32, #tpu.memory_space<vmem>>, vector<1x128xf32>
    %add3A_33 = vector.broadcast %get3A_32 : vector<1x128xf32> to vector<1280x128xf32>
    %add3A_34 = arith.addf %dot_general3A_29, %add3A_33 : vector<1280x128xf32>
    %max3A_35 = arith.constant 0.000000e+00 : f32
    %max3A_36 = vector.broadcast %max3A_35 : f32 to vector<1280x128xf32>
    %max3A_37 = arith.maximumf %add3A_34, %max3A_36 : vector<1280x128xf32>
    %add3A_38 = arith.addf %max3A_37, %max3A_24 : vector<1280x128xf32>
    %get3A_39 = arith.constant 0 : index
    %get3A_40 = arith.constant 0 : index
    %get3A_41 = vector.load %arg8[%get3A_39, %get3A_40] : memref<128x128xf32, #tpu.memory_space<vmem>>, vector<128x128xf32>
    %dot_general3A_42 = arith.constant dense<0.000000e+00> : vector<1280x128xf32>
    %dot_general3A_43 = tpu.matmul %add3A_38, %get3A_41, %dot_general3A_42 {dimension_numbers = #tpu.dot_dimension_numbers<[1], [0], [0], [1], [0, 0, 1, 1], [], []>, transpose_lhs_hint = false} : vector<1280x128xf32>, vector<128x128xf32>, vector<1280x128xf32> -> vector<1280x128xf32>
    %get3A_44 = arith.constant 0 : index
    %get3A_45 = arith.constant 0 : index
    %get3A_46 = vector.load %arg9[%get3A_44, %get3A_45] : memref<1x128xf32, #tpu.memory_space<vmem>>, vector<1x128xf32>
    %add3A_47 = vector.broadcast %get3A_46 : vector<1x128xf32> to vector<1280x128xf32>
    %add3A_48 = arith.addf %dot_general3A_43, %add3A_47 : vector<1280x128xf32>
    %max3A_49 = arith.constant 0.000000e+00 : f32
    %max3A_50 = vector.broadcast %max3A_49 : f32 to vector<1280x128xf32>
    %max3A_51 = arith.maximumf %add3A_48, %max3A_50 : vector<1280x128xf32>
    %add3A_52 = arith.addf %max3A_51, %add3A_38 : vector<1280x128xf32>
    %swap3A = arith.constant 0 : index
    %swap3A_53 = arith.constant 0 : index
    %swap3A_54 = vector.load %arg11[%swap3A, %swap3A_53] : memref<1280x128xf32, #tpu.memory_space<vmem>>, vector<1280x128xf32>
    tpu.vector_store %arg11[%swap3A, %swap3A_53], %add3A_52 {strides = array<i32>} : memref<1280x128xf32, #tpu.memory_space<vmem>>, vector<1280x128xf32>,
    %get3A_55 = arith.constant 0 : index
    %get3A_56 = arith.constant 0 : index
    %get3A_57 = vector.load %arg10[%get3A_55, %get3A_56] : memref<128x128xf32, #tpu.memory_space<vmem>>, vector<128x128xf32>
    %dot_general3A_58 = arith.constant dense<0.000000e+00> : vector<1280x128xf32>
    %dot_general3A_59 = tpu.matmul %add3A_52, %get3A_57, %dot_general3A_58 {dimension_numbers = #tpu.dot_dimension_numbers<[1], [0], [0], [1], [0, 0, 1, 1], [], []>, transpose_lhs_hint = false} : vector<1280x128xf32>, vector<128x128xf32>, vector<1280x128xf32> -> vector<1280x128xf32>
    %swap3A_60 = arith.constant 0 : index
    %swap3A_61 = arith.constant 0 : index
    %swap3A_62 = vector.load %arg12[%swap3A_60, %swap3A_61] : memref<1280x128xf32, #tpu.memory_space<vmem>>, vector<1280x128xf32>
    tpu.vector_store %arg12[%swap3A_60, %swap3A_61], %dot_general3A_59 {strides = array<i32>} : memref<1280x128xf32, #tpu.memory_space<vmem>>, vector<1280x128xf32>,
    return
  }
  func.func @transform_0(%arg0: i32) -> (i32, i32) {
    %c0_i32 = arith.constant 0 : i32
    %c0_i32_0 = arith.constant 0 : i32
    return %arg0, %c0_i32 : i32, i32
  }
  func.func @transform_1(%arg0: i32) -> (i32, i32) {
    %c0_i32 = arith.constant 0 : i32
    %c0_i32_0 = arith.constant 0 : i32
    %c0_i32_1 = arith.constant 0 : i32
    return %c0_i32, %c0_i32_0 : i32, i32
  }
  func.func @transform_2(%arg0: i32) -> (i32, i32) {
    %c0_i32 = arith.constant 0 : i32
    %c0_i32_0 = arith.constant 0 : i32
    %c0_i32_1 = arith.constant 0 : i32
    return %c0_i32, %c0_i32_0 : i32, i32
  }
  func.func @transform_3(%arg0: i32) -> (i32, i32) {
    %c0_i32 = arith.constant 0 : i32
    %c0_i32_0 = arith.constant 0 : i32
    %c0_i32_1 = arith.constant 0 : i32
    return %c0_i32, %c0_i32_0 : i32, i32
  }
  func.func @transform_4(%arg0: i32) -> (i32, i32) {
    %c0_i32 = arith.constant 0 : i32
    %c0_i32_0 = arith.constant 0 : i32
    %c0_i32_1 = arith.constant 0 : i32
    return %c0_i32, %c0_i32_0 : i32, i32
  }
  func.func @transform_5(%arg0: i32) -> (i32, i32) {
    %c0_i32 = arith.constant 0 : i32
    %c0_i32_0 = arith.constant 0 : i32
    %c0_i32_1 = arith.constant 0 : i32
    return %c0_i32, %c0_i32_0 : i32, i32
  }
  func.func @transform_6(%arg0: i32) -> (i32, i32) {
    %c0_i32 = arith.constant 0 : i32
    %c0_i32_0 = arith.constant 0 : i32
    %c0_i32_1 = arith.constant 0 : i32
    return %c0_i32, %c0_i32_0 : i32, i32
  }
  func.func @transform_7(%arg0: i32) -> (i32, i32) {
    %c0_i32 = arith.constant 0 : i32
    %c0_i32_0 = arith.constant 0 : i32
    %c0_i32_1 = arith.constant 0 : i32
    return %c0_i32, %c0_i32_0 : i32, i32
  }
  func.func @transform_8(%arg0: i32) -> (i32, i32) {
    %c0_i32 = arith.constant 0 : i32
    %c0_i32_0 = arith.constant 0 : i32
    %c0_i32_1 = arith.constant 0 : i32
    return %c0_i32, %c0_i32_0 : i32, i32
  }
  func.func @transform_9(%arg0: i32) -> (i32, i32) {
    %c0_i32 = arith.constant 0 : i32
    %c0_i32_0 = arith.constant 0 : i32
    %c0_i32_1 = arith.constant 0 : i32
    return %c0_i32, %c0_i32_0 : i32, i32
  }
  func.func @transform_10(%arg0: i32) -> (i32, i32) {
    %c0_i32 = arith.constant 0 : i32
    %c0_i32_0 = arith.constant 0 : i32
    return %arg0, %c0_i32 : i32, i32
  }
  func.func @transform_11(%arg0: i32) -> (i32, i32) {
    %c0_i32 = arith.constant 0 : i32
    %c0_i32_0 = arith.constant 0 : i32
    return %arg0, %c0_i32 : i32, i32
  }
}

module attributes {stable_mosaic.version = 14 : i64} {
  func.func @_tc2_body(%arg0: i32, %arg1: memref<1280x128xf32, #tpu.memory_space<vmem>>, %arg2: memref<2x1280x128xf32, #tpu.memory_space<vmem>>, %arg3: memref<32x1280xf32, #tpu.memory_space<vmem>>, %arg4: memref<128x128xf32, #tpu.memory_space<vmem>>, %arg5: memref<1x128xf32, #tpu.memory_space<vmem>>, %arg6: memref<128x128xf32, #tpu.memory_space<vmem>>, %arg7: memref<1280x128xf32, #tpu.memory_space<vmem>>, %arg8: memref<1280x128xf32, #tpu.memory_space<vmem>>, %arg9: memref<1280x1xf32, #tpu.memory_space<vmem>>) attributes {dimension_semantics = [#tpu.dimension_semantics<arbitrary>], iteration_bounds = array<i64: 8>, scalar_prefetch = 0 : i64, scratch_operands = 0 : i64, tpu.core_type = #tpu.core_type<tc>, window_params = [{transform_indices = @transform_0, window_bounds = array<i64: 1280, 128>}, {transform_indices = @transform_1, window_bounds = array<i64: 2, 1280, 128>}, {transform_indices = @transform_2, window_bounds = array<i64: 32, 1280>}, {pipeline_mode = #tpu.pipeline_mode<synchronous>, transform_indices = @transform_3, window_bounds = array<i64: 128, 128>}, {pipeline_mode = #tpu.pipeline_mode<synchronous>, transform_indices = @transform_4, window_bounds = array<i64: 1, 128>}, {pipeline_mode = #tpu.pipeline_mode<synchronous>, transform_indices = @transform_5, window_bounds = array<i64: 128, 128>}, {transform_indices = @transform_6, window_bounds = array<i64: 1280, 128>}, {transform_indices = @transform_7, window_bounds = array<i64: 1280, 128>}, {transform_indices = @transform_8, window_bounds = array<i64: 1280, 1>}]} {
    %get3A = arith.constant 0 : index
    %get3A_0 = arith.constant 0 : index
    %get3A_1 = vector.load %arg3[%get3A, %get3A_0] : memref<32x1280xf32, #tpu.memory_space<vmem>>, vector<32x1280xf32>
    %reduce_sum3A = arith.constant dense<0.000000e+00> : vector<1280xf32>
    %reduce_sum3A_2 = vector.multi_reduction <add>, %get3A_1, %reduce_sum3A [0] : vector<32x1280xf32> to vector<1280xf32>
    %max3A = arith.constant 1.000000e+00 : f32
    %max3A_3 = vector.broadcast %max3A : f32 to vector<1280xf32>
    %max3A_4 = arith.maximumf %reduce_sum3A_2, %max3A_3 : vector<1280xf32>
    %div3A = arith.constant 1.000000e+00 : f32
    %div3A_5 = vector.broadcast %div3A : f32 to vector<1280xf32>
    %div3A_6 = arith.divf %div3A_5, %max3A_4 : vector<1280xf32>
    %get3A_7 = arith.constant 0 : index
    %get3A_8 = arith.constant 0 : index
    %get3A_9 = arith.constant 0 : index
    %get3A_10 = vector.load %arg2[%get3A_7, %get3A_8, %get3A_9] : memref<2x1280x128xf32, #tpu.memory_space<vmem>>, vector<2x1280x128xf32>
    %reduce_sum3A_11 = arith.constant dense<0.000000e+00> : vector<1280x128xf32>
    %reduce_sum3A_12 = vector.multi_reduction <add>, %get3A_10, %reduce_sum3A_11 [0] : vector<2x1280x128xf32> to vector<1280x128xf32>
    %broadcast_in_dim3A = vector.shape_cast %div3A_6 : vector<1280xf32> to vector<1280x1xf32>
    %mul3A = vector.broadcast %broadcast_in_dim3A : vector<1280x1xf32> to vector<1280x128xf32>
    %mul3A_13 = arith.mulf %reduce_sum3A_12, %mul3A : vector<1280x128xf32>
    %get3A_14 = arith.constant 0 : index
    %get3A_15 = arith.constant 0 : index
    %get3A_16 = vector.load %arg1[%get3A_14, %get3A_15] : memref<1280x128xf32, #tpu.memory_space<vmem>>, vector<1280x128xf32>
    %get3A_17 = arith.constant 0 : index
    %get3A_18 = arith.constant 0 : index
    %get3A_19 = vector.load %arg4[%get3A_17, %get3A_18] : memref<128x128xf32, #tpu.memory_space<vmem>>, vector<128x128xf32>
    %dot_general3A = arith.constant dense<0.000000e+00> : vector<1280x128xf32>
    %dot_general3A_20 = tpu.matmul %get3A_16, %get3A_19, %dot_general3A {dimension_numbers = #tpu.dot_dimension_numbers<[1], [0], [0], [1], [0, 0, 1, 1], [], []>, transpose_lhs_hint = false} : vector<1280x128xf32>, vector<128x128xf32>, vector<1280x128xf32> -> vector<1280x128xf32>
    %add3A = arith.addf %dot_general3A_20, %mul3A_13 : vector<1280x128xf32>
    %get3A_21 = arith.constant 0 : index
    %get3A_22 = arith.constant 0 : index
    %get3A_23 = vector.load %arg5[%get3A_21, %get3A_22] : memref<1x128xf32, #tpu.memory_space<vmem>>, vector<1x128xf32>
    %add3A_24 = vector.broadcast %get3A_23 : vector<1x128xf32> to vector<1280x128xf32>
    %add3A_25 = arith.addf %add3A, %add3A_24 : vector<1280x128xf32>
    %max3A_26 = arith.constant 0.000000e+00 : f32
    %max3A_27 = vector.broadcast %max3A_26 : f32 to vector<1280x128xf32>
    %max3A_28 = arith.maximumf %add3A_25, %max3A_27 : vector<1280x128xf32>
    %swap3A = arith.constant 0 : index
    %swap3A_29 = arith.constant 0 : index
    %swap3A_30 = vector.load %arg7[%swap3A, %swap3A_29] : memref<1280x128xf32, #tpu.memory_space<vmem>>, vector<1280x128xf32>
    tpu.vector_store %arg7[%swap3A, %swap3A_29], %max3A_28 {strides = array<i32>} : memref<1280x128xf32, #tpu.memory_space<vmem>>, vector<1280x128xf32>,
    %get3A_31 = arith.constant 0 : index
    %get3A_32 = arith.constant 0 : index
    %get3A_33 = vector.load %arg6[%get3A_31, %get3A_32] : memref<128x128xf32, #tpu.memory_space<vmem>>, vector<128x128xf32>
    %dot_general3A_34 = arith.constant dense<0.000000e+00> : vector<1280x128xf32>
    %dot_general3A_35 = tpu.matmul %max3A_28, %get3A_33, %dot_general3A_34 {dimension_numbers = #tpu.dot_dimension_numbers<[1], [0], [0], [1], [0, 0, 1, 1], [], []>, transpose_lhs_hint = false} : vector<1280x128xf32>, vector<128x128xf32>, vector<1280x128xf32> -> vector<1280x128xf32>
    %swap3A_36 = arith.constant 0 : index
    %swap3A_37 = arith.constant 0 : index
    %swap3A_38 = vector.load %arg8[%swap3A_36, %swap3A_37] : memref<1280x128xf32, #tpu.memory_space<vmem>>, vector<1280x128xf32>
    tpu.vector_store %arg8[%swap3A_36, %swap3A_37], %dot_general3A_35 {strides = array<i32>} : memref<1280x128xf32, #tpu.memory_space<vmem>>, vector<1280x128xf32>,
    %broadcast_in_dim3A_39 = vector.shape_cast %div3A_6 : vector<1280xf32> to vector<1280x1xf32>
    %swap3A_40 = arith.constant 0 : index
    %swap3A_41 = arith.constant 0 : index
    %swap3A_42 = vector.load %arg9[%swap3A_40, %swap3A_41] : memref<1280x1xf32, #tpu.memory_space<vmem>>, vector<1280x1xf32>
    tpu.vector_store %arg9[%swap3A_40, %swap3A_41], %broadcast_in_dim3A_39 {strides = array<i32>} : memref<1280x1xf32, #tpu.memory_space<vmem>>, vector<1280x1xf32>,
    return
  }
  func.func @transform_0(%arg0: i32) -> (i32, i32) {
    %c0_i32 = arith.constant 0 : i32
    %c0_i32_0 = arith.constant 0 : i32
    return %arg0, %c0_i32 : i32, i32
  }
  func.func @transform_1(%arg0: i32) -> (i32, i32, i32) {
    %c0_i32 = arith.constant 0 : i32
    %c0_i32_0 = arith.constant 0 : i32
    %c0_i32_1 = arith.constant 0 : i32
    return %c0_i32, %arg0, %c0_i32_0 : i32, i32, i32
  }
  func.func @transform_2(%arg0: i32) -> (i32, i32) {
    %c0_i32 = arith.constant 0 : i32
    %c0_i32_0 = arith.constant 0 : i32
    return %c0_i32, %arg0 : i32, i32
  }
  func.func @transform_3(%arg0: i32) -> (i32, i32) {
    %c0_i32 = arith.constant 0 : i32
    %c0_i32_0 = arith.constant 0 : i32
    %c0_i32_1 = arith.constant 0 : i32
    return %c0_i32, %c0_i32_0 : i32, i32
  }
  func.func @transform_4(%arg0: i32) -> (i32, i32) {
    %c0_i32 = arith.constant 0 : i32
    %c0_i32_0 = arith.constant 0 : i32
    %c0_i32_1 = arith.constant 0 : i32
    return %c0_i32, %c0_i32_0 : i32, i32
  }
  func.func @transform_5(%arg0: i32) -> (i32, i32) {
    %c0_i32 = arith.constant 0 : i32
    %c0_i32_0 = arith.constant 0 : i32
    %c0_i32_1 = arith.constant 0 : i32
    return %c0_i32, %c0_i32_0 : i32, i32
  }
  func.func @transform_6(%arg0: i32) -> (i32, i32) {
    %c0_i32 = arith.constant 0 : i32
    %c0_i32_0 = arith.constant 0 : i32
    return %arg0, %c0_i32 : i32, i32
  }
  func.func @transform_7(%arg0: i32) -> (i32, i32) {
    %c0_i32 = arith.constant 0 : i32
    %c0_i32_0 = arith.constant 0 : i32
    return %arg0, %c0_i32 : i32, i32
  }
  func.func @transform_8(%arg0: i32) -> (i32, i32) {
    %c0_i32 = arith.constant 0 : i32
    %c0_i32_0 = arith.constant 0 : i32
    return %arg0, %c0_i32 : i32, i32
  }
}

module attributes {stable_mosaic.version = 14 : i64} {
  func.func @_tc3_body(%arg0: i32, %arg1: memref<1280x128xf32, #tpu.memory_space<vmem>>, %arg2: memref<2x1280x128xf32, #tpu.memory_space<vmem>>, %arg3: memref<1280x1xf32, #tpu.memory_space<vmem>>, %arg4: memref<128x128xf32, #tpu.memory_space<vmem>>, %arg5: memref<1x128xf32, #tpu.memory_space<vmem>>, %arg6: memref<128x128xf32, #tpu.memory_space<vmem>>, %arg7: memref<1x128xf32, #tpu.memory_space<vmem>>, %arg8: memref<1280x128xf32, #tpu.memory_space<vmem>>) attributes {dimension_semantics = [#tpu.dimension_semantics<arbitrary>], iteration_bounds = array<i64: 8>, scalar_prefetch = 0 : i64, scratch_operands = 0 : i64, tpu.core_type = #tpu.core_type<tc>, window_params = [{transform_indices = @transform_0, window_bounds = array<i64: 1280, 128>}, {transform_indices = @transform_1, window_bounds = array<i64: 2, 1280, 128>}, {transform_indices = @transform_2, window_bounds = array<i64: 1280, 1>}, {pipeline_mode = #tpu.pipeline_mode<synchronous>, transform_indices = @transform_3, window_bounds = array<i64: 128, 128>}, {pipeline_mode = #tpu.pipeline_mode<synchronous>, transform_indices = @transform_4, window_bounds = array<i64: 1, 128>}, {pipeline_mode = #tpu.pipeline_mode<synchronous>, transform_indices = @transform_5, window_bounds = array<i64: 128, 128>}, {pipeline_mode = #tpu.pipeline_mode<synchronous>, transform_indices = @transform_6, window_bounds = array<i64: 1, 128>}, {transform_indices = @transform_7, window_bounds = array<i64: 1280, 128>}]} {
    %get3A = arith.constant 0 : index
    %get3A_0 = arith.constant 0 : index
    %get3A_1 = arith.constant 0 : index
    %get3A_2 = vector.load %arg2[%get3A, %get3A_0, %get3A_1] : memref<2x1280x128xf32, #tpu.memory_space<vmem>>, vector<2x1280x128xf32>
    %reduce_sum3A = arith.constant dense<0.000000e+00> : vector<1280x128xf32>
    %reduce_sum3A_3 = vector.multi_reduction <add>, %get3A_2, %reduce_sum3A [0] : vector<2x1280x128xf32> to vector<1280x128xf32>
    %get3A_4 = arith.constant 0 : index
    %get3A_5 = arith.constant 0 : index
    %get3A_6 = vector.load %arg3[%get3A_4, %get3A_5] : memref<1280x1xf32, #tpu.memory_space<vmem>>, vector<1280x1xf32>
    %mul3A = vector.broadcast %get3A_6 : vector<1280x1xf32> to vector<1280x128xf32>
    %mul3A_7 = arith.mulf %reduce_sum3A_3, %mul3A : vector<1280x128xf32>
    %get3A_8 = arith.constant 0 : index
    %get3A_9 = arith.constant 0 : index
    %get3A_10 = vector.load %arg1[%get3A_8, %get3A_9] : memref<1280x128xf32, #tpu.memory_space<vmem>>, vector<1280x128xf32>
    %get3A_11 = arith.constant 0 : index
    %get3A_12 = arith.constant 0 : index
    %get3A_13 = vector.load %arg4[%get3A_11, %get3A_12] : memref<128x128xf32, #tpu.memory_space<vmem>>, vector<128x128xf32>
    %dot_general3A = arith.constant dense<0.000000e+00> : vector<1280x128xf32>
    %dot_general3A_14 = tpu.matmul %get3A_10, %get3A_13, %dot_general3A {dimension_numbers = #tpu.dot_dimension_numbers<[1], [0], [0], [1], [0, 0, 1, 1], [], []>, transpose_lhs_hint = false} : vector<1280x128xf32>, vector<128x128xf32>, vector<1280x128xf32> -> vector<1280x128xf32>
    %add3A = arith.addf %dot_general3A_14, %mul3A_7 : vector<1280x128xf32>
    %get3A_15 = arith.constant 0 : index
    %get3A_16 = arith.constant 0 : index
    %get3A_17 = vector.load %arg5[%get3A_15, %get3A_16] : memref<1x128xf32, #tpu.memory_space<vmem>>, vector<1x128xf32>
    %add3A_18 = vector.broadcast %get3A_17 : vector<1x128xf32> to vector<1280x128xf32>
    %add3A_19 = arith.addf %add3A, %add3A_18 : vector<1280x128xf32>
    %max3A = arith.constant 0.000000e+00 : f32
    %max3A_20 = vector.broadcast %max3A : f32 to vector<1280x128xf32>
    %max3A_21 = arith.maximumf %add3A_19, %max3A_20 : vector<1280x128xf32>
    %get3A_22 = arith.constant 0 : index
    %get3A_23 = arith.constant 0 : index
    %get3A_24 = vector.load %arg6[%get3A_22, %get3A_23] : memref<128x128xf32, #tpu.memory_space<vmem>>, vector<128x128xf32>
    %dot_general3A_25 = arith.constant dense<0.000000e+00> : vector<1280x128xf32>
    %dot_general3A_26 = tpu.matmul %max3A_21, %get3A_24, %dot_general3A_25 {dimension_numbers = #tpu.dot_dimension_numbers<[1], [0], [0], [1], [0, 0, 1, 1], [], []>, transpose_lhs_hint = false} : vector<1280x128xf32>, vector<128x128xf32>, vector<1280x128xf32> -> vector<1280x128xf32>
    %get3A_27 = arith.constant 0 : index
    %get3A_28 = arith.constant 0 : index
    %get3A_29 = vector.load %arg7[%get3A_27, %get3A_28] : memref<1x128xf32, #tpu.memory_space<vmem>>, vector<1x128xf32>
    %add3A_30 = vector.broadcast %get3A_29 : vector<1x128xf32> to vector<1280x128xf32>
    %add3A_31 = arith.addf %dot_general3A_26, %add3A_30 : vector<1280x128xf32>
    %swap3A = arith.constant 0 : index
    %swap3A_32 = arith.constant 0 : index
    %swap3A_33 = vector.load %arg8[%swap3A, %swap3A_32] : memref<1280x128xf32, #tpu.memory_space<vmem>>, vector<1280x128xf32>
    tpu.vector_store %arg8[%swap3A, %swap3A_32], %add3A_31 {strides = array<i32>} : memref<1280x128xf32, #tpu.memory_space<vmem>>, vector<1280x128xf32>,
    return
  }
  func.func @transform_0(%arg0: i32) -> (i32, i32) {
    %c0_i32 = arith.constant 0 : i32
    %c0_i32_0 = arith.constant 0 : i32
    return %arg0, %c0_i32 : i32, i32
  }
  func.func @transform_1(%arg0: i32) -> (i32, i32, i32) {
    %c0_i32 = arith.constant 0 : i32
    %c0_i32_0 = arith.constant 0 : i32
    %c0_i32_1 = arith.constant 0 : i32
    return %c0_i32, %arg0, %c0_i32_0 : i32, i32, i32
  }
  func.func @transform_2(%arg0: i32) -> (i32, i32) {
    %c0_i32 = arith.constant 0 : i32
    %c0_i32_0 = arith.constant 0 : i32
    return %arg0, %c0_i32 : i32, i32
  }
  func.func @transform_3(%arg0: i32) -> (i32, i32) {
    %c0_i32 = arith.constant 0 : i32
    %c0_i32_0 = arith.constant 0 : i32
    %c0_i32_1 = arith.constant 0 : i32
    return %c0_i32, %c0_i32_0 : i32, i32
  }
  func.func @transform_4(%arg0: i32) -> (i32, i32) {
    %c0_i32 = arith.constant 0 : i32
    %c0_i32_0 = arith.constant 0 : i32
    %c0_i32_1 = arith.constant 0 : i32
    return %c0_i32, %c0_i32_0 : i32, i32
  }
  func.func @transform_5(%arg0: i32) -> (i32, i32) {
    %c0_i32 = arith.constant 0 : i32
    %c0_i32_0 = arith.constant 0 : i32
    %c0_i32_1 = arith.constant 0 : i32
    return %c0_i32, %c0_i32_0 : i32, i32
  }
  func.func @transform_6(%arg0: i32) -> (i32, i32) {
    %c0_i32 = arith.constant 0 : i32
    %c0_i32_0 = arith.constant 0 : i32
    %c0_i32_1 = arith.constant 0 : i32
    return %c0_i32, %c0_i32_0 : i32, i32
  }
  func.func @transform_7(%arg0: i32) -> (i32, i32) {
    %c0_i32 = arith.constant 0 : i32
    %c0_i32_0 = arith.constant 0 : i32
    return %arg0, %c0_i32 : i32, i32
  }
}

</mosaic_0001>

<sc_bundles>
// kernel: kernel.10.cloned.1.call-start
scs
__scs_entry_jumppad:
0x0: {  	(pc) =	sbr.rel $0x88, $3  }
0x1: {  	(tag) =	ssettag $0x0;
	lr =	simm.s32 $0x1  }
0x2: {  	[smem:$0x3F8F] =	sst lr;
	_ =	strace $0xD0000000  }
0x3: {  	_ = 	snop  }
0x4: {  	_ = 	snop  }
0x5: {  	_ = 	snop  }
0x6: {  	_ = 	snop  }
0x7: {  	_ = 	snop  }
__scs_overlays_trampoline_lowered:
0x8: {  	[smem:$0x3F9E] =	sst s0  }
0x9: {  	[smem:$0x3F9F] =	sst s1  }
0xa: {  	[smem:$0x3FA0] =	sst s2  }
0xb: {  	[smem:$0x3FA1] =	sst s3  }
0xc: {  	[smem:$0x3FA2] =	sst s4  }
0xd: {  	[smem:$0x3FA3] =	sst s5  }
0xe: {  	[smem:$0x3FA4] =	sst s6  }
0xf: {  	[smem:$0x3FA5] =	sst s7  }
0x10: {  	[smem:$0x3FA6] =	sst s8  }
0x11: {  	[smem:$0x3FA7] =	sst s9;
	s0 =	simm.s32 @!p0 $0x0  }
0x12: {  	s1 =	sld [smem:$0x3F8D];
	s0 =	simm.s32 @p0 $0x1  }
0x13: {  	[smem:$0x3FA8] =	sst s0;
	s0 =	simm.s32 @!p1 $0x0  }
0x14: {  	s2 =	sld [smem:$0x3F8C];
	s0 =	simm.s32 @p1 $0x1  }
0x15: {  	[smem:$0x3FA9] =	sst s0;
	s0 =	simm.s32 @!p2 $0x0  }
0x16: {  	s3 =	sld [smem:$0x3FDB];
	s0 =	simm.s32 @p2 $0x1  }
0x17: {  	s4 =	simm.s32 $0x1BF5;
	[smem:$0x3FAB] =	sst s0  }
0x18: {  	s0 =	sld [smem:$0x3F8E];
	_ =	swait.ge [sflag:s4], $0x0  }
0x19: {  	s7 =	sld [smem:$0x3F8F]  }
0x1a: {  	s8 =	sadd.s32 $0xFFFFE003, lr  }
0x1b: {  	s9 =	sadd.s32 $0xFFFFFEF7, lr;
	s5 =	simm.s32 $0xFFFFFFFF;
	p2 =	slt.u32 s8, $0xFFFFF086  }
0x1c: {  	p1 =	slt.u32 s9, $0xF7A;
	s5 =	simm.s32 @!p2 $0x0  }
0x1d: {  	s5 =	simm.s32 @p1 $0x1;
	p0 =	seq.s32 s7, s2  }
0x1e: {  	s7 =	smul.u32 @!p0 $0xF7A, s2;
	p2 =	seq.s32 @!p0 s5, $0x0  }
0x1f: {  	s9 =	smul.u32 $0xF7A, s1;
	s8 =	simm.s32 @!p0 $0x1BF5;
	p2 =	por !p2, p0  }
0x20: {  	[sflag:s8] =	ssyncset.s32 @!p0 $0xFFFFF086;
	s6 =	sadd.s32 @!p0 s3, s7;
	s7 =	simm.s32 @!p0 $0x108  }
0x21: {  	s3 =	sadd.s32 s3, s9;
	s6 =	sadd.s32 @!p0 $0x88, s6;
	s7 =	simm.s32 @p2 $0x1082  }
0x22: {  	[simem:s7], [sflag:s8] =	dma.local @!p0 [hbm:s6], $0xF7A  }
0x23: {  	s9 =	sor.u32 $0xD0000000, s2;
	s6 =	simm.s32 $0x108;
	_ =	swait.ge @!p0 [sflag:s8], $0x0  }
0x24: {  	s3 =	sadd.s32 $0x88, s3;
	s6 =	simm.s32 @!p1 $0x1082;
	[sflag:s4] =	ssyncset.s32 $0xFFFFF086  }
0x25: {  	[simem:s6], [sflag:s4] =	dma.local [hbm:s3], $0xF7A  }
0x26: {  	[smem:$0x3F8F] =	sst s1;
	(tag) =	ssettag s2;
	_ =	strace s9  }
0x27: {  	s1 =	sld [smem:$0x3F9F]  }
0x28: {  	s2 =	sld [smem:$0x3FA0]  }
0x29: {  	s4 =	sld [smem:$0x3FA2]  }
0x2a: {  	p0 =	seq.s32 s5, $0x0;
	s5 =	sld [smem:$0x3FA3]  }
0x2b: {  	s6 =	sld [smem:$0x3FA4]  }
0x2c: {  	s7 =	sld [smem:$0x3FA5]  }
0x2d: {  	s3 =	simm.s32 $0x108;
	s8 =	sld [smem:$0x3FA6]  }
0x2e: {  	s3 =	simm.s32 @!p0 $0x1082;
	s9 =	sld [smem:$0x3FA7]  }
0x2f: {  	lr =	sadd.s32 s0, s3;
	s0 =	sld [smem:$0x3F9E]  }
0x30: {  	s3 =	sld [smem:$0x3FA1]  }
0x31: {  	[smem:$0x3FAA] =	sst s10  }
0x32: {  	s10 =	sld [smem:$0x3FA8];
	_ =	sdelay $0x3  }
0x33: {  	p0 =	seq.s32 s10, $0x1;
	s10 =	sld [smem:$0x3FAA];
	_ =	sdelay $0x3  }
0x34: {  	[smem:$0x3FAA] =	sst s10  }
0x35: {  	s10 =	sld [smem:$0x3FA9];
	_ =	sdelay $0x3  }
0x36: {  	p1 =	seq.s32 s10, $0x1;
	s10 =	sld [smem:$0x3FAA];
	_ =	sdelay $0x3  }
0x37: {  	[smem:$0x3FAA] =	sst s10  }
0x38: {  	s10 =	sld [smem:$0x3FAB]  }
0x39: {  	_ = 	snop;
	(pc) =	sbr.ind lr, $3  }
0x3a: {  	_ = 	snop  }
0x3b: {  	_ = 	snop  }
0x3c: {  	p2 =	seq.s32 s10, $0x1;
	s10 =	sld [smem:$0x3FAA]  }
0x3d: {  	_ =	shalt  }
0x3e: {  	_ =	shalt  }
0x3f: {  	_ =	shalt  }
0x40: {  	_ =	shalt  }
0x41: {  	_ =	shalt  }
0x42: {  	_ =	shalt  }
0x43: {  	_ =	shalt  }
0x44: {  	_ =	shalt  }
0x45: {  	_ =	shalt  }
0x46: {  	_ =	shalt  }
0x47: {  	_ =	shalt  }
0x48: {  	_ =	shalt  }
0x49: {  	_ =	shalt  }
0x4a: {  	_ =	shalt  }
0x4b: {  	_ =	shalt  }
0x4c: {  	_ =	shalt  }
0x4d: {  	_ =	shalt  }
0x4e: {  	_ =	shalt  }
0x4f: {  	_ =	shalt  }
0x50: {  	_ =	shalt  }
0x51: {  	_ =	shalt  }
0x52: {  	_ =	shalt  }
0x53: {  	_ =	shalt  }
0x54: {  	_ =	shalt  }
0x55: {  	_ =	shalt  }
0x56: {  	_ =	shalt  }
0x57: {  	_ =	shalt  }
0x58: {  	_ =	shalt  }
0x59: {  	_ =	shalt  }
0x5a: {  	_ =	shalt  }
0x5b: {  	_ =	shalt  }
0x5c: {  	_ =	shalt  }
0x5d: {  	_ =	shalt  }
0x5e: {  	_ =	shalt  }
0x5f: {  	_ =	shalt  }
0x60: {  	_ =	shalt  }
0x61: {  	_ =	shalt  }
0x62: {  	_ =	shalt  }
0x63: {  	_ =	shalt  }
0x64: {  	_ =	shalt  }
0x65: {  	_ =	shalt  }
0x66: {  	_ =	shalt  }
0x67: {  	_ =	shalt  }
0x68: {  	_ =	shalt  }
0x69: {  	_ =	shalt  }
0x6a: {  	_ =	shalt  }
0x6b: {  	_ =	shalt  }
0x6c: {  	_ =	shalt  }
0x6d: {  	_ =	shalt  }
0x6e: {  	_ =	shalt  }
0x6f: {  	_ =	shalt  }
0x70: {  	_ =	shalt  }
0x71: {  	_ =	shalt  }
0x72: {  	_ =	shalt  }
0x73: {  	_ =	shalt  }
0x74: {  	_ =	shalt  }
0x75: {  	_ =	shalt  }
0x76: {  	_ =	shalt  }
0x77: {  	_ =	shalt  }
0x78: {  	_ =	shalt  }
0x79: {  	_ =	shalt  }
0x7a: {  	_ =	shalt  }
0x7b: {  	_ =	shalt  }
0x7c: {  	_ =	shalt  }
0x7d: {  	_ =	shalt  }
0x7e: {  	_ =	shalt  }
0x7f: {  	_ =	shalt  }
0x80: {  	_ =	shalt  }
0x81: {  	_ =	shalt  }
0x82: {  	_ =	shalt  }
0x83: {  	_ =	shalt  }
0x84: {  	_ =	shalt  }
0x85: {  	_ =	shalt  }
0x86: {  	_ =	shalt  }
0x87: {  	_ =	shalt  }
.Lfunc_end0:
.L_simem_size_0:
called_computation.1_lowered:
.L_overlay_start_0:
0x88: {  	s2 =	sld [smem:$0x3FD9]  }
0x89: {  	s3 =	sld [smem:$0x3FFE];
	_ =	sdelay $0x1  }
0x8a: {  	s1 =	srdreg.scid  }
0x8b: {  	s0 =	sand.u32 $0x1, s1  }
0x8c: {  	s17 =	sshll.u32 s0, $0xA;
	s2 =	sadd.s32 s3, s2  }
0x8d: {  	s2 =	sadd.s32 s2, s17  }
0x8e: {  	[smem:$0x3FB6] =	sst s2  }
0x8f: {  	_ = 	snop  }
0x90: {  	s2 =	sld [smem:$0x3FD0];
	(tm) =	ssettm $0x1  }
0x91: {  	s18 =	sld [smem:$0x3FFB];
	_ =	sdelay $0x3  }
0x92: {  	_ =	strace s18  }
0x93: {  	s3 =	sld [smem:$0x3FFC];
	_ =	sdelay $0x3  }
0x94: {  	_ =	strace s3  }
0x95: {  	s3 =	sld [smem:$0x3FFD];
	_ =	sdelay $0x3  }
0x96: {  	_ =	strace s3  }
0x97: {  	_ =	strace $0x8FFFFFFF  }
0x98: {  	s19 =	sld [smem:$0x3FDB];
	_ =	sdelay $0x1  }
0x99: {  	s4 =	simm.s32 $_scs_section_size  }
0x9a: {  	s5 =	simm.s32 $_size__tile_overlayer_lowered;
	s6 =	simm.s32 $_tile_overlayer_lowered  }
0x9b: {  	s22 =	simm.s32 $0x1BFF;
	s21 =	sshll.u32 s6, $0x1;
	s3 =	sadd.s32 s4, s19  }
0x9c: {  	s7 =	simm.s32 $0x0;
	s20 =	sshll.u32 s5, $0x1;
	s5 =	sadd.s32 s21, s3  }
0x9d: {  	[timem:s7], [sflag:s22] =	dma.local [hbm:s5], s20  }
0x9e: {  	_ =	swait.ge [sflag:s22], s20  }
0x9f: {  	s4 =	ssub.s32 $0x0, s20;
	[sflag:s22] =	ssyncset.done $0x0  }
0xa0: {  	[sflag:s22] =	ssyncadd.s32 s4;
	_ =	sdelay $0x1  }
0xa1: {  	s23 =	simm.s32 $0x1B8B  }
0xa2: {  	_ =	swait.ge [sflag:s23], $0x1  }
0xa3: {  	[sflag:s23] =	ssyncset.done $0x0  }
0xa4: {  	s25 =	simm.s32 $0x1B8E;
	s24 =	sld [smem:$0x3FFE];
	[sflag:s23] =	ssyncadd.s32 $0xFFFFFFFF  }
0xa5: {  	s26 =	simm.s32 $execute0_lowered;
	[smem:$0x3FD2] =	sst s25  }
0xa6: {  	s5 =	sshll.u32 s26, $0x1;
	_ =	strace $0x80000049;
	[dreg:$0x1] =	wrdreg $0xFFFFFFFF  }
0xa7: {  	s28 =	simm.s32 $_size_execute0_lowered;
	s3 =	sadd.s32 s3, s5;
	[dreg:$0x0] =	wrdreg $0x0  }
0xa8: {  	s5 =	sshll.u32 s28, $0x1;
	[dreg:$0x2] =	wrdreg s3  }
0xa9: {  	[dreg:$0x3] =	wrdreg s5  }
0xaa: {  	[dreg:$0x4] =	wrdreg $0xC0  }
0xab: {  	_ =	task [dreg:s7], $0x5FFFF  }
0xac: {  	[dreg:$0x1] =	wrdreg $0xFFFFFFFF  }
0xad: {  	[dreg:$0x0] =	wrdreg $0x60  }
0xae: {  	[dreg:$0x2] =	wrdreg s24  }
0xaf: {  	[dreg:$0x3] =	wrdreg s2  }
0xb0: {  	[dreg:$0x4] =	wrdreg $0x92000  }
0xb1: {  	[dreg:$0x5] =	wrdreg $0x9  }
0xb2: {  	_ =	task.clear_ibuf [dreg:s7], $0x6FFFF;
	_ =	strace $0x90000049  }
0xb3: {  	s29 =	simm.s32 $0x9;
	_ =	strace $0x8000004B  }
0xb4: {  	_ =	swait.ge [sflag:s29], $0x1  }
0xb5: {  	[sflag:s29] =	ssyncadd.s32 $0xFFFFFFFF  }
0xb6: {  	_ =	strace $0x9000004B  }
0xb7: {  	_ =	sfence  }
0xb8: {  	s30 =	sld [smem:$0x0];
	_ =	sdelay $0x2  }
0xb9: {  	s31 =	sshll.u32 s1, $0xD;
	s1 =	sshrl.u32 s1, $0x2  }
0xba: {  	s3 =	sand.u32 $0x4000, s31;
	s1 =	sadd.s32 s1, s30  }
0xbb: {  	s0 =	sor.u32 s3, s0;
	s1 =	sshll.u32 s1, $0x11  }
0xbc: {  	s0 =	sor.u32 s1, s0  }
0xbd: {  	s0 =	sadd.s32 $0x8F2B, s0  }
0xbe: {  	[sflag:s0] =	ssyncadd.remote.s32 $0x1  }
0xbf: {  	_ =	sfence.sel $0xFFFF  }
0xc0: {  	[dreg:$0x0] =	wrdreg $0xFFFFFFFF;
	(pc) =	sbr.abs _section_cstart, $3  }
0xc1: {  	[dreg:$0x1] =	wrdreg $0xFFFFFFFF  }
0xc2: {  	_ =	task.clear_ibuf [dreg:s7], $0x2FFFF;
	_ =	strace $0x9FFFFFFF  }
0xc3: {  	(tm) =	ssettm $0x7FFFFFFF  }
tec
execute0_lowered:
.L_overlay_start_1:
0x0: {  	(tag) =	ssettag $0x1  }
0x1: {  	s0 =	rddreg [dreg:$0x0]  }
0x2: {  	s1 =	rddreg [dreg:$0x1]  }
0x3: {  	s2 =	rddreg [dreg:$0x2];
	s10 =	stileid.u32  }
0x4: {  	s3 =	srdreg.scid;
	s8 =	smul.u32 $0x50000, s10  }
0x5: {  	s6 =	sand.u32 $0x1, s3;
	s3 =	simm.s32 $0x0;
	s7 =	smul.u32 $0x14000, s10  }
0x6: {  	s5 =	smul.u32 $0x140000, s6;
	[smem:$0x7FF] =	sst s3;
	s8 =	sshrl.u32 s8, $0x2  }
0x7: {  	s9 =	ssub.s32 $0x2, s6;
	s26 =	sshll.u32 s6, $0x4;
	s6 =	sadd.s32 s8, s2  }
0x8: {  	s4 =	sadd.s32 $0xC800, s0;
	_ =	strace $0x8000004A;
	s8 =	sadd.s32 $0x1000, s6  }
0x9: {  	s25 =	sshrl.u32 s9, $0x1;
	s12 =	sadd.s32 $0x2000, s6;
	[dreg:$0x4] =	wrdreg s8  }
0xa: {  	s11 =	sor.u32 s10, s26;
	s13 =	sadd.s32 $0x3000, s6;
	[dreg:$0x5] =	wrdreg s12  }
0xb: {  	s10 =	simm.s32 $0x80;
	s14 =	sadd.s32 $0x4000, s6;
	[dreg:$0x6] =	wrdreg s13  }
0xc: {  	s7 =	sadd.s32 s7, s5;
	s15 =	sadd.s32 $0x5000, s6;
	[dreg:$0x7] =	wrdreg s14  }
0xd: {  	s5 =	sadd.s32 $0x2800, s0;
	s16 =	sadd.s32 $0x6000, s6;
	[dreg:$0x8] =	wrdreg s15  }
0xe: {  	s7 =	sshrl.u32 s7, $0x3;
	s17 =	sadd.s32 $0x7000, s6;
	[dreg:$0x9] =	wrdreg s16  }
0xf: {  	s18 =	sadd.s32 $0x8000, s6;
	s19 =	sadd.s32 $0x9000, s6;
	[dreg:$0xa] =	wrdreg s17  }
0x10: {  	s20 =	sadd.s32 $0xA000, s6;
	s21 =	sadd.s32 $0xB000, s6;
	[dreg:$0xb] =	wrdreg s18  }
0x11: {  	s22 =	sadd.s32 $0xC000, s6;
	s28 =	sadd.s32 $0xE000, s6;
	[dreg:$0xc] =	wrdreg s19  }
0x12: {  	s29 =	sadd.s32 $0xF000, s6;
	s30 =	sadd.s32 $0x10000, s6;
	[dreg:$0xd] =	wrdreg s20  }
0x13: {  	s31 =	sadd.s32 $0x11000, s6;
	s0 =	sadd.s32 s7, s0;
	[dreg:$0xe] =	wrdreg s21  }
0x14: {  	s7 =	ssub.s32 s9, s25;
	s14 =	smul.u32 $0x2800, s11;
	[dreg:$0xf] =	wrdreg s22  }
0x15: {  	s8 =	simm.s32 $0x3;
	s9 =	simm.s32 $0x100;
	s11 =	simm.s32 $0x200  }
0x16: {  	s12 =	simm.s32 $0x4200;
	s13 =	simm.s32 $0x1;
	s23 =	sshrl.u32 s14, $0x3  }
0x17: {  	s15 =	simm.s32 $0x2;
	s16 =	simm.s32 $0x180;
	s24 =	sadd.s32 s1, s23  }
0x18: {  	s25 =	sadd.s32 s5, s23;
	s2 =	sor.u32 $0x10, s23;
	[dreg:$0x10] =	wrdreg s24  }
0x19: {  	s17 =	simm.s32 $0x0;
	[dreg:$0x11] =	wrdreg s25;
	s26 =	sadd.s32 s1, s2  }
0x1a: {  	s2 =	sadd.s32 s5, s2;
	s24 =	sadd.s32 $0x34800, s0;
	s25 =	smax.u32 s7, $0x1  }
0x1b: {  	s0 =	sadd.s32 $0x12000, s6;
	s7 =	simm.s32 $0x8200;
	[dreg:$0x12] =	wrdreg s26  }
0x1c: {  	v0 =	vimm.f32 $0.0e+00;
	[dreg:$0x13] =	wrdreg s2;
	s26 =	sadd.s32 $0xD000, s6;
	s2 =	sadd.s32 $0x13000, s6  }
.LBB2_1:
0x1d: {  	[tilespmem:$0x8200] =	vst v0  }
0x1e: {  	[tilespmem:$0x8210] =	vst v0  }
0x1f: {  	[tilespmem:$0x8220] =	vst v0  }
0x20: {  	[tilespmem:$0x8230] =	vst v0  }
0x21: {  	[tilespmem:$0x8240] =	vst v0  }
0x22: {  	[tilespmem:$0x8250] =	vst v0  }
0x23: {  	[tilespmem:$0x8260] =	vst v0  }
0x24: {  	[tilespmem:$0x8270] =	vst v0  }
0x25: {  	[tilespmem:$0x8280] =	vst v0  }
0x26: {  	[tilespmem:$0x8290] =	vst v0  }
0x27: {  	[tilespmem:$0x82A0] =	vst v0  }
0x28: {  	[tilespmem:$0x82B0] =	vst v0  }
0x29: {  	[tilespmem:$0x82C0] =	vst v0  }
0x2a: {  	[tilespmem:$0x82D0] =	vst v0  }
0x2b: {  	[tilespmem:$0x82E0] =	vst v0  }
0x2c: {  	[tilespmem:$0x82F0] =	vst v0  }
0x2d: {  	[tilespmem:$0x8300] =	vst v0  }
0x2e: {  	[tilespmem:$0x8310] =	vst v0  }
0x2f: {  	[tilespmem:$0x8320] =	vst v0  }
0x30: {  	[tilespmem:$0x8330] =	vst v0  }
0x31: {  	[tilespmem:$0x8340] =	vst v0  }
0x32: {  	[tilespmem:$0x8350] =	vst v0  }
0x33: {  	[tilespmem:$0x8360] =	vst v0  }
0x34: {  	[tilespmem:$0x8370] =	vst v0  }
0x35: {  	[tilespmem:$0x8380] =	vst v0  }
0x36: {  	[tilespmem:$0x8390] =	vst v0  }
0x37: {  	[tilespmem:$0x83A0] =	vst v0  }
0x38: {  	[tilespmem:$0x83B0] =	vst v0  }
0x39: {  	[tilespmem:$0x83C0] =	vst v0  }
0x3a: {  	[tilespmem:$0x83D0] =	vst v0  }
0x3b: {  	[tilespmem:$0x83E0] =	vst v0  }
0x3c: {  	[tilespmem:$0x83F0] =	vst v0  }
0x3d: {  	[tilespmem:$0x8400] =	vst v0  }
0x3e: {  	[tilespmem:$0x8410] =	vst v0  }
0x3f: {  	[tilespmem:$0x8420] =	vst v0  }
0x40: {  	[tilespmem:$0x8430] =	vst v0  }
0x41: {  	[tilespmem:$0x8440] =	vst v0  }
0x42: {  	[tilespmem:$0x8450] =	vst v0  }
0x43: {  	[tilespmem:$0x8460] =	vst v0  }
0x44: {  	[tilespmem:$0x8470] =	vst v0  }
0x45: {  	[tilespmem:$0x8480] =	vst v0  }
0x46: {  	[tilespmem:$0x8490] =	vst v0  }
0x47: {  	[tilespmem:$0x84A0] =	vst v0  }
0x48: {  	[tilespmem:$0x84B0] =	vst v0  }
0x49: {  	[tilespmem:$0x84C0] =	vst v0  }
0x4a: {  	[tilespmem:$0x84D0] =	vst v0  }
0x4b: {  	[tilespmem:$0x84E0] =	vst v0  }
0x4c: {  	[tilespmem:$0x84F0] =	vst v0  }
0x4d: {  	[tilespmem:$0x8500] =	vst v0  }
0x4e: {  	[tilespmem:$0x8510] =	vst v0  }
0x4f: {  	[tilespmem:$0x8520] =	vst v0  }
0x50: {  	[tilespmem:$0x8530] =	vst v0  }
0x51: {  	[tilespmem:$0x8540] =	vst v0  }
0x52: {  	[tilespmem:$0x8550] =	vst v0  }
0x53: {  	[tilespmem:$0x8560] =	vst v0  }
0x54: {  	[tilespmem:$0x8570] =	vst v0  }
0x55: {  	[tilespmem:$0x8580] =	vst v0  }
0x56: {  	[tilespmem:$0x8590] =	vst v0  }
0x57: {  	[tilespmem:$0x85A0] =	vst v0  }
0x58: {  	[tilespmem:$0x85B0] =	vst v0  }
0x59: {  	[tilespmem:$0x85C0] =	vst v0  }
0x5a: {  	[tilespmem:$0x85D0] =	vst v0  }
0x5b: {  	[tilespmem:$0x85E0] =	vst v0  }
0x5c: {  	[tilespmem:$0x85F0] =	vst v0  }
0x5d: {  	[tilespmem:$0x8600] =	vst v0  }
0x5e: {  	[tilespmem:$0x8610] =	vst v0  }
0x5f: {  	[tilespmem:$0x8620] =	vst v0  }
0x60: {  	[tilespmem:$0x8630] =	vst v0  }
0x61: {  	[tilespmem:$0x8640] =	vst v0  }
0x62: {  	[tilespmem:$0x8650] =	vst v0  }
0x63: {  	[tilespmem:$0x8660] =	vst v0  }
0x64: {  	[tilespmem:$0x8670] =	vst v0  }
0x65: {  	[tilespmem:$0x8680] =	vst v0  }
0x66: {  	[tilespmem:$0x8690] =	vst v0  }
0x67: {  	[tilespmem:$0x86A0] =	vst v0  }
0x68: {  	[tilespmem:$0x86B0] =	vst v0  }
0x69: {  	[tilespmem:$0x86C0] =	vst v0  }
0x6a: {  	[tilespmem:$0x86D0] =	vst v0  }
0x6b: {  	[tilespmem:$0x86E0] =	vst v0  }
0x6c: {  	[tilespmem:$0x86F0] =	vst v0  }
0x6d: {  	[tilespmem:$0x8700] =	vst v0  }
0x6e: {  	[tilespmem:$0x8710] =	vst v0  }
0x6f: {  	[tilespmem:$0x8720] =	vst v0  }
0x70: {  	[tilespmem:$0x8730] =	vst v0  }
0x71: {  	[tilespmem:$0x8740] =	vst v0  }
0x72: {  	[tilespmem:$0x8750] =	vst v0  }
0x73: {  	[tilespmem:$0x8760] =	vst v0  }
0x74: {  	[tilespmem:$0x8770] =	vst v0  }
0x75: {  	[tilespmem:$0x8780] =	vst v0  }
0x76: {  	[tilespmem:$0x8790] =	vst v0  }
0x77: {  	[tilespmem:$0x87A0] =	vst v0  }
0x78: {  	[tilespmem:$0x87B0] =	vst v0  }
0x79: {  	[tilespmem:$0x87C0] =	vst v0  }
0x7a: {  	[tilespmem:$0x87D0] =	vst v0  }
0x7b: {  	[tilespmem:$0x87E0] =	vst v0  }
0x7c: {  	[tilespmem:$0x87F0] =	vst v0  }
0x7d: {  	[tilespmem:$0x8800] =	vst v0  }
0x7e: {  	[tilespmem:$0x8810] =	vst v0  }
0x7f: {  	[tilespmem:$0x8820] =	vst v0  }
0x80: {  	[tilespmem:$0x8830] =	vst v0  }
0x81: {  	[tilespmem:$0x8840] =	vst v0  }
0x82: {  	[tilespmem:$0x8850] =	vst v0  }
0x83: {  	[tilespmem:$0x8860] =	vst v0  }
0x84: {  	[tilespmem:$0x8870] =	vst v0  }
0x85: {  	[tilespmem:$0x8880] =	vst v0  }
0x86: {  	[tilespmem:$0x8890] =	vst v0  }
0x87: {  	[tilespmem:$0x88A0] =	vst v0  }
0x88: {  	[tilespmem:$0x88B0] =	vst v0  }
0x89: {  	[tilespmem:$0x88C0] =	vst v0  }
0x8a: {  	[tilespmem:$0x88D0] =	vst v0  }
0x8b: {  	[tilespmem:$0x88E0] =	vst v0  }
0x8c: {  	[tilespmem:$0x88F0] =	vst v0  }
0x8d: {  	[tilespmem:$0x8900] =	vst v0  }
0x8e: {  	[tilespmem:$0x8910] =	vst v0  }
0x8f: {  	[tilespmem:$0x8920] =	vst v0  }
0x90: {  	[tilespmem:$0x8930] =	vst v0  }
0x91: {  	[tilespmem:$0x8940] =	vst v0  }
0x92: {  	[tilespmem:$0x8950] =	vst v0  }
0x93: {  	[tilespmem:$0x8960] =	vst v0  }
0x94: {  	[tilespmem:$0x8970] =	vst v0  }
0x95: {  	[tilespmem:$0x8980] =	vst v0  }
0x96: {  	[tilespmem:$0x8990] =	vst v0  }
0x97: {  	[tilespmem:$0x89A0] =	vst v0  }
0x98: {  	[tilespmem:$0x89B0] =	vst v0  }
0x99: {  	[tilespmem:$0x89C0] =	vst v0  }
0x9a: {  	[tilespmem:$0x89D0] =	vst v0  }
0x9b: {  	[tilespmem:$0x89E0] =	vst v0  }
0x9c: {  	[tilespmem:$0x89F0] =	vst v0  }
0x9d: {  	[tilespmem:$0x8A00] =	vst v0  }
0x9e: {  	[tilespmem:$0x8A10] =	vst v0  }
0x9f: {  	[tilespmem:$0x8A20] =	vst v0  }
0xa0: {  	[tilespmem:$0x8A30] =	vst v0  }
0xa1: {  	[tilespmem:$0x8A40] =	vst v0  }
0xa2: {  	[tilespmem:$0x8A50] =	vst v0  }
0xa3: {  	[tilespmem:$0x8A60] =	vst v0  }
0xa4: {  	[tilespmem:$0x8A70] =	vst v0  }
0xa5: {  	[tilespmem:$0x8A80] =	vst v0  }
0xa6: {  	[tilespmem:$0x8A90] =	vst v0  }
0xa7: {  	[tilespmem:$0x8AA0] =	vst v0  }
0xa8: {  	[tilespmem:$0x8AB0] =	vst v0  }
0xa9: {  	[tilespmem:$0x8AC0] =	vst v0  }
0xaa: {  	[tilespmem:$0x8AD0] =	vst v0  }
0xab: {  	[tilespmem:$0x8AE0] =	vst v0  }
0xac: {  	[tilespmem:$0x8AF0] =	vst v0  }
0xad: {  	[tilespmem:$0x8B00] =	vst v0  }
0xae: {  	[tilespmem:$0x8B10] =	vst v0  }
0xaf: {  	[tilespmem:$0x8B20] =	vst v0  }
0xb0: {  	[tilespmem:$0x8B30] =	vst v0  }
0xb1: {  	[tilespmem:$0x8B40] =	vst v0  }
0xb2: {  	[tilespmem:$0x8B50] =	vst v0  }
0xb3: {  	[tilespmem:$0x8B60] =	vst v0  }
0xb4: {  	[tilespmem:$0x8B70] =	vst v0  }
0xb5: {  	[tilespmem:$0x8B80] =	vst v0  }
0xb6: {  	[tilespmem:$0x8B90] =	vst v0  }
0xb7: {  	[tilespmem:$0x8BA0] =	vst v0  }
0xb8: {  	[tilespmem:$0x8BB0] =	vst v0  }
0xb9: {  	[tilespmem:$0x8BC0] =	vst v0  }
0xba: {  	[tilespmem:$0x8BD0] =	vst v0  }
0xbb: {  	[tilespmem:$0x8BE0] =	vst v0  }
0xbc: {  	[tilespmem:$0x8BF0] =	vst v0  }
0xbd: {  	[tilespmem:$0x8C00] =	vst v0  }
0xbe: {  	[tilespmem:$0x8C10] =	vst v0  }
0xbf: {  	[tilespmem:$0x8C20] =	vst v0  }
0xc0: {  	[tilespmem:$0x8C30] =	vst v0  }
0xc1: {  	[tilespmem:$0x8C40] =	vst v0  }
0xc2: {  	[tilespmem:$0x8C50] =	vst v0  }
0xc3: {  	[tilespmem:$0x8C60] =	vst v0  }
0xc4: {  	[tilespmem:$0x8C70] =	vst v0  }
0xc5: {  	[tilespmem:$0x8C80] =	vst v0  }
0xc6: {  	[tilespmem:$0x8C90] =	vst v0  }
0xc7: {  	[tilespmem:$0x8CA0] =	vst v0  }
0xc8: {  	[tilespmem:$0x8CB0] =	vst v0  }
0xc9: {  	[tilespmem:$0x8CC0] =	vst v0  }
0xca: {  	[tilespmem:$0x8CD0] =	vst v0  }
0xcb: {  	[tilespmem:$0x8CE0] =	vst v0  }
0xcc: {  	[tilespmem:$0x8CF0] =	vst v0  }
0xcd: {  	[tilespmem:$0x8D00] =	vst v0  }
0xce: {  	[tilespmem:$0x8D10] =	vst v0  }
0xcf: {  	[tilespmem:$0x8D20] =	vst v0  }
0xd0: {  	[tilespmem:$0x8D30] =	vst v0  }
0xd1: {  	[tilespmem:$0x8D40] =	vst v0  }
0xd2: {  	[tilespmem:$0x8D50] =	vst v0  }
0xd3: {  	[tilespmem:$0x8D60] =	vst v0  }
0xd4: {  	[tilespmem:$0x8D70] =	vst v0  }
0xd5: {  	[tilespmem:$0x8D80] =	vst v0  }
0xd6: {  	[tilespmem:$0x8D90] =	vst v0  }
0xd7: {  	[tilespmem:$0x8DA0] =	vst v0  }
0xd8: {  	[tilespmem:$0x8DB0] =	vst v0  }
0xd9: {  	[tilespmem:$0x8DC0] =	vst v0  }
0xda: {  	[tilespmem:$0x8DD0] =	vst v0  }
0xdb: {  	[tilespmem:$0x8DE0] =	vst v0  }
0xdc: {  	[tilespmem:$0x8DF0] =	vst v0  }
0xdd: {  	[tilespmem:$0x8E00] =	vst v0  }
0xde: {  	[tilespmem:$0x8E10] =	vst v0  }
0xdf: {  	[tilespmem:$0x8E20] =	vst v0  }
0xe0: {  	[tilespmem:$0x8E30] =	vst v0  }
0xe1: {  	[tilespmem:$0x8E40] =	vst v0  }
0xe2: {  	[tilespmem:$0x8E50] =	vst v0  }
0xe3: {  	[tilespmem:$0x8E60] =	vst v0  }
0xe4: {  	[tilespmem:$0x8E70] =	vst v0  }
0xe5: {  	[tilespmem:$0x8E80] =	vst v0  }
0xe6: {  	[tilespmem:$0x8E90] =	vst v0  }
0xe7: {  	[tilespmem:$0x8EA0] =	vst v0  }
0xe8: {  	[tilespmem:$0x8EB0] =	vst v0  }
0xe9: {  	[tilespmem:$0x8EC0] =	vst v0  }
0xea: {  	[tilespmem:$0x8ED0] =	vst v0  }
0xeb: {  	[tilespmem:$0x8EE0] =	vst v0  }
0xec: {  	[tilespmem:$0x8EF0] =	vst v0  }
0xed: {  	[tilespmem:$0x8F00] =	vst v0  }
0xee: {  	[tilespmem:$0x8F10] =	vst v0  }
0xef: {  	[tilespmem:$0x8F20] =	vst v0  }
0xf0: {  	[tilespmem:$0x8F30] =	vst v0  }
0xf1: {  	[tilespmem:$0x8F40] =	vst v0  }
0xf2: {  	[tilespmem:$0x8F50] =	vst v0  }
0xf3: {  	[tilespmem:$0x8F60] =	vst v0  }
0xf4: {  	[tilespmem:$0x8F70] =	vst v0  }
0xf5: {  	[tilespmem:$0x8F80] =	vst v0  }
0xf6: {  	[tilespmem:$0x8F90] =	vst v0  }
0xf7: {  	[tilespmem:$0x8FA0] =	vst v0  }
0xf8: {  	[tilespmem:$0x8FB0] =	vst v0  }
0xf9: {  	[tilespmem:$0x8FC0] =	vst v0  }
0xfa: {  	[tilespmem:$0x8FD0] =	vst v0  }
0xfb: {  	[tilespmem:$0x8FE0] =	vst v0  }
0xfc: {  	[tilespmem:$0x8FF0] =	vst v0  }
0xfd: {  	[tilespmem:$0x9000] =	vst v0  }
0xfe: {  	[tilespmem:$0x9010] =	vst v0  }
0xff: {  	[tilespmem:$0x9020] =	vst v0  }
0x100: {  	[tilespmem:$0x9030] =	vst v0  }
0x101: {  	[tilespmem:$0x9040] =	vst v0  }
0x102: {  	[tilespmem:$0x9050] =	vst v0  }
0x103: {  	[tilespmem:$0x9060] =	vst v0  }
0x104: {  	[tilespmem:$0x9070] =	vst v0  }
0x105: {  	[tilespmem:$0x9080] =	vst v0  }
0x106: {  	[tilespmem:$0x9090] =	vst v0  }
0x107: {  	[tilespmem:$0x90A0] =	vst v0  }
0x108: {  	[tilespmem:$0x90B0] =	vst v0  }
0x109: {  	[tilespmem:$0x90C0] =	vst v0  }
0x10a: {  	[tilespmem:$0x90D0] =	vst v0  }
0x10b: {  	[tilespmem:$0x90E0] =	vst v0  }
0x10c: {  	[tilespmem:$0x90F0] =	vst v0  }
0x10d: {  	[tilespmem:$0x9100] =	vst v0  }
0x10e: {  	[tilespmem:$0x9110] =	vst v0  }
0x10f: {  	[tilespmem:$0x9120] =	vst v0  }
0x110: {  	[tilespmem:$0x9130] =	vst v0  }
0x111: {  	[tilespmem:$0x9140] =	vst v0  }
0x112: {  	[tilespmem:$0x9150] =	vst v0  }
0x113: {  	[tilespmem:$0x9160] =	vst v0  }
0x114: {  	[tilespmem:$0x9170] =	vst v0  }
0x115: {  	[tilespmem:$0x9180] =	vst v0  }
0x116: {  	[tilespmem:$0x9190] =	vst v0  }
0x117: {  	[tilespmem:$0x91A0] =	vst v0  }
0x118: {  	[tilespmem:$0x91B0] =	vst v0  }
0x119: {  	[tilespmem:$0x91C0] =	vst v0  }
0x11a: {  	[tilespmem:$0x91D0] =	vst v0  }
0x11b: {  	[tilespmem:$0x91E0] =	vst v0  }
0x11c: {  	[tilespmem:$0x91F0] =	vst v0  }
0x11d: {  	[spmem:s6] =	stream.linear.scatter [tilespmem:s7], [sflag:$0x3], $0x1000, $0x38;
	[tilespmem:$0x1D200] =	vst v63  }
0x11e: {  	_ =	swait.ge [sflag:s8], $0x1000  }
0x11f: {  	[sflag:s8] =	ssyncset.done $0x0  }
0x120: {  	s18 =	rddreg [dreg:$0x4];
	[sflag:s8] =	ssyncadd.s32 $0xFFFFF000  }
0x121: {  	[spmem:s18] =	stream.linear.scatter [tilespmem:s7], [sflag:$0x3], $0x1000, $0x38;
	[tilespmem:$0x1D200] =	vst v63  }
0x122: {  	_ =	swait.ge [sflag:s8], $0x1000  }
0x123: {  	[sflag:s8] =	ssyncset.done $0x0  }
0x124: {  	s20 =	rddreg [dreg:$0x5];
	[sflag:s8] =	ssyncadd.s32 $0xFFFFF000  }
0x125: {  	[spmem:s20] =	stream.linear.scatter [tilespmem:s7], [sflag:$0x3], $0x1000, $0x38;
	[tilespmem:$0x1D200] =	vst v63  }
0x126: {  	_ =	swait.ge [sflag:s8], $0x1000  }
0x127: {  	[sflag:s8] =	ssyncset.done $0x0  }
0x128: {  	s21 =	rddreg [dreg:$0x6];
	[sflag:s8] =	ssyncadd.s32 $0xFFFFF000  }
0x129: {  	[spmem:s21] =	stream.linear.scatter [tilespmem:s7], [sflag:$0x3], $0x1000, $0x38;
	[tilespmem:$0x1D200] =	vst v63  }
0x12a: {  	_ =	swait.ge [sflag:s8], $0x1000  }
0x12b: {  	[sflag:s8] =	ssyncset.done $0x0  }
0x12c: {  	s22 =	rddreg [dreg:$0x7];
	[sflag:s8] =	ssyncadd.s32 $0xFFFFF000  }
0x12d: {  	[spmem:s22] =	stream.linear.scatter [tilespmem:s7], [sflag:$0x3], $0x1000, $0x38;
	[tilespmem:$0x1D200] =	vst v63  }
0x12e: {  	_ =	swait.ge [sflag:s8], $0x1000  }
0x12f: {  	[sflag:s8] =	ssyncset.done $0x0  }
0x130: {  	s23 =	rddreg [dreg:$0x8];
	[sflag:s8] =	ssyncadd.s32 $0xFFFFF000  }
0x131: {  	[spmem:s23] =	stream.linear.scatter [tilespmem:s7], [sflag:$0x3], $0x1000, $0x38;
	[tilespmem:$0x1D200] =	vst v63  }
0x132: {  	_ =	swait.ge [sflag:s8], $0x1000  }
0x133: {  	[sflag:s8] =	ssyncset.done $0x0  }
0x134: {  	s19 =	rddreg [dreg:$0x9];
	[sflag:s8] =	ssyncadd.s32 $0xFFFFF000  }
0x135: {  	[spmem:s19] =	stream.linear.scatter [tilespmem:s7], [sflag:$0x3], $0x1000, $0x38;
	[tilespmem:$0x1D200] =	vst v63  }
0x136: {  	_ =	swait.ge [sflag:s8], $0x1000  }
0x137: {  	[sflag:s8] =	ssyncset.done $0x0  }
0x138: {  	s20 =	rddreg [dreg:$0xa];
	[sflag:s8] =	ssyncadd.s32 $0xFFFFF000  }
0x139: {  	[spmem:s20] =	stream.linear.scatter [tilespmem:s7], [sflag:$0x3], $0x1000, $0x38;
	[tilespmem:$0x1D200] =	vst v63  }
0x13a: {  	_ =	swait.ge [sflag:s8], $0x1000  }
0x13b: {  	[sflag:s8] =	ssyncset.done $0x0  }
0x13c: {  	s21 =	rddreg [dreg:$0xb];
	[sflag:s8] =	ssyncadd.s32 $0xFFFFF000  }
0x13d: {  	[spmem:s21] =	stream.linear.scatter [tilespmem:s7], [sflag:$0x3], $0x1000, $0x38;
	[tilespmem:$0x1D200] =	vst v63  }
0x13e: {  	_ =	swait.ge [sflag:s8], $0x1000  }
0x13f: {  	[sflag:s8] =	ssyncset.done $0x0  }
0x140: {  	s22 =	rddreg [dreg:$0xc];
	[sflag:s8] =	ssyncadd.s32 $0xFFFFF000  }
0x141: {  	[spmem:s22] =	stream.linear.scatter [tilespmem:s7], [sflag:$0x3], $0x1000, $0x38;
	[tilespmem:$0x1D200] =	vst v63  }
0x142: {  	_ =	swait.ge [sflag:s8], $0x1000  }
0x143: {  	[sflag:s8] =	ssyncset.done $0x0  }
0x144: {  	s23 =	rddreg [dreg:$0xd];
	[sflag:s8] =	ssyncadd.s32 $0xFFFFF000  }
0x145: {  	[spmem:s23] =	stream.linear.scatter [tilespmem:s7], [sflag:$0x3], $0x1000, $0x38;
	[tilespmem:$0x1D200] =	vst v63  }
0x146: {  	_ =	swait.ge [sflag:s8], $0x1000  }
0x147: {  	[sflag:s8] =	ssyncset.done $0x0  }
0x148: {  	s19 =	rddreg [dreg:$0xe];
	[sflag:s8] =	ssyncadd.s32 $0xFFFFF000  }
0x149: {  	[spmem:s19] =	stream.linear.scatter [tilespmem:s7], [sflag:$0x3], $0x1000, $0x38;
	[tilespmem:$0x1D200] =	vst v63  }
0x14a: {  	_ =	swait.ge [sflag:s8], $0x1000  }
0x14b: {  	[sflag:s8] =	ssyncset.done $0x0  }
0x14c: {  	s20 =	rddreg [dreg:$0xf];
	[sflag:s8] =	ssyncadd.s32 $0xFFFFF000  }
0x14d: {  	[spmem:s20] =	stream.linear.scatter [tilespmem:s7], [sflag:$0x3], $0x1000, $0x38;
	[tilespmem:$0x1D200] =	vst v63  }
0x14e: {  	_ =	swait.ge [sflag:s8], $0x1000  }
0x14f: {  	[sflag:s8] =	ssyncset.done $0x0  }
0x150: {  	[sflag:s8] =	ssyncadd.s32 $0xFFFFF000  }
0x151: {  	[spmem:s26] =	stream.linear.scatter [tilespmem:s7], [sflag:$0x3], $0x1000, $0x38;
	[tilespmem:$0x1D200] =	vst v63  }
0x152: {  	_ =	swait.ge [sflag:s8], $0x1000  }
0x153: {  	[sflag:s8] =	ssyncset.done $0x0  }
0x154: {  	[sflag:s8] =	ssyncadd.s32 $0xFFFFF000  }
0x155: {  	[spmem:s28] =	stream.linear.scatter [tilespmem:s7], [sflag:$0x3], $0x1000, $0x38;
	[tilespmem:$0x1D200] =	vst v63  }
0x156: {  	_ =	swait.ge [sflag:s8], $0x1000  }
0x157: {  	[sflag:s8] =	ssyncset.done $0x0  }
0x158: {  	[sflag:s8] =	ssyncadd.s32 $0xFFFFF000  }
0x159: {  	[spmem:s29] =	stream.linear.scatter [tilespmem:s7], [sflag:$0x3], $0x1000, $0x38;
	[tilespmem:$0x1D200] =	vst v63  }
0x15a: {  	_ =	swait.ge [sflag:s8], $0x1000  }
0x15b: {  	[sflag:s8] =	ssyncset.done $0x0  }
0x15c: {  	[sflag:s8] =	ssyncadd.s32 $0xFFFFF000  }
0x15d: {  	[spmem:s30] =	stream.linear.scatter [tilespmem:s7], [sflag:$0x3], $0x1000, $0x38;
	[tilespmem:$0x1D200] =	vst v63  }
0x15e: {  	_ =	swait.ge [sflag:s8], $0x1000  }
0x15f: {  	[sflag:s8] =	ssyncset.done $0x0  }
0x160: {  	[sflag:s8] =	ssyncadd.s32 $0xFFFFF000  }
0x161: {  	[spmem:s31] =	stream.linear.scatter [tilespmem:s7], [sflag:$0x3], $0x1000, $0x38;
	[tilespmem:$0x1D200] =	vst v63  }
0x162: {  	_ =	swait.ge [sflag:s8], $0x1000  }
0x163: {  	[sflag:s8] =	ssyncset.done $0x0  }
0x164: {  	[sflag:s8] =	ssyncadd.s32 $0xFFFFF000  }
0x165: {  	[spmem:s0] =	stream.linear.scatter [tilespmem:s7], [sflag:$0x3], $0x1000, $0x38;
	[tilespmem:$0x1D200] =	vst v63  }
0x166: {  	_ =	swait.ge [sflag:s8], $0x1000  }
0x167: {  	[sflag:s8] =	ssyncset.done $0x0  }
0x168: {  	[sflag:s8] =	ssyncadd.s32 $0xFFFFF000  }
0x169: {  	[spmem:s2] =	stream.linear.scatter [tilespmem:s7], [sflag:$0x3], $0x1000, $0x38;
	[tilespmem:$0x1D200] =	vst v63  }
0x16a: {  	_ =	swait.ge [sflag:s8], $0x1000  }
0x16b: {  	[sflag:s8] =	ssyncset.done $0x0  }
0x16c: {  	[sflag:s8] =	ssyncadd.s32 $0xFFFFF000  }
0x16d: {  	[bflag:$0x0] =	sbarrier.arrive $0xFFFF  }
0x16e: {  	s21 =	rddreg [dreg:$0x10]  }
0x16f: {  	[tilespmem:s3], [sflag:$0x3] =	stream.linear.gather [hbm4b:s21+s3], $0x80, $0x38;
	[tilespmem:$0x1D200] =	vst v63  }
0x170: {  	_ =	swait.ge [sflag:s8], $0x80  }
0x171: {  	[sflag:s8] =	ssyncset.done $0x0  }
0x172: {  	s22 =	rddreg [dreg:$0x11];
	[sflag:s8] =	ssyncadd.s32 $0xFFFFFF80  }
0x173: {  	[tilespmem:s9], [sflag:$0x3] =	stream.linear.gather [hbm4b:s22+s3], $0x80, $0x38;
	[tilespmem:$0x1D200] =	vst v63  }
0x174: {  	_ =	swait.ge [sflag:s8], $0x80  }
0x175: {  	[sflag:s8] =	ssyncset.done $0x0  }
0x176: {  	[sflag:s8] =	ssyncadd.s32 $0xFFFFFF80  }
0x177: {  	[tilespmem:s11], [sflag:$0x1] =	stream.indirect.gather [hbm4b:s4+s10], $0x80, s3, s10, $0xb8;
	[tilespmem:$0x1D200] =	vst v63  }
0x178: {  	s23 =	rddreg [dreg:$0x12]  }
0x179: {  	[tilespmem:s10], [sflag:$0x3] =	stream.linear.gather [hbm4b:s23+s3], $0x80, $0x38;
	[tilespmem:$0x1D200] =	vst v63  }
0x17a: {  	_ =	swait.ge [sflag:s8], $0x80  }
0x17b: {  	[sflag:s8] =	ssyncset.done $0x0  }
0x17c: {  	s19 =	rddreg [dreg:$0x13];
	[sflag:s8] =	ssyncadd.s32 $0xFFFFFF80  }
0x17d: {  	[tilespmem:s16], [sflag:$0x3] =	stream.linear.gather [hbm4b:s19+s3], $0x80, $0x38;
	[tilespmem:$0x1D200] =	vst v63  }
0x17e: {  	s20 =	simm.s32 $0x100;
	_ =	swait.ge [sflag:s8], $0x80  }
0x17f: {  	s19 =	sand.u32 $0x7C00, s20;
	[sflag:s8] =	ssyncset.done $0x0  }
0x180: {  	s18 =	sand.u32 $0x300, s20;
	s19 =	sadd.s32 s14, s19;
	[sflag:s8] =	ssyncadd.s32 $0xFFFFFF80  }
0x181: {  	[tilespmem:s12], [sflag:$0x2] =	stream.indirect.gather [hbm4b:s4+s10], $0x80, s10, s10, $0xb8;
	[tilespmem:$0x1D200] =	vst v63  }
0x182: {  	s18 =	sor.u32 s18, s19;
	_ =	swait.ge [sflag:s13], $0x4000  }
0x183: {  	s18 =	sshrl.u32 s18, $0x3;
	[sflag:s13] =	ssyncset.done $0x0  }
0x184: {  	s21 =	sadd.s32 s1, s18;
	[sflag:s13] =	ssyncadd.s32 $0xFFFFC000  }
0x185: {  	[tilespmem:s3], [sflag:$0x3] =	stream.linear.gather [hbm4b:s21+s3], $0x80, $0x38;
	[tilespmem:$0x1D200] =	vst v63  }
0x186: {  	_ =	swait.ge [sflag:s8], $0x80  }
0x187: {  	[sflag:s8] =	ssyncset.done $0x0  }
0x188: {  	s18 =	sadd.s32 s5, s18;
	[sflag:s8] =	ssyncadd.s32 $0xFFFFFF80  }
0x189: {  	[tilespmem:s9], [sflag:$0x3] =	stream.linear.gather [hbm4b:s18+s3], $0x80, $0x38;
	[tilespmem:$0x1D200] =	vst v63  }
0x18a: {  	_ =	swait.ge [sflag:s8], $0x80  }
0x18b: {  	s22 =	sand.u32 $0x7C00, s16;
	[sflag:s8] =	ssyncset.done $0x0  }
0x18c: {  	s23 =	sand.u32 $0x380, s16;
	s18 =	sadd.s32 s14, s22;
	[sflag:s8] =	ssyncadd.s32 $0xFFFFFF80  }
0x18d: {  	[tilespmem:s11], [sflag:$0x1] =	stream.indirect.gather [hbm4b:s4+s10], $0x80, s3, s10, $0xb8;
	[tilespmem:$0x1D200] =	vst v63  }
0x18e: {  	s18 =	sor.u32 s23, s18;
	_ =	swait.ge [sflag:s15], $0x4000  }
0x18f: {  	s22 =	sshrl.u32 s18, $0x3;
	[sflag:s15] =	ssyncset.done $0x0  }
0x190: {  	s18 =	sadd.s32 s1, s22;
	[sflag:s15] =	ssyncadd.s32 $0xFFFFC000  }
0x191: {  	[tilespmem:s10], [sflag:$0x3] =	stream.linear.gather [hbm4b:s18+s3], $0x80, $0x38;
	[tilespmem:$0x1D200] =	vst v63  }
0x192: {  	s19 =	simm.s32 $0x200;
	_ =	swait.ge [sflag:s8], $0x80  }
0x193: {  	s20 =	simm.s32 $0x380;
	s21 =	sand.u32 $0x7C00, s19;
	[sflag:s8] =	ssyncset.done $0x0  }
0x194: {  	s22 =	sadd.s32 s5, s22;
	s18 =	simm.s32 $0x280;
	[sflag:s8] =	ssyncadd.s32 $0xFFFFFF80  }
.LBB2_2:
0x195: {  	[tilespmem:s16], [sflag:$0x3] =	stream.linear.gather [hbm4b:s22+s3], $0x80, $0x38;
	[tilespmem:$0x1D200] =	vst v63  }
0x196: {  	s22 =	smov.u32 s20  }
0x197: {  	s21 =	sadd.s32 s14, s21;
	s19 =	sand.u32 $0x300, s19;
	_ =	swait.ge [sflag:s8], $0x80  }
0x198: {  	s23 =	sadd.s32 $0x100, s20;
	s19 =	sor.u32 s19, s21;
	[sflag:s8] =	ssyncset.done $0x0  }
0x199: {  	p0 =	sne.s32 s20, $0x2780;
	s19 =	sshrl.u32 s19, $0x3;
	[sflag:s8] =	ssyncadd.s32 $0xFFFFFF80  }
0x19a: {  	[tilespmem:s12], [sflag:$0x2] =	stream.indirect.gather [hbm4b:s4+s10], $0x80, s10, s10, $0xb8;
	[tilespmem:$0x1D200] =	vst v63  }
0x19b: {  	_ =	swait.ge [sflag:s13], $0x4000  }
0x19c: {  	[sflag:s13] =	ssyncset.done $0x0  }
0x19d: {  	s20 =	sadd.s32 s1, s19;
	[sflag:s13] =	ssyncadd.s32 $0xFFFFC000  }
0x19e: {  	[tilespmem:s3], [sflag:$0x3] =	stream.linear.gather [hbm4b:s20+s3], $0x80, $0x38;
	[tilespmem:$0x1D200] =	vst v63  }
0x19f: {  	_ =	swait.ge [sflag:s8], $0x80  }
0x1a0: {  	[sflag:s8] =	ssyncset.done $0x0  }
0x1a1: {  	s19 =	sadd.s32 s5, s19;
	[sflag:s8] =	ssyncadd.s32 $0xFFFFFF80  }
0x1a2: {  	[tilespmem:s9], [sflag:$0x3] =	stream.linear.gather [hbm4b:s19+s3], $0x80, $0x38;
	[tilespmem:$0x1D200] =	vst v63  }
0x1a3: {  	_ =	swait.ge [sflag:s8], $0x80  }
0x1a4: {  	[sflag:s8] =	ssyncset.done $0x0  }
0x1a5: {  	s19 =	sand.u32 $0x7C00, s18;
	[sflag:s8] =	ssyncadd.s32 $0xFFFFFF80  }
0x1a6: {  	[tilespmem:s11], [sflag:$0x1] =	stream.indirect.gather [hbm4b:s4+s10], $0x80, s3, s10, $0xb8;
	[tilespmem:$0x1D200] =	vst v63  }
0x1a7: {  	s18 =	sand.u32 $0x380, s18;
	s19 =	sadd.s32 s14, s19;
	_ =	swait.ge [sflag:s15], $0x4000  }
0x1a8: {  	s19 =	sor.u32 s18, s19;
	s18 =	smov.u32 s22;
	[sflag:s15] =	ssyncset.done $0x0  }
0x1a9: {  	s20 =	sshrl.u32 s19, $0x3;
	[sflag:s15] =	ssyncadd.s32 $0xFFFFC000  }
.Ltmp0:
0x1aa: {  	s19 =	sadd.s32 s1, s20;
	(pc) =	sbr.rel @p0 .LBB2_2-.Ltmp0, $4  }
0x1ab: {  	[tilespmem:s10], [sflag:$0x3] =	stream.linear.gather [hbm4b:s19+s3], $0x80, $0x38;
	[tilespmem:$0x1D200] =	vst v63  }
0x1ac: {  	_ =	swait.ge [sflag:s8], $0x80  }
0x1ad: {  	s22 =	sadd.s32 s5, s20;
	s19 =	sadd.s32 $0xFFFFFF80, s18;
	[sflag:s8] =	ssyncset.done $0x0  }
0x1ae: {  	s20 =	smov.u32 s23;
	s21 =	sand.u32 $0x7C00, s19;
	[sflag:s8] =	ssyncadd.s32 $0xFFFFFF80  }
0x1af: {  	[tilespmem:s16], [sflag:$0x3] =	stream.linear.gather [hbm4b:s22+s3], $0x80, $0x38;
	[tilespmem:$0x1D200] =	vst v63  }
0x1b0: {  	_ =	swait.ge [sflag:s8], $0x80  }
0x1b1: {  	[sflag:s8] =	ssyncset.done $0x0  }
0x1b2: {  	s20 =	sadd.s32 s14, s21;
	s19 =	sand.u32 $0x300, s19;
	[sflag:s8] =	ssyncadd.s32 $0xFFFFFF80  }
0x1b3: {  	[tilespmem:s12], [sflag:$0x2] =	stream.indirect.gather [hbm4b:s4+s10], $0x80, s10, s10, $0xb8;
	[tilespmem:$0x1D200] =	vst v63  }
0x1b4: {  	s19 =	sor.u32 s19, s20;
	_ =	swait.ge [sflag:s13], $0x4000  }
0x1b5: {  	s19 =	sshrl.u32 s19, $0x3;
	[sflag:s13] =	ssyncset.done $0x0  }
0x1b6: {  	s22 =	sadd.s32 s1, s19;
	[sflag:s13] =	ssyncadd.s32 $0xFFFFC000  }
0x1b7: {  	[tilespmem:s3], [sflag:$0x3] =	stream.linear.gather [hbm4b:s22+s3], $0x80, $0x38;
	[tilespmem:$0x1D200] =	vst v63  }
0x1b8: {  	_ =	swait.ge [sflag:s8], $0x80  }
0x1b9: {  	[sflag:s8] =	ssyncset.done $0x0  }
0x1ba: {  	s19 =	sadd.s32 s5, s19;
	[sflag:s8] =	ssyncadd.s32 $0xFFFFFF80  }
0x1bb: {  	[tilespmem:s9], [sflag:$0x3] =	stream.linear.gather [hbm4b:s19+s3], $0x80, $0x38;
	[tilespmem:$0x1D200] =	vst v63  }
0x1bc: {  	_ =	swait.ge [sflag:s8], $0x80  }
0x1bd: {  	s23 =	sand.u32 $0x7C00, s18;
	[sflag:s8] =	ssyncset.done $0x0  }
0x1be: {  	s20 =	sand.u32 $0x380, s18;
	s19 =	sadd.s32 s14, s23;
	[sflag:s8] =	ssyncadd.s32 $0xFFFFFF80  }
0x1bf: {  	[tilespmem:s11], [sflag:$0x1] =	stream.indirect.gather [hbm4b:s4+s10], $0x80, s3, s10, $0xb8;
	[tilespmem:$0x1D200] =	vst v63  }
0x1c0: {  	s18 =	sor.u32 s20, s19;
	_ =	swait.ge [sflag:s15], $0x4000  }
0x1c1: {  	s18 =	sshrl.u32 s18, $0x3;
	[sflag:s15] =	ssyncset.done $0x0  }
0x1c2: {  	s21 =	sadd.s32 s1, s18;
	[sflag:s15] =	ssyncadd.s32 $0xFFFFC000  }
0x1c3: {  	[tilespmem:s10], [sflag:$0x3] =	stream.linear.gather [hbm4b:s21+s3], $0x80, $0x38;
	[tilespmem:$0x1D200] =	vst v63  }
0x1c4: {  	_ =	swait.ge [sflag:s8], $0x80  }
0x1c5: {  	[sflag:s8] =	ssyncset.done $0x0  }
0x1c6: {  	s18 =	sadd.s32 s5, s18;
	[sflag:s8] =	ssyncadd.s32 $0xFFFFFF80  }
0x1c7: {  	[tilespmem:s16], [sflag:$0x3] =	stream.linear.gather [hbm4b:s18+s3], $0x80, $0x38;
	[tilespmem:$0x1D200] =	vst v63  }
0x1c8: {  	_ =	swait.ge [sflag:s8], $0x80  }
0x1c9: {  	[sflag:s8] =	ssyncset.done $0x0  }
0x1ca: {  	[sflag:s8] =	ssyncadd.s32 $0xFFFFFF80  }
0x1cb: {  	[tilespmem:s12], [sflag:$0x2] =	stream.indirect.gather [hbm4b:s4+s10], $0x80, s10, s10, $0xb8;
	[tilespmem:$0x1D200] =	vst v63  }
0x1cc: {  	_ =	swait.ge [sflag:s13], $0x4000  }
0x1cd: {  	[sflag:s13] =	ssyncset.done $0x0  }
0x1ce: {  	[sflag:s13] =	ssyncadd.s32 $0xFFFFC000  }
0x1cf: {  	s17 =	sadd.s32 $0x1, s17;
	_ =	swait.ge [sflag:s15], $0x4000  }
0x1d0: {  	p0 =	sne.s32 s17, s25;
	s22 =	stileid.u32;
	[sflag:s15] =	ssyncset.done $0x0  }
0x1d1: {  	s23 =	sshrl.u32 s6, $0x3;
	s18 =	sshll.u32 s22, $0x6;
	[sflag:s15] =	ssyncadd.s32 $0xFFFFC000  }
.Ltmp1:
0x1d2: {  	s18 =	sor.u32 $0x1C03, s18;
	[bflag:$0x0] =	sbarrier.arrive $0xFFFF;
	(pc) =	sbr.rel @p0 .LBB2_1-.Ltmp1, $4  }
0x1d3: {  	[hbm:s24], [sflag:s18] =	dma.local [spmem:s23], $0x2800  }
0x1d4: {  	_ =	swait.ge [sflag:s8], $0x2800  }
0x1d5: {  	[sflag:s8] =	ssyncset.done $0x0  }
0x1d6: {  	[sflag:s8] =	ssyncadd.s32 $0xFFFFD800  }
0x1d7: {  	_ =	sfence.sel $0x180000  }
0x1d8: {  	[bflag:$0x0] =	sbarrier.arrive $0xFFFF  }
0x1d9: {  	_ =	strace $0x9000004A  }
0x1da: {  	s0 =	stileid.u32;
	[bflag:$0x2] =	sbarrier.arrive $0xFFFF  }
0x1db: {  	p0 =	sne.s32 s0, $0x0;
	s0 =	rddreg [dreg:$0x3]  }
0x1dc: {  	s0 =	sadd.s32 @!p0 $0x100000, s0  }
0x1dd: {  	[sflag:s0] =	ssyncadd.tile.s32 @!p0 $0x1;
	_ =	shalt  }
.Lfunc_end2:
_tile_overlayer_lowered:
.L_overlay_start_2:
0x1de: {  	(tag) =	ssettag $0x2  }
0x1df: {  	s0 =	rddreg [dreg:$0x0];
	s2 =	stileid.u32  }
0x1e0: {  	s1 =	rddreg [dreg:$0x1];
	p0 =	sne.s32 s2, $0x0  }
0x1e1: {  	s3 =	rddreg [dreg:$0x2];
	[bflag:$0x3] =	sbarrier.arrive $0xFFFF;
	s2 =	simm.s32 @!p0 $0x1C03  }
0x1e2: {  	[timem:s3], [sflag:s2] =	dma.local @!p0 [hbm:s0], s1  }
0x1e3: {  	s0 =	simm.s32 @!p0 $0x3  }
0x1e4: {  	_ =	swait.ge @!p0 [sflag:s0], s1  }
0x1e5: {  	s1 =	ssub.s32 @!p0 $0x0, s1;
	[sflag:s0] =	ssyncset.done @!p0 $0x0  }
0x1e6: {  	[sflag:s0] =	ssyncadd.s32 @!p0 s1  }
0x1e7: {  	[bflag:$0x3] =	sbarrier.arrive $0xFFFF  }
0x1e8: {  	_ =	shalt  }

// kernel: kernel.7.cloned.1.call-start
scs
__scs_entry_jumppad:
0x0: {  	(pc) =	sbr.rel $0x88, $3  }
0x1: {  	(tag) =	ssettag $0x0;
	lr =	simm.s32 $0x1  }
0x2: {  	[smem:$0x3F8F] =	sst lr;
	_ =	strace $0xD0000000  }
0x3: {  	_ = 	snop  }
0x4: {  	_ = 	snop  }
0x5: {  	_ = 	snop  }
0x6: {  	_ = 	snop  }
0x7: {  	_ = 	snop  }
__scs_overlays_trampoline_lowered:
0x8: {  	[smem:$0x3F9E] =	sst s0  }
0x9: {  	[smem:$0x3F9F] =	sst s1  }
0xa: {  	[smem:$0x3FA0] =	sst s2  }
0xb: {  	[smem:$0x3FA1] =	sst s3  }
0xc: {  	[smem:$0x3FA2] =	sst s4  }
0xd: {  	[smem:$0x3FA3] =	sst s5  }
0xe: {  	[smem:$0x3FA4] =	sst s6  }
0xf: {  	[smem:$0x3FA5] =	sst s7  }
0x10: {  	[smem:$0x3FA6] =	sst s8  }
0x11: {  	[smem:$0x3FA7] =	sst s9;
	s0 =	simm.s32 @!p0 $0x0  }
0x12: {  	s1 =	sld [smem:$0x3F8D];
	s0 =	simm.s32 @p0 $0x1  }
0x13: {  	[smem:$0x3FA8] =	sst s0;
	s0 =	simm.s32 @!p1 $0x0  }
0x14: {  	s2 =	sld [smem:$0x3F8C];
	s0 =	simm.s32 @p1 $0x1  }
0x15: {  	[smem:$0x3FA9] =	sst s0;
	s0 =	simm.s32 @!p2 $0x0  }
0x16: {  	s3 =	sld [smem:$0x3FDB];
	s0 =	simm.s32 @p2 $0x1  }
0x17: {  	s4 =	simm.s32 $0x1BF5;
	[smem:$0x3FAB] =	sst s0  }
0x18: {  	s0 =	sld [smem:$0x3F8E];
	_ =	swait.ge [sflag:s4], $0x0  }
0x19: {  	s7 =	sld [smem:$0x3F8F]  }
0x1a: {  	s8 =	sadd.s32 $0xFFFFE003, lr  }
0x1b: {  	s9 =	sadd.s32 $0xFFFFFEF7, lr;
	s5 =	simm.s32 $0xFFFFFFFF;
	p2 =	slt.u32 s8, $0xFFFFF086  }
0x1c: {  	p1 =	slt.u32 s9, $0xF7A;
	s5 =	simm.s32 @!p2 $0x0  }
0x1d: {  	s5 =	simm.s32 @p1 $0x1;
	p0 =	seq.s32 s7, s2  }
0x1e: {  	s7 =	smul.u32 @!p0 $0xF7A, s2;
	p2 =	seq.s32 @!p0 s5, $0x0  }
0x1f: {  	s9 =	smul.u32 $0xF7A, s1;
	s8 =	simm.s32 @!p0 $0x1BF5;
	p2 =	por !p2, p0  }
0x20: {  	[sflag:s8] =	ssyncset.s32 @!p0 $0xFFFFF086;
	s6 =	sadd.s32 @!p0 s3, s7;
	s7 =	simm.s32 @!p0 $0x108  }
0x21: {  	s3 =	sadd.s32 s3, s9;
	s6 =	sadd.s32 @!p0 $0x88, s6;
	s7 =	simm.s32 @p2 $0x1082  }
0x22: {  	[simem:s7], [sflag:s8] =	dma.local @!p0 [hbm:s6], $0xF7A  }
0x23: {  	s9 =	sor.u32 $0xD0000000, s2;
	s6 =	simm.s32 $0x108;
	_ =	swait.ge @!p0 [sflag:s8], $0x0  }
0x24: {  	s3 =	sadd.s32 $0x88, s3;
	s6 =	simm.s32 @!p1 $0x1082;
	[sflag:s4] =	ssyncset.s32 $0xFFFFF086  }
0x25: {  	[simem:s6], [sflag:s4] =	dma.local [hbm:s3], $0xF7A  }
0x26: {  	[smem:$0x3F8F] =	sst s1;
	(tag) =	ssettag s2;
	_ =	strace s9  }
0x27: {  	s1 =	sld [smem:$0x3F9F]  }
0x28: {  	s2 =	sld [smem:$0x3FA0]  }
0x29: {  	s4 =	sld [smem:$0x3FA2]  }
0x2a: {  	p0 =	seq.s32 s5, $0x0;
	s5 =	sld [smem:$0x3FA3]  }
0x2b: {  	s6 =	sld [smem:$0x3FA4]  }
0x2c: {  	s7 =	sld [smem:$0x3FA5]  }
0x2d: {  	s3 =	simm.s32 $0x108;
	s8 =	sld [smem:$0x3FA6]  }
0x2e: {  	s3 =	simm.s32 @!p0 $0x1082;
	s9 =	sld [smem:$0x3FA7]  }
0x2f: {  	lr =	sadd.s32 s0, s3;
	s0 =	sld [smem:$0x3F9E]  }
0x30: {  	s3 =	sld [smem:$0x3FA1]  }
0x31: {  	[smem:$0x3FAA] =	sst s10  }
0x32: {  	s10 =	sld [smem:$0x3FA8];
	_ =	sdelay $0x3  }
0x33: {  	p0 =	seq.s32 s10, $0x1;
	s10 =	sld [smem:$0x3FAA];
	_ =	sdelay $0x3  }
0x34: {  	[smem:$0x3FAA] =	sst s10  }
0x35: {  	s10 =	sld [smem:$0x3FA9];
	_ =	sdelay $0x3  }
0x36: {  	p1 =	seq.s32 s10, $0x1;
	s10 =	sld [smem:$0x3FAA];
	_ =	sdelay $0x3  }
0x37: {  	[smem:$0x3FAA] =	sst s10  }
0x38: {  	s10 =	sld [smem:$0x3FAB]  }
0x39: {  	_ = 	snop;
	(pc) =	sbr.ind lr, $3  }
0x3a: {  	_ = 	snop  }
0x3b: {  	_ = 	snop  }
0x3c: {  	p2 =	seq.s32 s10, $0x1;
	s10 =	sld [smem:$0x3FAA]  }
0x3d: {  	_ =	shalt  }
0x3e: {  	_ =	shalt  }
0x3f: {  	_ =	shalt  }
0x40: {  	_ =	shalt  }
0x41: {  	_ =	shalt  }
0x42: {  	_ =	shalt  }
0x43: {  	_ =	shalt  }
0x44: {  	_ =	shalt  }
0x45: {  	_ =	shalt  }
0x46: {  	_ =	shalt  }
0x47: {  	_ =	shalt  }
0x48: {  	_ =	shalt  }
0x49: {  	_ =	shalt  }
0x4a: {  	_ =	shalt  }
0x4b: {  	_ =	shalt  }
0x4c: {  	_ =	shalt  }
0x4d: {  	_ =	shalt  }
0x4e: {  	_ =	shalt  }
0x4f: {  	_ =	shalt  }
0x50: {  	_ =	shalt  }
0x51: {  	_ =	shalt  }
0x52: {  	_ =	shalt  }
0x53: {  	_ =	shalt  }
0x54: {  	_ =	shalt  }
0x55: {  	_ =	shalt  }
0x56: {  	_ =	shalt  }
0x57: {  	_ =	shalt  }
0x58: {  	_ =	shalt  }
0x59: {  	_ =	shalt  }
0x5a: {  	_ =	shalt  }
0x5b: {  	_ =	shalt  }
0x5c: {  	_ =	shalt  }
0x5d: {  	_ =	shalt  }
0x5e: {  	_ =	shalt  }
0x5f: {  	_ =	shalt  }
0x60: {  	_ =	shalt  }
0x61: {  	_ =	shalt  }
0x62: {  	_ =	shalt  }
0x63: {  	_ =	shalt  }
0x64: {  	_ =	shalt  }
0x65: {  	_ =	shalt  }
0x66: {  	_ =	shalt  }
0x67: {  	_ =	shalt  }
0x68: {  	_ =	shalt  }
0x69: {  	_ =	shalt  }
0x6a: {  	_ =	shalt  }
0x6b: {  	_ =	shalt  }
0x6c: {  	_ =	shalt  }
0x6d: {  	_ =	shalt  }
0x6e: {  	_ =	shalt  }
0x6f: {  	_ =	shalt  }
0x70: {  	_ =	shalt  }
0x71: {  	_ =	shalt  }
0x72: {  	_ =	shalt  }
0x73: {  	_ =	shalt  }
0x74: {  	_ =	shalt  }
0x75: {  	_ =	shalt  }
0x76: {  	_ =	shalt  }
0x77: {  	_ =	shalt  }
0x78: {  	_ =	shalt  }
0x79: {  	_ =	shalt  }
0x7a: {  	_ =	shalt  }
0x7b: {  	_ =	shalt  }
0x7c: {  	_ =	shalt  }
0x7d: {  	_ =	shalt  }
0x7e: {  	_ =	shalt  }
0x7f: {  	_ =	shalt  }
0x80: {  	_ =	shalt  }
0x81: {  	_ =	shalt  }
0x82: {  	_ =	shalt  }
0x83: {  	_ =	shalt  }
0x84: {  	_ =	shalt  }
0x85: {  	_ =	shalt  }
0x86: {  	_ =	shalt  }
0x87: {  	_ =	shalt  }
.Lfunc_end0:
.L_simem_size_0:
called_computation_lowered:
.L_overlay_start_0:
0x88: {  	s2 =	sld [smem:$0x3FD9]  }
0x89: {  	s3 =	sld [smem:$0x3FFE];
	_ =	sdelay $0x1  }
0x8a: {  	s1 =	srdreg.scid  }
0x8b: {  	s0 =	sand.u32 $0x1, s1  }
0x8c: {  	s17 =	sshll.u32 s0, $0xA;
	s2 =	sadd.s32 s3, s2  }
0x8d: {  	s2 =	sadd.s32 s2, s17  }
0x8e: {  	[smem:$0x3FB6] =	sst s2  }
0x8f: {  	_ = 	snop  }
0x90: {  	s2 =	sld [smem:$0x3FD0];
	(tm) =	ssettm $0x1  }
0x91: {  	s18 =	sld [smem:$0x3FFB];
	_ =	sdelay $0x3  }
0x92: {  	_ =	strace s18  }
0x93: {  	s3 =	sld [smem:$0x3FFC];
	_ =	sdelay $0x3  }
0x94: {  	_ =	strace s3  }
0x95: {  	s3 =	sld [smem:$0x3FFD];
	_ =	sdelay $0x3  }
0x96: {  	_ =	strace s3  }
0x97: {  	_ =	strace $0x8FFFFFFF  }
0x98: {  	s19 =	sld [smem:$0x3FDB];
	_ =	sdelay $0x1  }
0x99: {  	s4 =	simm.s32 $_scs_section_size  }
0x9a: {  	s5 =	simm.s32 $_size__tile_overlayer_lowered;
	s6 =	simm.s32 $_tile_overlayer_lowered  }
0x9b: {  	s22 =	simm.s32 $0x1BFF;
	s21 =	sshll.u32 s6, $0x1;
	s3 =	sadd.s32 s4, s19  }
0x9c: {  	s7 =	simm.s32 $0x0;
	s20 =	sshll.u32 s5, $0x1;
	s5 =	sadd.s32 s21, s3  }
0x9d: {  	[timem:s7], [sflag:s22] =	dma.local [hbm:s5], s20  }
0x9e: {  	_ =	swait.ge [sflag:s22], s20  }
0x9f: {  	s4 =	ssub.s32 $0x0, s20;
	[sflag:s22] =	ssyncset.done $0x0  }
0xa0: {  	[sflag:s22] =	ssyncadd.s32 s4;
	_ =	sdelay $0x1  }
0xa1: {  	s23 =	simm.s32 $0x1B8B  }
0xa2: {  	_ =	swait.ge [sflag:s23], $0x1  }
0xa3: {  	[sflag:s23] =	ssyncset.done $0x0  }
0xa4: {  	s25 =	simm.s32 $0x1B8E;
	s24 =	sld [smem:$0x3FFE];
	[sflag:s23] =	ssyncadd.s32 $0xFFFFFFFF  }
0xa5: {  	s26 =	simm.s32 $execute0_lowered;
	[smem:$0x3FD2] =	sst s25  }
0xa6: {  	s5 =	sshll.u32 s26, $0x1;
	_ =	strace $0x80000046;
	[dreg:$0x1] =	wrdreg $0xFFFFFFFF  }
0xa7: {  	s28 =	simm.s32 $_size_execute0_lowered;
	s3 =	sadd.s32 s3, s5;
	[dreg:$0x0] =	wrdreg $0x0  }
0xa8: {  	s5 =	sshll.u32 s28, $0x1;
	[dreg:$0x2] =	wrdreg s3  }
0xa9: {  	[dreg:$0x3] =	wrdreg s5  }
0xaa: {  	[dreg:$0x4] =	wrdreg $0xC0  }
0xab: {  	_ =	task [dreg:s7], $0x5FFFF  }
0xac: {  	[dreg:$0x1] =	wrdreg $0xFFFFFFFF  }
0xad: {  	[dreg:$0x0] =	wrdreg $0x60  }
0xae: {  	[dreg:$0x2] =	wrdreg s24  }
0xaf: {  	[dreg:$0x3] =	wrdreg s2  }
0xb0: {  	[dreg:$0x4] =	wrdreg $0xBA000  }
0xb1: {  	[dreg:$0x5] =	wrdreg $0x9  }
0xb2: {  	_ =	task.clear_ibuf [dreg:s7], $0x6FFFF;
	_ =	strace $0x90000046  }
0xb3: {  	s29 =	simm.s32 $0x9;
	_ =	strace $0x80000048  }
0xb4: {  	_ =	swait.ge [sflag:s29], $0x1  }
0xb5: {  	[sflag:s29] =	ssyncadd.s32 $0xFFFFFFFF  }
0xb6: {  	_ =	strace $0x90000048  }
0xb7: {  	_ =	sfence  }
0xb8: {  	s30 =	sld [smem:$0x0];
	_ =	sdelay $0x2  }
0xb9: {  	s31 =	sshll.u32 s1, $0xD;
	s1 =	sshrl.u32 s1, $0x2  }
0xba: {  	s3 =	sand.u32 $0x4000, s31;
	s1 =	sadd.s32 s1, s30  }
0xbb: {  	s0 =	sor.u32 s3, s0;
	s1 =	sshll.u32 s1, $0x11  }
0xbc: {  	s0 =	sor.u32 s1, s0  }
0xbd: {  	s0 =	sadd.s32 $0x8F2B, s0  }
0xbe: {  	[sflag:s0] =	ssyncadd.remote.s32 $0x1  }
0xbf: {  	_ =	sfence.sel $0xFFFF  }
0xc0: {  	[dreg:$0x0] =	wrdreg $0xFFFFFFFF;
	(pc) =	sbr.abs _section_cstart, $3  }
0xc1: {  	[dreg:$0x1] =	wrdreg $0xFFFFFFFF  }
0xc2: {  	_ =	task.clear_ibuf [dreg:s7], $0x2FFFF;
	_ =	strace $0x9FFFFFFF  }
0xc3: {  	(tm) =	ssettm $0x7FFFFFFF  }
tec
execute0_lowered:
.L_overlay_start_1:
0x0: {  	(tag) =	ssettag $0x1  }
0x1: {  	s2 =	srdreg.scid  }
0x2: {  	s0 =	rddreg [dreg:$0x0];
	s9 =	stileid.u32;
	s2 =	sand.u32 $0x1, s2  }
0x3: {  	s1 =	rddreg [dreg:$0x1];
	s5 =	smul.u32 $0x14000, s9;
	s6 =	sshll.u32 s2, $0x4  }
0x4: {  	s7 =	rddreg [dreg:$0x2];
	s6 =	sor.u32 s9, s6;
	s9 =	smul.u32 $0x50000, s9  }
0x5: {  	s3 =	simm.s32 $0x0;
	s12 =	simm.s32 $0x4200;
	s13 =	simm.s32 $0x9200  }
0x6: {  	[smem:$0x7FF] =	sst s3;
	s4 =	smul.u32 $0x140000, s2;
	s9 =	sshrl.u32 s9, $0x2  }
0x7: {  	_ =	strace $0x80000047;
	s2 =	ssub.s32 $0x2, s2;
	s7 =	sadd.s32 s9, s7  }
0x8: {  	s11 =	sshrl.u32 s2, $0x1;
	s5 =	sadd.s32 s5, s4;
	s9 =	sadd.s32 $0x1000, s7  }
0x9: {  	s4 =	smul.u32 $0x2800, s6;
	s14 =	sadd.s32 $0x2000, s7;
	[dreg:$0x4] =	wrdreg s9  }
0xa: {  	s6 =	sadd.s32 $0x2800, s0;
	s15 =	sadd.s32 $0x3000, s7;
	[dreg:$0x5] =	wrdreg s14  }
0xb: {  	s2 =	ssub.s32 s2, s11;
	s16 =	sadd.s32 $0x4000, s7;
	[dreg:$0x6] =	wrdreg s15  }
0xc: {  	s11 =	simm.s32 $0x80;
	s17 =	sadd.s32 $0x5000, s7;
	[dreg:$0x7] =	wrdreg s16  }
0xd: {  	s8 =	sshrl.u32 s5, $0x3;
	s18 =	sadd.s32 $0x6000, s7;
	[dreg:$0x8] =	wrdreg s17  }
0xe: {  	s5 =	sadd.s32 $0xC800, s0;
	s19 =	sadd.s32 $0x7000, s7;
	[dreg:$0x9] =	wrdreg s18  }
0xf: {  	s8 =	sadd.s32 s8, s0;
	s20 =	sadd.s32 $0x8000, s7;
	[dreg:$0xa] =	wrdreg s19  }
0x10: {  	s10 =	sshrl.u32 s4, $0x3;
	s21 =	sadd.s32 $0x9000, s7;
	[dreg:$0xb] =	wrdreg s20  }
0x11: {  	s0 =	sadd.s32 s10, s0;
	s22 =	sadd.s32 $0xA000, s7;
	[dreg:$0xc] =	wrdreg s21  }
0x12: {  	s23 =	sadd.s32 $0xB000, s7;
	s24 =	sadd.s32 s1, s10;
	[dreg:$0xd] =	wrdreg s22  }
0x13: {  	s25 =	sadd.s32 s6, s10;
	s26 =	sor.u32 $0x10, s10;
	[dreg:$0xe] =	wrdreg s23  }
0x14: {  	s28 =	sadd.s32 $0xD000, s7;
	s29 =	sadd.s32 $0xE000, s7;
	[dreg:$0xf] =	wrdreg s24  }
0x15: {  	s30 =	sadd.s32 $0xF000, s7;
	s31 =	sadd.s32 $0x10000, s7;
	[dreg:$0x10] =	wrdreg s25  }
0x16: {  	s10 =	sadd.s32 s1, s26;
	s9 =	sadd.s32 s6, s26;
	s23 =	sadd.s32 $0x3E800, s8  }
.Ltmp0:
0x17: {  	s24 =	sadd.s32 $0x34800, s0;
	s25 =	smax.u32 s2, $0x1;
	(pc) =	sbr.rel .LBB2_1-.Ltmp0, $4  }
0x18: {  	s26 =	sadd.s32 $0xC000, s7;
	s2 =	sadd.s32 $0x11000, s7;
	s0 =	sadd.s32 $0x12000, s7  }
0x19: {  	s8 =	sadd.s32 $0x13000, s7;
	s14 =	simm.s32 $0x1;
	s15 =	simm.s32 $0x2  }
0x1a: {  	s16 =	simm.s32 $0x180;
	s17 =	simm.s32 $0x0;
	[dreg:$0x11] =	wrdreg s10  }
0x1b: {  	v0 =	vimm.f32 $0.0e+00;
	v1 =	vimm.f32 $1.000000000e+00;
	[dreg:$0x12] =	wrdreg s9;
	s9 =	simm.s32 $0x8200;
	s10 =	simm.s32 $0x3  }
.LBB2_6:
0x1c: {  	s18 =	stileid.u32  }
0x1d: {  	s18 =	sshll.u32 s18, $0x6  }
0x1e: {  	[bflag:$0x0] =	sbarrier.arrive $0xFFFF;
	s19 =	sshrl.u32 s7, $0x3;
	s18 =	sor.u32 $0x1C03, s18  }
0x1f: {  	[hbm:s23], [sflag:s18] =	dma.local [spmem:s19], $0x2800  }
0x20: {  	s17 =	sadd.s32 $0x1, s17;
	_ =	swait.ge [sflag:s10], $0x2800  }
0x21: {  	p0 =	sne.s32 s17, s25;
	[sflag:s10] =	ssyncset.done $0x0  }
.Ltmp1:
0x22: {  	[sflag:s10] =	ssyncadd.s32 $0xFFFFD800;
	(pc) =	sbr.rel @!p0 .LBB2_7-.Ltmp1, $4  }
0x23: {  	[hbm4b:s24+s3] =	stream.linear.scatter [tilespmem:s13], [sflag:$0x3], $0x2800, $0x38;
	[tilespmem:$0x1FA00] =	vst v63  }
0x24: {  	_ =	swait.ge [sflag:s10], $0x2800  }
0x25: {  	[sflag:s10] =	ssyncset.done $0x0  }
0x26: {  	[sflag:s10] =	ssyncadd.s32 $0xFFFFD800  }
.LBB2_1:
0x27: {  	[tilespmem:$0x8200] =	vst v0  }
0x28: {  	[tilespmem:$0x8210] =	vst v0  }
0x29: {  	[tilespmem:$0x8220] =	vst v0  }
0x2a: {  	[tilespmem:$0x8230] =	vst v0  }
0x2b: {  	[tilespmem:$0x8240] =	vst v0  }
0x2c: {  	[tilespmem:$0x8250] =	vst v0  }
0x2d: {  	[tilespmem:$0x8260] =	vst v0  }
0x2e: {  	[tilespmem:$0x8270] =	vst v0  }
0x2f: {  	[tilespmem:$0x8280] =	vst v0  }
0x30: {  	[tilespmem:$0x8290] =	vst v0  }
0x31: {  	[tilespmem:$0x82A0] =	vst v0  }
0x32: {  	[tilespmem:$0x82B0] =	vst v0  }
0x33: {  	[tilespmem:$0x82C0] =	vst v0  }
0x34: {  	[tilespmem:$0x82D0] =	vst v0  }
0x35: {  	[tilespmem:$0x82E0] =	vst v0  }
0x36: {  	[tilespmem:$0x82F0] =	vst v0  }
0x37: {  	[tilespmem:$0x8300] =	vst v0  }
0x38: {  	[tilespmem:$0x8310] =	vst v0  }
0x39: {  	[tilespmem:$0x8320] =	vst v0  }
0x3a: {  	[tilespmem:$0x8330] =	vst v0  }
0x3b: {  	[tilespmem:$0x8340] =	vst v0  }
0x3c: {  	[tilespmem:$0x8350] =	vst v0  }
0x3d: {  	[tilespmem:$0x8360] =	vst v0  }
0x3e: {  	[tilespmem:$0x8370] =	vst v0  }
0x3f: {  	[tilespmem:$0x8380] =	vst v0  }
0x40: {  	[tilespmem:$0x8390] =	vst v0  }
0x41: {  	[tilespmem:$0x83A0] =	vst v0  }
0x42: {  	[tilespmem:$0x83B0] =	vst v0  }
0x43: {  	[tilespmem:$0x83C0] =	vst v0  }
0x44: {  	[tilespmem:$0x83D0] =	vst v0  }
0x45: {  	[tilespmem:$0x83E0] =	vst v0  }
0x46: {  	[tilespmem:$0x83F0] =	vst v0  }
0x47: {  	[tilespmem:$0x8400] =	vst v0  }
0x48: {  	[tilespmem:$0x8410] =	vst v0  }
0x49: {  	[tilespmem:$0x8420] =	vst v0  }
0x4a: {  	[tilespmem:$0x8430] =	vst v0  }
0x4b: {  	[tilespmem:$0x8440] =	vst v0  }
0x4c: {  	[tilespmem:$0x8450] =	vst v0  }
0x4d: {  	[tilespmem:$0x8460] =	vst v0  }
0x4e: {  	[tilespmem:$0x8470] =	vst v0  }
0x4f: {  	[tilespmem:$0x8480] =	vst v0  }
0x50: {  	[tilespmem:$0x8490] =	vst v0  }
0x51: {  	[tilespmem:$0x84A0] =	vst v0  }
0x52: {  	[tilespmem:$0x84B0] =	vst v0  }
0x53: {  	[tilespmem:$0x84C0] =	vst v0  }
0x54: {  	[tilespmem:$0x84D0] =	vst v0  }
0x55: {  	[tilespmem:$0x84E0] =	vst v0  }
0x56: {  	[tilespmem:$0x84F0] =	vst v0  }
0x57: {  	[tilespmem:$0x8500] =	vst v0  }
0x58: {  	[tilespmem:$0x8510] =	vst v0  }
0x59: {  	[tilespmem:$0x8520] =	vst v0  }
0x5a: {  	[tilespmem:$0x8530] =	vst v0  }
0x5b: {  	[tilespmem:$0x8540] =	vst v0  }
0x5c: {  	[tilespmem:$0x8550] =	vst v0  }
0x5d: {  	[tilespmem:$0x8560] =	vst v0  }
0x5e: {  	[tilespmem:$0x8570] =	vst v0  }
0x5f: {  	[tilespmem:$0x8580] =	vst v0  }
0x60: {  	[tilespmem:$0x8590] =	vst v0  }
0x61: {  	[tilespmem:$0x85A0] =	vst v0  }
0x62: {  	[tilespmem:$0x85B0] =	vst v0  }
0x63: {  	[tilespmem:$0x85C0] =	vst v0  }
0x64: {  	[tilespmem:$0x85D0] =	vst v0  }
0x65: {  	[tilespmem:$0x85E0] =	vst v0  }
0x66: {  	[tilespmem:$0x85F0] =	vst v0  }
0x67: {  	[tilespmem:$0x8600] =	vst v0  }
0x68: {  	[tilespmem:$0x8610] =	vst v0  }
0x69: {  	[tilespmem:$0x8620] =	vst v0  }
0x6a: {  	[tilespmem:$0x8630] =	vst v0  }
0x6b: {  	[tilespmem:$0x8640] =	vst v0  }
0x6c: {  	[tilespmem:$0x8650] =	vst v0  }
0x6d: {  	[tilespmem:$0x8660] =	vst v0  }
0x6e: {  	[tilespmem:$0x8670] =	vst v0  }
0x6f: {  	[tilespmem:$0x8680] =	vst v0  }
0x70: {  	[tilespmem:$0x8690] =	vst v0  }
0x71: {  	[tilespmem:$0x86A0] =	vst v0  }
0x72: {  	[tilespmem:$0x86B0] =	vst v0  }
0x73: {  	[tilespmem:$0x86C0] =	vst v0  }
0x74: {  	[tilespmem:$0x86D0] =	vst v0  }
0x75: {  	[tilespmem:$0x86E0] =	vst v0  }
0x76: {  	[tilespmem:$0x86F0] =	vst v0  }
0x77: {  	[tilespmem:$0x8700] =	vst v0  }
0x78: {  	[tilespmem:$0x8710] =	vst v0  }
0x79: {  	[tilespmem:$0x8720] =	vst v0  }
0x7a: {  	[tilespmem:$0x8730] =	vst v0  }
0x7b: {  	[tilespmem:$0x8740] =	vst v0  }
0x7c: {  	[tilespmem:$0x8750] =	vst v0  }
0x7d: {  	[tilespmem:$0x8760] =	vst v0  }
0x7e: {  	[tilespmem:$0x8770] =	vst v0  }
0x7f: {  	[tilespmem:$0x8780] =	vst v0  }
0x80: {  	[tilespmem:$0x8790] =	vst v0  }
0x81: {  	[tilespmem:$0x87A0] =	vst v0  }
0x82: {  	[tilespmem:$0x87B0] =	vst v0  }
0x83: {  	[tilespmem:$0x87C0] =	vst v0  }
0x84: {  	[tilespmem:$0x87D0] =	vst v0  }
0x85: {  	[tilespmem:$0x87E0] =	vst v0  }
0x86: {  	[tilespmem:$0x87F0] =	vst v0  }
0x87: {  	[tilespmem:$0x8800] =	vst v0  }
0x88: {  	[tilespmem:$0x8810] =	vst v0  }
0x89: {  	[tilespmem:$0x8820] =	vst v0  }
0x8a: {  	[tilespmem:$0x8830] =	vst v0  }
0x8b: {  	[tilespmem:$0x8840] =	vst v0  }
0x8c: {  	[tilespmem:$0x8850] =	vst v0  }
0x8d: {  	[tilespmem:$0x8860] =	vst v0  }
0x8e: {  	[tilespmem:$0x8870] =	vst v0  }
0x8f: {  	[tilespmem:$0x8880] =	vst v0  }
0x90: {  	[tilespmem:$0x8890] =	vst v0  }
0x91: {  	[tilespmem:$0x88A0] =	vst v0  }
0x92: {  	[tilespmem:$0x88B0] =	vst v0  }
0x93: {  	[tilespmem:$0x88C0] =	vst v0  }
0x94: {  	[tilespmem:$0x88D0] =	vst v0  }
0x95: {  	[tilespmem:$0x88E0] =	vst v0  }
0x96: {  	[tilespmem:$0x88F0] =	vst v0  }
0x97: {  	[tilespmem:$0x8900] =	vst v0  }
0x98: {  	[tilespmem:$0x8910] =	vst v0  }
0x99: {  	[tilespmem:$0x8920] =	vst v0  }
0x9a: {  	[tilespmem:$0x8930] =	vst v0  }
0x9b: {  	[tilespmem:$0x8940] =	vst v0  }
0x9c: {  	[tilespmem:$0x8950] =	vst v0  }
0x9d: {  	[tilespmem:$0x8960] =	vst v0  }
0x9e: {  	[tilespmem:$0x8970] =	vst v0  }
0x9f: {  	[tilespmem:$0x8980] =	vst v0  }
0xa0: {  	[tilespmem:$0x8990] =	vst v0  }
0xa1: {  	[tilespmem:$0x89A0] =	vst v0  }
0xa2: {  	[tilespmem:$0x89B0] =	vst v0  }
0xa3: {  	[tilespmem:$0x89C0] =	vst v0  }
0xa4: {  	[tilespmem:$0x89D0] =	vst v0  }
0xa5: {  	[tilespmem:$0x89E0] =	vst v0  }
0xa6: {  	[tilespmem:$0x89F0] =	vst v0  }
0xa7: {  	[tilespmem:$0x8A00] =	vst v0  }
0xa8: {  	[tilespmem:$0x8A10] =	vst v0  }
0xa9: {  	[tilespmem:$0x8A20] =	vst v0  }
0xaa: {  	[tilespmem:$0x8A30] =	vst v0  }
0xab: {  	[tilespmem:$0x8A40] =	vst v0  }
0xac: {  	[tilespmem:$0x8A50] =	vst v0  }
0xad: {  	[tilespmem:$0x8A60] =	vst v0  }
0xae: {  	[tilespmem:$0x8A70] =	vst v0  }
0xaf: {  	[tilespmem:$0x8A80] =	vst v0  }
0xb0: {  	[tilespmem:$0x8A90] =	vst v0  }
0xb1: {  	[tilespmem:$0x8AA0] =	vst v0  }
0xb2: {  	[tilespmem:$0x8AB0] =	vst v0  }
0xb3: {  	[tilespmem:$0x8AC0] =	vst v0  }
0xb4: {  	[tilespmem:$0x8AD0] =	vst v0  }
0xb5: {  	[tilespmem:$0x8AE0] =	vst v0  }
0xb6: {  	[tilespmem:$0x8AF0] =	vst v0  }
0xb7: {  	[tilespmem:$0x8B00] =	vst v0  }
0xb8: {  	[tilespmem:$0x8B10] =	vst v0  }
0xb9: {  	[tilespmem:$0x8B20] =	vst v0  }
0xba: {  	[tilespmem:$0x8B30] =	vst v0  }
0xbb: {  	[tilespmem:$0x8B40] =	vst v0  }
0xbc: {  	[tilespmem:$0x8B50] =	vst v0  }
0xbd: {  	[tilespmem:$0x8B60] =	vst v0  }
0xbe: {  	[tilespmem:$0x8B70] =	vst v0  }
0xbf: {  	[tilespmem:$0x8B80] =	vst v0  }
0xc0: {  	[tilespmem:$0x8B90] =	vst v0  }
0xc1: {  	[tilespmem:$0x8BA0] =	vst v0  }
0xc2: {  	[tilespmem:$0x8BB0] =	vst v0  }
0xc3: {  	[tilespmem:$0x8BC0] =	vst v0  }
0xc4: {  	[tilespmem:$0x8BD0] =	vst v0  }
0xc5: {  	[tilespmem:$0x8BE0] =	vst v0  }
0xc6: {  	[tilespmem:$0x8BF0] =	vst v0  }
0xc7: {  	[tilespmem:$0x8C00] =	vst v0  }
0xc8: {  	[tilespmem:$0x8C10] =	vst v0  }
0xc9: {  	[tilespmem:$0x8C20] =	vst v0  }
0xca: {  	[tilespmem:$0x8C30] =	vst v0  }
0xcb: {  	[tilespmem:$0x8C40] =	vst v0  }
0xcc: {  	[tilespmem:$0x8C50] =	vst v0  }
0xcd: {  	[tilespmem:$0x8C60] =	vst v0  }
0xce: {  	[tilespmem:$0x8C70] =	vst v0  }
0xcf: {  	[tilespmem:$0x8C80] =	vst v0  }
0xd0: {  	[tilespmem:$0x8C90] =	vst v0  }
0xd1: {  	[tilespmem:$0x8CA0] =	vst v0  }
0xd2: {  	[tilespmem:$0x8CB0] =	vst v0  }
0xd3: {  	[tilespmem:$0x8CC0] =	vst v0  }
0xd4: {  	[tilespmem:$0x8CD0] =	vst v0  }
0xd5: {  	[tilespmem:$0x8CE0] =	vst v0  }
0xd6: {  	[tilespmem:$0x8CF0] =	vst v0  }
0xd7: {  	[tilespmem:$0x8D00] =	vst v0  }
0xd8: {  	[tilespmem:$0x8D10] =	vst v0  }
0xd9: {  	[tilespmem:$0x8D20] =	vst v0  }
0xda: {  	[tilespmem:$0x8D30] =	vst v0  }
0xdb: {  	[tilespmem:$0x8D40] =	vst v0  }
0xdc: {  	[tilespmem:$0x8D50] =	vst v0  }
0xdd: {  	[tilespmem:$0x8D60] =	vst v0  }
0xde: {  	[tilespmem:$0x8D70] =	vst v0  }
0xdf: {  	[tilespmem:$0x8D80] =	vst v0  }
0xe0: {  	[tilespmem:$0x8D90] =	vst v0  }
0xe1: {  	[tilespmem:$0x8DA0] =	vst v0  }
0xe2: {  	[tilespmem:$0x8DB0] =	vst v0  }
0xe3: {  	[tilespmem:$0x8DC0] =	vst v0  }
0xe4: {  	[tilespmem:$0x8DD0] =	vst v0  }
0xe5: {  	[tilespmem:$0x8DE0] =	vst v0  }
0xe6: {  	[tilespmem:$0x8DF0] =	vst v0  }
0xe7: {  	[tilespmem:$0x8E00] =	vst v0  }
0xe8: {  	[tilespmem:$0x8E10] =	vst v0  }
0xe9: {  	[tilespmem:$0x8E20] =	vst v0  }
0xea: {  	[tilespmem:$0x8E30] =	vst v0  }
0xeb: {  	[tilespmem:$0x8E40] =	vst v0  }
0xec: {  	[tilespmem:$0x8E50] =	vst v0  }
0xed: {  	[tilespmem:$0x8E60] =	vst v0  }
0xee: {  	[tilespmem:$0x8E70] =	vst v0  }
0xef: {  	[tilespmem:$0x8E80] =	vst v0  }
0xf0: {  	[tilespmem:$0x8E90] =	vst v0  }
0xf1: {  	[tilespmem:$0x8EA0] =	vst v0  }
0xf2: {  	[tilespmem:$0x8EB0] =	vst v0  }
0xf3: {  	[tilespmem:$0x8EC0] =	vst v0  }
0xf4: {  	[tilespmem:$0x8ED0] =	vst v0  }
0xf5: {  	[tilespmem:$0x8EE0] =	vst v0  }
0xf6: {  	[tilespmem:$0x8EF0] =	vst v0  }
0xf7: {  	[tilespmem:$0x8F00] =	vst v0  }
0xf8: {  	[tilespmem:$0x8F10] =	vst v0  }
0xf9: {  	[tilespmem:$0x8F20] =	vst v0  }
0xfa: {  	[tilespmem:$0x8F30] =	vst v0  }
0xfb: {  	[tilespmem:$0x8F40] =	vst v0  }
0xfc: {  	[tilespmem:$0x8F50] =	vst v0  }
0xfd: {  	[tilespmem:$0x8F60] =	vst v0  }
0xfe: {  	[tilespmem:$0x8F70] =	vst v0  }
0xff: {  	[tilespmem:$0x8F80] =	vst v0  }
0x100: {  	[tilespmem:$0x8F90] =	vst v0  }
0x101: {  	[tilespmem:$0x8FA0] =	vst v0  }
0x102: {  	[tilespmem:$0x8FB0] =	vst v0  }
0x103: {  	[tilespmem:$0x8FC0] =	vst v0  }
0x104: {  	[tilespmem:$0x8FD0] =	vst v0  }
0x105: {  	[tilespmem:$0x8FE0] =	vst v0  }
0x106: {  	[tilespmem:$0x8FF0] =	vst v0  }
0x107: {  	[tilespmem:$0x9000] =	vst v0  }
0x108: {  	[tilespmem:$0x9010] =	vst v0  }
0x109: {  	[tilespmem:$0x9020] =	vst v0  }
0x10a: {  	[tilespmem:$0x9030] =	vst v0  }
0x10b: {  	[tilespmem:$0x9040] =	vst v0  }
0x10c: {  	[tilespmem:$0x9050] =	vst v0  }
0x10d: {  	[tilespmem:$0x9060] =	vst v0  }
0x10e: {  	[tilespmem:$0x9070] =	vst v0  }
0x10f: {  	[tilespmem:$0x9080] =	vst v0  }
0x110: {  	[tilespmem:$0x9090] =	vst v0  }
0x111: {  	[tilespmem:$0x90A0] =	vst v0  }
0x112: {  	[tilespmem:$0x90B0] =	vst v0  }
0x113: {  	[tilespmem:$0x90C0] =	vst v0  }
0x114: {  	[tilespmem:$0x90D0] =	vst v0  }
0x115: {  	[tilespmem:$0x90E0] =	vst v0  }
0x116: {  	[tilespmem:$0x90F0] =	vst v0  }
0x117: {  	[tilespmem:$0x9100] =	vst v0  }
0x118: {  	[tilespmem:$0x9110] =	vst v0  }
0x119: {  	[tilespmem:$0x9120] =	vst v0  }
0x11a: {  	[tilespmem:$0x9130] =	vst v0  }
0x11b: {  	[tilespmem:$0x9140] =	vst v0  }
0x11c: {  	[tilespmem:$0x9150] =	vst v0  }
0x11d: {  	[tilespmem:$0x9160] =	vst v0  }
0x11e: {  	[tilespmem:$0x9170] =	vst v0  }
0x11f: {  	[tilespmem:$0x9180] =	vst v0  }
0x120: {  	[tilespmem:$0x9190] =	vst v0  }
0x121: {  	[tilespmem:$0x91A0] =	vst v0  }
0x122: {  	[tilespmem:$0x91B0] =	vst v0  }
0x123: {  	[tilespmem:$0x91C0] =	vst v0  }
0x124: {  	[tilespmem:$0x91D0] =	vst v0  }
0x125: {  	[tilespmem:$0x91E0] =	vst v0  }
0x126: {  	[tilespmem:$0x91F0] =	vst v0  }
0x127: {  	[spmem:s7] =	stream.linear.scatter [tilespmem:s9], [sflag:$0x3], $0x1000, $0x38;
	[tilespmem:$0x1FA00] =	vst v63  }
0x128: {  	_ =	swait.ge [sflag:s10], $0x1000  }
0x129: {  	[sflag:s10] =	ssyncset.done $0x0  }
0x12a: {  	s18 =	rddreg [dreg:$0x4];
	[sflag:s10] =	ssyncadd.s32 $0xFFFFF000  }
0x12b: {  	[spmem:s18] =	stream.linear.scatter [tilespmem:s9], [sflag:$0x3], $0x1000, $0x38;
	[tilespmem:$0x1FA00] =	vst v63  }
0x12c: {  	_ =	swait.ge [sflag:s10], $0x1000  }
0x12d: {  	[sflag:s10] =	ssyncset.done $0x0  }
0x12e: {  	s21 =	rddreg [dreg:$0x5];
	[sflag:s10] =	ssyncadd.s32 $0xFFFFF000  }
0x12f: {  	[spmem:s21] =	stream.linear.scatter [tilespmem:s9], [sflag:$0x3], $0x1000, $0x38;
	[tilespmem:$0x1FA00] =	vst v63  }
0x130: {  	_ =	swait.ge [sflag:s10], $0x1000  }
0x131: {  	[sflag:s10] =	ssyncset.done $0x0  }
0x132: {  	s22 =	rddreg [dreg:$0x6];
	[sflag:s10] =	ssyncadd.s32 $0xFFFFF000  }
0x133: {  	[spmem:s22] =	stream.linear.scatter [tilespmem:s9], [sflag:$0x3], $0x1000, $0x38;
	[tilespmem:$0x1FA00] =	vst v63  }
0x134: {  	_ =	swait.ge [sflag:s10], $0x1000  }
0x135: {  	[sflag:s10] =	ssyncset.done $0x0  }
0x136: {  	s19 =	rddreg [dreg:$0x7];
	[sflag:s10] =	ssyncadd.s32 $0xFFFFF000  }
0x137: {  	[spmem:s19] =	stream.linear.scatter [tilespmem:s9], [sflag:$0x3], $0x1000, $0x38;
	[tilespmem:$0x1FA00] =	vst v63  }
0x138: {  	_ =	swait.ge [sflag:s10], $0x1000  }
0x139: {  	[sflag:s10] =	ssyncset.done $0x0  }
0x13a: {  	s20 =	rddreg [dreg:$0x8];
	[sflag:s10] =	ssyncadd.s32 $0xFFFFF000  }
0x13b: {  	[spmem:s20] =	stream.linear.scatter [tilespmem:s9], [sflag:$0x3], $0x1000, $0x38;
	[tilespmem:$0x1FA00] =	vst v63  }
0x13c: {  	_ =	swait.ge [sflag:s10], $0x1000  }
0x13d: {  	[sflag:s10] =	ssyncset.done $0x0  }
0x13e: {  	s21 =	rddreg [dreg:$0x9];
	[sflag:s10] =	ssyncadd.s32 $0xFFFFF000  }
0x13f: {  	[spmem:s21] =	stream.linear.scatter [tilespmem:s9], [sflag:$0x3], $0x1000, $0x38;
	[tilespmem:$0x1FA00] =	vst v63  }
0x140: {  	_ =	swait.ge [sflag:s10], $0x1000  }
0x141: {  	[sflag:s10] =	ssyncset.done $0x0  }
0x142: {  	s22 =	rddreg [dreg:$0xa];
	[sflag:s10] =	ssyncadd.s32 $0xFFFFF000  }
0x143: {  	[spmem:s22] =	stream.linear.scatter [tilespmem:s9], [sflag:$0x3], $0x1000, $0x38;
	[tilespmem:$0x1FA00] =	vst v63  }
0x144: {  	_ =	swait.ge [sflag:s10], $0x1000  }
0x145: {  	[sflag:s10] =	ssyncset.done $0x0  }
0x146: {  	s19 =	rddreg [dreg:$0xb];
	[sflag:s10] =	ssyncadd.s32 $0xFFFFF000  }
0x147: {  	[spmem:s19] =	stream.linear.scatter [tilespmem:s9], [sflag:$0x3], $0x1000, $0x38;
	[tilespmem:$0x1FA00] =	vst v63  }
0x148: {  	_ =	swait.ge [sflag:s10], $0x1000  }
0x149: {  	[sflag:s10] =	ssyncset.done $0x0  }
0x14a: {  	s20 =	rddreg [dreg:$0xc];
	[sflag:s10] =	ssyncadd.s32 $0xFFFFF000  }
0x14b: {  	[spmem:s20] =	stream.linear.scatter [tilespmem:s9], [sflag:$0x3], $0x1000, $0x38;
	[tilespmem:$0x1FA00] =	vst v63  }
0x14c: {  	_ =	swait.ge [sflag:s10], $0x1000  }
0x14d: {  	[sflag:s10] =	ssyncset.done $0x0  }
0x14e: {  	s21 =	rddreg [dreg:$0xd];
	[sflag:s10] =	ssyncadd.s32 $0xFFFFF000  }
0x14f: {  	[spmem:s21] =	stream.linear.scatter [tilespmem:s9], [sflag:$0x3], $0x1000, $0x38;
	[tilespmem:$0x1FA00] =	vst v63  }
0x150: {  	_ =	swait.ge [sflag:s10], $0x1000  }
0x151: {  	[sflag:s10] =	ssyncset.done $0x0  }
0x152: {  	s22 =	rddreg [dreg:$0xe];
	[sflag:s10] =	ssyncadd.s32 $0xFFFFF000  }
0x153: {  	[spmem:s22] =	stream.linear.scatter [tilespmem:s9], [sflag:$0x3], $0x1000, $0x38;
	[tilespmem:$0x1FA00] =	vst v63  }
0x154: {  	_ =	swait.ge [sflag:s10], $0x1000  }
0x155: {  	[sflag:s10] =	ssyncset.done $0x0  }
0x156: {  	[sflag:s10] =	ssyncadd.s32 $0xFFFFF000  }
0x157: {  	[spmem:s26] =	stream.linear.scatter [tilespmem:s9], [sflag:$0x3], $0x1000, $0x38;
	[tilespmem:$0x1FA00] =	vst v63  }
0x158: {  	_ =	swait.ge [sflag:s10], $0x1000  }
0x159: {  	[sflag:s10] =	ssyncset.done $0x0  }
0x15a: {  	[sflag:s10] =	ssyncadd.s32 $0xFFFFF000  }
0x15b: {  	[spmem:s28] =	stream.linear.scatter [tilespmem:s9], [sflag:$0x3], $0x1000, $0x38;
	[tilespmem:$0x1FA00] =	vst v63  }
0x15c: {  	_ =	swait.ge [sflag:s10], $0x1000  }
0x15d: {  	[sflag:s10] =	ssyncset.done $0x0  }
0x15e: {  	[sflag:s10] =	ssyncadd.s32 $0xFFFFF000  }
0x15f: {  	[spmem:s29] =	stream.linear.scatter [tilespmem:s9], [sflag:$0x3], $0x1000, $0x38;
	[tilespmem:$0x1FA00] =	vst v63  }
0x160: {  	_ =	swait.ge [sflag:s10], $0x1000  }
0x161: {  	[sflag:s10] =	ssyncset.done $0x0  }
0x162: {  	[sflag:s10] =	ssyncadd.s32 $0xFFFFF000  }
0x163: {  	[spmem:s30] =	stream.linear.scatter [tilespmem:s9], [sflag:$0x3], $0x1000, $0x38;
	[tilespmem:$0x1FA00] =	vst v63  }
0x164: {  	_ =	swait.ge [sflag:s10], $0x1000  }
0x165: {  	[sflag:s10] =	ssyncset.done $0x0  }
0x166: {  	[sflag:s10] =	ssyncadd.s32 $0xFFFFF000  }
0x167: {  	[spmem:s31] =	stream.linear.scatter [tilespmem:s9], [sflag:$0x3], $0x1000, $0x38;
	[tilespmem:$0x1FA00] =	vst v63  }
0x168: {  	_ =	swait.ge [sflag:s10], $0x1000  }
0x169: {  	[sflag:s10] =	ssyncset.done $0x0  }
0x16a: {  	[sflag:s10] =	ssyncadd.s32 $0xFFFFF000  }
0x16b: {  	[spmem:s2] =	stream.linear.scatter [tilespmem:s9], [sflag:$0x3], $0x1000, $0x38;
	[tilespmem:$0x1FA00] =	vst v63  }
0x16c: {  	_ =	swait.ge [sflag:s10], $0x1000  }
0x16d: {  	[sflag:s10] =	ssyncset.done $0x0  }
0x16e: {  	[sflag:s10] =	ssyncadd.s32 $0xFFFFF000  }
0x16f: {  	[spmem:s0] =	stream.linear.scatter [tilespmem:s9], [sflag:$0x3], $0x1000, $0x38;
	[tilespmem:$0x1FA00] =	vst v63  }
0x170: {  	_ =	swait.ge [sflag:s10], $0x1000  }
0x171: {  	[sflag:s10] =	ssyncset.done $0x0  }
0x172: {  	[sflag:s10] =	ssyncadd.s32 $0xFFFFF000  }
0x173: {  	[spmem:s8] =	stream.linear.scatter [tilespmem:s9], [sflag:$0x3], $0x1000, $0x38;
	[tilespmem:$0x1FA00] =	vst v63  }
0x174: {  	_ =	swait.ge [sflag:s10], $0x1000  }
0x175: {  	[sflag:s10] =	ssyncset.done $0x0  }
0x176: {  	s18 =	simm.s32 $0x0;
	s19 =	simm.s32 $0x200;
	[sflag:s10] =	ssyncadd.s32 $0xFFFFF000  }
.LBB2_2:
0x177: {  	p0 =	sne.s32 s19, $0x9E00;
	[tilespmem:s18+$0x9270] =	vst v0  }
0x178: {  	[tilespmem:s18+$0x9200] =	vst v0  }
0x179: {  	[tilespmem:s18+$0x9210] =	vst v0  }
.Ltmp2:
0x17a: {  	[tilespmem:s18+$0x9220] =	vst v0;
	(pc) =	sbr.rel @p0 .LBB2_2-.Ltmp2, $4  }
0x17b: {  	[tilespmem:s18+$0x9230] =	vst v0  }
0x17c: {  	[tilespmem:s18+$0x9240] =	vst v0  }
0x17d: {  	[tilespmem:s18+$0x9250] =	vst v0  }
0x17e: {  	[tilespmem:s18+$0x9260] =	vst v0;
	s18 =	sshra.s32 s19, $0x2;
	s19 =	sadd.s32 $0x200, s19  }
0x17f: {  	[tilespmem:s18+$0x9270] =	vst v0  }
0x180: {  	[tilespmem:s18+$0x9200] =	vst v0  }
0x181: {  	[tilespmem:s18+$0x9210] =	vst v0  }
0x182: {  	[tilespmem:s18+$0x9220] =	vst v0  }
0x183: {  	[tilespmem:s18+$0x9230] =	vst v0  }
0x184: {  	[tilespmem:s18+$0x9240] =	vst v0  }
0x185: {  	[tilespmem:s18+$0x9250] =	vst v0  }
0x186: {  	[tilespmem:s18+$0x9260] =	vst v0  }
0x187: {  	[bflag:$0x0] =	sbarrier.arrive $0xFFFF  }
0x188: {  	s21 =	rddreg [dreg:$0xf]  }
0x189: {  	[tilespmem:s3], [sflag:$0x3] =	stream.linear.gather [hbm4b:s21+s3], $0x80, $0x38;
	[tilespmem:$0x1FA00] =	vst v63  }
0x18a: {  	_ =	swait.ge [sflag:s10], $0x80  }
0x18b: {  	[sflag:s10] =	ssyncset.done $0x0  }
0x18c: {  	s19 =	simm.s32 $0x100;
	s22 =	rddreg [dreg:$0x10];
	[sflag:s10] =	ssyncadd.s32 $0xFFFFFF80  }
0x18d: {  	[tilespmem:s19], [sflag:$0x3] =	stream.linear.gather [hbm4b:s22+s3], $0x80, $0x38;
	[tilespmem:$0x1FA00] =	vst v63  }
0x18e: {  	_ =	swait.ge [sflag:s10], $0x80  }
0x18f: {  	[sflag:s10] =	ssyncset.done $0x0  }
0x190: {  	s20 =	simm.s32 $0x200;
	[sflag:s10] =	ssyncadd.s32 $0xFFFFFF80  }
0x191: {  	[tilespmem:s20], [sflag:$0x1] =	stream.indirect.gather [hbm4b:s5+s11], $0x80, s3, s11, $0xb8;
	[tilespmem:$0x1FA00] =	vst v63  }
0x192: {  	s21 =	rddreg [dreg:$0x11]  }
0x193: {  	[tilespmem:s11], [sflag:$0x3] =	stream.linear.gather [hbm4b:s21+s3], $0x80, $0x38;
	[tilespmem:$0x1FA00] =	vst v63  }
0x194: {  	_ =	swait.ge [sflag:s10], $0x80  }
0x195: {  	[sflag:s10] =	ssyncset.done $0x0  }
0x196: {  	s18 =	simm.s32 $0x180;
	s22 =	rddreg [dreg:$0x12];
	[sflag:s10] =	ssyncadd.s32 $0xFFFFFF80  }
0x197: {  	[tilespmem:s18], [sflag:$0x3] =	stream.linear.gather [hbm4b:s22+s3], $0x80, $0x38;
	[tilespmem:$0x1FA00] =	vst v63  }
0x198: {  	_ =	swait.ge [sflag:s10], $0x80  }
0x199: {  	[sflag:s10] =	ssyncset.done $0x0  }
0x19a: {  	[sflag:s10] =	ssyncadd.s32 $0xFFFFFF80  }
0x19b: {  	[tilespmem:s12], [sflag:$0x2] =	stream.indirect.gather [hbm4b:s5+s11], $0x80, s11, s11, $0xb8;
	[tilespmem:$0x1FA00] =	vst v63  }
.LBB2_4:
0x19c: {  	v2 =	vld [tilespmem:$0x100];
	_ =	sdelay $0x7  }
0x19d: {  	[tilespmem:v2+s13+$0x0] =	vst.idx.add.f32.msk $0xffff, v1  }
0x19e: {  	v2 =	vld [tilespmem:$0x110];
	_ =	sdelay $0x7  }
0x19f: {  	[tilespmem:v2+s13+$0x0] =	vst.idx.add.f32.msk $0xffff, v1  }
0x1a0: {  	v2 =	vld [tilespmem:$0x120];
	_ =	sdelay $0x7  }
0x1a1: {  	[tilespmem:v2+s13+$0x0] =	vst.idx.add.f32.msk $0xffff, v1  }
0x1a2: {  	v2 =	vld [tilespmem:$0x130];
	_ =	sdelay $0x7  }
0x1a3: {  	[tilespmem:v2+s13+$0x0] =	vst.idx.add.f32.msk $0xffff, v1  }
0x1a4: {  	v2 =	vld [tilespmem:$0x140];
	_ =	sdelay $0x7  }
0x1a5: {  	[tilespmem:v2+s13+$0x0] =	vst.idx.add.f32.msk $0xffff, v1  }
0x1a6: {  	v2 =	vld [tilespmem:$0x150];
	_ =	sdelay $0x7  }
0x1a7: {  	[tilespmem:v2+s13+$0x0] =	vst.idx.add.f32.msk $0xffff, v1  }
0x1a8: {  	v2 =	vld [tilespmem:$0x160];
	_ =	sdelay $0x7  }
0x1a9: {  	[tilespmem:v2+s13+$0x0] =	vst.idx.add.f32.msk $0xffff, v1  }
0x1aa: {  	v2 =	vld [tilespmem:$0x170];
	_ =	sdelay $0x4  }
0x1ab: {  	p0 =	seq.s32 s18, $0x2880  }
0x1ac: {  	s19 =	sadd.s32 @!p0 $0xFFFFFF80, s18  }
0x1ad: {  	s20 =	sand.u32 @!p0 $0x7C00, s19  }
0x1ae: {  	s19 =	sand.u32 @!p0 $0x300, s19;
	s20 =	sadd.s32 @!p0 s4, s20;
	[tilespmem:v2+s13+$0x0] =	vst.idx.add.f32.msk $0xffff, v1  }
0x1af: {  	s19 =	sor.u32 @!p0 s19, s20;
	_ =	swait.ge [sflag:s14], $0x4000  }
0x1b0: {  	s19 =	sshrl.u32 @!p0 s19, $0x3;
	[sflag:s14] =	ssyncset.done $0x0  }
0x1b1: {  	s21 =	simm.s32 @!p0 $0x0;
	s20 =	sadd.s32 @!p0 s1, s19;
	[sflag:s14] =	ssyncadd.s32 $0xFFFFC000  }
0x1b2: {  	[tilespmem:s21], [sflag:$0x3] =	stream.linear.gather @!p0 [hbm4b:s20+s21], $0x80, $0x38;
	[tilespmem:$0x1FA00] =	vst v63  }
0x1b3: {  	s20 =	simm.s32 @!p0 $0x3  }
0x1b4: {  	_ =	swait.ge @!p0 [sflag:s20], $0x80  }
0x1b5: {  	[sflag:s20] =	ssyncset.done @!p0 $0x0  }
0x1b6: {  	s22 =	simm.s32 @!p0 $0x100;
	s19 =	sadd.s32 @!p0 s6, s19;
	[sflag:s20] =	ssyncadd.s32 @!p0 $0xFFFFFF80  }
0x1b7: {  	[tilespmem:s22], [sflag:$0x3] =	stream.linear.gather @!p0 [hbm4b:s19+s21], $0x80, $0x38;
	[tilespmem:$0x1FA00] =	vst v63  }
0x1b8: {  	_ =	swait.ge @!p0 [sflag:s20], $0x80  }
0x1b9: {  	[sflag:s20] =	ssyncset.done @!p0 $0x0  }
0x1ba: {  	s19 =	simm.s32 @!p0 $0x80;
	[sflag:s20] =	ssyncadd.s32 @!p0 $0xFFFFFF80;
	s20 =	simm.s32 @!p0 $0x200  }
0x1bb: {  	[tilespmem:s20], [sflag:$0x1] =	stream.indirect.gather @!p0 [hbm4b:s5+s19], $0x80, s21, s19, $0xb8;
	[tilespmem:$0x1FA00] =	vst v63  }
0x1bc: {  	v2 =	vld [tilespmem:$0x180];
	_ =	sdelay $0x7  }
0x1bd: {  	[tilespmem:v2+s13+$0x0] =	vst.idx.add.f32.msk $0xffff, v1  }
0x1be: {  	v2 =	vld [tilespmem:$0x190];
	_ =	sdelay $0x7  }
0x1bf: {  	[tilespmem:v2+s13+$0x0] =	vst.idx.add.f32.msk $0xffff, v1  }
0x1c0: {  	v2 =	vld [tilespmem:$0x1A0];
	_ =	sdelay $0x7  }
0x1c1: {  	[tilespmem:v2+s13+$0x0] =	vst.idx.add.f32.msk $0xffff, v1  }
0x1c2: {  	v2 =	vld [tilespmem:$0x1B0];
	_ =	sdelay $0x7  }
0x1c3: {  	[tilespmem:v2+s13+$0x0] =	vst.idx.add.f32.msk $0xffff, v1  }
0x1c4: {  	v2 =	vld [tilespmem:$0x1C0];
	_ =	sdelay $0x7  }
0x1c5: {  	[tilespmem:v2+s13+$0x0] =	vst.idx.add.f32.msk $0xffff, v1  }
0x1c6: {  	v2 =	vld [tilespmem:$0x1D0];
	_ =	sdelay $0x7  }
0x1c7: {  	[tilespmem:v2+s13+$0x0] =	vst.idx.add.f32.msk $0xffff, v1  }
0x1c8: {  	v2 =	vld [tilespmem:$0x1E0];
	_ =	sdelay $0x7  }
0x1c9: {  	[tilespmem:v2+s13+$0x0] =	vst.idx.add.f32.msk $0xffff, v1  }
0x1ca: {  	v2 =	vld [tilespmem:$0x1F0];
	_ =	sdelay $0x6  }
.Ltmp3:
0x1cb: {  	_ = 	snop;
	(pc) =	sbr.rel @p0 .LBB2_6-.Ltmp3, $4  }
0x1cc: {  	[tilespmem:v2+s13+$0x0] =	vst.idx.add.f32.msk $0xffff, v1  }
0x1cd: {  	_ =	swait.ge [sflag:s15], $0x4000  }
0x1ce: {  	[sflag:s15] =	ssyncset.done $0x0  }
0x1cf: {  	[sflag:s15] =	ssyncadd.s32 $0xFFFFC000  }
0x1d0: {  	s19 =	sand.u32 $0x7C00, s18  }
0x1d1: {  	s20 =	sand.u32 $0x380, s18;
	s19 =	sadd.s32 s4, s19  }
0x1d2: {  	s19 =	sor.u32 s20, s19  }
0x1d3: {  	s19 =	sshrl.u32 s19, $0x3  }
0x1d4: {  	s22 =	sadd.s32 s1, s19  }
0x1d5: {  	[tilespmem:s11], [sflag:$0x3] =	stream.linear.gather [hbm4b:s22+s3], $0x80, $0x38;
	[tilespmem:$0x1FA00] =	vst v63  }
0x1d6: {  	_ =	swait.ge [sflag:s10], $0x80  }
0x1d7: {  	[sflag:s10] =	ssyncset.done $0x0  }
0x1d8: {  	s19 =	sadd.s32 s6, s19;
	[sflag:s10] =	ssyncadd.s32 $0xFFFFFF80  }
0x1d9: {  	[tilespmem:s16], [sflag:$0x3] =	stream.linear.gather [hbm4b:s19+s3], $0x80, $0x38;
	[tilespmem:$0x1FA00] =	vst v63  }
.Ltmp4:
0x1da: {  	_ = 	snop;
	(pc) =	sbr.rel .LBB2_4-.Ltmp4, $4  }
0x1db: {  	_ =	swait.ge [sflag:s10], $0x80  }
0x1dc: {  	[sflag:s10] =	ssyncset.done $0x0  }
0x1dd: {  	s18 =	sadd.s32 $0x100, s18;
	[sflag:s10] =	ssyncadd.s32 $0xFFFFFF80  }
0x1de: {  	[tilespmem:s12], [sflag:$0x2] =	stream.indirect.gather [hbm4b:s5+s11], $0x80, s11, s11, $0xb8;
	[tilespmem:$0x1FA00] =	vst v63  }
.LBB2_7:
0x1df: {  	_ =	sfence.sel $0x180000  }
0x1e0: {  	[bflag:$0x0] =	sbarrier.arrive $0xFFFF  }
0x1e1: {  	_ =	strace $0x90000047  }
0x1e2: {  	s0 =	stileid.u32;
	[bflag:$0x2] =	sbarrier.arrive $0xFFFF  }
0x1e3: {  	p0 =	sne.s32 s0, $0x0;
	s0 =	rddreg [dreg:$0x3]  }
0x1e4: {  	s0 =	sadd.s32 @!p0 $0x100000, s0  }
0x1e5: {  	[sflag:s0] =	ssyncadd.tile.s32 @!p0 $0x1;
	_ =	shalt  }
.Lfunc_end2:
_tile_overlayer_lowered:
.L_overlay_start_2:
0x1e6: {  	(tag) =	ssettag $0x2  }
0x1e7: {  	s0 =	rddreg [dreg:$0x0];
	s2 =	stileid.u32  }
0x1e8: {  	s1 =	rddreg [dreg:$0x1];
	p0 =	sne.s32 s2, $0x0  }
0x1e9: {  	s3 =	rddreg [dreg:$0x2];
	[bflag:$0x3] =	sbarrier.arrive $0xFFFF;
	s2 =	simm.s32 @!p0 $0x1C03  }
0x1ea: {  	[timem:s3], [sflag:s2] =	dma.local @!p0 [hbm:s0], s1  }
0x1eb: {  	s0 =	simm.s32 @!p0 $0x3  }
0x1ec: {  	_ =	swait.ge @!p0 [sflag:s0], s1  }
0x1ed: {  	s1 =	ssub.s32 @!p0 $0x0, s1;
	[sflag:s0] =	ssyncset.done @!p0 $0x0  }
0x1ee: {  	[sflag:s0] =	ssyncadd.s32 @!p0 s1  }
0x1ef: {  	[bflag:$0x3] =	sbarrier.arrive $0xFFFF  }
0x1f0: {  	_ =	shalt  }

</sc_bundles>
